<compile_context>
chip_gen: v7x
topology: tpu7x:2x2x1
jax: 0.10.2.dev20260603
libtpu: 0.0.44.dev20260713+nightly
codegen_flags: <defaults>
</compile_context>

<pallas_src>
import functools

import jax
import jax.numpy as jnp
from jax import lax
from jax.experimental import pallas as pl
from jax.experimental.pallas import tpu as pltpu
from jax.experimental.pallas import tpu_sc as plsc

BATCH = 16384
EMB = 32
NBLK = 1000001
NDIR = 1002
_LANES = 128
_TAIL0 = (NBLK // _LANES) * _LANES
_NTAIL = NBLK - _TAIL0

_info = plsc.get_sparse_core_info()
_NC = _info.num_cores
_NS = _info.num_subcores
_NP = _NS
_BPP = BATCH // _NP
_L = 16
_HF = EMB // 2
_NSLOT = 16


@functools.partial(
    pl.kernel,
    mesh=plsc.VectorSubcoreMesh(core_axis_name="c", subcore_axis_name="s"),
    out_type=jax.ShapeDtypeStruct((2 * EMB, BATCH), jnp.float32),
    compiler_params=pltpu.CompilerParams(needs_layout_passes=False),
    scratch_types=[
        pltpu.VMEM((_BPP,), jnp.int32),
        pltpu.VMEM((_BPP,), jnp.int32),
        pltpu.VMEM((2 * _NSLOT, _HF, _LANES), jnp.float32),
        pltpu.VMEM((_HF, NDIR), jnp.float32),
        pltpu.VMEM((_NTAIL, EMB), jnp.float32),
        pltpu.VMEM((2 * _HF, _BPP), jnp.float32),
        pltpu.SemaphoreType.DMA,
        pltpu.SemaphoreType.DMA,
        pltpu.SemaphoreType.DMA,
    ],
)
def _action_encoder(blk_idx_hbm, dir_idx_hbm, blk_t_hbm, dir_t_hbm,
                    tail_hbm, out_hbm, bidx_v, didx_v, strips_v, dtab_v,
                    tail_v, obuf_v, gsem, dsem, dsem2):
    pair = lax.axis_index("s")
    h = lax.axis_index("c")
    base = pair * _BPP
    frow = h * _HF

    pltpu.sync_copy(blk_idx_hbm.at[pl.ds(base, _BPP)], bidx_v)
    pltpu.sync_copy(dir_idx_hbm.at[pl.ds(base, _BPP)], didx_v)
    dcopies = [pltpu.async_copy(tail_hbm, tail_v, dsem),
               pltpu.async_copy(dir_t_hbm.at[pl.ds(frow, _HF)], dtab_v,
                                dsem)]

    f0 = lax.iota(jnp.int32, _L)
    zeros = jnp.zeros((_L,), jnp.int32)
    ngrp = _BPP // _L

    def fire(g, slot0, sem):
        iv = jnp.minimum(bidx_v[pl.ds(g * _L, _L)], _TAIL0 - 1)
        for s in range(_NSLOT):
            col = pl.multiple_of((iv[s] >> 7) * _LANES, _LANES)
            pltpu.async_copy(
                blk_t_hbm.at[pl.ds(frow, _HF), pl.ds(col, _LANES)],
                strips_v.at[slot0 + s], sem)

    def drain(sem):
        fake = pltpu.make_async_copy(
            blk_t_hbm.at[pl.ds(0, _HF), pl.ds(0, _LANES)],
            strips_v.at[0], sem)
        for _ in range(_NSLOT):
            fake.wait()

    def extract(g, slot0):
        k0 = g * _L
        iv = jnp.minimum(bidx_v[pl.ds(k0, _L)], _TAIL0 - 1)
        for s in range(_NSLOT):
            lv = zeros + (iv[s] & (_LANES - 1))
            kv = zeros + (k0 + s)
            sv = zeros + (slot0 + s)
            g0 = plsc.load_gather(strips_v, [sv, f0, lv])
            plsc.store_scatter(obuf_v, [f0, kv], g0)

    fire(0, 0, gsem)

    def batch(tt, _):
        ga = 2 * tt
        fire(ga + 1, _NSLOT, dsem2)
        drain(gsem)
        extract(ga, 0)
        fire(jnp.minimum(ga + 2, ngrp - 1), 0, gsem)
        drain(dsem2)
        extract(ga + 1, _NSLOT)
        return _
    lax.fori_loop(0, ngrp // 2, batch, None)
    drain(gsem)

    for c in dcopies:
        c.wait()

    def dir_chunk(c, _):
        di = didx_v[pl.ds(c * _L, _L)]
        for f in range(_HF):
            fv = jnp.zeros((_L,), jnp.int32) + f
            obuf_v[_HF + f, pl.ds(c * _L, _L)] = plsc.load_gather(
                dtab_v, [fv, di])
        return _
    lax.fori_loop(0, _BPP // _L, dir_chunk, None)

    def fixup(c, _):
        kv = lax.iota(jnp.int32, _L) + c * _L
        bv = bidx_v[pl.ds(c * _L, _L)]
        wv = bv - _TAIL0
        m = wv >= 0
        wc = jnp.maximum(wv, 0)
        for f in range(_HF):
            fv = jnp.zeros((_L,), jnp.int32) + f
            vals = plsc.load_gather(tail_v, [wc, fv + frow])
            plsc.store_scatter(obuf_v, [fv, kv], vals, mask=m)
        return _
    lax.fori_loop(0, _BPP // _L, fixup, None)

    pltpu.sync_copy(obuf_v.at[pl.ds(0, _HF)],
                    out_hbm.at[pl.ds(frow, _HF), pl.ds(base, _BPP)])
    pltpu.sync_copy(obuf_v.at[pl.ds(_HF, _HF)],
                    out_hbm.at[pl.ds(EMB + frow, _HF), pl.ds(base, _BPP)])


def kernel(block, direction, block_table, direction_table):
    blk = block.reshape(BATCH).astype(jnp.int32)
    dire = direction.reshape(BATCH).astype(jnp.int32)
    tail = block_table[_TAIL0:]
    out_t = _action_encoder(blk, dire, block_table.T, direction_table.T,
                            tail)
    return out_t.T

# --- scband reference (transcript-rebuilt; emitter-appended) ---
"""Pipeline reference for scband-action-encoder-25151328485436 (READ-ONLY COPY).

The authoritative reference and input builder live on the scoring server;
editing this copy changes nothing except your own understanding.
"""

import jax, jax.numpy as jnp
import numpy as np

NUM_BLOCKS = 1000000
NUM_DIRECTIONS = 1000
BLOCK_DIM = 32
DIRECTION_DIM = 32
BATCH = 16384


def setup_inputs(seed: int = 0) -> dict:
    key = jax.random.key(seed)
    k1, k2, k3, k4 = jax.random.split(key, 4)
    block = jax.random.randint(k1, (1, BATCH), 0, NUM_BLOCKS + 1, dtype=jnp.int64 if jax.config.read('jax_enable_x64') else jnp.int32)
    direction = jax.random.randint(k2, (1, BATCH), 0, NUM_DIRECTIONS + 2, dtype=jnp.int64 if jax.config.read('jax_enable_x64') else jnp.int32)
    block_table = jax.random.normal(k3, (NUM_BLOCKS + 1, BLOCK_DIM), dtype=jnp.float32)
    direction_table = jax.random.normal(k4, (NUM_DIRECTIONS + 2, DIRECTION_DIM), dtype=jnp.float32)
    return {
        'block': block,
        'direction': direction,
        'block_table': block_table,
        'direction_table': direction_table,
    }


def reference(block, direction, block_table, direction_table):
    # block: [1, B] int; direction: [1, B] int
    block_embedding = jnp.take(block_table, block, axis=0)          # [1, B, block_dim]
    direction_embedding = jnp.take(direction_table, direction, axis=0)  # [1, B, direction_dim]
    block_embedding = jnp.squeeze(block_embedding, axis=0)          # [B, block_dim]
    direction_embedding = jnp.squeeze(direction_embedding, axis=0)  # [B, direction_dim]
    action_embedding = jnp.concatenate((block_embedding, direction_embedding), axis=1)  # [B, block_dim+direction_dim]
    return action_embedding

if __name__ == "__main__":
    import jax
    _d = setup_inputs()
    print(jax.jit(kernel)(*tuple(_d.values())))

</pallas_src>

<mosaic_0001>
#map = affine_map<(d0, d1) -> (0)>
#map1 = affine_map<(d0, d1) -> (0, 0)>
module attributes {stable_mosaic.version = 14 : i64} {
  func.func @_action_encoder(%arg0: i32, %arg1: i32, %arg2: memref<16384xi32, #tpu.memory_space<hbm>>, %arg3: memref<16384xi32, #tpu.memory_space<hbm>>, %arg4: memref<32x1000001xf32, #tpu.memory_space<hbm>>, %arg5: memref<32x1002xf32, #tpu.memory_space<hbm>>, %arg6: memref<65x32xf32, #tpu.memory_space<hbm>>, %arg7: memref<64x16384xf32, #tpu.memory_space<hbm>>, %arg8: memref<1024xi32, #tpu.memory_space<vmem>>, %arg9: memref<1024xi32, #tpu.memory_space<vmem>>, %arg10: memref<32x16x128xf32, #tpu.memory_space<vmem>>, %arg11: memref<16x1002xf32, #tpu.memory_space<vmem>>, %arg12: memref<65x32xf32, #tpu.memory_space<vmem>>, %arg13: memref<32x1024xf32, #tpu.memory_space<vmem>>, %arg14: memref<!tpu.dma_semaphore, #tpu.memory_space<semaphore_mem>>, %arg15: memref<!tpu.dma_semaphore, #tpu.memory_space<semaphore_mem>>, %arg16: memref<!tpu.dma_semaphore, #tpu.memory_space<semaphore_mem>>) attributes {dimension_semantics = [#tpu.dimension_semantics<core_parallel>, #tpu.dimension_semantics<subcore_parallel>], iteration_bounds = array<i64: 2, 16>, scalar_prefetch = 0 : i64, scratch_operands = 9 : i64, tpu.core_type = #tpu.core_type<sc_vector_subcore>, window_params = [{transform_indices = #map}, {transform_indices = #map}, {transform_indices = #map1}, {transform_indices = #map1}, {transform_indices = #map1}, {transform_indices = #map1}]} {
    %mul3A = arith.constant 1024 : i32
    %mul3A_0 = arith.muli %arg1, %mul3A : i32
    %mul3A_1 = arith.constant 16 : i32
    %mul3A_2 = arith.muli %arg0, %mul3A_1 : i32
    "tpu.region"() ({
      %run_scoped3A = tpu.sem_alloc : memref<!tpu.dma_semaphore, #tpu.memory_space<semaphore_mem>>
      %dma_start3A_552 = tpu.memref_slice %arg2[%mul3A_0] : memref<16384xi32, #tpu.memory_space<hbm>> -> memref<1024xi32, #tpu.memory_space<hbm>>
      %dma_start3A_553 = tpu.memref_slice %arg2[%mul3A_0] : memref<16384xi32, #tpu.memory_space<hbm>> -> memref<1024xi32, #tpu.memory_space<hbm>>
      tpu.enqueue_dma source(%dma_start3A_553 : memref<1024xi32, #tpu.memory_space<hbm>>) target(%arg8 : memref<1024xi32, #tpu.memory_space<vmem>>) target_semaphore(%run_scoped3A : memref<!tpu.dma_semaphore, #tpu.memory_space<semaphore_mem>>)
      %dma_wait3A_554 = tpu.memref_slice %arg2[%mul3A_0] : memref<16384xi32, #tpu.memory_space<hbm>> -> memref<1024xi32, #tpu.memory_space<hbm>>
      %dma_wait3A_555 = tpu.memref_slice %arg2[%mul3A_0] : memref<16384xi32, #tpu.memory_space<hbm>> -> memref<1024xi32, #tpu.memory_space<hbm>>
      tpu.wait_dma2 semaphore(%run_scoped3A : memref<!tpu.dma_semaphore, #tpu.memory_space<semaphore_mem>>) src(%dma_wait3A_555 : memref<1024xi32, #tpu.memory_space<hbm>>) dst(%arg8 : memref<1024xi32, #tpu.memory_space<vmem>>)
      tpu.yield
    }) : () -> ()
    "tpu.region"() ({
      %run_scoped3A = tpu.sem_alloc : memref<!tpu.dma_semaphore, #tpu.memory_space<semaphore_mem>>
      %dma_start3A_552 = tpu.memref_slice %arg3[%mul3A_0] : memref<16384xi32, #tpu.memory_space<hbm>> -> memref<1024xi32, #tpu.memory_space<hbm>>
      %dma_start3A_553 = tpu.memref_slice %arg3[%mul3A_0] : memref<16384xi32, #tpu.memory_space<hbm>> -> memref<1024xi32, #tpu.memory_space<hbm>>
      tpu.enqueue_dma source(%dma_start3A_553 : memref<1024xi32, #tpu.memory_space<hbm>>) target(%arg9 : memref<1024xi32, #tpu.memory_space<vmem>>) target_semaphore(%run_scoped3A : memref<!tpu.dma_semaphore, #tpu.memory_space<semaphore_mem>>)
      %dma_wait3A_554 = tpu.memref_slice %arg3[%mul3A_0] : memref<16384xi32, #tpu.memory_space<hbm>> -> memref<1024xi32, #tpu.memory_space<hbm>>
      %dma_wait3A_555 = tpu.memref_slice %arg3[%mul3A_0] : memref<16384xi32, #tpu.memory_space<hbm>> -> memref<1024xi32, #tpu.memory_space<hbm>>
      tpu.wait_dma2 semaphore(%run_scoped3A : memref<!tpu.dma_semaphore, #tpu.memory_space<semaphore_mem>>) src(%dma_wait3A_555 : memref<1024xi32, #tpu.memory_space<hbm>>) dst(%arg9 : memref<1024xi32, #tpu.memory_space<vmem>>)
      tpu.yield
    }) : () -> ()
    tpu.enqueue_dma source(%arg6 : memref<65x32xf32, #tpu.memory_space<hbm>>) target(%arg12 : memref<65x32xf32, #tpu.memory_space<vmem>>) target_semaphore(%arg15 : memref<!tpu.dma_semaphore, #tpu.memory_space<semaphore_mem>>)
    %dma_start3A = arith.constant 0 : i32
    %dma_start3A_3 = tpu.memref_slice %arg5[%mul3A_2, %dma_start3A] : memref<32x1002xf32, #tpu.memory_space<hbm>> -> memref<16x1002xf32, #tpu.memory_space<hbm>>
    %dma_start3A_4 = arith.constant 0 : i32
    %dma_start3A_5 = tpu.memref_slice %arg5[%mul3A_2, %dma_start3A_4] : memref<32x1002xf32, #tpu.memory_space<hbm>> -> memref<16x1002xf32, #tpu.memory_space<hbm>>
    tpu.enqueue_dma source(%dma_start3A_5 : memref<16x1002xf32, #tpu.memory_space<hbm>>) target(%arg11 : memref<16x1002xf32, #tpu.memory_space<vmem>>) target_semaphore(%arg15 : memref<!tpu.dma_semaphore, #tpu.memory_space<semaphore_mem>>)
    %iota3A = tpu.iota {dimensions = array<i32: 0>} : vector<16xi32>
    %broadcast_in_dim3A = arith.constant 0 : i32
    %broadcast_in_dim3A_6 = vector.broadcast %broadcast_in_dim3A : i32 to vector<16xi32>
    %get3A = arith.constant 0 : index
    %get3A_7 = tpu.vector_load %arg8[%get3A] {strides = array<i32>} : memref<1024xi32, #tpu.memory_space<vmem>>, vector<16xi32>,
    %min3A = arith.constant 999935 : i32
    %min3A_8 = vector.broadcast %min3A : i32 to vector<16xi32>
    %min3A_9 = arith.minsi %get3A_7, %min3A_8 : vector<16xi32>
    %slice3A = vector.extract_strided_slice %min3A_9 {offsets = [0], sizes = [1], strides = [1]} : vector<16xi32> to vector<1xi32>
    %squeeze3A = vector.extract %slice3A[0] : i32 from vector<1xi32>
    %shift_right_arithmetic3A = arith.constant 7 : i32
    %shift_right_arithmetic3A_10 = arith.shrsi %squeeze3A, %shift_right_arithmetic3A : i32
    %mul3A_11 = arith.constant 128 : i32
    %mul3A_12 = arith.muli %shift_right_arithmetic3A_10, %mul3A_11 : i32
    %multiple_of3A = tpu.assume_multiple %mul3A_12, 128 : i32
    %dma_start3A_13 = arith.constant 0 : i32
    %dma_start3A_14 = arith.constant 0 : i32
    %dma_start3A_15 = arith.constant 0 : i32
    %dma_start3A_16 = tpu.memref_slice %arg10[%dma_start3A_13, %dma_start3A_14, %dma_start3A_15] : memref<32x16x128xf32, #tpu.memory_space<vmem>> -> memref<1x16x128xf32, #tpu.memory_space<vmem>>
    %dma_start3A_17 = tpu.memref_squeeze %dma_start3A_16 : memref<1x16x128xf32, #tpu.memory_space<vmem>> -> memref<16x128xf32, #tpu.memory_space<vmem>>
    %dma_start3A_18 = tpu.memref_slice %arg4[%mul3A_2, %multiple_of3A] : memref<32x1000001xf32, #tpu.memory_space<hbm>> -> memref<16x128xf32, #tpu.memory_space<hbm>>
    %dma_start3A_19 = arith.constant 0 : i32
    %dma_start3A_20 = arith.constant 0 : i32
    %dma_start3A_21 = tpu.memref_slice %arg10[%dma_start3A_13, %dma_start3A_19, %dma_start3A_20] : memref<32x16x128xf32, #tpu.memory_space<vmem>> -> memref<1x16x128xf32, #tpu.memory_space<vmem>>
    %dma_start3A_22 = tpu.memref_squeeze %dma_start3A_21 : memref<1x16x128xf32, #tpu.memory_space<vmem>> -> memref<16x128xf32, #tpu.memory_space<vmem>>
    %dma_start3A_23 = tpu.memref_slice %arg4[%mul3A_2, %multiple_of3A] : memref<32x1000001xf32, #tpu.memory_space<hbm>> -> memref<16x128xf32, #tpu.memory_space<hbm>>
    tpu.enqueue_dma source(%dma_start3A_23 : memref<16x128xf32, #tpu.memory_space<hbm>>) target(%dma_start3A_22 : memref<16x128xf32, #tpu.memory_space<vmem>>) target_semaphore(%arg14 : memref<!tpu.dma_semaphore, #tpu.memory_space<semaphore_mem>>)
    %slice3A_24 = vector.extract_strided_slice %min3A_9 {offsets = [1], sizes = [1], strides = [1]} : vector<16xi32> to vector<1xi32>
    %squeeze3A_25 = vector.extract %slice3A_24[0] : i32 from vector<1xi32>
    %shift_right_arithmetic3A_26 = arith.constant 7 : i32
    %shift_right_arithmetic3A_27 = arith.shrsi %squeeze3A_25, %shift_right_arithmetic3A_26 : i32
    %mul3A_28 = arith.constant 128 : i32
    %mul3A_29 = arith.muli %shift_right_arithmetic3A_27, %mul3A_28 : i32
    %multiple_of3A_30 = tpu.assume_multiple %mul3A_29, 128 : i32
    %dma_start3A_31 = arith.constant 1 : i32
    %dma_start3A_32 = arith.constant 0 : i32
    %dma_start3A_33 = arith.constant 0 : i32
    %dma_start3A_34 = tpu.memref_slice %arg10[%dma_start3A_31, %dma_start3A_32, %dma_start3A_33] : memref<32x16x128xf32, #tpu.memory_space<vmem>> -> memref<1x16x128xf32, #tpu.memory_space<vmem>>
    %dma_start3A_35 = tpu.memref_squeeze %dma_start3A_34 : memref<1x16x128xf32, #tpu.memory_space<vmem>> -> memref<16x128xf32, #tpu.memory_space<vmem>>
    %dma_start3A_36 = tpu.memref_slice %arg4[%mul3A_2, %multiple_of3A_30] : memref<32x1000001xf32, #tpu.memory_space<hbm>> -> memref<16x128xf32, #tpu.memory_space<hbm>>
    %dma_start3A_37 = arith.constant 0 : i32
    %dma_start3A_38 = arith.constant 0 : i32
    %dma_start3A_39 = tpu.memref_slice %arg10[%dma_start3A_31, %dma_start3A_37, %dma_start3A_38] : memref<32x16x128xf32, #tpu.memory_space<vmem>> -> memref<1x16x128xf32, #tpu.memory_space<vmem>>
    %dma_start3A_40 = tpu.memref_squeeze %dma_start3A_39 : memref<1x16x128xf32, #tpu.memory_space<vmem>> -> memref<16x128xf32, #tpu.memory_space<vmem>>
    %dma_start3A_41 = tpu.memref_slice %arg4[%mul3A_2, %multiple_of3A_30] : memref<32x1000001xf32, #tpu.memory_space<hbm>> -> memref<16x128xf32, #tpu.memory_space<hbm>>
    tpu.enqueue_dma source(%dma_start3A_41 : memref<16x128xf32, #tpu.memory_space<hbm>>) target(%dma_start3A_40 : memref<16x128xf32, #tpu.memory_space<vmem>>) target_semaphore(%arg14 : memref<!tpu.dma_semaphore, #tpu.memory_space<semaphore_mem>>)
    %slice3A_42 = vector.extract_strided_slice %min3A_9 {offsets = [2], sizes = [1], strides = [1]} : vector<16xi32> to vector<1xi32>
    %squeeze3A_43 = vector.extract %slice3A_42[0] : i32 from vector<1xi32>
    %shift_right_arithmetic3A_44 = arith.constant 7 : i32
    %shift_right_arithmetic3A_45 = arith.shrsi %squeeze3A_43, %shift_right_arithmetic3A_44 : i32
    %mul3A_46 = arith.constant 128 : i32
    %mul3A_47 = arith.muli %shift_right_arithmetic3A_45, %mul3A_46 : i32
    %multiple_of3A_48 = tpu.assume_multiple %mul3A_47, 128 : i32
    %dma_start3A_49 = arith.constant 2 : i32
    %dma_start3A_50 = arith.constant 0 : i32
    %dma_start3A_51 = arith.constant 0 : i32
    %dma_start3A_52 = tpu.memref_slice %arg10[%dma_start3A_49, %dma_start3A_50, %dma_start3A_51] : memref<32x16x128xf32, #tpu.memory_space<vmem>> -> memref<1x16x128xf32, #tpu.memory_space<vmem>>
    %dma_start3A_53 = tpu.memref_squeeze %dma_start3A_52 : memref<1x16x128xf32, #tpu.memory_space<vmem>> -> memref<16x128xf32, #tpu.memory_space<vmem>>
    %dma_start3A_54 = tpu.memref_slice %arg4[%mul3A_2, %multiple_of3A_48] : memref<32x1000001xf32, #tpu.memory_space<hbm>> -> memref<16x128xf32, #tpu.memory_space<hbm>>
    %dma_start3A_55 = arith.constant 0 : i32
    %dma_start3A_56 = arith.constant 0 : i32
    %dma_start3A_57 = tpu.memref_slice %arg10[%dma_start3A_49, %dma_start3A_55, %dma_start3A_56] : memref<32x16x128xf32, #tpu.memory_space<vmem>> -> memref<1x16x128xf32, #tpu.memory_space<vmem>>
    %dma_start3A_58 = tpu.memref_squeeze %dma_start3A_57 : memref<1x16x128xf32, #tpu.memory_space<vmem>> -> memref<16x128xf32, #tpu.memory_space<vmem>>
    %dma_start3A_59 = tpu.memref_slice %arg4[%mul3A_2, %multiple_of3A_48] : memref<32x1000001xf32, #tpu.memory_space<hbm>> -> memref<16x128xf32, #tpu.memory_space<hbm>>
    tpu.enqueue_dma source(%dma_start3A_59 : memref<16x128xf32, #tpu.memory_space<hbm>>) target(%dma_start3A_58 : memref<16x128xf32, #tpu.memory_space<vmem>>) target_semaphore(%arg14 : memref<!tpu.dma_semaphore, #tpu.memory_space<semaphore_mem>>)
    %slice3A_60 = vector.extract_strided_slice %min3A_9 {offsets = [3], sizes = [1], strides = [1]} : vector<16xi32> to vector<1xi32>
    %squeeze3A_61 = vector.extract %slice3A_60[0] : i32 from vector<1xi32>
    %shift_right_arithmetic3A_62 = arith.constant 7 : i32
    %shift_right_arithmetic3A_63 = arith.shrsi %squeeze3A_61, %shift_right_arithmetic3A_62 : i32
    %mul3A_64 = arith.constant 128 : i32
    %mul3A_65 = arith.muli %shift_right_arithmetic3A_63, %mul3A_64 : i32
    %multiple_of3A_66 = tpu.assume_multiple %mul3A_65, 128 : i32
    %dma_start3A_67 = arith.constant 3 : i32
    %dma_start3A_68 = arith.constant 0 : i32
    %dma_start3A_69 = arith.constant 0 : i32
    %dma_start3A_70 = tpu.memref_slice %arg10[%dma_start3A_67, %dma_start3A_68, %dma_start3A_69] : memref<32x16x128xf32, #tpu.memory_space<vmem>> -> memref<1x16x128xf32, #tpu.memory_space<vmem>>
    %dma_start3A_71 = tpu.memref_squeeze %dma_start3A_70 : memref<1x16x128xf32, #tpu.memory_space<vmem>> -> memref<16x128xf32, #tpu.memory_space<vmem>>
    %dma_start3A_72 = tpu.memref_slice %arg4[%mul3A_2, %multiple_of3A_66] : memref<32x1000001xf32, #tpu.memory_space<hbm>> -> memref<16x128xf32, #tpu.memory_space<hbm>>
    %dma_start3A_73 = arith.constant 0 : i32
    %dma_start3A_74 = arith.constant 0 : i32
    %dma_start3A_75 = tpu.memref_slice %arg10[%dma_start3A_67, %dma_start3A_73, %dma_start3A_74] : memref<32x16x128xf32, #tpu.memory_space<vmem>> -> memref<1x16x128xf32, #tpu.memory_space<vmem>>
    %dma_start3A_76 = tpu.memref_squeeze %dma_start3A_75 : memref<1x16x128xf32, #tpu.memory_space<vmem>> -> memref<16x128xf32, #tpu.memory_space<vmem>>
    %dma_start3A_77 = tpu.memref_slice %arg4[%mul3A_2, %multiple_of3A_66] : memref<32x1000001xf32, #tpu.memory_space<hbm>> -> memref<16x128xf32, #tpu.memory_space<hbm>>
    tpu.enqueue_dma source(%dma_start3A_77 : memref<16x128xf32, #tpu.memory_space<hbm>>) target(%dma_start3A_76 : memref<16x128xf32, #tpu.memory_space<vmem>>) target_semaphore(%arg14 : memref<!tpu.dma_semaphore, #tpu.memory_space<semaphore_mem>>)
    %slice3A_78 = vector.extract_strided_slice %min3A_9 {offsets = [4], sizes = [1], strides = [1]} : vector<16xi32> to vector<1xi32>
    %squeeze3A_79 = vector.extract %slice3A_78[0] : i32 from vector<1xi32>
    %shift_right_arithmetic3A_80 = arith.constant 7 : i32
    %shift_right_arithmetic3A_81 = arith.shrsi %squeeze3A_79, %shift_right_arithmetic3A_80 : i32
    %mul3A_82 = arith.constant 128 : i32
    %mul3A_83 = arith.muli %shift_right_arithmetic3A_81, %mul3A_82 : i32
    %multiple_of3A_84 = tpu.assume_multiple %mul3A_83, 128 : i32
    %dma_start3A_85 = arith.constant 4 : i32
    %dma_start3A_86 = arith.constant 0 : i32
    %dma_start3A_87 = arith.constant 0 : i32
    %dma_start3A_88 = tpu.memref_slice %arg10[%dma_start3A_85, %dma_start3A_86, %dma_start3A_87] : memref<32x16x128xf32, #tpu.memory_space<vmem>> -> memref<1x16x128xf32, #tpu.memory_space<vmem>>
    %dma_start3A_89 = tpu.memref_squeeze %dma_start3A_88 : memref<1x16x128xf32, #tpu.memory_space<vmem>> -> memref<16x128xf32, #tpu.memory_space<vmem>>
    %dma_start3A_90 = tpu.memref_slice %arg4[%mul3A_2, %multiple_of3A_84] : memref<32x1000001xf32, #tpu.memory_space<hbm>> -> memref<16x128xf32, #tpu.memory_space<hbm>>
    %dma_start3A_91 = arith.constant 0 : i32
    %dma_start3A_92 = arith.constant 0 : i32
    %dma_start3A_93 = tpu.memref_slice %arg10[%dma_start3A_85, %dma_start3A_91, %dma_start3A_92] : memref<32x16x128xf32, #tpu.memory_space<vmem>> -> memref<1x16x128xf32, #tpu.memory_space<vmem>>
    %dma_start3A_94 = tpu.memref_squeeze %dma_start3A_93 : memref<1x16x128xf32, #tpu.memory_space<vmem>> -> memref<16x128xf32, #tpu.memory_space<vmem>>
    %dma_start3A_95 = tpu.memref_slice %arg4[%mul3A_2, %multiple_of3A_84] : memref<32x1000001xf32, #tpu.memory_space<hbm>> -> memref<16x128xf32, #tpu.memory_space<hbm>>
    tpu.enqueue_dma source(%dma_start3A_95 : memref<16x128xf32, #tpu.memory_space<hbm>>) target(%dma_start3A_94 : memref<16x128xf32, #tpu.memory_space<vmem>>) target_semaphore(%arg14 : memref<!tpu.dma_semaphore, #tpu.memory_space<semaphore_mem>>)
    %slice3A_96 = vector.extract_strided_slice %min3A_9 {offsets = [5], sizes = [1], strides = [1]} : vector<16xi32> to vector<1xi32>
    %squeeze3A_97 = vector.extract %slice3A_96[0] : i32 from vector<1xi32>
    %shift_right_arithmetic3A_98 = arith.constant 7 : i32
    %shift_right_arithmetic3A_99 = arith.shrsi %squeeze3A_97, %shift_right_arithmetic3A_98 : i32
    %mul3A_100 = arith.constant 128 : i32
    %mul3A_101 = arith.muli %shift_right_arithmetic3A_99, %mul3A_100 : i32
    %multiple_of3A_102 = tpu.assume_multiple %mul3A_101, 128 : i32
    %dma_start3A_103 = arith.constant 5 : i32
    %dma_start3A_104 = arith.constant 0 : i32
    %dma_start3A_105 = arith.constant 0 : i32
    %dma_start3A_106 = tpu.memref_slice %arg10[%dma_start3A_103, %dma_start3A_104, %dma_start3A_105] : memref<32x16x128xf32, #tpu.memory_space<vmem>> -> memref<1x16x128xf32, #tpu.memory_space<vmem>>
    %dma_start3A_107 = tpu.memref_squeeze %dma_start3A_106 : memref<1x16x128xf32, #tpu.memory_space<vmem>> -> memref<16x128xf32, #tpu.memory_space<vmem>>
    %dma_start3A_108 = tpu.memref_slice %arg4[%mul3A_2, %multiple_of3A_102] : memref<32x1000001xf32, #tpu.memory_space<hbm>> -> memref<16x128xf32, #tpu.memory_space<hbm>>
    %dma_start3A_109 = arith.constant 0 : i32
    %dma_start3A_110 = arith.constant 0 : i32
    %dma_start3A_111 = tpu.memref_slice %arg10[%dma_start3A_103, %dma_start3A_109, %dma_start3A_110] : memref<32x16x128xf32, #tpu.memory_space<vmem>> -> memref<1x16x128xf32, #tpu.memory_space<vmem>>
    %dma_start3A_112 = tpu.memref_squeeze %dma_start3A_111 : memref<1x16x128xf32, #tpu.memory_space<vmem>> -> memref<16x128xf32, #tpu.memory_space<vmem>>
    %dma_start3A_113 = tpu.memref_slice %arg4[%mul3A_2, %multiple_of3A_102] : memref<32x1000001xf32, #tpu.memory_space<hbm>> -> memref<16x128xf32, #tpu.memory_space<hbm>>
    tpu.enqueue_dma source(%dma_start3A_113 : memref<16x128xf32, #tpu.memory_space<hbm>>) target(%dma_start3A_112 : memref<16x128xf32, #tpu.memory_space<vmem>>) target_semaphore(%arg14 : memref<!tpu.dma_semaphore, #tpu.memory_space<semaphore_mem>>)
    %slice3A_114 = vector.extract_strided_slice %min3A_9 {offsets = [6], sizes = [1], strides = [1]} : vector<16xi32> to vector<1xi32>
    %squeeze3A_115 = vector.extract %slice3A_114[0] : i32 from vector<1xi32>
    %shift_right_arithmetic3A_116 = arith.constant 7 : i32
    %shift_right_arithmetic3A_117 = arith.shrsi %squeeze3A_115, %shift_right_arithmetic3A_116 : i32
    %mul3A_118 = arith.constant 128 : i32
    %mul3A_119 = arith.muli %shift_right_arithmetic3A_117, %mul3A_118 : i32
    %multiple_of3A_120 = tpu.assume_multiple %mul3A_119, 128 : i32
    %dma_start3A_121 = arith.constant 6 : i32
    %dma_start3A_122 = arith.constant 0 : i32
    %dma_start3A_123 = arith.constant 0 : i32
    %dma_start3A_124 = tpu.memref_slice %arg10[%dma_start3A_121, %dma_start3A_122, %dma_start3A_123] : memref<32x16x128xf32, #tpu.memory_space<vmem>> -> memref<1x16x128xf32, #tpu.memory_space<vmem>>
    %dma_start3A_125 = tpu.memref_squeeze %dma_start3A_124 : memref<1x16x128xf32, #tpu.memory_space<vmem>> -> memref<16x128xf32, #tpu.memory_space<vmem>>
    %dma_start3A_126 = tpu.memref_slice %arg4[%mul3A_2, %multiple_of3A_120] : memref<32x1000001xf32, #tpu.memory_space<hbm>> -> memref<16x128xf32, #tpu.memory_space<hbm>>
    %dma_start3A_127 = arith.constant 0 : i32
    %dma_start3A_128 = arith.constant 0 : i32
    %dma_start3A_129 = tpu.memref_slice %arg10[%dma_start3A_121, %dma_start3A_127, %dma_start3A_128] : memref<32x16x128xf32, #tpu.memory_space<vmem>> -> memref<1x16x128xf32, #tpu.memory_space<vmem>>
    %dma_start3A_130 = tpu.memref_squeeze %dma_start3A_129 : memref<1x16x128xf32, #tpu.memory_space<vmem>> -> memref<16x128xf32, #tpu.memory_space<vmem>>
    %dma_start3A_131 = tpu.memref_slice %arg4[%mul3A_2, %multiple_of3A_120] : memref<32x1000001xf32, #tpu.memory_space<hbm>> -> memref<16x128xf32, #tpu.memory_space<hbm>>
    tpu.enqueue_dma source(%dma_start3A_131 : memref<16x128xf32, #tpu.memory_space<hbm>>) target(%dma_start3A_130 : memref<16x128xf32, #tpu.memory_space<vmem>>) target_semaphore(%arg14 : memref<!tpu.dma_semaphore, #tpu.memory_space<semaphore_mem>>)
    %slice3A_132 = vector.extract_strided_slice %min3A_9 {offsets = [7], sizes = [1], strides = [1]} : vector<16xi32> to vector<1xi32>
    %squeeze3A_133 = vector.extract %slice3A_132[0] : i32 from vector<1xi32>
    %shift_right_arithmetic3A_134 = arith.constant 7 : i32
    %shift_right_arithmetic3A_135 = arith.shrsi %squeeze3A_133, %shift_right_arithmetic3A_134 : i32
    %mul3A_136 = arith.constant 128 : i32
    %mul3A_137 = arith.muli %shift_right_arithmetic3A_135, %mul3A_136 : i32
    %multiple_of3A_138 = tpu.assume_multiple %mul3A_137, 128 : i32
    %dma_start3A_139 = arith.constant 7 : i32
    %dma_start3A_140 = arith.constant 0 : i32
    %dma_start3A_141 = arith.constant 0 : i32
    %dma_start3A_142 = tpu.memref_slice %arg10[%dma_start3A_139, %dma_start3A_140, %dma_start3A_141] : memref<32x16x128xf32, #tpu.memory_space<vmem>> -> memref<1x16x128xf32, #tpu.memory_space<vmem>>
    %dma_start3A_143 = tpu.memref_squeeze %dma_start3A_142 : memref<1x16x128xf32, #tpu.memory_space<vmem>> -> memref<16x128xf32, #tpu.memory_space<vmem>>
    %dma_start3A_144 = tpu.memref_slice %arg4[%mul3A_2, %multiple_of3A_138] : memref<32x1000001xf32, #tpu.memory_space<hbm>> -> memref<16x128xf32, #tpu.memory_space<hbm>>
    %dma_start3A_145 = arith.constant 0 : i32
    %dma_start3A_146 = arith.constant 0 : i32
    %dma_start3A_147 = tpu.memref_slice %arg10[%dma_start3A_139, %dma_start3A_145, %dma_start3A_146] : memref<32x16x128xf32, #tpu.memory_space<vmem>> -> memref<1x16x128xf32, #tpu.memory_space<vmem>>
    %dma_start3A_148 = tpu.memref_squeeze %dma_start3A_147 : memref<1x16x128xf32, #tpu.memory_space<vmem>> -> memref<16x128xf32, #tpu.memory_space<vmem>>
    %dma_start3A_149 = tpu.memref_slice %arg4[%mul3A_2, %multiple_of3A_138] : memref<32x1000001xf32, #tpu.memory_space<hbm>> -> memref<16x128xf32, #tpu.memory_space<hbm>>
    tpu.enqueue_dma source(%dma_start3A_149 : memref<16x128xf32, #tpu.memory_space<hbm>>) target(%dma_start3A_148 : memref<16x128xf32, #tpu.memory_space<vmem>>) target_semaphore(%arg14 : memref<!tpu.dma_semaphore, #tpu.memory_space<semaphore_mem>>)
    %slice3A_150 = vector.extract_strided_slice %min3A_9 {offsets = [8], sizes = [1], strides = [1]} : vector<16xi32> to vector<1xi32>
    %squeeze3A_151 = vector.extract %slice3A_150[0] : i32 from vector<1xi32>
    %shift_right_arithmetic3A_152 = arith.constant 7 : i32
    %shift_right_arithmetic3A_153 = arith.shrsi %squeeze3A_151, %shift_right_arithmetic3A_152 : i32
    %mul3A_154 = arith.constant 128 : i32
    %mul3A_155 = arith.muli %shift_right_arithmetic3A_153, %mul3A_154 : i32
    %multiple_of3A_156 = tpu.assume_multiple %mul3A_155, 128 : i32
    %dma_start3A_157 = arith.constant 8 : i32
    %dma_start3A_158 = arith.constant 0 : i32
    %dma_start3A_159 = arith.constant 0 : i32
    %dma_start3A_160 = tpu.memref_slice %arg10[%dma_start3A_157, %dma_start3A_158, %dma_start3A_159] : memref<32x16x128xf32, #tpu.memory_space<vmem>> -> memref<1x16x128xf32, #tpu.memory_space<vmem>>
    %dma_start3A_161 = tpu.memref_squeeze %dma_start3A_160 : memref<1x16x128xf32, #tpu.memory_space<vmem>> -> memref<16x128xf32, #tpu.memory_space<vmem>>
    %dma_start3A_162 = tpu.memref_slice %arg4[%mul3A_2, %multiple_of3A_156] : memref<32x1000001xf32, #tpu.memory_space<hbm>> -> memref<16x128xf32, #tpu.memory_space<hbm>>
    %dma_start3A_163 = arith.constant 0 : i32
    %dma_start3A_164 = arith.constant 0 : i32
    %dma_start3A_165 = tpu.memref_slice %arg10[%dma_start3A_157, %dma_start3A_163, %dma_start3A_164] : memref<32x16x128xf32, #tpu.memory_space<vmem>> -> memref<1x16x128xf32, #tpu.memory_space<vmem>>
    %dma_start3A_166 = tpu.memref_squeeze %dma_start3A_165 : memref<1x16x128xf32, #tpu.memory_space<vmem>> -> memref<16x128xf32, #tpu.memory_space<vmem>>
    %dma_start3A_167 = tpu.memref_slice %arg4[%mul3A_2, %multiple_of3A_156] : memref<32x1000001xf32, #tpu.memory_space<hbm>> -> memref<16x128xf32, #tpu.memory_space<hbm>>
    tpu.enqueue_dma source(%dma_start3A_167 : memref<16x128xf32, #tpu.memory_space<hbm>>) target(%dma_start3A_166 : memref<16x128xf32, #tpu.memory_space<vmem>>) target_semaphore(%arg14 : memref<!tpu.dma_semaphore, #tpu.memory_space<semaphore_mem>>)
    %slice3A_168 = vector.extract_strided_slice %min3A_9 {offsets = [9], sizes = [1], strides = [1]} : vector<16xi32> to vector<1xi32>
    %squeeze3A_169 = vector.extract %slice3A_168[0] : i32 from vector<1xi32>
    %shift_right_arithmetic3A_170 = arith.constant 7 : i32
    %shift_right_arithmetic3A_171 = arith.shrsi %squeeze3A_169, %shift_right_arithmetic3A_170 : i32
    %mul3A_172 = arith.constant 128 : i32
    %mul3A_173 = arith.muli %shift_right_arithmetic3A_171, %mul3A_172 : i32
    %multiple_of3A_174 = tpu.assume_multiple %mul3A_173, 128 : i32
    %dma_start3A_175 = arith.constant 9 : i32
    %dma_start3A_176 = arith.constant 0 : i32
    %dma_start3A_177 = arith.constant 0 : i32
    %dma_start3A_178 = tpu.memref_slice %arg10[%dma_start3A_175, %dma_start3A_176, %dma_start3A_177] : memref<32x16x128xf32, #tpu.memory_space<vmem>> -> memref<1x16x128xf32, #tpu.memory_space<vmem>>
    %dma_start3A_179 = tpu.memref_squeeze %dma_start3A_178 : memref<1x16x128xf32, #tpu.memory_space<vmem>> -> memref<16x128xf32, #tpu.memory_space<vmem>>
    %dma_start3A_180 = tpu.memref_slice %arg4[%mul3A_2, %multiple_of3A_174] : memref<32x1000001xf32, #tpu.memory_space<hbm>> -> memref<16x128xf32, #tpu.memory_space<hbm>>
    %dma_start3A_181 = arith.constant 0 : i32
    %dma_start3A_182 = arith.constant 0 : i32
    %dma_start3A_183 = tpu.memref_slice %arg10[%dma_start3A_175, %dma_start3A_181, %dma_start3A_182] : memref<32x16x128xf32, #tpu.memory_space<vmem>> -> memref<1x16x128xf32, #tpu.memory_space<vmem>>
    %dma_start3A_184 = tpu.memref_squeeze %dma_start3A_183 : memref<1x16x128xf32, #tpu.memory_space<vmem>> -> memref<16x128xf32, #tpu.memory_space<vmem>>
    %dma_start3A_185 = tpu.memref_slice %arg4[%mul3A_2, %multiple_of3A_174] : memref<32x1000001xf32, #tpu.memory_space<hbm>> -> memref<16x128xf32, #tpu.memory_space<hbm>>
    tpu.enqueue_dma source(%dma_start3A_185 : memref<16x128xf32, #tpu.memory_space<hbm>>) target(%dma_start3A_184 : memref<16x128xf32, #tpu.memory_space<vmem>>) target_semaphore(%arg14 : memref<!tpu.dma_semaphore, #tpu.memory_space<semaphore_mem>>)
    %slice3A_186 = vector.extract_strided_slice %min3A_9 {offsets = [10], sizes = [1], strides = [1]} : vector<16xi32> to vector<1xi32>
    %squeeze3A_187 = vector.extract %slice3A_186[0] : i32 from vector<1xi32>
    %shift_right_arithmetic3A_188 = arith.constant 7 : i32
    %shift_right_arithmetic3A_189 = arith.shrsi %squeeze3A_187, %shift_right_arithmetic3A_188 : i32
    %mul3A_190 = arith.constant 128 : i32
    %mul3A_191 = arith.muli %shift_right_arithmetic3A_189, %mul3A_190 : i32
    %multiple_of3A_192 = tpu.assume_multiple %mul3A_191, 128 : i32
    %dma_start3A_193 = arith.constant 10 : i32
    %dma_start3A_194 = arith.constant 0 : i32
    %dma_start3A_195 = arith.constant 0 : i32
    %dma_start3A_196 = tpu.memref_slice %arg10[%dma_start3A_193, %dma_start3A_194, %dma_start3A_195] : memref<32x16x128xf32, #tpu.memory_space<vmem>> -> memref<1x16x128xf32, #tpu.memory_space<vmem>>
    %dma_start3A_197 = tpu.memref_squeeze %dma_start3A_196 : memref<1x16x128xf32, #tpu.memory_space<vmem>> -> memref<16x128xf32, #tpu.memory_space<vmem>>
    %dma_start3A_198 = tpu.memref_slice %arg4[%mul3A_2, %multiple_of3A_192] : memref<32x1000001xf32, #tpu.memory_space<hbm>> -> memref<16x128xf32, #tpu.memory_space<hbm>>
    %dma_start3A_199 = arith.constant 0 : i32
    %dma_start3A_200 = arith.constant 0 : i32
    %dma_start3A_201 = tpu.memref_slice %arg10[%dma_start3A_193, %dma_start3A_199, %dma_start3A_200] : memref<32x16x128xf32, #tpu.memory_space<vmem>> -> memref<1x16x128xf32, #tpu.memory_space<vmem>>
    %dma_start3A_202 = tpu.memref_squeeze %dma_start3A_201 : memref<1x16x128xf32, #tpu.memory_space<vmem>> -> memref<16x128xf32, #tpu.memory_space<vmem>>
    %dma_start3A_203 = tpu.memref_slice %arg4[%mul3A_2, %multiple_of3A_192] : memref<32x1000001xf32, #tpu.memory_space<hbm>> -> memref<16x128xf32, #tpu.memory_space<hbm>>
    tpu.enqueue_dma source(%dma_start3A_203 : memref<16x128xf32, #tpu.memory_space<hbm>>) target(%dma_start3A_202 : memref<16x128xf32, #tpu.memory_space<vmem>>) target_semaphore(%arg14 : memref<!tpu.dma_semaphore, #tpu.memory_space<semaphore_mem>>)
    %slice3A_204 = vector.extract_strided_slice %min3A_9 {offsets = [11], sizes = [1], strides = [1]} : vector<16xi32> to vector<1xi32>
    %squeeze3A_205 = vector.extract %slice3A_204[0] : i32 from vector<1xi32>
    %shift_right_arithmetic3A_206 = arith.constant 7 : i32
    %shift_right_arithmetic3A_207 = arith.shrsi %squeeze3A_205, %shift_right_arithmetic3A_206 : i32
    %mul3A_208 = arith.constant 128 : i32
    %mul3A_209 = arith.muli %shift_right_arithmetic3A_207, %mul3A_208 : i32
    %multiple_of3A_210 = tpu.assume_multiple %mul3A_209, 128 : i32
    %dma_start3A_211 = arith.constant 11 : i32
    %dma_start3A_212 = arith.constant 0 : i32
    %dma_start3A_213 = arith.constant 0 : i32
    %dma_start3A_214 = tpu.memref_slice %arg10[%dma_start3A_211, %dma_start3A_212, %dma_start3A_213] : memref<32x16x128xf32, #tpu.memory_space<vmem>> -> memref<1x16x128xf32, #tpu.memory_space<vmem>>
    %dma_start3A_215 = tpu.memref_squeeze %dma_start3A_214 : memref<1x16x128xf32, #tpu.memory_space<vmem>> -> memref<16x128xf32, #tpu.memory_space<vmem>>
    %dma_start3A_216 = tpu.memref_slice %arg4[%mul3A_2, %multiple_of3A_210] : memref<32x1000001xf32, #tpu.memory_space<hbm>> -> memref<16x128xf32, #tpu.memory_space<hbm>>
    %dma_start3A_217 = arith.constant 0 : i32
    %dma_start3A_218 = arith.constant 0 : i32
    %dma_start3A_219 = tpu.memref_slice %arg10[%dma_start3A_211, %dma_start3A_217, %dma_start3A_218] : memref<32x16x128xf32, #tpu.memory_space<vmem>> -> memref<1x16x128xf32, #tpu.memory_space<vmem>>
    %dma_start3A_220 = tpu.memref_squeeze %dma_start3A_219 : memref<1x16x128xf32, #tpu.memory_space<vmem>> -> memref<16x128xf32, #tpu.memory_space<vmem>>
    %dma_start3A_221 = tpu.memref_slice %arg4[%mul3A_2, %multiple_of3A_210] : memref<32x1000001xf32, #tpu.memory_space<hbm>> -> memref<16x128xf32, #tpu.memory_space<hbm>>
    tpu.enqueue_dma source(%dma_start3A_221 : memref<16x128xf32, #tpu.memory_space<hbm>>) target(%dma_start3A_220 : memref<16x128xf32, #tpu.memory_space<vmem>>) target_semaphore(%arg14 : memref<!tpu.dma_semaphore, #tpu.memory_space<semaphore_mem>>)
    %slice3A_222 = vector.extract_strided_slice %min3A_9 {offsets = [12], sizes = [1], strides = [1]} : vector<16xi32> to vector<1xi32>
    %squeeze3A_223 = vector.extract %slice3A_222[0] : i32 from vector<1xi32>
    %shift_right_arithmetic3A_224 = arith.constant 7 : i32
    %shift_right_arithmetic3A_225 = arith.shrsi %squeeze3A_223, %shift_right_arithmetic3A_224 : i32
    %mul3A_226 = arith.constant 128 : i32
    %mul3A_227 = arith.muli %shift_right_arithmetic3A_225, %mul3A_226 : i32
    %multiple_of3A_228 = tpu.assume_multiple %mul3A_227, 128 : i32
    %dma_start3A_229 = arith.constant 12 : i32
    %dma_start3A_230 = arith.constant 0 : i32
    %dma_start3A_231 = arith.constant 0 : i32
    %dma_start3A_232 = tpu.memref_slice %arg10[%dma_start3A_229, %dma_start3A_230, %dma_start3A_231] : memref<32x16x128xf32, #tpu.memory_space<vmem>> -> memref<1x16x128xf32, #tpu.memory_space<vmem>>
    %dma_start3A_233 = tpu.memref_squeeze %dma_start3A_232 : memref<1x16x128xf32, #tpu.memory_space<vmem>> -> memref<16x128xf32, #tpu.memory_space<vmem>>
    %dma_start3A_234 = tpu.memref_slice %arg4[%mul3A_2, %multiple_of3A_228] : memref<32x1000001xf32, #tpu.memory_space<hbm>> -> memref<16x128xf32, #tpu.memory_space<hbm>>
    %dma_start3A_235 = arith.constant 0 : i32
    %dma_start3A_236 = arith.constant 0 : i32
    %dma_start3A_237 = tpu.memref_slice %arg10[%dma_start3A_229, %dma_start3A_235, %dma_start3A_236] : memref<32x16x128xf32, #tpu.memory_space<vmem>> -> memref<1x16x128xf32, #tpu.memory_space<vmem>>
    %dma_start3A_238 = tpu.memref_squeeze %dma_start3A_237 : memref<1x16x128xf32, #tpu.memory_space<vmem>> -> memref<16x128xf32, #tpu.memory_space<vmem>>
    %dma_start3A_239 = tpu.memref_slice %arg4[%mul3A_2, %multiple_of3A_228] : memref<32x1000001xf32, #tpu.memory_space<hbm>> -> memref<16x128xf32, #tpu.memory_space<hbm>>
    tpu.enqueue_dma source(%dma_start3A_239 : memref<16x128xf32, #tpu.memory_space<hbm>>) target(%dma_start3A_238 : memref<16x128xf32, #tpu.memory_space<vmem>>) target_semaphore(%arg14 : memref<!tpu.dma_semaphore, #tpu.memory_space<semaphore_mem>>)
    %slice3A_240 = vector.extract_strided_slice %min3A_9 {offsets = [13], sizes = [1], strides = [1]} : vector<16xi32> to vector<1xi32>
    %squeeze3A_241 = vector.extract %slice3A_240[0] : i32 from vector<1xi32>
    %shift_right_arithmetic3A_242 = arith.constant 7 : i32
    %shift_right_arithmetic3A_243 = arith.shrsi %squeeze3A_241, %shift_right_arithmetic3A_242 : i32
    %mul3A_244 = arith.constant 128 : i32
    %mul3A_245 = arith.muli %shift_right_arithmetic3A_243, %mul3A_244 : i32
    %multiple_of3A_246 = tpu.assume_multiple %mul3A_245, 128 : i32
    %dma_start3A_247 = arith.constant 13 : i32
    %dma_start3A_248 = arith.constant 0 : i32
    %dma_start3A_249 = arith.constant 0 : i32
    %dma_start3A_250 = tpu.memref_slice %arg10[%dma_start3A_247, %dma_start3A_248, %dma_start3A_249] : memref<32x16x128xf32, #tpu.memory_space<vmem>> -> memref<1x16x128xf32, #tpu.memory_space<vmem>>
    %dma_start3A_251 = tpu.memref_squeeze %dma_start3A_250 : memref<1x16x128xf32, #tpu.memory_space<vmem>> -> memref<16x128xf32, #tpu.memory_space<vmem>>
    %dma_start3A_252 = tpu.memref_slice %arg4[%mul3A_2, %multiple_of3A_246] : memref<32x1000001xf32, #tpu.memory_space<hbm>> -> memref<16x128xf32, #tpu.memory_space<hbm>>
    %dma_start3A_253 = arith.constant 0 : i32
    %dma_start3A_254 = arith.constant 0 : i32
    %dma_start3A_255 = tpu.memref_slice %arg10[%dma_start3A_247, %dma_start3A_253, %dma_start3A_254] : memref<32x16x128xf32, #tpu.memory_space<vmem>> -> memref<1x16x128xf32, #tpu.memory_space<vmem>>
    %dma_start3A_256 = tpu.memref_squeeze %dma_start3A_255 : memref<1x16x128xf32, #tpu.memory_space<vmem>> -> memref<16x128xf32, #tpu.memory_space<vmem>>
    %dma_start3A_257 = tpu.memref_slice %arg4[%mul3A_2, %multiple_of3A_246] : memref<32x1000001xf32, #tpu.memory_space<hbm>> -> memref<16x128xf32, #tpu.memory_space<hbm>>
    tpu.enqueue_dma source(%dma_start3A_257 : memref<16x128xf32, #tpu.memory_space<hbm>>) target(%dma_start3A_256 : memref<16x128xf32, #tpu.memory_space<vmem>>) target_semaphore(%arg14 : memref<!tpu.dma_semaphore, #tpu.memory_space<semaphore_mem>>)
    %slice3A_258 = vector.extract_strided_slice %min3A_9 {offsets = [14], sizes = [1], strides = [1]} : vector<16xi32> to vector<1xi32>
    %squeeze3A_259 = vector.extract %slice3A_258[0] : i32 from vector<1xi32>
    %shift_right_arithmetic3A_260 = arith.constant 7 : i32
    %shift_right_arithmetic3A_261 = arith.shrsi %squeeze3A_259, %shift_right_arithmetic3A_260 : i32
    %mul3A_262 = arith.constant 128 : i32
    %mul3A_263 = arith.muli %shift_right_arithmetic3A_261, %mul3A_262 : i32
    %multiple_of3A_264 = tpu.assume_multiple %mul3A_263, 128 : i32
    %dma_start3A_265 = arith.constant 14 : i32
    %dma_start3A_266 = arith.constant 0 : i32
    %dma_start3A_267 = arith.constant 0 : i32
    %dma_start3A_268 = tpu.memref_slice %arg10[%dma_start3A_265, %dma_start3A_266, %dma_start3A_267] : memref<32x16x128xf32, #tpu.memory_space<vmem>> -> memref<1x16x128xf32, #tpu.memory_space<vmem>>
    %dma_start3A_269 = tpu.memref_squeeze %dma_start3A_268 : memref<1x16x128xf32, #tpu.memory_space<vmem>> -> memref<16x128xf32, #tpu.memory_space<vmem>>
    %dma_start3A_270 = tpu.memref_slice %arg4[%mul3A_2, %multiple_of3A_264] : memref<32x1000001xf32, #tpu.memory_space<hbm>> -> memref<16x128xf32, #tpu.memory_space<hbm>>
    %dma_start3A_271 = arith.constant 0 : i32
    %dma_start3A_272 = arith.constant 0 : i32
    %dma_start3A_273 = tpu.memref_slice %arg10[%dma_start3A_265, %dma_start3A_271, %dma_start3A_272] : memref<32x16x128xf32, #tpu.memory_space<vmem>> -> memref<1x16x128xf32, #tpu.memory_space<vmem>>
    %dma_start3A_274 = tpu.memref_squeeze %dma_start3A_273 : memref<1x16x128xf32, #tpu.memory_space<vmem>> -> memref<16x128xf32, #tpu.memory_space<vmem>>
    %dma_start3A_275 = tpu.memref_slice %arg4[%mul3A_2, %multiple_of3A_264] : memref<32x1000001xf32, #tpu.memory_space<hbm>> -> memref<16x128xf32, #tpu.memory_space<hbm>>
    tpu.enqueue_dma source(%dma_start3A_275 : memref<16x128xf32, #tpu.memory_space<hbm>>) target(%dma_start3A_274 : memref<16x128xf32, #tpu.memory_space<vmem>>) target_semaphore(%arg14 : memref<!tpu.dma_semaphore, #tpu.memory_space<semaphore_mem>>)
    %slice3A_276 = vector.extract_strided_slice %min3A_9 {offsets = [15], sizes = [1], strides = [1]} : vector<16xi32> to vector<1xi32>
    %squeeze3A_277 = vector.extract %slice3A_276[0] : i32 from vector<1xi32>
    %shift_right_arithmetic3A_278 = arith.constant 7 : i32
    %shift_right_arithmetic3A_279 = arith.shrsi %squeeze3A_277, %shift_right_arithmetic3A_278 : i32
    %mul3A_280 = arith.constant 128 : i32
    %mul3A_281 = arith.muli %shift_right_arithmetic3A_279, %mul3A_280 : i32
    %multiple_of3A_282 = tpu.assume_multiple %mul3A_281, 128 : i32
    %dma_start3A_283 = arith.constant 15 : i32
    %dma_start3A_284 = arith.constant 0 : i32
    %dma_start3A_285 = arith.constant 0 : i32
    %dma_start3A_286 = tpu.memref_slice %arg10[%dma_start3A_283, %dma_start3A_284, %dma_start3A_285] : memref<32x16x128xf32, #tpu.memory_space<vmem>> -> memref<1x16x128xf32, #tpu.memory_space<vmem>>
    %dma_start3A_287 = tpu.memref_squeeze %dma_start3A_286 : memref<1x16x128xf32, #tpu.memory_space<vmem>> -> memref<16x128xf32, #tpu.memory_space<vmem>>
    %dma_start3A_288 = tpu.memref_slice %arg4[%mul3A_2, %multiple_of3A_282] : memref<32x1000001xf32, #tpu.memory_space<hbm>> -> memref<16x128xf32, #tpu.memory_space<hbm>>
    %dma_start3A_289 = arith.constant 0 : i32
    %dma_start3A_290 = arith.constant 0 : i32
    %dma_start3A_291 = tpu.memref_slice %arg10[%dma_start3A_283, %dma_start3A_289, %dma_start3A_290] : memref<32x16x128xf32, #tpu.memory_space<vmem>> -> memref<1x16x128xf32, #tpu.memory_space<vmem>>
    %dma_start3A_292 = tpu.memref_squeeze %dma_start3A_291 : memref<1x16x128xf32, #tpu.memory_space<vmem>> -> memref<16x128xf32, #tpu.memory_space<vmem>>
    %dma_start3A_293 = tpu.memref_slice %arg4[%mul3A_2, %multiple_of3A_282] : memref<32x1000001xf32, #tpu.memory_space<hbm>> -> memref<16x128xf32, #tpu.memory_space<hbm>>
    tpu.enqueue_dma source(%dma_start3A_293 : memref<16x128xf32, #tpu.memory_space<hbm>>) target(%dma_start3A_292 : memref<16x128xf32, #tpu.memory_space<vmem>>) target_semaphore(%arg14 : memref<!tpu.dma_semaphore, #tpu.memory_space<semaphore_mem>>)
    %scan3A = arith.constant 0 : i32
    %scan3A_294 = arith.constant 32 : i32
    %scan3A_295 = arith.addi %scan3A, %scan3A_294 : i32
    %scan3A_296 = arith.constant 1 : i32
    scf.for %scan3A_552 = %scan3A to %scan3A_295 step %scan3A_296  : i32 {
      %mul3A_553 = arith.constant 2 : i32
      %mul3A_554 = arith.muli %mul3A_553, %scan3A_552 : i32
      %add3A_555 = arith.constant 1 : i32
      %add3A_556 = arith.addi %mul3A_554, %add3A_555 : i32
      %mul3A_557 = arith.constant 16 : i32
      %mul3A_558 = arith.muli %add3A_556, %mul3A_557 : i32
      %get3A_559 = arith.index_cast %mul3A_558 : i32 to index
      %get3A_560 = tpu.vector_load %arg8[%get3A_559] {strides = array<i32>} : memref<1024xi32, #tpu.memory_space<vmem>>, vector<16xi32>,
      %min3A_561 = arith.constant 999935 : i32
      %min3A_562 = vector.broadcast %min3A_561 : i32 to vector<16xi32>
      %min3A_563 = arith.minsi %get3A_560, %min3A_562 : vector<16xi32>
      %slice3A_564 = vector.extract_strided_slice %min3A_563 {offsets = [0], sizes = [1], strides = [1]} : vector<16xi32> to vector<1xi32>
      %squeeze3A_565 = vector.extract %slice3A_564[0] : i32 from vector<1xi32>
      %shift_right_arithmetic3A_566 = arith.constant 7 : i32
      %shift_right_arithmetic3A_567 = arith.shrsi %squeeze3A_565, %shift_right_arithmetic3A_566 : i32
      %mul3A_568 = arith.constant 128 : i32
      %mul3A_569 = arith.muli %shift_right_arithmetic3A_567, %mul3A_568 : i32
      %multiple_of3A_570 = tpu.assume_multiple %mul3A_569, 128 : i32
      %dma_start3A_571 = arith.constant 16 : i32
      %dma_start3A_572 = arith.constant 0 : i32
      %dma_start3A_573 = arith.constant 0 : i32
      %dma_start3A_574 = tpu.memref_slice %arg10[%dma_start3A_571, %dma_start3A_572, %dma_start3A_573] : memref<32x16x128xf32, #tpu.memory_space<vmem>> -> memref<1x16x128xf32, #tpu.memory_space<vmem>>
      %dma_start3A_575 = tpu.memref_squeeze %dma_start3A_574 : memref<1x16x128xf32, #tpu.memory_space<vmem>> -> memref<16x128xf32, #tpu.memory_space<vmem>>
      %dma_start3A_576 = tpu.memref_slice %arg4[%mul3A_2, %multiple_of3A_570] : memref<32x1000001xf32, #tpu.memory_space<hbm>> -> memref<16x128xf32, #tpu.memory_space<hbm>>
      %dma_start3A_577 = arith.constant 0 : i32
      %dma_start3A_578 = arith.constant 0 : i32
      %dma_start3A_579 = tpu.memref_slice %arg10[%dma_start3A_571, %dma_start3A_577, %dma_start3A_578] : memref<32x16x128xf32, #tpu.memory_space<vmem>> -> memref<1x16x128xf32, #tpu.memory_space<vmem>>
      %dma_start3A_580 = tpu.memref_squeeze %dma_start3A_579 : memref<1x16x128xf32, #tpu.memory_space<vmem>> -> memref<16x128xf32, #tpu.memory_space<vmem>>
      %dma_start3A_581 = tpu.memref_slice %arg4[%mul3A_2, %multiple_of3A_570] : memref<32x1000001xf32, #tpu.memory_space<hbm>> -> memref<16x128xf32, #tpu.memory_space<hbm>>
      tpu.enqueue_dma source(%dma_start3A_581 : memref<16x128xf32, #tpu.memory_space<hbm>>) target(%dma_start3A_580 : memref<16x128xf32, #tpu.memory_space<vmem>>) target_semaphore(%arg16 : memref<!tpu.dma_semaphore, #tpu.memory_space<semaphore_mem>>)
      %slice3A_582 = vector.extract_strided_slice %min3A_563 {offsets = [1], sizes = [1], strides = [1]} : vector<16xi32> to vector<1xi32>
      %squeeze3A_583 = vector.extract %slice3A_582[0] : i32 from vector<1xi32>
      %shift_right_arithmetic3A_584 = arith.constant 7 : i32
      %shift_right_arithmetic3A_585 = arith.shrsi %squeeze3A_583, %shift_right_arithmetic3A_584 : i32
      %mul3A_586 = arith.constant 128 : i32
      %mul3A_587 = arith.muli %shift_right_arithmetic3A_585, %mul3A_586 : i32
      %multiple_of3A_588 = tpu.assume_multiple %mul3A_587, 128 : i32
      %dma_start3A_589 = arith.constant 17 : i32
      %dma_start3A_590 = arith.constant 0 : i32
      %dma_start3A_591 = arith.constant 0 : i32
      %dma_start3A_592 = tpu.memref_slice %arg10[%dma_start3A_589, %dma_start3A_590, %dma_start3A_591] : memref<32x16x128xf32, #tpu.memory_space<vmem>> -> memref<1x16x128xf32, #tpu.memory_space<vmem>>
      %dma_start3A_593 = tpu.memref_squeeze %dma_start3A_592 : memref<1x16x128xf32, #tpu.memory_space<vmem>> -> memref<16x128xf32, #tpu.memory_space<vmem>>
      %dma_start3A_594 = tpu.memref_slice %arg4[%mul3A_2, %multiple_of3A_588] : memref<32x1000001xf32, #tpu.memory_space<hbm>> -> memref<16x128xf32, #tpu.memory_space<hbm>>
      %dma_start3A_595 = arith.constant 0 : i32
      %dma_start3A_596 = arith.constant 0 : i32
      %dma_start3A_597 = tpu.memref_slice %arg10[%dma_start3A_589, %dma_start3A_595, %dma_start3A_596] : memref<32x16x128xf32, #tpu.memory_space<vmem>> -> memref<1x16x128xf32, #tpu.memory_space<vmem>>
      %dma_start3A_598 = tpu.memref_squeeze %dma_start3A_597 : memref<1x16x128xf32, #tpu.memory_space<vmem>> -> memref<16x128xf32, #tpu.memory_space<vmem>>
      %dma_start3A_599 = tpu.memref_slice %arg4[%mul3A_2, %multiple_of3A_588] : memref<32x1000001xf32, #tpu.memory_space<hbm>> -> memref<16x128xf32, #tpu.memory_space<hbm>>
      tpu.enqueue_dma source(%dma_start3A_599 : memref<16x128xf32, #tpu.memory_space<hbm>>) target(%dma_start3A_598 : memref<16x128xf32, #tpu.memory_space<vmem>>) target_semaphore(%arg16 : memref<!tpu.dma_semaphore, #tpu.memory_space<semaphore_mem>>)
      %slice3A_600 = vector.extract_strided_slice %min3A_563 {offsets = [2], sizes = [1], strides = [1]} : vector<16xi32> to vector<1xi32>
      %squeeze3A_601 = vector.extract %slice3A_600[0] : i32 from vector<1xi32>
      %shift_right_arithmetic3A_602 = arith.constant 7 : i32
      %shift_right_arithmetic3A_603 = arith.shrsi %squeeze3A_601, %shift_right_arithmetic3A_602 : i32
      %mul3A_604 = arith.constant 128 : i32
      %mul3A_605 = arith.muli %shift_right_arithmetic3A_603, %mul3A_604 : i32
      %multiple_of3A_606 = tpu.assume_multiple %mul3A_605, 128 : i32
      %dma_start3A_607 = arith.constant 18 : i32
      %dma_start3A_608 = arith.constant 0 : i32
      %dma_start3A_609 = arith.constant 0 : i32
      %dma_start3A_610 = tpu.memref_slice %arg10[%dma_start3A_607, %dma_start3A_608, %dma_start3A_609] : memref<32x16x128xf32, #tpu.memory_space<vmem>> -> memref<1x16x128xf32, #tpu.memory_space<vmem>>
      %dma_start3A_611 = tpu.memref_squeeze %dma_start3A_610 : memref<1x16x128xf32, #tpu.memory_space<vmem>> -> memref<16x128xf32, #tpu.memory_space<vmem>>
      %dma_start3A_612 = tpu.memref_slice %arg4[%mul3A_2, %multiple_of3A_606] : memref<32x1000001xf32, #tpu.memory_space<hbm>> -> memref<16x128xf32, #tpu.memory_space<hbm>>
      %dma_start3A_613 = arith.constant 0 : i32
      %dma_start3A_614 = arith.constant 0 : i32
      %dma_start3A_615 = tpu.memref_slice %arg10[%dma_start3A_607, %dma_start3A_613, %dma_start3A_614] : memref<32x16x128xf32, #tpu.memory_space<vmem>> -> memref<1x16x128xf32, #tpu.memory_space<vmem>>
      %dma_start3A_616 = tpu.memref_squeeze %dma_start3A_615 : memref<1x16x128xf32, #tpu.memory_space<vmem>> -> memref<16x128xf32, #tpu.memory_space<vmem>>
      %dma_start3A_617 = tpu.memref_slice %arg4[%mul3A_2, %multiple_of3A_606] : memref<32x1000001xf32, #tpu.memory_space<hbm>> -> memref<16x128xf32, #tpu.memory_space<hbm>>
      tpu.enqueue_dma source(%dma_start3A_617 : memref<16x128xf32, #tpu.memory_space<hbm>>) target(%dma_start3A_616 : memref<16x128xf32, #tpu.memory_space<vmem>>) target_semaphore(%arg16 : memref<!tpu.dma_semaphore, #tpu.memory_space<semaphore_mem>>)
      %slice3A_618 = vector.extract_strided_slice %min3A_563 {offsets = [3], sizes = [1], strides = [1]} : vector<16xi32> to vector<1xi32>
      %squeeze3A_619 = vector.extract %slice3A_618[0] : i32 from vector<1xi32>
      %shift_right_arithmetic3A_620 = arith.constant 7 : i32
      %shift_right_arithmetic3A_621 = arith.shrsi %squeeze3A_619, %shift_right_arithmetic3A_620 : i32
      %mul3A_622 = arith.constant 128 : i32
      %mul3A_623 = arith.muli %shift_right_arithmetic3A_621, %mul3A_622 : i32
      %multiple_of3A_624 = tpu.assume_multiple %mul3A_623, 128 : i32
      %dma_start3A_625 = arith.constant 19 : i32
      %dma_start3A_626 = arith.constant 0 : i32
      %dma_start3A_627 = arith.constant 0 : i32
      %dma_start3A_628 = tpu.memref_slice %arg10[%dma_start3A_625, %dma_start3A_626, %dma_start3A_627] : memref<32x16x128xf32, #tpu.memory_space<vmem>> -> memref<1x16x128xf32, #tpu.memory_space<vmem>>
      %dma_start3A_629 = tpu.memref_squeeze %dma_start3A_628 : memref<1x16x128xf32, #tpu.memory_space<vmem>> -> memref<16x128xf32, #tpu.memory_space<vmem>>
      %dma_start3A_630 = tpu.memref_slice %arg4[%mul3A_2, %multiple_of3A_624] : memref<32x1000001xf32, #tpu.memory_space<hbm>> -> memref<16x128xf32, #tpu.memory_space<hbm>>
      %dma_start3A_631 = arith.constant 0 : i32
      %dma_start3A_632 = arith.constant 0 : i32
      %dma_start3A_633 = tpu.memref_slice %arg10[%dma_start3A_625, %dma_start3A_631, %dma_start3A_632] : memref<32x16x128xf32, #tpu.memory_space<vmem>> -> memref<1x16x128xf32, #tpu.memory_space<vmem>>
      %dma_start3A_634 = tpu.memref_squeeze %dma_start3A_633 : memref<1x16x128xf32, #tpu.memory_space<vmem>> -> memref<16x128xf32, #tpu.memory_space<vmem>>
      %dma_start3A_635 = tpu.memref_slice %arg4[%mul3A_2, %multiple_of3A_624] : memref<32x1000001xf32, #tpu.memory_space<hbm>> -> memref<16x128xf32, #tpu.memory_space<hbm>>
      tpu.enqueue_dma source(%dma_start3A_635 : memref<16x128xf32, #tpu.memory_space<hbm>>) target(%dma_start3A_634 : memref<16x128xf32, #tpu.memory_space<vmem>>) target_semaphore(%arg16 : memref<!tpu.dma_semaphore, #tpu.memory_space<semaphore_mem>>)
      %slice3A_636 = vector.extract_strided_slice %min3A_563 {offsets = [4], sizes = [1], strides = [1]} : vector<16xi32> to vector<1xi32>
      %squeeze3A_637 = vector.extract %slice3A_636[0] : i32 from vector<1xi32>
      %shift_right_arithmetic3A_638 = arith.constant 7 : i32
      %shift_right_arithmetic3A_639 = arith.shrsi %squeeze3A_637, %shift_right_arithmetic3A_638 : i32
      %mul3A_640 = arith.constant 128 : i32
      %mul3A_641 = arith.muli %shift_right_arithmetic3A_639, %mul3A_640 : i32
      %multiple_of3A_642 = tpu.assume_multiple %mul3A_641, 128 : i32
      %dma_start3A_643 = arith.constant 20 : i32
      %dma_start3A_644 = arith.constant 0 : i32
      %dma_start3A_645 = arith.constant 0 : i32
      %dma_start3A_646 = tpu.memref_slice %arg10[%dma_start3A_643, %dma_start3A_644, %dma_start3A_645] : memref<32x16x128xf32, #tpu.memory_space<vmem>> -> memref<1x16x128xf32, #tpu.memory_space<vmem>>
      %dma_start3A_647 = tpu.memref_squeeze %dma_start3A_646 : memref<1x16x128xf32, #tpu.memory_space<vmem>> -> memref<16x128xf32, #tpu.memory_space<vmem>>
      %dma_start3A_648 = tpu.memref_slice %arg4[%mul3A_2, %multiple_of3A_642] : memref<32x1000001xf32, #tpu.memory_space<hbm>> -> memref<16x128xf32, #tpu.memory_space<hbm>>
      %dma_start3A_649 = arith.constant 0 : i32
      %dma_start3A_650 = arith.constant 0 : i32
      %dma_start3A_651 = tpu.memref_slice %arg10[%dma_start3A_643, %dma_start3A_649, %dma_start3A_650] : memref<32x16x128xf32, #tpu.memory_space<vmem>> -> memref<1x16x128xf32, #tpu.memory_space<vmem>>
      %dma_start3A_652 = tpu.memref_squeeze %dma_start3A_651 : memref<1x16x128xf32, #tpu.memory_space<vmem>> -> memref<16x128xf32, #tpu.memory_space<vmem>>
      %dma_start3A_653 = tpu.memref_slice %arg4[%mul3A_2, %multiple_of3A_642] : memref<32x1000001xf32, #tpu.memory_space<hbm>> -> memref<16x128xf32, #tpu.memory_space<hbm>>
      tpu.enqueue_dma source(%dma_start3A_653 : memref<16x128xf32, #tpu.memory_space<hbm>>) target(%dma_start3A_652 : memref<16x128xf32, #tpu.memory_space<vmem>>) target_semaphore(%arg16 : memref<!tpu.dma_semaphore, #tpu.memory_space<semaphore_mem>>)
      %slice3A_654 = vector.extract_strided_slice %min3A_563 {offsets = [5], sizes = [1], strides = [1]} : vector<16xi32> to vector<1xi32>
      %squeeze3A_655 = vector.extract %slice3A_654[0] : i32 from vector<1xi32>
      %shift_right_arithmetic3A_656 = arith.constant 7 : i32
      %shift_right_arithmetic3A_657 = arith.shrsi %squeeze3A_655, %shift_right_arithmetic3A_656 : i32
      %mul3A_658 = arith.constant 128 : i32
      %mul3A_659 = arith.muli %shift_right_arithmetic3A_657, %mul3A_658 : i32
      %multiple_of3A_660 = tpu.assume_multiple %mul3A_659, 128 : i32
      %dma_start3A_661 = arith.constant 21 : i32
      %dma_start3A_662 = arith.constant 0 : i32
      %dma_start3A_663 = arith.constant 0 : i32
      %dma_start3A_664 = tpu.memref_slice %arg10[%dma_start3A_661, %dma_start3A_662, %dma_start3A_663] : memref<32x16x128xf32, #tpu.memory_space<vmem>> -> memref<1x16x128xf32, #tpu.memory_space<vmem>>
      %dma_start3A_665 = tpu.memref_squeeze %dma_start3A_664 : memref<1x16x128xf32, #tpu.memory_space<vmem>> -> memref<16x128xf32, #tpu.memory_space<vmem>>
      %dma_start3A_666 = tpu.memref_slice %arg4[%mul3A_2, %multiple_of3A_660] : memref<32x1000001xf32, #tpu.memory_space<hbm>> -> memref<16x128xf32, #tpu.memory_space<hbm>>
      %dma_start3A_667 = arith.constant 0 : i32
      %dma_start3A_668 = arith.constant 0 : i32
      %dma_start3A_669 = tpu.memref_slice %arg10[%dma_start3A_661, %dma_start3A_667, %dma_start3A_668] : memref<32x16x128xf32, #tpu.memory_space<vmem>> -> memref<1x16x128xf32, #tpu.memory_space<vmem>>
      %dma_start3A_670 = tpu.memref_squeeze %dma_start3A_669 : memref<1x16x128xf32, #tpu.memory_space<vmem>> -> memref<16x128xf32, #tpu.memory_space<vmem>>
      %dma_start3A_671 = tpu.memref_slice %arg4[%mul3A_2, %multiple_of3A_660] : memref<32x1000001xf32, #tpu.memory_space<hbm>> -> memref<16x128xf32, #tpu.memory_space<hbm>>
      tpu.enqueue_dma source(%dma_start3A_671 : memref<16x128xf32, #tpu.memory_space<hbm>>) target(%dma_start3A_670 : memref<16x128xf32, #tpu.memory_space<vmem>>) target_semaphore(%arg16 : memref<!tpu.dma_semaphore, #tpu.memory_space<semaphore_mem>>)
      %slice3A_672 = vector.extract_strided_slice %min3A_563 {offsets = [6], sizes = [1], strides = [1]} : vector<16xi32> to vector<1xi32>
      %squeeze3A_673 = vector.extract %slice3A_672[0] : i32 from vector<1xi32>
      %shift_right_arithmetic3A_674 = arith.constant 7 : i32
      %shift_right_arithmetic3A_675 = arith.shrsi %squeeze3A_673, %shift_right_arithmetic3A_674 : i32
      %mul3A_676 = arith.constant 128 : i32
      %mul3A_677 = arith.muli %shift_right_arithmetic3A_675, %mul3A_676 : i32
      %multiple_of3A_678 = tpu.assume_multiple %mul3A_677, 128 : i32
      %dma_start3A_679 = arith.constant 22 : i32
      %dma_start3A_680 = arith.constant 0 : i32
      %dma_start3A_681 = arith.constant 0 : i32
      %dma_start3A_682 = tpu.memref_slice %arg10[%dma_start3A_679, %dma_start3A_680, %dma_start3A_681] : memref<32x16x128xf32, #tpu.memory_space<vmem>> -> memref<1x16x128xf32, #tpu.memory_space<vmem>>
      %dma_start3A_683 = tpu.memref_squeeze %dma_start3A_682 : memref<1x16x128xf32, #tpu.memory_space<vmem>> -> memref<16x128xf32, #tpu.memory_space<vmem>>
      %dma_start3A_684 = tpu.memref_slice %arg4[%mul3A_2, %multiple_of3A_678] : memref<32x1000001xf32, #tpu.memory_space<hbm>> -> memref<16x128xf32, #tpu.memory_space<hbm>>
      %dma_start3A_685 = arith.constant 0 : i32
      %dma_start3A_686 = arith.constant 0 : i32
      %dma_start3A_687 = tpu.memref_slice %arg10[%dma_start3A_679, %dma_start3A_685, %dma_start3A_686] : memref<32x16x128xf32, #tpu.memory_space<vmem>> -> memref<1x16x128xf32, #tpu.memory_space<vmem>>
      %dma_start3A_688 = tpu.memref_squeeze %dma_start3A_687 : memref<1x16x128xf32, #tpu.memory_space<vmem>> -> memref<16x128xf32, #tpu.memory_space<vmem>>
      %dma_start3A_689 = tpu.memref_slice %arg4[%mul3A_2, %multiple_of3A_678] : memref<32x1000001xf32, #tpu.memory_space<hbm>> -> memref<16x128xf32, #tpu.memory_space<hbm>>
      tpu.enqueue_dma source(%dma_start3A_689 : memref<16x128xf32, #tpu.memory_space<hbm>>) target(%dma_start3A_688 : memref<16x128xf32, #tpu.memory_space<vmem>>) target_semaphore(%arg16 : memref<!tpu.dma_semaphore, #tpu.memory_space<semaphore_mem>>)
      %slice3A_690 = vector.extract_strided_slice %min3A_563 {offsets = [7], sizes = [1], strides = [1]} : vector<16xi32> to vector<1xi32>
      %squeeze3A_691 = vector.extract %slice3A_690[0] : i32 from vector<1xi32>
      %shift_right_arithmetic3A_692 = arith.constant 7 : i32
      %shift_right_arithmetic3A_693 = arith.shrsi %squeeze3A_691, %shift_right_arithmetic3A_692 : i32
      %mul3A_694 = arith.constant 128 : i32
      %mul3A_695 = arith.muli %shift_right_arithmetic3A_693, %mul3A_694 : i32
      %multiple_of3A_696 = tpu.assume_multiple %mul3A_695, 128 : i32
      %dma_start3A_697 = arith.constant 23 : i32
      %dma_start3A_698 = arith.constant 0 : i32
      %dma_start3A_699 = arith.constant 0 : i32
      %dma_start3A_700 = tpu.memref_slice %arg10[%dma_start3A_697, %dma_start3A_698, %dma_start3A_699] : memref<32x16x128xf32, #tpu.memory_space<vmem>> -> memref<1x16x128xf32, #tpu.memory_space<vmem>>
      %dma_start3A_701 = tpu.memref_squeeze %dma_start3A_700 : memref<1x16x128xf32, #tpu.memory_space<vmem>> -> memref<16x128xf32, #tpu.memory_space<vmem>>
      %dma_start3A_702 = tpu.memref_slice %arg4[%mul3A_2, %multiple_of3A_696] : memref<32x1000001xf32, #tpu.memory_space<hbm>> -> memref<16x128xf32, #tpu.memory_space<hbm>>
      %dma_start3A_703 = arith.constant 0 : i32
      %dma_start3A_704 = arith.constant 0 : i32
      %dma_start3A_705 = tpu.memref_slice %arg10[%dma_start3A_697, %dma_start3A_703, %dma_start3A_704] : memref<32x16x128xf32, #tpu.memory_space<vmem>> -> memref<1x16x128xf32, #tpu.memory_space<vmem>>
      %dma_start3A_706 = tpu.memref_squeeze %dma_start3A_705 : memref<1x16x128xf32, #tpu.memory_space<vmem>> -> memref<16x128xf32, #tpu.memory_space<vmem>>
      %dma_start3A_707 = tpu.memref_slice %arg4[%mul3A_2, %multiple_of3A_696] : memref<32x1000001xf32, #tpu.memory_space<hbm>> -> memref<16x128xf32, #tpu.memory_space<hbm>>
      tpu.enqueue_dma source(%dma_start3A_707 : memref<16x128xf32, #tpu.memory_space<hbm>>) target(%dma_start3A_706 : memref<16x128xf32, #tpu.memory_space<vmem>>) target_semaphore(%arg16 : memref<!tpu.dma_semaphore, #tpu.memory_space<semaphore_mem>>)
      %slice3A_708 = vector.extract_strided_slice %min3A_563 {offsets = [8], sizes = [1], strides = [1]} : vector<16xi32> to vector<1xi32>
      %squeeze3A_709 = vector.extract %slice3A_708[0] : i32 from vector<1xi32>
      %shift_right_arithmetic3A_710 = arith.constant 7 : i32
      %shift_right_arithmetic3A_711 = arith.shrsi %squeeze3A_709, %shift_right_arithmetic3A_710 : i32
      %mul3A_712 = arith.constant 128 : i32
      %mul3A_713 = arith.muli %shift_right_arithmetic3A_711, %mul3A_712 : i32
      %multiple_of3A_714 = tpu.assume_multiple %mul3A_713, 128 : i32
      %dma_start3A_715 = arith.constant 24 : i32
      %dma_start3A_716 = arith.constant 0 : i32
      %dma_start3A_717 = arith.constant 0 : i32
      %dma_start3A_718 = tpu.memref_slice %arg10[%dma_start3A_715, %dma_start3A_716, %dma_start3A_717] : memref<32x16x128xf32, #tpu.memory_space<vmem>> -> memref<1x16x128xf32, #tpu.memory_space<vmem>>
      %dma_start3A_719 = tpu.memref_squeeze %dma_start3A_718 : memref<1x16x128xf32, #tpu.memory_space<vmem>> -> memref<16x128xf32, #tpu.memory_space<vmem>>
      %dma_start3A_720 = tpu.memref_slice %arg4[%mul3A_2, %multiple_of3A_714] : memref<32x1000001xf32, #tpu.memory_space<hbm>> -> memref<16x128xf32, #tpu.memory_space<hbm>>
      %dma_start3A_721 = arith.constant 0 : i32
      %dma_start3A_722 = arith.constant 0 : i32
      %dma_start3A_723 = tpu.memref_slice %arg10[%dma_start3A_715, %dma_start3A_721, %dma_start3A_722] : memref<32x16x128xf32, #tpu.memory_space<vmem>> -> memref<1x16x128xf32, #tpu.memory_space<vmem>>
      %dma_start3A_724 = tpu.memref_squeeze %dma_start3A_723 : memref<1x16x128xf32, #tpu.memory_space<vmem>> -> memref<16x128xf32, #tpu.memory_space<vmem>>
      %dma_start3A_725 = tpu.memref_slice %arg4[%mul3A_2, %multiple_of3A_714] : memref<32x1000001xf32, #tpu.memory_space<hbm>> -> memref<16x128xf32, #tpu.memory_space<hbm>>
      tpu.enqueue_dma source(%dma_start3A_725 : memref<16x128xf32, #tpu.memory_space<hbm>>) target(%dma_start3A_724 : memref<16x128xf32, #tpu.memory_space<vmem>>) target_semaphore(%arg16 : memref<!tpu.dma_semaphore, #tpu.memory_space<semaphore_mem>>)
      %slice3A_726 = vector.extract_strided_slice %min3A_563 {offsets = [9], sizes = [1], strides = [1]} : vector<16xi32> to vector<1xi32>
      %squeeze3A_727 = vector.extract %slice3A_726[0] : i32 from vector<1xi32>
      %shift_right_arithmetic3A_728 = arith.constant 7 : i32
      %shift_right_arithmetic3A_729 = arith.shrsi %squeeze3A_727, %shift_right_arithmetic3A_728 : i32
      %mul3A_730 = arith.constant 128 : i32
      %mul3A_731 = arith.muli %shift_right_arithmetic3A_729, %mul3A_730 : i32
      %multiple_of3A_732 = tpu.assume_multiple %mul3A_731, 128 : i32
      %dma_start3A_733 = arith.constant 25 : i32
      %dma_start3A_734 = arith.constant 0 : i32
      %dma_start3A_735 = arith.constant 0 : i32
      %dma_start3A_736 = tpu.memref_slice %arg10[%dma_start3A_733, %dma_start3A_734, %dma_start3A_735] : memref<32x16x128xf32, #tpu.memory_space<vmem>> -> memref<1x16x128xf32, #tpu.memory_space<vmem>>
      %dma_start3A_737 = tpu.memref_squeeze %dma_start3A_736 : memref<1x16x128xf32, #tpu.memory_space<vmem>> -> memref<16x128xf32, #tpu.memory_space<vmem>>
      %dma_start3A_738 = tpu.memref_slice %arg4[%mul3A_2, %multiple_of3A_732] : memref<32x1000001xf32, #tpu.memory_space<hbm>> -> memref<16x128xf32, #tpu.memory_space<hbm>>
      %dma_start3A_739 = arith.constant 0 : i32
      %dma_start3A_740 = arith.constant 0 : i32
      %dma_start3A_741 = tpu.memref_slice %arg10[%dma_start3A_733, %dma_start3A_739, %dma_start3A_740] : memref<32x16x128xf32, #tpu.memory_space<vmem>> -> memref<1x16x128xf32, #tpu.memory_space<vmem>>
      %dma_start3A_742 = tpu.memref_squeeze %dma_start3A_741 : memref<1x16x128xf32, #tpu.memory_space<vmem>> -> memref<16x128xf32, #tpu.memory_space<vmem>>
      %dma_start3A_743 = tpu.memref_slice %arg4[%mul3A_2, %multiple_of3A_732] : memref<32x1000001xf32, #tpu.memory_space<hbm>> -> memref<16x128xf32, #tpu.memory_space<hbm>>
      tpu.enqueue_dma source(%dma_start3A_743 : memref<16x128xf32, #tpu.memory_space<hbm>>) target(%dma_start3A_742 : memref<16x128xf32, #tpu.memory_space<vmem>>) target_semaphore(%arg16 : memref<!tpu.dma_semaphore, #tpu.memory_space<semaphore_mem>>)
      %slice3A_744 = vector.extract_strided_slice %min3A_563 {offsets = [10], sizes = [1], strides = [1]} : vector<16xi32> to vector<1xi32>
      %squeeze3A_745 = vector.extract %slice3A_744[0] : i32 from vector<1xi32>
      %shift_right_arithmetic3A_746 = arith.constant 7 : i32
      %shift_right_arithmetic3A_747 = arith.shrsi %squeeze3A_745, %shift_right_arithmetic3A_746 : i32
      %mul3A_748 = arith.constant 128 : i32
      %mul3A_749 = arith.muli %shift_right_arithmetic3A_747, %mul3A_748 : i32
      %multiple_of3A_750 = tpu.assume_multiple %mul3A_749, 128 : i32
      %dma_start3A_751 = arith.constant 26 : i32
      %dma_start3A_752 = arith.constant 0 : i32
      %dma_start3A_753 = arith.constant 0 : i32
      %dma_start3A_754 = tpu.memref_slice %arg10[%dma_start3A_751, %dma_start3A_752, %dma_start3A_753] : memref<32x16x128xf32, #tpu.memory_space<vmem>> -> memref<1x16x128xf32, #tpu.memory_space<vmem>>
      %dma_start3A_755 = tpu.memref_squeeze %dma_start3A_754 : memref<1x16x128xf32, #tpu.memory_space<vmem>> -> memref<16x128xf32, #tpu.memory_space<vmem>>
      %dma_start3A_756 = tpu.memref_slice %arg4[%mul3A_2, %multiple_of3A_750] : memref<32x1000001xf32, #tpu.memory_space<hbm>> -> memref<16x128xf32, #tpu.memory_space<hbm>>
      %dma_start3A_757 = arith.constant 0 : i32
      %dma_start3A_758 = arith.constant 0 : i32
      %dma_start3A_759 = tpu.memref_slice %arg10[%dma_start3A_751, %dma_start3A_757, %dma_start3A_758] : memref<32x16x128xf32, #tpu.memory_space<vmem>> -> memref<1x16x128xf32, #tpu.memory_space<vmem>>
      %dma_start3A_760 = tpu.memref_squeeze %dma_start3A_759 : memref<1x16x128xf32, #tpu.memory_space<vmem>> -> memref<16x128xf32, #tpu.memory_space<vmem>>
      %dma_start3A_761 = tpu.memref_slice %arg4[%mul3A_2, %multiple_of3A_750] : memref<32x1000001xf32, #tpu.memory_space<hbm>> -> memref<16x128xf32, #tpu.memory_space<hbm>>
      tpu.enqueue_dma source(%dma_start3A_761 : memref<16x128xf32, #tpu.memory_space<hbm>>) target(%dma_start3A_760 : memref<16x128xf32, #tpu.memory_space<vmem>>) target_semaphore(%arg16 : memref<!tpu.dma_semaphore, #tpu.memory_space<semaphore_mem>>)
      %slice3A_762 = vector.extract_strided_slice %min3A_563 {offsets = [11], sizes = [1], strides = [1]} : vector<16xi32> to vector<1xi32>
      %squeeze3A_763 = vector.extract %slice3A_762[0] : i32 from vector<1xi32>
      %shift_right_arithmetic3A_764 = arith.constant 7 : i32
      %shift_right_arithmetic3A_765 = arith.shrsi %squeeze3A_763, %shift_right_arithmetic3A_764 : i32
      %mul3A_766 = arith.constant 128 : i32
      %mul3A_767 = arith.muli %shift_right_arithmetic3A_765, %mul3A_766 : i32
      %multiple_of3A_768 = tpu.assume_multiple %mul3A_767, 128 : i32
      %dma_start3A_769 = arith.constant 27 : i32
      %dma_start3A_770 = arith.constant 0 : i32
      %dma_start3A_771 = arith.constant 0 : i32
      %dma_start3A_772 = tpu.memref_slice %arg10[%dma_start3A_769, %dma_start3A_770, %dma_start3A_771] : memref<32x16x128xf32, #tpu.memory_space<vmem>> -> memref<1x16x128xf32, #tpu.memory_space<vmem>>
      %dma_start3A_773 = tpu.memref_squeeze %dma_start3A_772 : memref<1x16x128xf32, #tpu.memory_space<vmem>> -> memref<16x128xf32, #tpu.memory_space<vmem>>
      %dma_start3A_774 = tpu.memref_slice %arg4[%mul3A_2, %multiple_of3A_768] : memref<32x1000001xf32, #tpu.memory_space<hbm>> -> memref<16x128xf32, #tpu.memory_space<hbm>>
      %dma_start3A_775 = arith.constant 0 : i32
      %dma_start3A_776 = arith.constant 0 : i32
      %dma_start3A_777 = tpu.memref_slice %arg10[%dma_start3A_769, %dma_start3A_775, %dma_start3A_776] : memref<32x16x128xf32, #tpu.memory_space<vmem>> -> memref<1x16x128xf32, #tpu.memory_space<vmem>>
      %dma_start3A_778 = tpu.memref_squeeze %dma_start3A_777 : memref<1x16x128xf32, #tpu.memory_space<vmem>> -> memref<16x128xf32, #tpu.memory_space<vmem>>
      %dma_start3A_779 = tpu.memref_slice %arg4[%mul3A_2, %multiple_of3A_768] : memref<32x1000001xf32, #tpu.memory_space<hbm>> -> memref<16x128xf32, #tpu.memory_space<hbm>>
      tpu.enqueue_dma source(%dma_start3A_779 : memref<16x128xf32, #tpu.memory_space<hbm>>) target(%dma_start3A_778 : memref<16x128xf32, #tpu.memory_space<vmem>>) target_semaphore(%arg16 : memref<!tpu.dma_semaphore, #tpu.memory_space<semaphore_mem>>)
      %slice3A_780 = vector.extract_strided_slice %min3A_563 {offsets = [12], sizes = [1], strides = [1]} : vector<16xi32> to vector<1xi32>
      %squeeze3A_781 = vector.extract %slice3A_780[0] : i32 from vector<1xi32>
      %shift_right_arithmetic3A_782 = arith.constant 7 : i32
      %shift_right_arithmetic3A_783 = arith.shrsi %squeeze3A_781, %shift_right_arithmetic3A_782 : i32
      %mul3A_784 = arith.constant 128 : i32
      %mul3A_785 = arith.muli %shift_right_arithmetic3A_783, %mul3A_784 : i32
      %multiple_of3A_786 = tpu.assume_multiple %mul3A_785, 128 : i32
      %dma_start3A_787 = arith.constant 28 : i32
      %dma_start3A_788 = arith.constant 0 : i32
      %dma_start3A_789 = arith.constant 0 : i32
      %dma_start3A_790 = tpu.memref_slice %arg10[%dma_start3A_787, %dma_start3A_788, %dma_start3A_789] : memref<32x16x128xf32, #tpu.memory_space<vmem>> -> memref<1x16x128xf32, #tpu.memory_space<vmem>>
      %dma_start3A_791 = tpu.memref_squeeze %dma_start3A_790 : memref<1x16x128xf32, #tpu.memory_space<vmem>> -> memref<16x128xf32, #tpu.memory_space<vmem>>
      %dma_start3A_792 = tpu.memref_slice %arg4[%mul3A_2, %multiple_of3A_786] : memref<32x1000001xf32, #tpu.memory_space<hbm>> -> memref<16x128xf32, #tpu.memory_space<hbm>>
      %dma_start3A_793 = arith.constant 0 : i32
      %dma_start3A_794 = arith.constant 0 : i32
      %dma_start3A_795 = tpu.memref_slice %arg10[%dma_start3A_787, %dma_start3A_793, %dma_start3A_794] : memref<32x16x128xf32, #tpu.memory_space<vmem>> -> memref<1x16x128xf32, #tpu.memory_space<vmem>>
      %dma_start3A_796 = tpu.memref_squeeze %dma_start3A_795 : memref<1x16x128xf32, #tpu.memory_space<vmem>> -> memref<16x128xf32, #tpu.memory_space<vmem>>
      %dma_start3A_797 = tpu.memref_slice %arg4[%mul3A_2, %multiple_of3A_786] : memref<32x1000001xf32, #tpu.memory_space<hbm>> -> memref<16x128xf32, #tpu.memory_space<hbm>>
      tpu.enqueue_dma source(%dma_start3A_797 : memref<16x128xf32, #tpu.memory_space<hbm>>) target(%dma_start3A_796 : memref<16x128xf32, #tpu.memory_space<vmem>>) target_semaphore(%arg16 : memref<!tpu.dma_semaphore, #tpu.memory_space<semaphore_mem>>)
      %slice3A_798 = vector.extract_strided_slice %min3A_563 {offsets = [13], sizes = [1], strides = [1]} : vector<16xi32> to vector<1xi32>
      %squeeze3A_799 = vector.extract %slice3A_798[0] : i32 from vector<1xi32>
      %shift_right_arithmetic3A_800 = arith.constant 7 : i32
      %shift_right_arithmetic3A_801 = arith.shrsi %squeeze3A_799, %shift_right_arithmetic3A_800 : i32
      %mul3A_802 = arith.constant 128 : i32
      %mul3A_803 = arith.muli %shift_right_arithmetic3A_801, %mul3A_802 : i32
      %multiple_of3A_804 = tpu.assume_multiple %mul3A_803, 128 : i32
      %dma_start3A_805 = arith.constant 29 : i32
      %dma_start3A_806 = arith.constant 0 : i32
      %dma_start3A_807 = arith.constant 0 : i32
      %dma_start3A_808 = tpu.memref_slice %arg10[%dma_start3A_805, %dma_start3A_806, %dma_start3A_807] : memref<32x16x128xf32, #tpu.memory_space<vmem>> -> memref<1x16x128xf32, #tpu.memory_space<vmem>>
      %dma_start3A_809 = tpu.memref_squeeze %dma_start3A_808 : memref<1x16x128xf32, #tpu.memory_space<vmem>> -> memref<16x128xf32, #tpu.memory_space<vmem>>
      %dma_start3A_810 = tpu.memref_slice %arg4[%mul3A_2, %multiple_of3A_804] : memref<32x1000001xf32, #tpu.memory_space<hbm>> -> memref<16x128xf32, #tpu.memory_space<hbm>>
      %dma_start3A_811 = arith.constant 0 : i32
      %dma_start3A_812 = arith.constant 0 : i32
      %dma_start3A_813 = tpu.memref_slice %arg10[%dma_start3A_805, %dma_start3A_811, %dma_start3A_812] : memref<32x16x128xf32, #tpu.memory_space<vmem>> -> memref<1x16x128xf32, #tpu.memory_space<vmem>>
      %dma_start3A_814 = tpu.memref_squeeze %dma_start3A_813 : memref<1x16x128xf32, #tpu.memory_space<vmem>> -> memref<16x128xf32, #tpu.memory_space<vmem>>
      %dma_start3A_815 = tpu.memref_slice %arg4[%mul3A_2, %multiple_of3A_804] : memref<32x1000001xf32, #tpu.memory_space<hbm>> -> memref<16x128xf32, #tpu.memory_space<hbm>>
      tpu.enqueue_dma source(%dma_start3A_815 : memref<16x128xf32, #tpu.memory_space<hbm>>) target(%dma_start3A_814 : memref<16x128xf32, #tpu.memory_space<vmem>>) target_semaphore(%arg16 : memref<!tpu.dma_semaphore, #tpu.memory_space<semaphore_mem>>)
      %slice3A_816 = vector.extract_strided_slice %min3A_563 {offsets = [14], sizes = [1], strides = [1]} : vector<16xi32> to vector<1xi32>
      %squeeze3A_817 = vector.extract %slice3A_816[0] : i32 from vector<1xi32>
      %shift_right_arithmetic3A_818 = arith.constant 7 : i32
      %shift_right_arithmetic3A_819 = arith.shrsi %squeeze3A_817, %shift_right_arithmetic3A_818 : i32
      %mul3A_820 = arith.constant 128 : i32
      %mul3A_821 = arith.muli %shift_right_arithmetic3A_819, %mul3A_820 : i32
      %multiple_of3A_822 = tpu.assume_multiple %mul3A_821, 128 : i32
      %dma_start3A_823 = arith.constant 30 : i32
      %dma_start3A_824 = arith.constant 0 : i32
      %dma_start3A_825 = arith.constant 0 : i32
      %dma_start3A_826 = tpu.memref_slice %arg10[%dma_start3A_823, %dma_start3A_824, %dma_start3A_825] : memref<32x16x128xf32, #tpu.memory_space<vmem>> -> memref<1x16x128xf32, #tpu.memory_space<vmem>>
      %dma_start3A_827 = tpu.memref_squeeze %dma_start3A_826 : memref<1x16x128xf32, #tpu.memory_space<vmem>> -> memref<16x128xf32, #tpu.memory_space<vmem>>
      %dma_start3A_828 = tpu.memref_slice %arg4[%mul3A_2, %multiple_of3A_822] : memref<32x1000001xf32, #tpu.memory_space<hbm>> -> memref<16x128xf32, #tpu.memory_space<hbm>>
      %dma_start3A_829 = arith.constant 0 : i32
      %dma_start3A_830 = arith.constant 0 : i32
      %dma_start3A_831 = tpu.memref_slice %arg10[%dma_start3A_823, %dma_start3A_829, %dma_start3A_830] : memref<32x16x128xf32, #tpu.memory_space<vmem>> -> memref<1x16x128xf32, #tpu.memory_space<vmem>>
      %dma_start3A_832 = tpu.memref_squeeze %dma_start3A_831 : memref<1x16x128xf32, #tpu.memory_space<vmem>> -> memref<16x128xf32, #tpu.memory_space<vmem>>
      %dma_start3A_833 = tpu.memref_slice %arg4[%mul3A_2, %multiple_of3A_822] : memref<32x1000001xf32, #tpu.memory_space<hbm>> -> memref<16x128xf32, #tpu.memory_space<hbm>>
      tpu.enqueue_dma source(%dma_start3A_833 : memref<16x128xf32, #tpu.memory_space<hbm>>) target(%dma_start3A_832 : memref<16x128xf32, #tpu.memory_space<vmem>>) target_semaphore(%arg16 : memref<!tpu.dma_semaphore, #tpu.memory_space<semaphore_mem>>)
      %slice3A_834 = vector.extract_strided_slice %min3A_563 {offsets = [15], sizes = [1], strides = [1]} : vector<16xi32> to vector<1xi32>
      %squeeze3A_835 = vector.extract %slice3A_834[0] : i32 from vector<1xi32>
      %shift_right_arithmetic3A_836 = arith.constant 7 : i32
      %shift_right_arithmetic3A_837 = arith.shrsi %squeeze3A_835, %shift_right_arithmetic3A_836 : i32
      %mul3A_838 = arith.constant 128 : i32
      %mul3A_839 = arith.muli %shift_right_arithmetic3A_837, %mul3A_838 : i32
      %multiple_of3A_840 = tpu.assume_multiple %mul3A_839, 128 : i32
      %dma_start3A_841 = arith.constant 31 : i32
      %dma_start3A_842 = arith.constant 0 : i32
      %dma_start3A_843 = arith.constant 0 : i32
      %dma_start3A_844 = tpu.memref_slice %arg10[%dma_start3A_841, %dma_start3A_842, %dma_start3A_843] : memref<32x16x128xf32, #tpu.memory_space<vmem>> -> memref<1x16x128xf32, #tpu.memory_space<vmem>>
      %dma_start3A_845 = tpu.memref_squeeze %dma_start3A_844 : memref<1x16x128xf32, #tpu.memory_space<vmem>> -> memref<16x128xf32, #tpu.memory_space<vmem>>
      %dma_start3A_846 = tpu.memref_slice %arg4[%mul3A_2, %multiple_of3A_840] : memref<32x1000001xf32, #tpu.memory_space<hbm>> -> memref<16x128xf32, #tpu.memory_space<hbm>>
      %dma_start3A_847 = arith.constant 0 : i32
      %dma_start3A_848 = arith.constant 0 : i32
      %dma_start3A_849 = tpu.memref_slice %arg10[%dma_start3A_841, %dma_start3A_847, %dma_start3A_848] : memref<32x16x128xf32, #tpu.memory_space<vmem>> -> memref<1x16x128xf32, #tpu.memory_space<vmem>>
      %dma_start3A_850 = tpu.memref_squeeze %dma_start3A_849 : memref<1x16x128xf32, #tpu.memory_space<vmem>> -> memref<16x128xf32, #tpu.memory_space<vmem>>
      %dma_start3A_851 = tpu.memref_slice %arg4[%mul3A_2, %multiple_of3A_840] : memref<32x1000001xf32, #tpu.memory_space<hbm>> -> memref<16x128xf32, #tpu.memory_space<hbm>>
      tpu.enqueue_dma source(%dma_start3A_851 : memref<16x128xf32, #tpu.memory_space<hbm>>) target(%dma_start3A_850 : memref<16x128xf32, #tpu.memory_space<vmem>>) target_semaphore(%arg16 : memref<!tpu.dma_semaphore, #tpu.memory_space<semaphore_mem>>)
      %dma_wait3A_852 = arith.constant 0 : i32
      %dma_wait3A_853 = arith.constant 0 : i32
      %dma_wait3A_854 = arith.constant 0 : i32
      %dma_wait3A_855 = tpu.memref_slice %arg10[%dma_wait3A_852, %dma_wait3A_853, %dma_wait3A_854] : memref<32x16x128xf32, #tpu.memory_space<vmem>> -> memref<1x16x128xf32, #tpu.memory_space<vmem>>
      %dma_wait3A_856 = tpu.memref_squeeze %dma_wait3A_855 : memref<1x16x128xf32, #tpu.memory_space<vmem>> -> memref<16x128xf32, #tpu.memory_space<vmem>>
      %dma_wait3A_857 = arith.constant 0 : i32
      %dma_wait3A_858 = arith.constant 0 : i32
      %dma_wait3A_859 = tpu.memref_slice %arg4[%dma_wait3A_857, %dma_wait3A_858] : memref<32x1000001xf32, #tpu.memory_space<hbm>> -> memref<16x128xf32, #tpu.memory_space<hbm>>
      %dma_wait3A_860 = arith.constant 0 : i32
      %dma_wait3A_861 = arith.constant 0 : i32
      %dma_wait3A_862 = tpu.memref_slice %arg10[%dma_wait3A_852, %dma_wait3A_860, %dma_wait3A_861] : memref<32x16x128xf32, #tpu.memory_space<vmem>> -> memref<1x16x128xf32, #tpu.memory_space<vmem>>
      %dma_wait3A_863 = tpu.memref_squeeze %dma_wait3A_862 : memref<1x16x128xf32, #tpu.memory_space<vmem>> -> memref<16x128xf32, #tpu.memory_space<vmem>>
      %dma_wait3A_864 = arith.constant 0 : i32
      %dma_wait3A_865 = arith.constant 0 : i32
      %dma_wait3A_866 = tpu.memref_slice %arg4[%dma_wait3A_864, %dma_wait3A_865] : memref<32x1000001xf32, #tpu.memory_space<hbm>> -> memref<16x128xf32, #tpu.memory_space<hbm>>
      tpu.wait_dma2 semaphore(%arg14 : memref<!tpu.dma_semaphore, #tpu.memory_space<semaphore_mem>>) src(%dma_wait3A_866 : memref<16x128xf32, #tpu.memory_space<hbm>>) dst(%dma_wait3A_863 : memref<16x128xf32, #tpu.memory_space<vmem>>)
      %dma_wait3A_867 = arith.constant 0 : i32
      %dma_wait3A_868 = arith.constant 0 : i32
      %dma_wait3A_869 = arith.constant 0 : i32
      %dma_wait3A_870 = tpu.memref_slice %arg10[%dma_wait3A_867, %dma_wait3A_868, %dma_wait3A_869] : memref<32x16x128xf32, #tpu.memory_space<vmem>> -> memref<1x16x128xf32, #tpu.memory_space<vmem>>
      %dma_wait3A_871 = tpu.memref_squeeze %dma_wait3A_870 : memref<1x16x128xf32, #tpu.memory_space<vmem>> -> memref<16x128xf32, #tpu.memory_space<vmem>>
      %dma_wait3A_872 = arith.constant 0 : i32
      %dma_wait3A_873 = arith.constant 0 : i32
      %dma_wait3A_874 = tpu.memref_slice %arg4[%dma_wait3A_872, %dma_wait3A_873] : memref<32x1000001xf32, #tpu.memory_space<hbm>> -> memref<16x128xf32, #tpu.memory_space<hbm>>
      %dma_wait3A_875 = arith.constant 0 : i32
      %dma_wait3A_876 = arith.constant 0 : i32
      %dma_wait3A_877 = tpu.memref_slice %arg10[%dma_wait3A_867, %dma_wait3A_875, %dma_wait3A_876] : memref<32x16x128xf32, #tpu.memory_space<vmem>> -> memref<1x16x128xf32, #tpu.memory_space<vmem>>
      %dma_wait3A_878 = tpu.memref_squeeze %dma_wait3A_877 : memref<1x16x128xf32, #tpu.memory_space<vmem>> -> memref<16x128xf32, #tpu.memory_space<vmem>>
      %dma_wait3A_879 = arith.constant 0 : i32
      %dma_wait3A_880 = arith.constant 0 : i32
      %dma_wait3A_881 = tpu.memref_slice %arg4[%dma_wait3A_879, %dma_wait3A_880] : memref<32x1000001xf32, #tpu.memory_space<hbm>> -> memref<16x128xf32, #tpu.memory_space<hbm>>
      tpu.wait_dma2 semaphore(%arg14 : memref<!tpu.dma_semaphore, #tpu.memory_space<semaphore_mem>>) src(%dma_wait3A_881 : memref<16x128xf32, #tpu.memory_space<hbm>>) dst(%dma_wait3A_878 : memref<16x128xf32, #tpu.memory_space<vmem>>)
      %dma_wait3A_882 = arith.constant 0 : i32
      %dma_wait3A_883 = arith.constant 0 : i32
      %dma_wait3A_884 = arith.constant 0 : i32
      %dma_wait3A_885 = tpu.memref_slice %arg10[%dma_wait3A_882, %dma_wait3A_883, %dma_wait3A_884] : memref<32x16x128xf32, #tpu.memory_space<vmem>> -> memref<1x16x128xf32, #tpu.memory_space<vmem>>
      %dma_wait3A_886 = tpu.memref_squeeze %dma_wait3A_885 : memref<1x16x128xf32, #tpu.memory_space<vmem>> -> memref<16x128xf32, #tpu.memory_space<vmem>>
      %dma_wait3A_887 = arith.constant 0 : i32
      %dma_wait3A_888 = arith.constant 0 : i32
      %dma_wait3A_889 = tpu.memref_slice %arg4[%dma_wait3A_887, %dma_wait3A_888] : memref<32x1000001xf32, #tpu.memory_space<hbm>> -> memref<16x128xf32, #tpu.memory_space<hbm>>
      %dma_wait3A_890 = arith.constant 0 : i32
      %dma_wait3A_891 = arith.constant 0 : i32
      %dma_wait3A_892 = tpu.memref_slice %arg10[%dma_wait3A_882, %dma_wait3A_890, %dma_wait3A_891] : memref<32x16x128xf32, #tpu.memory_space<vmem>> -> memref<1x16x128xf32, #tpu.memory_space<vmem>>
      %dma_wait3A_893 = tpu.memref_squeeze %dma_wait3A_892 : memref<1x16x128xf32, #tpu.memory_space<vmem>> -> memref<16x128xf32, #tpu.memory_space<vmem>>
      %dma_wait3A_894 = arith.constant 0 : i32
      %dma_wait3A_895 = arith.constant 0 : i32
      %dma_wait3A_896 = tpu.memref_slice %arg4[%dma_wait3A_894, %dma_wait3A_895] : memref<32x1000001xf32, #tpu.memory_space<hbm>> -> memref<16x128xf32, #tpu.memory_space<hbm>>
      tpu.wait_dma2 semaphore(%arg14 : memref<!tpu.dma_semaphore, #tpu.memory_space<semaphore_mem>>) src(%dma_wait3A_896 : memref<16x128xf32, #tpu.memory_space<hbm>>) dst(%dma_wait3A_893 : memref<16x128xf32, #tpu.memory_space<vmem>>)
      %dma_wait3A_897 = arith.constant 0 : i32
      %dma_wait3A_898 = arith.constant 0 : i32
      %dma_wait3A_899 = arith.constant 0 : i32
      %dma_wait3A_900 = tpu.memref_slice %arg10[%dma_wait3A_897, %dma_wait3A_898, %dma_wait3A_899] : memref<32x16x128xf32, #tpu.memory_space<vmem>> -> memref<1x16x128xf32, #tpu.memory_space<vmem>>
      %dma_wait3A_901 = tpu.memref_squeeze %dma_wait3A_900 : memref<1x16x128xf32, #tpu.memory_space<vmem>> -> memref<16x128xf32, #tpu.memory_space<vmem>>
      %dma_wait3A_902 = arith.constant 0 : i32
      %dma_wait3A_903 = arith.constant 0 : i32
      %dma_wait3A_904 = tpu.memref_slice %arg4[%dma_wait3A_902, %dma_wait3A_903] : memref<32x1000001xf32, #tpu.memory_space<hbm>> -> memref<16x128xf32, #tpu.memory_space<hbm>>
      %dma_wait3A_905 = arith.constant 0 : i32
      %dma_wait3A_906 = arith.constant 0 : i32
      %dma_wait3A_907 = tpu.memref_slice %arg10[%dma_wait3A_897, %dma_wait3A_905, %dma_wait3A_906] : memref<32x16x128xf32, #tpu.memory_space<vmem>> -> memref<1x16x128xf32, #tpu.memory_space<vmem>>
      %dma_wait3A_908 = tpu.memref_squeeze %dma_wait3A_907 : memref<1x16x128xf32, #tpu.memory_space<vmem>> -> memref<16x128xf32, #tpu.memory_space<vmem>>
      %dma_wait3A_909 = arith.constant 0 : i32
      %dma_wait3A_910 = arith.constant 0 : i32
      %dma_wait3A_911 = tpu.memref_slice %arg4[%dma_wait3A_909, %dma_wait3A_910] : memref<32x1000001xf32, #tpu.memory_space<hbm>> -> memref<16x128xf32, #tpu.memory_space<hbm>>
      tpu.wait_dma2 semaphore(%arg14 : memref<!tpu.dma_semaphore, #tpu.memory_space<semaphore_mem>>) src(%dma_wait3A_911 : memref<16x128xf32, #tpu.memory_space<hbm>>) dst(%dma_wait3A_908 : memref<16x128xf32, #tpu.memory_space<vmem>>)
      %dma_wait3A_912 = arith.constant 0 : i32
      %dma_wait3A_913 = arith.constant 0 : i32
      %dma_wait3A_914 = arith.constant 0 : i32
      %dma_wait3A_915 = tpu.memref_slice %arg10[%dma_wait3A_912, %dma_wait3A_913, %dma_wait3A_914] : memref<32x16x128xf32, #tpu.memory_space<vmem>> -> memref<1x16x128xf32, #tpu.memory_space<vmem>>
      %dma_wait3A_916 = tpu.memref_squeeze %dma_wait3A_915 : memref<1x16x128xf32, #tpu.memory_space<vmem>> -> memref<16x128xf32, #tpu.memory_space<vmem>>
      %dma_wait3A_917 = arith.constant 0 : i32
      %dma_wait3A_918 = arith.constant 0 : i32
      %dma_wait3A_919 = tpu.memref_slice %arg4[%dma_wait3A_917, %dma_wait3A_918] : memref<32x1000001xf32, #tpu.memory_space<hbm>> -> memref<16x128xf32, #tpu.memory_space<hbm>>
      %dma_wait3A_920 = arith.constant 0 : i32
      %dma_wait3A_921 = arith.constant 0 : i32
      %dma_wait3A_922 = tpu.memref_slice %arg10[%dma_wait3A_912, %dma_wait3A_920, %dma_wait3A_921] : memref<32x16x128xf32, #tpu.memory_space<vmem>> -> memref<1x16x128xf32, #tpu.memory_space<vmem>>
      %dma_wait3A_923 = tpu.memref_squeeze %dma_wait3A_922 : memref<1x16x128xf32, #tpu.memory_space<vmem>> -> memref<16x128xf32, #tpu.memory_space<vmem>>
      %dma_wait3A_924 = arith.constant 0 : i32
      %dma_wait3A_925 = arith.constant 0 : i32
      %dma_wait3A_926 = tpu.memref_slice %arg4[%dma_wait3A_924, %dma_wait3A_925] : memref<32x1000001xf32, #tpu.memory_space<hbm>> -> memref<16x128xf32, #tpu.memory_space<hbm>>
      tpu.wait_dma2 semaphore(%arg14 : memref<!tpu.dma_semaphore, #tpu.memory_space<semaphore_mem>>) src(%dma_wait3A_926 : memref<16x128xf32, #tpu.memory_space<hbm>>) dst(%dma_wait3A_923 : memref<16x128xf32, #tpu.memory_space<vmem>>)
      %dma_wait3A_927 = arith.constant 0 : i32
      %dma_wait3A_928 = arith.constant 0 : i32
      %dma_wait3A_929 = arith.constant 0 : i32
      %dma_wait3A_930 = tpu.memref_slice %arg10[%dma_wait3A_927, %dma_wait3A_928, %dma_wait3A_929] : memref<32x16x128xf32, #tpu.memory_space<vmem>> -> memref<1x16x128xf32, #tpu.memory_space<vmem>>
      %dma_wait3A_931 = tpu.memref_squeeze %dma_wait3A_930 : memref<1x16x128xf32, #tpu.memory_space<vmem>> -> memref<16x128xf32, #tpu.memory_space<vmem>>
      %dma_wait3A_932 = arith.constant 0 : i32
      %dma_wait3A_933 = arith.constant 0 : i32
      %dma_wait3A_934 = tpu.memref_slice %arg4[%dma_wait3A_932, %dma_wait3A_933] : memref<32x1000001xf32, #tpu.memory_space<hbm>> -> memref<16x128xf32, #tpu.memory_space<hbm>>
      %dma_wait3A_935 = arith.constant 0 : i32
      %dma_wait3A_936 = arith.constant 0 : i32
      %dma_wait3A_937 = tpu.memref_slice %arg10[%dma_wait3A_927, %dma_wait3A_935, %dma_wait3A_936] : memref<32x16x128xf32, #tpu.memory_space<vmem>> -> memref<1x16x128xf32, #tpu.memory_space<vmem>>
      %dma_wait3A_938 = tpu.memref_squeeze %dma_wait3A_937 : memref<1x16x128xf32, #tpu.memory_space<vmem>> -> memref<16x128xf32, #tpu.memory_space<vmem>>
      %dma_wait3A_939 = arith.constant 0 : i32
      %dma_wait3A_940 = arith.constant 0 : i32
      %dma_wait3A_941 = tpu.memref_slice %arg4[%dma_wait3A_939, %dma_wait3A_940] : memref<32x1000001xf32, #tpu.memory_space<hbm>> -> memref<16x128xf32, #tpu.memory_space<hbm>>
      tpu.wait_dma2 semaphore(%arg14 : memref<!tpu.dma_semaphore, #tpu.memory_space<semaphore_mem>>) src(%dma_wait3A_941 : memref<16x128xf32, #tpu.memory_space<hbm>>) dst(%dma_wait3A_938 : memref<16x128xf32, #tpu.memory_space<vmem>>)
      %dma_wait3A_942 = arith.constant 0 : i32
      %dma_wait3A_943 = arith.constant 0 : i32
      %dma_wait3A_944 = arith.constant 0 : i32
      %dma_wait3A_945 = tpu.memref_slice %arg10[%dma_wait3A_942, %dma_wait3A_943, %dma_wait3A_944] : memref<32x16x128xf32, #tpu.memory_space<vmem>> -> memref<1x16x128xf32, #tpu.memory_space<vmem>>
      %dma_wait3A_946 = tpu.memref_squeeze %dma_wait3A_945 : memref<1x16x128xf32, #tpu.memory_space<vmem>> -> memref<16x128xf32, #tpu.memory_space<vmem>>
      %dma_wait3A_947 = arith.constant 0 : i32
      %dma_wait3A_948 = arith.constant 0 : i32
      %dma_wait3A_949 = tpu.memref_slice %arg4[%dma_wait3A_947, %dma_wait3A_948] : memref<32x1000001xf32, #tpu.memory_space<hbm>> -> memref<16x128xf32, #tpu.memory_space<hbm>>
      %dma_wait3A_950 = arith.constant 0 : i32
      %dma_wait3A_951 = arith.constant 0 : i32
      %dma_wait3A_952 = tpu.memref_slice %arg10[%dma_wait3A_942, %dma_wait3A_950, %dma_wait3A_951] : memref<32x16x128xf32, #tpu.memory_space<vmem>> -> memref<1x16x128xf32, #tpu.memory_space<vmem>>
      %dma_wait3A_953 = tpu.memref_squeeze %dma_wait3A_952 : memref<1x16x128xf32, #tpu.memory_space<vmem>> -> memref<16x128xf32, #tpu.memory_space<vmem>>
      %dma_wait3A_954 = arith.constant 0 : i32
      %dma_wait3A_955 = arith.constant 0 : i32
      %dma_wait3A_956 = tpu.memref_slice %arg4[%dma_wait3A_954, %dma_wait3A_955] : memref<32x1000001xf32, #tpu.memory_space<hbm>> -> memref<16x128xf32, #tpu.memory_space<hbm>>
      tpu.wait_dma2 semaphore(%arg14 : memref<!tpu.dma_semaphore, #tpu.memory_space<semaphore_mem>>) src(%dma_wait3A_956 : memref<16x128xf32, #tpu.memory_space<hbm>>) dst(%dma_wait3A_953 : memref<16x128xf32, #tpu.memory_space<vmem>>)
      %dma_wait3A_957 = arith.constant 0 : i32
      %dma_wait3A_958 = arith.constant 0 : i32
      %dma_wait3A_959 = arith.constant 0 : i32
      %dma_wait3A_960 = tpu.memref_slice %arg10[%dma_wait3A_957, %dma_wait3A_958, %dma_wait3A_959] : memref<32x16x128xf32, #tpu.memory_space<vmem>> -> memref<1x16x128xf32, #tpu.memory_space<vmem>>
      %dma_wait3A_961 = tpu.memref_squeeze %dma_wait3A_960 : memref<1x16x128xf32, #tpu.memory_space<vmem>> -> memref<16x128xf32, #tpu.memory_space<vmem>>
      %dma_wait3A_962 = arith.constant 0 : i32
      %dma_wait3A_963 = arith.constant 0 : i32
      %dma_wait3A_964 = tpu.memref_slice %arg4[%dma_wait3A_962, %dma_wait3A_963] : memref<32x1000001xf32, #tpu.memory_space<hbm>> -> memref<16x128xf32, #tpu.memory_space<hbm>>
      %dma_wait3A_965 = arith.constant 0 : i32
      %dma_wait3A_966 = arith.constant 0 : i32
      %dma_wait3A_967 = tpu.memref_slice %arg10[%dma_wait3A_957, %dma_wait3A_965, %dma_wait3A_966] : memref<32x16x128xf32, #tpu.memory_space<vmem>> -> memref<1x16x128xf32, #tpu.memory_space<vmem>>
      %dma_wait3A_968 = tpu.memref_squeeze %dma_wait3A_967 : memref<1x16x128xf32, #tpu.memory_space<vmem>> -> memref<16x128xf32, #tpu.memory_space<vmem>>
      %dma_wait3A_969 = arith.constant 0 : i32
      %dma_wait3A_970 = arith.constant 0 : i32
      %dma_wait3A_971 = tpu.memref_slice %arg4[%dma_wait3A_969, %dma_wait3A_970] : memref<32x1000001xf32, #tpu.memory_space<hbm>> -> memref<16x128xf32, #tpu.memory_space<hbm>>
      tpu.wait_dma2 semaphore(%arg14 : memref<!tpu.dma_semaphore, #tpu.memory_space<semaphore_mem>>) src(%dma_wait3A_971 : memref<16x128xf32, #tpu.memory_space<hbm>>) dst(%dma_wait3A_968 : memref<16x128xf32, #tpu.memory_space<vmem>>)
      %dma_wait3A_972 = arith.constant 0 : i32
      %dma_wait3A_973 = arith.constant 0 : i32
      %dma_wait3A_974 = arith.constant 0 : i32
      %dma_wait3A_975 = tpu.memref_slice %arg10[%dma_wait3A_972, %dma_wait3A_973, %dma_wait3A_974] : memref<32x16x128xf32, #tpu.memory_space<vmem>> -> memref<1x16x128xf32, #tpu.memory_space<vmem>>
      %dma_wait3A_976 = tpu.memref_squeeze %dma_wait3A_975 : memref<1x16x128xf32, #tpu.memory_space<vmem>> -> memref<16x128xf32, #tpu.memory_space<vmem>>
      %dma_wait3A_977 = arith.constant 0 : i32
      %dma_wait3A_978 = arith.constant 0 : i32
      %dma_wait3A_979 = tpu.memref_slice %arg4[%dma_wait3A_977, %dma_wait3A_978] : memref<32x1000001xf32, #tpu.memory_space<hbm>> -> memref<16x128xf32, #tpu.memory_space<hbm>>
      %dma_wait3A_980 = arith.constant 0 : i32
      %dma_wait3A_981 = arith.constant 0 : i32
      %dma_wait3A_982 = tpu.memref_slice %arg10[%dma_wait3A_972, %dma_wait3A_980, %dma_wait3A_981] : memref<32x16x128xf32, #tpu.memory_space<vmem>> -> memref<1x16x128xf32, #tpu.memory_space<vmem>>
      %dma_wait3A_983 = tpu.memref_squeeze %dma_wait3A_982 : memref<1x16x128xf32, #tpu.memory_space<vmem>> -> memref<16x128xf32, #tpu.memory_space<vmem>>
      %dma_wait3A_984 = arith.constant 0 : i32
      %dma_wait3A_985 = arith.constant 0 : i32
      %dma_wait3A_986 = tpu.memref_slice %arg4[%dma_wait3A_984, %dma_wait3A_985] : memref<32x1000001xf32, #tpu.memory_space<hbm>> -> memref<16x128xf32, #tpu.memory_space<hbm>>
      tpu.wait_dma2 semaphore(%arg14 : memref<!tpu.dma_semaphore, #tpu.memory_space<semaphore_mem>>) src(%dma_wait3A_986 : memref<16x128xf32, #tpu.memory_space<hbm>>) dst(%dma_wait3A_983 : memref<16x128xf32, #tpu.memory_space<vmem>>)
      %dma_wait3A_987 = arith.constant 0 : i32
      %dma_wait3A_988 = arith.constant 0 : i32
      %dma_wait3A_989 = arith.constant 0 : i32
      %dma_wait3A_990 = tpu.memref_slice %arg10[%dma_wait3A_987, %dma_wait3A_988, %dma_wait3A_989] : memref<32x16x128xf32, #tpu.memory_space<vmem>> -> memref<1x16x128xf32, #tpu.memory_space<vmem>>
      %dma_wait3A_991 = tpu.memref_squeeze %dma_wait3A_990 : memref<1x16x128xf32, #tpu.memory_space<vmem>> -> memref<16x128xf32, #tpu.memory_space<vmem>>
      %dma_wait3A_992 = arith.constant 0 : i32
      %dma_wait3A_993 = arith.constant 0 : i32
      %dma_wait3A_994 = tpu.memref_slice %arg4[%dma_wait3A_992, %dma_wait3A_993] : memref<32x1000001xf32, #tpu.memory_space<hbm>> -> memref<16x128xf32, #tpu.memory_space<hbm>>
      %dma_wait3A_995 = arith.constant 0 : i32
      %dma_wait3A_996 = arith.constant 0 : i32
      %dma_wait3A_997 = tpu.memref_slice %arg10[%dma_wait3A_987, %dma_wait3A_995, %dma_wait3A_996] : memref<32x16x128xf32, #tpu.memory_space<vmem>> -> memref<1x16x128xf32, #tpu.memory_space<vmem>>
      %dma_wait3A_998 = tpu.memref_squeeze %dma_wait3A_997 : memref<1x16x128xf32, #tpu.memory_space<vmem>> -> memref<16x128xf32, #tpu.memory_space<vmem>>
      %dma_wait3A_999 = arith.constant 0 : i32
      %dma_wait3A_1000 = arith.constant 0 : i32
      %dma_wait3A_1001 = tpu.memref_slice %arg4[%dma_wait3A_999, %dma_wait3A_1000] : memref<32x1000001xf32, #tpu.memory_space<hbm>> -> memref<16x128xf32, #tpu.memory_space<hbm>>
      tpu.wait_dma2 semaphore(%arg14 : memref<!tpu.dma_semaphore, #tpu.memory_space<semaphore_mem>>) src(%dma_wait3A_1001 : memref<16x128xf32, #tpu.memory_space<hbm>>) dst(%dma_wait3A_998 : memref<16x128xf32, #tpu.memory_space<vmem>>)
      %dma_wait3A_1002 = arith.constant 0 : i32
      %dma_wait3A_1003 = arith.constant 0 : i32
      %dma_wait3A_1004 = arith.constant 0 : i32
      %dma_wait3A_1005 = tpu.memref_slice %arg10[%dma_wait3A_1002, %dma_wait3A_1003, %dma_wait3A_1004] : memref<32x16x128xf32, #tpu.memory_space<vmem>> -> memref<1x16x128xf32, #tpu.memory_space<vmem>>
      %dma_wait3A_1006 = tpu.memref_squeeze %dma_wait3A_1005 : memref<1x16x128xf32, #tpu.memory_space<vmem>> -> memref<16x128xf32, #tpu.memory_space<vmem>>
      %dma_wait3A_1007 = arith.constant 0 : i32
      %dma_wait3A_1008 = arith.constant 0 : i32
      %dma_wait3A_1009 = tpu.memref_slice %arg4[%dma_wait3A_1007, %dma_wait3A_1008] : memref<32x1000001xf32, #tpu.memory_space<hbm>> -> memref<16x128xf32, #tpu.memory_space<hbm>>
      %dma_wait3A_1010 = arith.constant 0 : i32
      %dma_wait3A_1011 = arith.constant 0 : i32
      %dma_wait3A_1012 = tpu.memref_slice %arg10[%dma_wait3A_1002, %dma_wait3A_1010, %dma_wait3A_1011] : memref<32x16x128xf32, #tpu.memory_space<vmem>> -> memref<1x16x128xf32, #tpu.memory_space<vmem>>
      %dma_wait3A_1013 = tpu.memref_squeeze %dma_wait3A_1012 : memref<1x16x128xf32, #tpu.memory_space<vmem>> -> memref<16x128xf32, #tpu.memory_space<vmem>>
      %dma_wait3A_1014 = arith.constant 0 : i32
      %dma_wait3A_1015 = arith.constant 0 : i32
      %dma_wait3A_1016 = tpu.memref_slice %arg4[%dma_wait3A_1014, %dma_wait3A_1015] : memref<32x1000001xf32, #tpu.memory_space<hbm>> -> memref<16x128xf32, #tpu.memory_space<hbm>>
      tpu.wait_dma2 semaphore(%arg14 : memref<!tpu.dma_semaphore, #tpu.memory_space<semaphore_mem>>) src(%dma_wait3A_1016 : memref<16x128xf32, #tpu.memory_space<hbm>>) dst(%dma_wait3A_1013 : memref<16x128xf32, #tpu.memory_space<vmem>>)
      %dma_wait3A_1017 = arith.constant 0 : i32
      %dma_wait3A_1018 = arith.constant 0 : i32
      %dma_wait3A_1019 = arith.constant 0 : i32
      %dma_wait3A_1020 = tpu.memref_slice %arg10[%dma_wait3A_1017, %dma_wait3A_1018, %dma_wait3A_1019] : memref<32x16x128xf32, #tpu.memory_space<vmem>> -> memref<1x16x128xf32, #tpu.memory_space<vmem>>
      %dma_wait3A_1021 = tpu.memref_squeeze %dma_wait3A_1020 : memref<1x16x128xf32, #tpu.memory_space<vmem>> -> memref<16x128xf32, #tpu.memory_space<vmem>>
      %dma_wait3A_1022 = arith.constant 0 : i32
      %dma_wait3A_1023 = arith.constant 0 : i32
      %dma_wait3A_1024 = tpu.memref_slice %arg4[%dma_wait3A_1022, %dma_wait3A_1023] : memref<32x1000001xf32, #tpu.memory_space<hbm>> -> memref<16x128xf32, #tpu.memory_space<hbm>>
      %dma_wait3A_1025 = arith.constant 0 : i32
      %dma_wait3A_1026 = arith.constant 0 : i32
      %dma_wait3A_1027 = tpu.memref_slice %arg10[%dma_wait3A_1017, %dma_wait3A_1025, %dma_wait3A_1026] : memref<32x16x128xf32, #tpu.memory_space<vmem>> -> memref<1x16x128xf32, #tpu.memory_space<vmem>>
      %dma_wait3A_1028 = tpu.memref_squeeze %dma_wait3A_1027 : memref<1x16x128xf32, #tpu.memory_space<vmem>> -> memref<16x128xf32, #tpu.memory_space<vmem>>
      %dma_wait3A_1029 = arith.constant 0 : i32
      %dma_wait3A_1030 = arith.constant 0 : i32
      %dma_wait3A_1031 = tpu.memref_slice %arg4[%dma_wait3A_1029, %dma_wait3A_1030] : memref<32x1000001xf32, #tpu.memory_space<hbm>> -> memref<16x128xf32, #tpu.memory_space<hbm>>
      tpu.wait_dma2 semaphore(%arg14 : memref<!tpu.dma_semaphore, #tpu.memory_space<semaphore_mem>>) src(%dma_wait3A_1031 : memref<16x128xf32, #tpu.memory_space<hbm>>) dst(%dma_wait3A_1028 : memref<16x128xf32, #tpu.memory_space<vmem>>)
      %dma_wait3A_1032 = arith.constant 0 : i32
      %dma_wait3A_1033 = arith.constant 0 : i32
      %dma_wait3A_1034 = arith.constant 0 : i32
      %dma_wait3A_1035 = tpu.memref_slice %arg10[%dma_wait3A_1032, %dma_wait3A_1033, %dma_wait3A_1034] : memref<32x16x128xf32, #tpu.memory_space<vmem>> -> memref<1x16x128xf32, #tpu.memory_space<vmem>>
      %dma_wait3A_1036 = tpu.memref_squeeze %dma_wait3A_1035 : memref<1x16x128xf32, #tpu.memory_space<vmem>> -> memref<16x128xf32, #tpu.memory_space<vmem>>
      %dma_wait3A_1037 = arith.constant 0 : i32
      %dma_wait3A_1038 = arith.constant 0 : i32
      %dma_wait3A_1039 = tpu.memref_slice %arg4[%dma_wait3A_1037, %dma_wait3A_1038] : memref<32x1000001xf32, #tpu.memory_space<hbm>> -> memref<16x128xf32, #tpu.memory_space<hbm>>
      %dma_wait3A_1040 = arith.constant 0 : i32
      %dma_wait3A_1041 = arith.constant 0 : i32
      %dma_wait3A_1042 = tpu.memref_slice %arg10[%dma_wait3A_1032, %dma_wait3A_1040, %dma_wait3A_1041] : memref<32x16x128xf32, #tpu.memory_space<vmem>> -> memref<1x16x128xf32, #tpu.memory_space<vmem>>
      %dma_wait3A_1043 = tpu.memref_squeeze %dma_wait3A_1042 : memref<1x16x128xf32, #tpu.memory_space<vmem>> -> memref<16x128xf32, #tpu.memory_space<vmem>>
      %dma_wait3A_1044 = arith.constant 0 : i32
      %dma_wait3A_1045 = arith.constant 0 : i32
      %dma_wait3A_1046 = tpu.memref_slice %arg4[%dma_wait3A_1044, %dma_wait3A_1045] : memref<32x1000001xf32, #tpu.memory_space<hbm>> -> memref<16x128xf32, #tpu.memory_space<hbm>>
      tpu.wait_dma2 semaphore(%arg14 : memref<!tpu.dma_semaphore, #tpu.memory_space<semaphore_mem>>) src(%dma_wait3A_1046 : memref<16x128xf32, #tpu.memory_space<hbm>>) dst(%dma_wait3A_1043 : memref<16x128xf32, #tpu.memory_space<vmem>>)
      %dma_wait3A_1047 = arith.constant 0 : i32
      %dma_wait3A_1048 = arith.constant 0 : i32
      %dma_wait3A_1049 = arith.constant 0 : i32
      %dma_wait3A_1050 = tpu.memref_slice %arg10[%dma_wait3A_1047, %dma_wait3A_1048, %dma_wait3A_1049] : memref<32x16x128xf32, #tpu.memory_space<vmem>> -> memref<1x16x128xf32, #tpu.memory_space<vmem>>
      %dma_wait3A_1051 = tpu.memref_squeeze %dma_wait3A_1050 : memref<1x16x128xf32, #tpu.memory_space<vmem>> -> memref<16x128xf32, #tpu.memory_space<vmem>>
      %dma_wait3A_1052 = arith.constant 0 : i32
      %dma_wait3A_1053 = arith.constant 0 : i32
      %dma_wait3A_1054 = tpu.memref_slice %arg4[%dma_wait3A_1052, %dma_wait3A_1053] : memref<32x1000001xf32, #tpu.memory_space<hbm>> -> memref<16x128xf32, #tpu.memory_space<hbm>>
      %dma_wait3A_1055 = arith.constant 0 : i32
      %dma_wait3A_1056 = arith.constant 0 : i32
      %dma_wait3A_1057 = tpu.memref_slice %arg10[%dma_wait3A_1047, %dma_wait3A_1055, %dma_wait3A_1056] : memref<32x16x128xf32, #tpu.memory_space<vmem>> -> memref<1x16x128xf32, #tpu.memory_space<vmem>>
      %dma_wait3A_1058 = tpu.memref_squeeze %dma_wait3A_1057 : memref<1x16x128xf32, #tpu.memory_space<vmem>> -> memref<16x128xf32, #tpu.memory_space<vmem>>
      %dma_wait3A_1059 = arith.constant 0 : i32
      %dma_wait3A_1060 = arith.constant 0 : i32
      %dma_wait3A_1061 = tpu.memref_slice %arg4[%dma_wait3A_1059, %dma_wait3A_1060] : memref<32x1000001xf32, #tpu.memory_space<hbm>> -> memref<16x128xf32, #tpu.memory_space<hbm>>
      tpu.wait_dma2 semaphore(%arg14 : memref<!tpu.dma_semaphore, #tpu.memory_space<semaphore_mem>>) src(%dma_wait3A_1061 : memref<16x128xf32, #tpu.memory_space<hbm>>) dst(%dma_wait3A_1058 : memref<16x128xf32, #tpu.memory_space<vmem>>)
      %dma_wait3A_1062 = arith.constant 0 : i32
      %dma_wait3A_1063 = arith.constant 0 : i32
      %dma_wait3A_1064 = arith.constant 0 : i32
      %dma_wait3A_1065 = tpu.memref_slice %arg10[%dma_wait3A_1062, %dma_wait3A_1063, %dma_wait3A_1064] : memref<32x16x128xf32, #tpu.memory_space<vmem>> -> memref<1x16x128xf32, #tpu.memory_space<vmem>>
      %dma_wait3A_1066 = tpu.memref_squeeze %dma_wait3A_1065 : memref<1x16x128xf32, #tpu.memory_space<vmem>> -> memref<16x128xf32, #tpu.memory_space<vmem>>
      %dma_wait3A_1067 = arith.constant 0 : i32
      %dma_wait3A_1068 = arith.constant 0 : i32
      %dma_wait3A_1069 = tpu.memref_slice %arg4[%dma_wait3A_1067, %dma_wait3A_1068] : memref<32x1000001xf32, #tpu.memory_space<hbm>> -> memref<16x128xf32, #tpu.memory_space<hbm>>
      %dma_wait3A_1070 = arith.constant 0 : i32
      %dma_wait3A_1071 = arith.constant 0 : i32
      %dma_wait3A_1072 = tpu.memref_slice %arg10[%dma_wait3A_1062, %dma_wait3A_1070, %dma_wait3A_1071] : memref<32x16x128xf32, #tpu.memory_space<vmem>> -> memref<1x16x128xf32, #tpu.memory_space<vmem>>
      %dma_wait3A_1073 = tpu.memref_squeeze %dma_wait3A_1072 : memref<1x16x128xf32, #tpu.memory_space<vmem>> -> memref<16x128xf32, #tpu.memory_space<vmem>>
      %dma_wait3A_1074 = arith.constant 0 : i32
      %dma_wait3A_1075 = arith.constant 0 : i32
      %dma_wait3A_1076 = tpu.memref_slice %arg4[%dma_wait3A_1074, %dma_wait3A_1075] : memref<32x1000001xf32, #tpu.memory_space<hbm>> -> memref<16x128xf32, #tpu.memory_space<hbm>>
      tpu.wait_dma2 semaphore(%arg14 : memref<!tpu.dma_semaphore, #tpu.memory_space<semaphore_mem>>) src(%dma_wait3A_1076 : memref<16x128xf32, #tpu.memory_space<hbm>>) dst(%dma_wait3A_1073 : memref<16x128xf32, #tpu.memory_space<vmem>>)
      %dma_wait3A_1077 = arith.constant 0 : i32
      %dma_wait3A_1078 = arith.constant 0 : i32
      %dma_wait3A_1079 = arith.constant 0 : i32
      %dma_wait3A_1080 = tpu.memref_slice %arg10[%dma_wait3A_1077, %dma_wait3A_1078, %dma_wait3A_1079] : memref<32x16x128xf32, #tpu.memory_space<vmem>> -> memref<1x16x128xf32, #tpu.memory_space<vmem>>
      %dma_wait3A_1081 = tpu.memref_squeeze %dma_wait3A_1080 : memref<1x16x128xf32, #tpu.memory_space<vmem>> -> memref<16x128xf32, #tpu.memory_space<vmem>>
      %dma_wait3A_1082 = arith.constant 0 : i32
      %dma_wait3A_1083 = arith.constant 0 : i32
      %dma_wait3A_1084 = tpu.memref_slice %arg4[%dma_wait3A_1082, %dma_wait3A_1083] : memref<32x1000001xf32, #tpu.memory_space<hbm>> -> memref<16x128xf32, #tpu.memory_space<hbm>>
      %dma_wait3A_1085 = arith.constant 0 : i32
      %dma_wait3A_1086 = arith.constant 0 : i32
      %dma_wait3A_1087 = tpu.memref_slice %arg10[%dma_wait3A_1077, %dma_wait3A_1085, %dma_wait3A_1086] : memref<32x16x128xf32, #tpu.memory_space<vmem>> -> memref<1x16x128xf32, #tpu.memory_space<vmem>>
      %dma_wait3A_1088 = tpu.memref_squeeze %dma_wait3A_1087 : memref<1x16x128xf32, #tpu.memory_space<vmem>> -> memref<16x128xf32, #tpu.memory_space<vmem>>
      %dma_wait3A_1089 = arith.constant 0 : i32
      %dma_wait3A_1090 = arith.constant 0 : i32
      %dma_wait3A_1091 = tpu.memref_slice %arg4[%dma_wait3A_1089, %dma_wait3A_1090] : memref<32x1000001xf32, #tpu.memory_space<hbm>> -> memref<16x128xf32, #tpu.memory_space<hbm>>
      tpu.wait_dma2 semaphore(%arg14 : memref<!tpu.dma_semaphore, #tpu.memory_space<semaphore_mem>>) src(%dma_wait3A_1091 : memref<16x128xf32, #tpu.memory_space<hbm>>) dst(%dma_wait3A_1088 : memref<16x128xf32, #tpu.memory_space<vmem>>)
      %mul3A_1092 = arith.constant 16 : i32
      %mul3A_1093 = arith.muli %mul3A_554, %mul3A_1092 : i32
      %get3A_1094 = arith.index_cast %mul3A_1093 : i32 to index
      %get3A_1095 = tpu.vector_load %arg8[%get3A_1094] {strides = array<i32>} : memref<1024xi32, #tpu.memory_space<vmem>>, vector<16xi32>,
      %min3A_1096 = arith.constant 999935 : i32
      %min3A_1097 = vector.broadcast %min3A_1096 : i32 to vector<16xi32>
      %min3A_1098 = arith.minsi %get3A_1095, %min3A_1097 : vector<16xi32>
      %slice3A_1099 = vector.extract_strided_slice %min3A_1098 {offsets = [0], sizes = [1], strides = [1]} : vector<16xi32> to vector<1xi32>
      %squeeze3A_1100 = vector.extract %slice3A_1099[0] : i32 from vector<1xi32>
      %and3A = arith.constant 127 : i32
      %and3A_1101 = arith.andi %squeeze3A_1100, %and3A : i32
      %add3A_1102 = vector.broadcast %and3A_1101 : i32 to vector<16xi32>
      %add3A_1103 = arith.addi %broadcast_in_dim3A_6, %add3A_1102 : vector<16xi32>
      %add3A_1104 = arith.constant 0 : i32
      %add3A_1105 = arith.addi %mul3A_1093, %add3A_1104 : i32
      %add3A_1106 = vector.broadcast %add3A_1105 : i32 to vector<16xi32>
      %add3A_1107 = arith.addi %broadcast_in_dim3A_6, %add3A_1106 : vector<16xi32>
      %add3A_1108 = arith.constant 0 : i32
      %add3A_1109 = vector.broadcast %add3A_1108 : i32 to vector<16xi32>
      %add3A_1110 = arith.addi %broadcast_in_dim3A_6, %add3A_1109 : vector<16xi32>
      %gather3A = tpu.vector_load_idx %arg10[%add3A_1110, %iota3A, %add3A_1103] : memref<32x16x128xf32, #tpu.memory_space<vmem>>[vector<16xi32>, vector<16xi32>, vector<16xi32>], vector<16xf32>,
      tpu.vector_store_idx %arg13[%iota3A, %add3A_1107], %gather3A : memref<32x1024xf32, #tpu.memory_space<vmem>>[vector<16xi32>, vector<16xi32>], vector<16xf32>,
      %slice3A_1111 = vector.extract_strided_slice %min3A_1098 {offsets = [1], sizes = [1], strides = [1]} : vector<16xi32> to vector<1xi32>
      %squeeze3A_1112 = vector.extract %slice3A_1111[0] : i32 from vector<1xi32>
      %and3A_1113 = arith.constant 127 : i32
      %and3A_1114 = arith.andi %squeeze3A_1112, %and3A_1113 : i32
      %add3A_1115 = vector.broadcast %and3A_1114 : i32 to vector<16xi32>
      %add3A_1116 = arith.addi %broadcast_in_dim3A_6, %add3A_1115 : vector<16xi32>
      %add3A_1117 = arith.constant 1 : i32
      %add3A_1118 = arith.addi %mul3A_1093, %add3A_1117 : i32
      %add3A_1119 = vector.broadcast %add3A_1118 : i32 to vector<16xi32>
      %add3A_1120 = arith.addi %broadcast_in_dim3A_6, %add3A_1119 : vector<16xi32>
      %add3A_1121 = arith.constant 1 : i32
      %add3A_1122 = vector.broadcast %add3A_1121 : i32 to vector<16xi32>
      %add3A_1123 = arith.addi %broadcast_in_dim3A_6, %add3A_1122 : vector<16xi32>
      %gather3A_1124 = tpu.vector_load_idx %arg10[%add3A_1123, %iota3A, %add3A_1116] : memref<32x16x128xf32, #tpu.memory_space<vmem>>[vector<16xi32>, vector<16xi32>, vector<16xi32>], vector<16xf32>,
      tpu.vector_store_idx %arg13[%iota3A, %add3A_1120], %gather3A_1124 : memref<32x1024xf32, #tpu.memory_space<vmem>>[vector<16xi32>, vector<16xi32>], vector<16xf32>,
      %slice3A_1125 = vector.extract_strided_slice %min3A_1098 {offsets = [2], sizes = [1], strides = [1]} : vector<16xi32> to vector<1xi32>
      %squeeze3A_1126 = vector.extract %slice3A_1125[0] : i32 from vector<1xi32>
      %and3A_1127 = arith.constant 127 : i32
      %and3A_1128 = arith.andi %squeeze3A_1126, %and3A_1127 : i32
      %add3A_1129 = vector.broadcast %and3A_1128 : i32 to vector<16xi32>
      %add3A_1130 = arith.addi %broadcast_in_dim3A_6, %add3A_1129 : vector<16xi32>
      %add3A_1131 = arith.constant 2 : i32
      %add3A_1132 = arith.addi %mul3A_1093, %add3A_1131 : i32
      %add3A_1133 = vector.broadcast %add3A_1132 : i32 to vector<16xi32>
      %add3A_1134 = arith.addi %broadcast_in_dim3A_6, %add3A_1133 : vector<16xi32>
      %add3A_1135 = arith.constant 2 : i32
      %add3A_1136 = vector.broadcast %add3A_1135 : i32 to vector<16xi32>
      %add3A_1137 = arith.addi %broadcast_in_dim3A_6, %add3A_1136 : vector<16xi32>
      %gather3A_1138 = tpu.vector_load_idx %arg10[%add3A_1137, %iota3A, %add3A_1130] : memref<32x16x128xf32, #tpu.memory_space<vmem>>[vector<16xi32>, vector<16xi32>, vector<16xi32>], vector<16xf32>,
      tpu.vector_store_idx %arg13[%iota3A, %add3A_1134], %gather3A_1138 : memref<32x1024xf32, #tpu.memory_space<vmem>>[vector<16xi32>, vector<16xi32>], vector<16xf32>,
      %slice3A_1139 = vector.extract_strided_slice %min3A_1098 {offsets = [3], sizes = [1], strides = [1]} : vector<16xi32> to vector<1xi32>
      %squeeze3A_1140 = vector.extract %slice3A_1139[0] : i32 from vector<1xi32>
      %and3A_1141 = arith.constant 127 : i32
      %and3A_1142 = arith.andi %squeeze3A_1140, %and3A_1141 : i32
      %add3A_1143 = vector.broadcast %and3A_1142 : i32 to vector<16xi32>
      %add3A_1144 = arith.addi %broadcast_in_dim3A_6, %add3A_1143 : vector<16xi32>
      %add3A_1145 = arith.constant 3 : i32
      %add3A_1146 = arith.addi %mul3A_1093, %add3A_1145 : i32
      %add3A_1147 = vector.broadcast %add3A_1146 : i32 to vector<16xi32>
      %add3A_1148 = arith.addi %broadcast_in_dim3A_6, %add3A_1147 : vector<16xi32>
      %add3A_1149 = arith.constant 3 : i32
      %add3A_1150 = vector.broadcast %add3A_1149 : i32 to vector<16xi32>
      %add3A_1151 = arith.addi %broadcast_in_dim3A_6, %add3A_1150 : vector<16xi32>
      %gather3A_1152 = tpu.vector_load_idx %arg10[%add3A_1151, %iota3A, %add3A_1144] : memref<32x16x128xf32, #tpu.memory_space<vmem>>[vector<16xi32>, vector<16xi32>, vector<16xi32>], vector<16xf32>,
      tpu.vector_store_idx %arg13[%iota3A, %add3A_1148], %gather3A_1152 : memref<32x1024xf32, #tpu.memory_space<vmem>>[vector<16xi32>, vector<16xi32>], vector<16xf32>,
      %slice3A_1153 = vector.extract_strided_slice %min3A_1098 {offsets = [4], sizes = [1], strides = [1]} : vector<16xi32> to vector<1xi32>
      %squeeze3A_1154 = vector.extract %slice3A_1153[0] : i32 from vector<1xi32>
      %and3A_1155 = arith.constant 127 : i32
      %and3A_1156 = arith.andi %squeeze3A_1154, %and3A_1155 : i32
      %add3A_1157 = vector.broadcast %and3A_1156 : i32 to vector<16xi32>
      %add3A_1158 = arith.addi %broadcast_in_dim3A_6, %add3A_1157 : vector<16xi32>
      %add3A_1159 = arith.constant 4 : i32
      %add3A_1160 = arith.addi %mul3A_1093, %add3A_1159 : i32
      %add3A_1161 = vector.broadcast %add3A_1160 : i32 to vector<16xi32>
      %add3A_1162 = arith.addi %broadcast_in_dim3A_6, %add3A_1161 : vector<16xi32>
      %add3A_1163 = arith.constant 4 : i32
      %add3A_1164 = vector.broadcast %add3A_1163 : i32 to vector<16xi32>
      %add3A_1165 = arith.addi %broadcast_in_dim3A_6, %add3A_1164 : vector<16xi32>
      %gather3A_1166 = tpu.vector_load_idx %arg10[%add3A_1165, %iota3A, %add3A_1158] : memref<32x16x128xf32, #tpu.memory_space<vmem>>[vector<16xi32>, vector<16xi32>, vector<16xi32>], vector<16xf32>,
      tpu.vector_store_idx %arg13[%iota3A, %add3A_1162], %gather3A_1166 : memref<32x1024xf32, #tpu.memory_space<vmem>>[vector<16xi32>, vector<16xi32>], vector<16xf32>,
      %slice3A_1167 = vector.extract_strided_slice %min3A_1098 {offsets = [5], sizes = [1], strides = [1]} : vector<16xi32> to vector<1xi32>
      %squeeze3A_1168 = vector.extract %slice3A_1167[0] : i32 from vector<1xi32>
      %and3A_1169 = arith.constant 127 : i32
      %and3A_1170 = arith.andi %squeeze3A_1168, %and3A_1169 : i32
      %add3A_1171 = vector.broadcast %and3A_1170 : i32 to vector<16xi32>
      %add3A_1172 = arith.addi %broadcast_in_dim3A_6, %add3A_1171 : vector<16xi32>
      %add3A_1173 = arith.constant 5 : i32
      %add3A_1174 = arith.addi %mul3A_1093, %add3A_1173 : i32
      %add3A_1175 = vector.broadcast %add3A_1174 : i32 to vector<16xi32>
      %add3A_1176 = arith.addi %broadcast_in_dim3A_6, %add3A_1175 : vector<16xi32>
      %add3A_1177 = arith.constant 5 : i32
      %add3A_1178 = vector.broadcast %add3A_1177 : i32 to vector<16xi32>
      %add3A_1179 = arith.addi %broadcast_in_dim3A_6, %add3A_1178 : vector<16xi32>
      %gather3A_1180 = tpu.vector_load_idx %arg10[%add3A_1179, %iota3A, %add3A_1172] : memref<32x16x128xf32, #tpu.memory_space<vmem>>[vector<16xi32>, vector<16xi32>, vector<16xi32>], vector<16xf32>,
      tpu.vector_store_idx %arg13[%iota3A, %add3A_1176], %gather3A_1180 : memref<32x1024xf32, #tpu.memory_space<vmem>>[vector<16xi32>, vector<16xi32>], vector<16xf32>,
      %slice3A_1181 = vector.extract_strided_slice %min3A_1098 {offsets = [6], sizes = [1], strides = [1]} : vector<16xi32> to vector<1xi32>
      %squeeze3A_1182 = vector.extract %slice3A_1181[0] : i32 from vector<1xi32>
      %and3A_1183 = arith.constant 127 : i32
      %and3A_1184 = arith.andi %squeeze3A_1182, %and3A_1183 : i32
      %add3A_1185 = vector.broadcast %and3A_1184 : i32 to vector<16xi32>
      %add3A_1186 = arith.addi %broadcast_in_dim3A_6, %add3A_1185 : vector<16xi32>
      %add3A_1187 = arith.constant 6 : i32
      %add3A_1188 = arith.addi %mul3A_1093, %add3A_1187 : i32
      %add3A_1189 = vector.broadcast %add3A_1188 : i32 to vector<16xi32>
      %add3A_1190 = arith.addi %broadcast_in_dim3A_6, %add3A_1189 : vector<16xi32>
      %add3A_1191 = arith.constant 6 : i32
      %add3A_1192 = vector.broadcast %add3A_1191 : i32 to vector<16xi32>
      %add3A_1193 = arith.addi %broadcast_in_dim3A_6, %add3A_1192 : vector<16xi32>
      %gather3A_1194 = tpu.vector_load_idx %arg10[%add3A_1193, %iota3A, %add3A_1186] : memref<32x16x128xf32, #tpu.memory_space<vmem>>[vector<16xi32>, vector<16xi32>, vector<16xi32>], vector<16xf32>,
      tpu.vector_store_idx %arg13[%iota3A, %add3A_1190], %gather3A_1194 : memref<32x1024xf32, #tpu.memory_space<vmem>>[vector<16xi32>, vector<16xi32>], vector<16xf32>,
      %slice3A_1195 = vector.extract_strided_slice %min3A_1098 {offsets = [7], sizes = [1], strides = [1]} : vector<16xi32> to vector<1xi32>
      %squeeze3A_1196 = vector.extract %slice3A_1195[0] : i32 from vector<1xi32>
      %and3A_1197 = arith.constant 127 : i32
      %and3A_1198 = arith.andi %squeeze3A_1196, %and3A_1197 : i32
      %add3A_1199 = vector.broadcast %and3A_1198 : i32 to vector<16xi32>
      %add3A_1200 = arith.addi %broadcast_in_dim3A_6, %add3A_1199 : vector<16xi32>
      %add3A_1201 = arith.constant 7 : i32
      %add3A_1202 = arith.addi %mul3A_1093, %add3A_1201 : i32
      %add3A_1203 = vector.broadcast %add3A_1202 : i32 to vector<16xi32>
      %add3A_1204 = arith.addi %broadcast_in_dim3A_6, %add3A_1203 : vector<16xi32>
      %add3A_1205 = arith.constant 7 : i32
      %add3A_1206 = vector.broadcast %add3A_1205 : i32 to vector<16xi32>
      %add3A_1207 = arith.addi %broadcast_in_dim3A_6, %add3A_1206 : vector<16xi32>
      %gather3A_1208 = tpu.vector_load_idx %arg10[%add3A_1207, %iota3A, %add3A_1200] : memref<32x16x128xf32, #tpu.memory_space<vmem>>[vector<16xi32>, vector<16xi32>, vector<16xi32>], vector<16xf32>,
      tpu.vector_store_idx %arg13[%iota3A, %add3A_1204], %gather3A_1208 : memref<32x1024xf32, #tpu.memory_space<vmem>>[vector<16xi32>, vector<16xi32>], vector<16xf32>,
      %slice3A_1209 = vector.extract_strided_slice %min3A_1098 {offsets = [8], sizes = [1], strides = [1]} : vector<16xi32> to vector<1xi32>
      %squeeze3A_1210 = vector.extract %slice3A_1209[0] : i32 from vector<1xi32>
      %and3A_1211 = arith.constant 127 : i32
      %and3A_1212 = arith.andi %squeeze3A_1210, %and3A_1211 : i32
      %add3A_1213 = vector.broadcast %and3A_1212 : i32 to vector<16xi32>
      %add3A_1214 = arith.addi %broadcast_in_dim3A_6, %add3A_1213 : vector<16xi32>
      %add3A_1215 = arith.constant 8 : i32
      %add3A_1216 = arith.addi %mul3A_1093, %add3A_1215 : i32
      %add3A_1217 = vector.broadcast %add3A_1216 : i32 to vector<16xi32>
      %add3A_1218 = arith.addi %broadcast_in_dim3A_6, %add3A_1217 : vector<16xi32>
      %add3A_1219 = arith.constant 8 : i32
      %add3A_1220 = vector.broadcast %add3A_1219 : i32 to vector<16xi32>
      %add3A_1221 = arith.addi %broadcast_in_dim3A_6, %add3A_1220 : vector<16xi32>
      %gather3A_1222 = tpu.vector_load_idx %arg10[%add3A_1221, %iota3A, %add3A_1214] : memref<32x16x128xf32, #tpu.memory_space<vmem>>[vector<16xi32>, vector<16xi32>, vector<16xi32>], vector<16xf32>,
      tpu.vector_store_idx %arg13[%iota3A, %add3A_1218], %gather3A_1222 : memref<32x1024xf32, #tpu.memory_space<vmem>>[vector<16xi32>, vector<16xi32>], vector<16xf32>,
      %slice3A_1223 = vector.extract_strided_slice %min3A_1098 {offsets = [9], sizes = [1], strides = [1]} : vector<16xi32> to vector<1xi32>
      %squeeze3A_1224 = vector.extract %slice3A_1223[0] : i32 from vector<1xi32>
      %and3A_1225 = arith.constant 127 : i32
      %and3A_1226 = arith.andi %squeeze3A_1224, %and3A_1225 : i32
      %add3A_1227 = vector.broadcast %and3A_1226 : i32 to vector<16xi32>
      %add3A_1228 = arith.addi %broadcast_in_dim3A_6, %add3A_1227 : vector<16xi32>
      %add3A_1229 = arith.constant 9 : i32
      %add3A_1230 = arith.addi %mul3A_1093, %add3A_1229 : i32
      %add3A_1231 = vector.broadcast %add3A_1230 : i32 to vector<16xi32>
      %add3A_1232 = arith.addi %broadcast_in_dim3A_6, %add3A_1231 : vector<16xi32>
      %add3A_1233 = arith.constant 9 : i32
      %add3A_1234 = vector.broadcast %add3A_1233 : i32 to vector<16xi32>
      %add3A_1235 = arith.addi %broadcast_in_dim3A_6, %add3A_1234 : vector<16xi32>
      %gather3A_1236 = tpu.vector_load_idx %arg10[%add3A_1235, %iota3A, %add3A_1228] : memref<32x16x128xf32, #tpu.memory_space<vmem>>[vector<16xi32>, vector<16xi32>, vector<16xi32>], vector<16xf32>,
      tpu.vector_store_idx %arg13[%iota3A, %add3A_1232], %gather3A_1236 : memref<32x1024xf32, #tpu.memory_space<vmem>>[vector<16xi32>, vector<16xi32>], vector<16xf32>,
      %slice3A_1237 = vector.extract_strided_slice %min3A_1098 {offsets = [10], sizes = [1], strides = [1]} : vector<16xi32> to vector<1xi32>
      %squeeze3A_1238 = vector.extract %slice3A_1237[0] : i32 from vector<1xi32>
      %and3A_1239 = arith.constant 127 : i32
      %and3A_1240 = arith.andi %squeeze3A_1238, %and3A_1239 : i32
      %add3A_1241 = vector.broadcast %and3A_1240 : i32 to vector<16xi32>
      %add3A_1242 = arith.addi %broadcast_in_dim3A_6, %add3A_1241 : vector<16xi32>
      %add3A_1243 = arith.constant 10 : i32
      %add3A_1244 = arith.addi %mul3A_1093, %add3A_1243 : i32
      %add3A_1245 = vector.broadcast %add3A_1244 : i32 to vector<16xi32>
      %add3A_1246 = arith.addi %broadcast_in_dim3A_6, %add3A_1245 : vector<16xi32>
      %add3A_1247 = arith.constant 10 : i32
      %add3A_1248 = vector.broadcast %add3A_1247 : i32 to vector<16xi32>
      %add3A_1249 = arith.addi %broadcast_in_dim3A_6, %add3A_1248 : vector<16xi32>
      %gather3A_1250 = tpu.vector_load_idx %arg10[%add3A_1249, %iota3A, %add3A_1242] : memref<32x16x128xf32, #tpu.memory_space<vmem>>[vector<16xi32>, vector<16xi32>, vector<16xi32>], vector<16xf32>,
      tpu.vector_store_idx %arg13[%iota3A, %add3A_1246], %gather3A_1250 : memref<32x1024xf32, #tpu.memory_space<vmem>>[vector<16xi32>, vector<16xi32>], vector<16xf32>,
      %slice3A_1251 = vector.extract_strided_slice %min3A_1098 {offsets = [11], sizes = [1], strides = [1]} : vector<16xi32> to vector<1xi32>
      %squeeze3A_1252 = vector.extract %slice3A_1251[0] : i32 from vector<1xi32>
      %and3A_1253 = arith.constant 127 : i32
      %and3A_1254 = arith.andi %squeeze3A_1252, %and3A_1253 : i32
      %add3A_1255 = vector.broadcast %and3A_1254 : i32 to vector<16xi32>
      %add3A_1256 = arith.addi %broadcast_in_dim3A_6, %add3A_1255 : vector<16xi32>
      %add3A_1257 = arith.constant 11 : i32
      %add3A_1258 = arith.addi %mul3A_1093, %add3A_1257 : i32
      %add3A_1259 = vector.broadcast %add3A_1258 : i32 to vector<16xi32>
      %add3A_1260 = arith.addi %broadcast_in_dim3A_6, %add3A_1259 : vector<16xi32>
      %add3A_1261 = arith.constant 11 : i32
      %add3A_1262 = vector.broadcast %add3A_1261 : i32 to vector<16xi32>
      %add3A_1263 = arith.addi %broadcast_in_dim3A_6, %add3A_1262 : vector<16xi32>
      %gather3A_1264 = tpu.vector_load_idx %arg10[%add3A_1263, %iota3A, %add3A_1256] : memref<32x16x128xf32, #tpu.memory_space<vmem>>[vector<16xi32>, vector<16xi32>, vector<16xi32>], vector<16xf32>,
      tpu.vector_store_idx %arg13[%iota3A, %add3A_1260], %gather3A_1264 : memref<32x1024xf32, #tpu.memory_space<vmem>>[vector<16xi32>, vector<16xi32>], vector<16xf32>,
      %slice3A_1265 = vector.extract_strided_slice %min3A_1098 {offsets = [12], sizes = [1], strides = [1]} : vector<16xi32> to vector<1xi32>
      %squeeze3A_1266 = vector.extract %slice3A_1265[0] : i32 from vector<1xi32>
      %and3A_1267 = arith.constant 127 : i32
      %and3A_1268 = arith.andi %squeeze3A_1266, %and3A_1267 : i32
      %add3A_1269 = vector.broadcast %and3A_1268 : i32 to vector<16xi32>
      %add3A_1270 = arith.addi %broadcast_in_dim3A_6, %add3A_1269 : vector<16xi32>
      %add3A_1271 = arith.constant 12 : i32
      %add3A_1272 = arith.addi %mul3A_1093, %add3A_1271 : i32
      %add3A_1273 = vector.broadcast %add3A_1272 : i32 to vector<16xi32>
      %add3A_1274 = arith.addi %broadcast_in_dim3A_6, %add3A_1273 : vector<16xi32>
      %add3A_1275 = arith.constant 12 : i32
      %add3A_1276 = vector.broadcast %add3A_1275 : i32 to vector<16xi32>
      %add3A_1277 = arith.addi %broadcast_in_dim3A_6, %add3A_1276 : vector<16xi32>
      %gather3A_1278 = tpu.vector_load_idx %arg10[%add3A_1277, %iota3A, %add3A_1270] : memref<32x16x128xf32, #tpu.memory_space<vmem>>[vector<16xi32>, vector<16xi32>, vector<16xi32>], vector<16xf32>,
      tpu.vector_store_idx %arg13[%iota3A, %add3A_1274], %gather3A_1278 : memref<32x1024xf32, #tpu.memory_space<vmem>>[vector<16xi32>, vector<16xi32>], vector<16xf32>,
      %slice3A_1279 = vector.extract_strided_slice %min3A_1098 {offsets = [13], sizes = [1], strides = [1]} : vector<16xi32> to vector<1xi32>
      %squeeze3A_1280 = vector.extract %slice3A_1279[0] : i32 from vector<1xi32>
      %and3A_1281 = arith.constant 127 : i32
      %and3A_1282 = arith.andi %squeeze3A_1280, %and3A_1281 : i32
      %add3A_1283 = vector.broadcast %and3A_1282 : i32 to vector<16xi32>
      %add3A_1284 = arith.addi %broadcast_in_dim3A_6, %add3A_1283 : vector<16xi32>
      %add3A_1285 = arith.constant 13 : i32
      %add3A_1286 = arith.addi %mul3A_1093, %add3A_1285 : i32
      %add3A_1287 = vector.broadcast %add3A_1286 : i32 to vector<16xi32>
      %add3A_1288 = arith.addi %broadcast_in_dim3A_6, %add3A_1287 : vector<16xi32>
      %add3A_1289 = arith.constant 13 : i32
      %add3A_1290 = vector.broadcast %add3A_1289 : i32 to vector<16xi32>
      %add3A_1291 = arith.addi %broadcast_in_dim3A_6, %add3A_1290 : vector<16xi32>
      %gather3A_1292 = tpu.vector_load_idx %arg10[%add3A_1291, %iota3A, %add3A_1284] : memref<32x16x128xf32, #tpu.memory_space<vmem>>[vector<16xi32>, vector<16xi32>, vector<16xi32>], vector<16xf32>,
      tpu.vector_store_idx %arg13[%iota3A, %add3A_1288], %gather3A_1292 : memref<32x1024xf32, #tpu.memory_space<vmem>>[vector<16xi32>, vector<16xi32>], vector<16xf32>,
      %slice3A_1293 = vector.extract_strided_slice %min3A_1098 {offsets = [14], sizes = [1], strides = [1]} : vector<16xi32> to vector<1xi32>
      %squeeze3A_1294 = vector.extract %slice3A_1293[0] : i32 from vector<1xi32>
      %and3A_1295 = arith.constant 127 : i32
      %and3A_1296 = arith.andi %squeeze3A_1294, %and3A_1295 : i32
      %add3A_1297 = vector.broadcast %and3A_1296 : i32 to vector<16xi32>
      %add3A_1298 = arith.addi %broadcast_in_dim3A_6, %add3A_1297 : vector<16xi32>
      %add3A_1299 = arith.constant 14 : i32
      %add3A_1300 = arith.addi %mul3A_1093, %add3A_1299 : i32
      %add3A_1301 = vector.broadcast %add3A_1300 : i32 to vector<16xi32>
      %add3A_1302 = arith.addi %broadcast_in_dim3A_6, %add3A_1301 : vector<16xi32>
      %add3A_1303 = arith.constant 14 : i32
      %add3A_1304 = vector.broadcast %add3A_1303 : i32 to vector<16xi32>
      %add3A_1305 = arith.addi %broadcast_in_dim3A_6, %add3A_1304 : vector<16xi32>
      %gather3A_1306 = tpu.vector_load_idx %arg10[%add3A_1305, %iota3A, %add3A_1298] : memref<32x16x128xf32, #tpu.memory_space<vmem>>[vector<16xi32>, vector<16xi32>, vector<16xi32>], vector<16xf32>,
      tpu.vector_store_idx %arg13[%iota3A, %add3A_1302], %gather3A_1306 : memref<32x1024xf32, #tpu.memory_space<vmem>>[vector<16xi32>, vector<16xi32>], vector<16xf32>,
      %slice3A_1307 = vector.extract_strided_slice %min3A_1098 {offsets = [15], sizes = [1], strides = [1]} : vector<16xi32> to vector<1xi32>
      %squeeze3A_1308 = vector.extract %slice3A_1307[0] : i32 from vector<1xi32>
      %and3A_1309 = arith.constant 127 : i32
      %and3A_1310 = arith.andi %squeeze3A_1308, %and3A_1309 : i32
      %add3A_1311 = vector.broadcast %and3A_1310 : i32 to vector<16xi32>
      %add3A_1312 = arith.addi %broadcast_in_dim3A_6, %add3A_1311 : vector<16xi32>
      %add3A_1313 = arith.constant 15 : i32
      %add3A_1314 = arith.addi %mul3A_1093, %add3A_1313 : i32
      %add3A_1315 = vector.broadcast %add3A_1314 : i32 to vector<16xi32>
      %add3A_1316 = arith.addi %broadcast_in_dim3A_6, %add3A_1315 : vector<16xi32>
      %add3A_1317 = arith.constant 15 : i32
      %add3A_1318 = vector.broadcast %add3A_1317 : i32 to vector<16xi32>
      %add3A_1319 = arith.addi %broadcast_in_dim3A_6, %add3A_1318 : vector<16xi32>
      %gather3A_1320 = tpu.vector_load_idx %arg10[%add3A_1319, %iota3A, %add3A_1312] : memref<32x16x128xf32, #tpu.memory_space<vmem>>[vector<16xi32>, vector<16xi32>, vector<16xi32>], vector<16xf32>,
      tpu.vector_store_idx %arg13[%iota3A, %add3A_1316], %gather3A_1320 : memref<32x1024xf32, #tpu.memory_space<vmem>>[vector<16xi32>, vector<16xi32>], vector<16xf32>,
      %add3A_1321 = arith.constant 2 : i32
      %add3A_1322 = arith.addi %mul3A_554, %add3A_1321 : i32
      %min3A_1323 = arith.constant 63 : i32
      %min3A_1324 = arith.minsi %add3A_1322, %min3A_1323 : i32
      %mul3A_1325 = arith.constant 16 : i32
      %mul3A_1326 = arith.muli %min3A_1324, %mul3A_1325 : i32
      %get3A_1327 = arith.index_cast %mul3A_1326 : i32 to index
      %get3A_1328 = tpu.vector_load %arg8[%get3A_1327] {strides = array<i32>} : memref<1024xi32, #tpu.memory_space<vmem>>, vector<16xi32>,
      %min3A_1329 = arith.constant 999935 : i32
      %min3A_1330 = vector.broadcast %min3A_1329 : i32 to vector<16xi32>
      %min3A_1331 = arith.minsi %get3A_1328, %min3A_1330 : vector<16xi32>
      %slice3A_1332 = vector.extract_strided_slice %min3A_1331 {offsets = [0], sizes = [1], strides = [1]} : vector<16xi32> to vector<1xi32>
      %squeeze3A_1333 = vector.extract %slice3A_1332[0] : i32 from vector<1xi32>
      %shift_right_arithmetic3A_1334 = arith.constant 7 : i32
      %shift_right_arithmetic3A_1335 = arith.shrsi %squeeze3A_1333, %shift_right_arithmetic3A_1334 : i32
      %mul3A_1336 = arith.constant 128 : i32
      %mul3A_1337 = arith.muli %shift_right_arithmetic3A_1335, %mul3A_1336 : i32
      %multiple_of3A_1338 = tpu.assume_multiple %mul3A_1337, 128 : i32
      %dma_start3A_1339 = arith.constant 0 : i32
      %dma_start3A_1340 = arith.constant 0 : i32
      %dma_start3A_1341 = arith.constant 0 : i32
      %dma_start3A_1342 = tpu.memref_slice %arg10[%dma_start3A_1339, %dma_start3A_1340, %dma_start3A_1341] : memref<32x16x128xf32, #tpu.memory_space<vmem>> -> memref<1x16x128xf32, #tpu.memory_space<vmem>>
      %dma_start3A_1343 = tpu.memref_squeeze %dma_start3A_1342 : memref<1x16x128xf32, #tpu.memory_space<vmem>> -> memref<16x128xf32, #tpu.memory_space<vmem>>
      %dma_start3A_1344 = tpu.memref_slice %arg4[%mul3A_2, %multiple_of3A_1338] : memref<32x1000001xf32, #tpu.memory_space<hbm>> -> memref<16x128xf32, #tpu.memory_space<hbm>>
      %dma_start3A_1345 = arith.constant 0 : i32
      %dma_start3A_1346 = arith.constant 0 : i32
      %dma_start3A_1347 = tpu.memref_slice %arg10[%dma_start3A_1339, %dma_start3A_1345, %dma_start3A_1346] : memref<32x16x128xf32, #tpu.memory_space<vmem>> -> memref<1x16x128xf32, #tpu.memory_space<vmem>>
      %dma_start3A_1348 = tpu.memref_squeeze %dma_start3A_1347 : memref<1x16x128xf32, #tpu.memory_space<vmem>> -> memref<16x128xf32, #tpu.memory_space<vmem>>
      %dma_start3A_1349 = tpu.memref_slice %arg4[%mul3A_2, %multiple_of3A_1338] : memref<32x1000001xf32, #tpu.memory_space<hbm>> -> memref<16x128xf32, #tpu.memory_space<hbm>>
      tpu.enqueue_dma source(%dma_start3A_1349 : memref<16x128xf32, #tpu.memory_space<hbm>>) target(%dma_start3A_1348 : memref<16x128xf32, #tpu.memory_space<vmem>>) target_semaphore(%arg14 : memref<!tpu.dma_semaphore, #tpu.memory_space<semaphore_mem>>)
      %slice3A_1350 = vector.extract_strided_slice %min3A_1331 {offsets = [1], sizes = [1], strides = [1]} : vector<16xi32> to vector<1xi32>
      %squeeze3A_1351 = vector.extract %slice3A_1350[0] : i32 from vector<1xi32>
      %shift_right_arithmetic3A_1352 = arith.constant 7 : i32
      %shift_right_arithmetic3A_1353 = arith.shrsi %squeeze3A_1351, %shift_right_arithmetic3A_1352 : i32
      %mul3A_1354 = arith.constant 128 : i32
      %mul3A_1355 = arith.muli %shift_right_arithmetic3A_1353, %mul3A_1354 : i32
      %multiple_of3A_1356 = tpu.assume_multiple %mul3A_1355, 128 : i32
      %dma_start3A_1357 = arith.constant 1 : i32
      %dma_start3A_1358 = arith.constant 0 : i32
      %dma_start3A_1359 = arith.constant 0 : i32
      %dma_start3A_1360 = tpu.memref_slice %arg10[%dma_start3A_1357, %dma_start3A_1358, %dma_start3A_1359] : memref<32x16x128xf32, #tpu.memory_space<vmem>> -> memref<1x16x128xf32, #tpu.memory_space<vmem>>
      %dma_start3A_1361 = tpu.memref_squeeze %dma_start3A_1360 : memref<1x16x128xf32, #tpu.memory_space<vmem>> -> memref<16x128xf32, #tpu.memory_space<vmem>>
      %dma_start3A_1362 = tpu.memref_slice %arg4[%mul3A_2, %multiple_of3A_1356] : memref<32x1000001xf32, #tpu.memory_space<hbm>> -> memref<16x128xf32, #tpu.memory_space<hbm>>
      %dma_start3A_1363 = arith.constant 0 : i32
      %dma_start3A_1364 = arith.constant 0 : i32
      %dma_start3A_1365 = tpu.memref_slice %arg10[%dma_start3A_1357, %dma_start3A_1363, %dma_start3A_1364] : memref<32x16x128xf32, #tpu.memory_space<vmem>> -> memref<1x16x128xf32, #tpu.memory_space<vmem>>
      %dma_start3A_1366 = tpu.memref_squeeze %dma_start3A_1365 : memref<1x16x128xf32, #tpu.memory_space<vmem>> -> memref<16x128xf32, #tpu.memory_space<vmem>>
      %dma_start3A_1367 = tpu.memref_slice %arg4[%mul3A_2, %multiple_of3A_1356] : memref<32x1000001xf32, #tpu.memory_space<hbm>> -> memref<16x128xf32, #tpu.memory_space<hbm>>
      tpu.enqueue_dma source(%dma_start3A_1367 : memref<16x128xf32, #tpu.memory_space<hbm>>) target(%dma_start3A_1366 : memref<16x128xf32, #tpu.memory_space<vmem>>) target_semaphore(%arg14 : memref<!tpu.dma_semaphore, #tpu.memory_space<semaphore_mem>>)
      %slice3A_1368 = vector.extract_strided_slice %min3A_1331 {offsets = [2], sizes = [1], strides = [1]} : vector<16xi32> to vector<1xi32>
      %squeeze3A_1369 = vector.extract %slice3A_1368[0] : i32 from vector<1xi32>
      %shift_right_arithmetic3A_1370 = arith.constant 7 : i32
      %shift_right_arithmetic3A_1371 = arith.shrsi %squeeze3A_1369, %shift_right_arithmetic3A_1370 : i32
      %mul3A_1372 = arith.constant 128 : i32
      %mul3A_1373 = arith.muli %shift_right_arithmetic3A_1371, %mul3A_1372 : i32
      %multiple_of3A_1374 = tpu.assume_multiple %mul3A_1373, 128 : i32
      %dma_start3A_1375 = arith.constant 2 : i32
      %dma_start3A_1376 = arith.constant 0 : i32
      %dma_start3A_1377 = arith.constant 0 : i32
      %dma_start3A_1378 = tpu.memref_slice %arg10[%dma_start3A_1375, %dma_start3A_1376, %dma_start3A_1377] : memref<32x16x128xf32, #tpu.memory_space<vmem>> -> memref<1x16x128xf32, #tpu.memory_space<vmem>>
      %dma_start3A_1379 = tpu.memref_squeeze %dma_start3A_1378 : memref<1x16x128xf32, #tpu.memory_space<vmem>> -> memref<16x128xf32, #tpu.memory_space<vmem>>
      %dma_start3A_1380 = tpu.memref_slice %arg4[%mul3A_2, %multiple_of3A_1374] : memref<32x1000001xf32, #tpu.memory_space<hbm>> -> memref<16x128xf32, #tpu.memory_space<hbm>>
      %dma_start3A_1381 = arith.constant 0 : i32
      %dma_start3A_1382 = arith.constant 0 : i32
      %dma_start3A_1383 = tpu.memref_slice %arg10[%dma_start3A_1375, %dma_start3A_1381, %dma_start3A_1382] : memref<32x16x128xf32, #tpu.memory_space<vmem>> -> memref<1x16x128xf32, #tpu.memory_space<vmem>>
      %dma_start3A_1384 = tpu.memref_squeeze %dma_start3A_1383 : memref<1x16x128xf32, #tpu.memory_space<vmem>> -> memref<16x128xf32, #tpu.memory_space<vmem>>
      %dma_start3A_1385 = tpu.memref_slice %arg4[%mul3A_2, %multiple_of3A_1374] : memref<32x1000001xf32, #tpu.memory_space<hbm>> -> memref<16x128xf32, #tpu.memory_space<hbm>>
      tpu.enqueue_dma source(%dma_start3A_1385 : memref<16x128xf32, #tpu.memory_space<hbm>>) target(%dma_start3A_1384 : memref<16x128xf32, #tpu.memory_space<vmem>>) target_semaphore(%arg14 : memref<!tpu.dma_semaphore, #tpu.memory_space<semaphore_mem>>)
      %slice3A_1386 = vector.extract_strided_slice %min3A_1331 {offsets = [3], sizes = [1], strides = [1]} : vector<16xi32> to vector<1xi32>
      %squeeze3A_1387 = vector.extract %slice3A_1386[0] : i32 from vector<1xi32>
      %shift_right_arithmetic3A_1388 = arith.constant 7 : i32
      %shift_right_arithmetic3A_1389 = arith.shrsi %squeeze3A_1387, %shift_right_arithmetic3A_1388 : i32
      %mul3A_1390 = arith.constant 128 : i32
      %mul3A_1391 = arith.muli %shift_right_arithmetic3A_1389, %mul3A_1390 : i32
      %multiple_of3A_1392 = tpu.assume_multiple %mul3A_1391, 128 : i32
      %dma_start3A_1393 = arith.constant 3 : i32
      %dma_start3A_1394 = arith.constant 0 : i32
      %dma_start3A_1395 = arith.constant 0 : i32
      %dma_start3A_1396 = tpu.memref_slice %arg10[%dma_start3A_1393, %dma_start3A_1394, %dma_start3A_1395] : memref<32x16x128xf32, #tpu.memory_space<vmem>> -> memref<1x16x128xf32, #tpu.memory_space<vmem>>
      %dma_start3A_1397 = tpu.memref_squeeze %dma_start3A_1396 : memref<1x16x128xf32, #tpu.memory_space<vmem>> -> memref<16x128xf32, #tpu.memory_space<vmem>>
      %dma_start3A_1398 = tpu.memref_slice %arg4[%mul3A_2, %multiple_of3A_1392] : memref<32x1000001xf32, #tpu.memory_space<hbm>> -> memref<16x128xf32, #tpu.memory_space<hbm>>
      %dma_start3A_1399 = arith.constant 0 : i32
      %dma_start3A_1400 = arith.constant 0 : i32
      %dma_start3A_1401 = tpu.memref_slice %arg10[%dma_start3A_1393, %dma_start3A_1399, %dma_start3A_1400] : memref<32x16x128xf32, #tpu.memory_space<vmem>> -> memref<1x16x128xf32, #tpu.memory_space<vmem>>
      %dma_start3A_1402 = tpu.memref_squeeze %dma_start3A_1401 : memref<1x16x128xf32, #tpu.memory_space<vmem>> -> memref<16x128xf32, #tpu.memory_space<vmem>>
      %dma_start3A_1403 = tpu.memref_slice %arg4[%mul3A_2, %multiple_of3A_1392] : memref<32x1000001xf32, #tpu.memory_space<hbm>> -> memref<16x128xf32, #tpu.memory_space<hbm>>
      tpu.enqueue_dma source(%dma_start3A_1403 : memref<16x128xf32, #tpu.memory_space<hbm>>) target(%dma_start3A_1402 : memref<16x128xf32, #tpu.memory_space<vmem>>) target_semaphore(%arg14 : memref<!tpu.dma_semaphore, #tpu.memory_space<semaphore_mem>>)
      %slice3A_1404 = vector.extract_strided_slice %min3A_1331 {offsets = [4], sizes = [1], strides = [1]} : vector<16xi32> to vector<1xi32>
      %squeeze3A_1405 = vector.extract %slice3A_1404[0] : i32 from vector<1xi32>
      %shift_right_arithmetic3A_1406 = arith.constant 7 : i32
      %shift_right_arithmetic3A_1407 = arith.shrsi %squeeze3A_1405, %shift_right_arithmetic3A_1406 : i32
      %mul3A_1408 = arith.constant 128 : i32
      %mul3A_1409 = arith.muli %shift_right_arithmetic3A_1407, %mul3A_1408 : i32
      %multiple_of3A_1410 = tpu.assume_multiple %mul3A_1409, 128 : i32
      %dma_start3A_1411 = arith.constant 4 : i32
      %dma_start3A_1412 = arith.constant 0 : i32
      %dma_start3A_1413 = arith.constant 0 : i32
      %dma_start3A_1414 = tpu.memref_slice %arg10[%dma_start3A_1411, %dma_start3A_1412, %dma_start3A_1413] : memref<32x16x128xf32, #tpu.memory_space<vmem>> -> memref<1x16x128xf32, #tpu.memory_space<vmem>>
      %dma_start3A_1415 = tpu.memref_squeeze %dma_start3A_1414 : memref<1x16x128xf32, #tpu.memory_space<vmem>> -> memref<16x128xf32, #tpu.memory_space<vmem>>
      %dma_start3A_1416 = tpu.memref_slice %arg4[%mul3A_2, %multiple_of3A_1410] : memref<32x1000001xf32, #tpu.memory_space<hbm>> -> memref<16x128xf32, #tpu.memory_space<hbm>>
      %dma_start3A_1417 = arith.constant 0 : i32
      %dma_start3A_1418 = arith.constant 0 : i32
      %dma_start3A_1419 = tpu.memref_slice %arg10[%dma_start3A_1411, %dma_start3A_1417, %dma_start3A_1418] : memref<32x16x128xf32, #tpu.memory_space<vmem>> -> memref<1x16x128xf32, #tpu.memory_space<vmem>>
      %dma_start3A_1420 = tpu.memref_squeeze %dma_start3A_1419 : memref<1x16x128xf32, #tpu.memory_space<vmem>> -> memref<16x128xf32, #tpu.memory_space<vmem>>
      %dma_start3A_1421 = tpu.memref_slice %arg4[%mul3A_2, %multiple_of3A_1410] : memref<32x1000001xf32, #tpu.memory_space<hbm>> -> memref<16x128xf32, #tpu.memory_space<hbm>>
      tpu.enqueue_dma source(%dma_start3A_1421 : memref<16x128xf32, #tpu.memory_space<hbm>>) target(%dma_start3A_1420 : memref<16x128xf32, #tpu.memory_space<vmem>>) target_semaphore(%arg14 : memref<!tpu.dma_semaphore, #tpu.memory_space<semaphore_mem>>)
      %slice3A_1422 = vector.extract_strided_slice %min3A_1331 {offsets = [5], sizes = [1], strides = [1]} : vector<16xi32> to vector<1xi32>
      %squeeze3A_1423 = vector.extract %slice3A_1422[0] : i32 from vector<1xi32>
      %shift_right_arithmetic3A_1424 = arith.constant 7 : i32
      %shift_right_arithmetic3A_1425 = arith.shrsi %squeeze3A_1423, %shift_right_arithmetic3A_1424 : i32
      %mul3A_1426 = arith.constant 128 : i32
      %mul3A_1427 = arith.muli %shift_right_arithmetic3A_1425, %mul3A_1426 : i32
      %multiple_of3A_1428 = tpu.assume_multiple %mul3A_1427, 128 : i32
      %dma_start3A_1429 = arith.constant 5 : i32
      %dma_start3A_1430 = arith.constant 0 : i32
      %dma_start3A_1431 = arith.constant 0 : i32
      %dma_start3A_1432 = tpu.memref_slice %arg10[%dma_start3A_1429, %dma_start3A_1430, %dma_start3A_1431] : memref<32x16x128xf32, #tpu.memory_space<vmem>> -> memref<1x16x128xf32, #tpu.memory_space<vmem>>
      %dma_start3A_1433 = tpu.memref_squeeze %dma_start3A_1432 : memref<1x16x128xf32, #tpu.memory_space<vmem>> -> memref<16x128xf32, #tpu.memory_space<vmem>>
      %dma_start3A_1434 = tpu.memref_slice %arg4[%mul3A_2, %multiple_of3A_1428] : memref<32x1000001xf32, #tpu.memory_space<hbm>> -> memref<16x128xf32, #tpu.memory_space<hbm>>
      %dma_start3A_1435 = arith.constant 0 : i32
      %dma_start3A_1436 = arith.constant 0 : i32
      %dma_start3A_1437 = tpu.memref_slice %arg10[%dma_start3A_1429, %dma_start3A_1435, %dma_start3A_1436] : memref<32x16x128xf32, #tpu.memory_space<vmem>> -> memref<1x16x128xf32, #tpu.memory_space<vmem>>
      %dma_start3A_1438 = tpu.memref_squeeze %dma_start3A_1437 : memref<1x16x128xf32, #tpu.memory_space<vmem>> -> memref<16x128xf32, #tpu.memory_space<vmem>>
      %dma_start3A_1439 = tpu.memref_slice %arg4[%mul3A_2, %multiple_of3A_1428] : memref<32x1000001xf32, #tpu.memory_space<hbm>> -> memref<16x128xf32, #tpu.memory_space<hbm>>
      tpu.enqueue_dma source(%dma_start3A_1439 : memref<16x128xf32, #tpu.memory_space<hbm>>) target(%dma_start3A_1438 : memref<16x128xf32, #tpu.memory_space<vmem>>) target_semaphore(%arg14 : memref<!tpu.dma_semaphore, #tpu.memory_space<semaphore_mem>>)
      %slice3A_1440 = vector.extract_strided_slice %min3A_1331 {offsets = [6], sizes = [1], strides = [1]} : vector<16xi32> to vector<1xi32>
      %squeeze3A_1441 = vector.extract %slice3A_1440[0] : i32 from vector<1xi32>
      %shift_right_arithmetic3A_1442 = arith.constant 7 : i32
      %shift_right_arithmetic3A_1443 = arith.shrsi %squeeze3A_1441, %shift_right_arithmetic3A_1442 : i32
      %mul3A_1444 = arith.constant 128 : i32
      %mul3A_1445 = arith.muli %shift_right_arithmetic3A_1443, %mul3A_1444 : i32
      %multiple_of3A_1446 = tpu.assume_multiple %mul3A_1445, 128 : i32
      %dma_start3A_1447 = arith.constant 6 : i32
      %dma_start3A_1448 = arith.constant 0 : i32
      %dma_start3A_1449 = arith.constant 0 : i32
      %dma_start3A_1450 = tpu.memref_slice %arg10[%dma_start3A_1447, %dma_start3A_1448, %dma_start3A_1449] : memref<32x16x128xf32, #tpu.memory_space<vmem>> -> memref<1x16x128xf32, #tpu.memory_space<vmem>>
      %dma_start3A_1451 = tpu.memref_squeeze %dma_start3A_1450 : memref<1x16x128xf32, #tpu.memory_space<vmem>> -> memref<16x128xf32, #tpu.memory_space<vmem>>
      %dma_start3A_1452 = tpu.memref_slice %arg4[%mul3A_2, %multiple_of3A_1446] : memref<32x1000001xf32, #tpu.memory_space<hbm>> -> memref<16x128xf32, #tpu.memory_space<hbm>>
      %dma_start3A_1453 = arith.constant 0 : i32
      %dma_start3A_1454 = arith.constant 0 : i32
      %dma_start3A_1455 = tpu.memref_slice %arg10[%dma_start3A_1447, %dma_start3A_1453, %dma_start3A_1454] : memref<32x16x128xf32, #tpu.memory_space<vmem>> -> memref<1x16x128xf32, #tpu.memory_space<vmem>>
      %dma_start3A_1456 = tpu.memref_squeeze %dma_start3A_1455 : memref<1x16x128xf32, #tpu.memory_space<vmem>> -> memref<16x128xf32, #tpu.memory_space<vmem>>
      %dma_start3A_1457 = tpu.memref_slice %arg4[%mul3A_2, %multiple_of3A_1446] : memref<32x1000001xf32, #tpu.memory_space<hbm>> -> memref<16x128xf32, #tpu.memory_space<hbm>>
      tpu.enqueue_dma source(%dma_start3A_1457 : memref<16x128xf32, #tpu.memory_space<hbm>>) target(%dma_start3A_1456 : memref<16x128xf32, #tpu.memory_space<vmem>>) target_semaphore(%arg14 : memref<!tpu.dma_semaphore, #tpu.memory_space<semaphore_mem>>)
      %slice3A_1458 = vector.extract_strided_slice %min3A_1331 {offsets = [7], sizes = [1], strides = [1]} : vector<16xi32> to vector<1xi32>
      %squeeze3A_1459 = vector.extract %slice3A_1458[0] : i32 from vector<1xi32>
      %shift_right_arithmetic3A_1460 = arith.constant 7 : i32
      %shift_right_arithmetic3A_1461 = arith.shrsi %squeeze3A_1459, %shift_right_arithmetic3A_1460 : i32
      %mul3A_1462 = arith.constant 128 : i32
      %mul3A_1463 = arith.muli %shift_right_arithmetic3A_1461, %mul3A_1462 : i32
      %multiple_of3A_1464 = tpu.assume_multiple %mul3A_1463, 128 : i32
      %dma_start3A_1465 = arith.constant 7 : i32
      %dma_start3A_1466 = arith.constant 0 : i32
      %dma_start3A_1467 = arith.constant 0 : i32
      %dma_start3A_1468 = tpu.memref_slice %arg10[%dma_start3A_1465, %dma_start3A_1466, %dma_start3A_1467] : memref<32x16x128xf32, #tpu.memory_space<vmem>> -> memref<1x16x128xf32, #tpu.memory_space<vmem>>
      %dma_start3A_1469 = tpu.memref_squeeze %dma_start3A_1468 : memref<1x16x128xf32, #tpu.memory_space<vmem>> -> memref<16x128xf32, #tpu.memory_space<vmem>>
      %dma_start3A_1470 = tpu.memref_slice %arg4[%mul3A_2, %multiple_of3A_1464] : memref<32x1000001xf32, #tpu.memory_space<hbm>> -> memref<16x128xf32, #tpu.memory_space<hbm>>
      %dma_start3A_1471 = arith.constant 0 : i32
      %dma_start3A_1472 = arith.constant 0 : i32
      %dma_start3A_1473 = tpu.memref_slice %arg10[%dma_start3A_1465, %dma_start3A_1471, %dma_start3A_1472] : memref<32x16x128xf32, #tpu.memory_space<vmem>> -> memref<1x16x128xf32, #tpu.memory_space<vmem>>
      %dma_start3A_1474 = tpu.memref_squeeze %dma_start3A_1473 : memref<1x16x128xf32, #tpu.memory_space<vmem>> -> memref<16x128xf32, #tpu.memory_space<vmem>>
      %dma_start3A_1475 = tpu.memref_slice %arg4[%mul3A_2, %multiple_of3A_1464] : memref<32x1000001xf32, #tpu.memory_space<hbm>> -> memref<16x128xf32, #tpu.memory_space<hbm>>
      tpu.enqueue_dma source(%dma_start3A_1475 : memref<16x128xf32, #tpu.memory_space<hbm>>) target(%dma_start3A_1474 : memref<16x128xf32, #tpu.memory_space<vmem>>) target_semaphore(%arg14 : memref<!tpu.dma_semaphore, #tpu.memory_space<semaphore_mem>>)
      %slice3A_1476 = vector.extract_strided_slice %min3A_1331 {offsets = [8], sizes = [1], strides = [1]} : vector<16xi32> to vector<1xi32>
      %squeeze3A_1477 = vector.extract %slice3A_1476[0] : i32 from vector<1xi32>
      %shift_right_arithmetic3A_1478 = arith.constant 7 : i32
      %shift_right_arithmetic3A_1479 = arith.shrsi %squeeze3A_1477, %shift_right_arithmetic3A_1478 : i32
      %mul3A_1480 = arith.constant 128 : i32
      %mul3A_1481 = arith.muli %shift_right_arithmetic3A_1479, %mul3A_1480 : i32
      %multiple_of3A_1482 = tpu.assume_multiple %mul3A_1481, 128 : i32
      %dma_start3A_1483 = arith.constant 8 : i32
      %dma_start3A_1484 = arith.constant 0 : i32
      %dma_start3A_1485 = arith.constant 0 : i32
      %dma_start3A_1486 = tpu.memref_slice %arg10[%dma_start3A_1483, %dma_start3A_1484, %dma_start3A_1485] : memref<32x16x128xf32, #tpu.memory_space<vmem>> -> memref<1x16x128xf32, #tpu.memory_space<vmem>>
      %dma_start3A_1487 = tpu.memref_squeeze %dma_start3A_1486 : memref<1x16x128xf32, #tpu.memory_space<vmem>> -> memref<16x128xf32, #tpu.memory_space<vmem>>
      %dma_start3A_1488 = tpu.memref_slice %arg4[%mul3A_2, %multiple_of3A_1482] : memref<32x1000001xf32, #tpu.memory_space<hbm>> -> memref<16x128xf32, #tpu.memory_space<hbm>>
      %dma_start3A_1489 = arith.constant 0 : i32
      %dma_start3A_1490 = arith.constant 0 : i32
      %dma_start3A_1491 = tpu.memref_slice %arg10[%dma_start3A_1483, %dma_start3A_1489, %dma_start3A_1490] : memref<32x16x128xf32, #tpu.memory_space<vmem>> -> memref<1x16x128xf32, #tpu.memory_space<vmem>>
      %dma_start3A_1492 = tpu.memref_squeeze %dma_start3A_1491 : memref<1x16x128xf32, #tpu.memory_space<vmem>> -> memref<16x128xf32, #tpu.memory_space<vmem>>
      %dma_start3A_1493 = tpu.memref_slice %arg4[%mul3A_2, %multiple_of3A_1482] : memref<32x1000001xf32, #tpu.memory_space<hbm>> -> memref<16x128xf32, #tpu.memory_space<hbm>>
      tpu.enqueue_dma source(%dma_start3A_1493 : memref<16x128xf32, #tpu.memory_space<hbm>>) target(%dma_start3A_1492 : memref<16x128xf32, #tpu.memory_space<vmem>>) target_semaphore(%arg14 : memref<!tpu.dma_semaphore, #tpu.memory_space<semaphore_mem>>)
      %slice3A_1494 = vector.extract_strided_slice %min3A_1331 {offsets = [9], sizes = [1], strides = [1]} : vector<16xi32> to vector<1xi32>
      %squeeze3A_1495 = vector.extract %slice3A_1494[0] : i32 from vector<1xi32>
      %shift_right_arithmetic3A_1496 = arith.constant 7 : i32
      %shift_right_arithmetic3A_1497 = arith.shrsi %squeeze3A_1495, %shift_right_arithmetic3A_1496 : i32
      %mul3A_1498 = arith.constant 128 : i32
      %mul3A_1499 = arith.muli %shift_right_arithmetic3A_1497, %mul3A_1498 : i32
      %multiple_of3A_1500 = tpu.assume_multiple %mul3A_1499, 128 : i32
      %dma_start3A_1501 = arith.constant 9 : i32
      %dma_start3A_1502 = arith.constant 0 : i32
      %dma_start3A_1503 = arith.constant 0 : i32
      %dma_start3A_1504 = tpu.memref_slice %arg10[%dma_start3A_1501, %dma_start3A_1502, %dma_start3A_1503] : memref<32x16x128xf32, #tpu.memory_space<vmem>> -> memref<1x16x128xf32, #tpu.memory_space<vmem>>
      %dma_start3A_1505 = tpu.memref_squeeze %dma_start3A_1504 : memref<1x16x128xf32, #tpu.memory_space<vmem>> -> memref<16x128xf32, #tpu.memory_space<vmem>>
      %dma_start3A_1506 = tpu.memref_slice %arg4[%mul3A_2, %multiple_of3A_1500] : memref<32x1000001xf32, #tpu.memory_space<hbm>> -> memref<16x128xf32, #tpu.memory_space<hbm>>
      %dma_start3A_1507 = arith.constant 0 : i32
      %dma_start3A_1508 = arith.constant 0 : i32
      %dma_start3A_1509 = tpu.memref_slice %arg10[%dma_start3A_1501, %dma_start3A_1507, %dma_start3A_1508] : memref<32x16x128xf32, #tpu.memory_space<vmem>> -> memref<1x16x128xf32, #tpu.memory_space<vmem>>
      %dma_start3A_1510 = tpu.memref_squeeze %dma_start3A_1509 : memref<1x16x128xf32, #tpu.memory_space<vmem>> -> memref<16x128xf32, #tpu.memory_space<vmem>>
      %dma_start3A_1511 = tpu.memref_slice %arg4[%mul3A_2, %multiple_of3A_1500] : memref<32x1000001xf32, #tpu.memory_space<hbm>> -> memref<16x128xf32, #tpu.memory_space<hbm>>
      tpu.enqueue_dma source(%dma_start3A_1511 : memref<16x128xf32, #tpu.memory_space<hbm>>) target(%dma_start3A_1510 : memref<16x128xf32, #tpu.memory_space<vmem>>) target_semaphore(%arg14 : memref<!tpu.dma_semaphore, #tpu.memory_space<semaphore_mem>>)
      %slice3A_1512 = vector.extract_strided_slice %min3A_1331 {offsets = [10], sizes = [1], strides = [1]} : vector<16xi32> to vector<1xi32>
      %squeeze3A_1513 = vector.extract %slice3A_1512[0] : i32 from vector<1xi32>
      %shift_right_arithmetic3A_1514 = arith.constant 7 : i32
      %shift_right_arithmetic3A_1515 = arith.shrsi %squeeze3A_1513, %shift_right_arithmetic3A_1514 : i32
      %mul3A_1516 = arith.constant 128 : i32
      %mul3A_1517 = arith.muli %shift_right_arithmetic3A_1515, %mul3A_1516 : i32
      %multiple_of3A_1518 = tpu.assume_multiple %mul3A_1517, 128 : i32
      %dma_start3A_1519 = arith.constant 10 : i32
      %dma_start3A_1520 = arith.constant 0 : i32
      %dma_start3A_1521 = arith.constant 0 : i32
      %dma_start3A_1522 = tpu.memref_slice %arg10[%dma_start3A_1519, %dma_start3A_1520, %dma_start3A_1521] : memref<32x16x128xf32, #tpu.memory_space<vmem>> -> memref<1x16x128xf32, #tpu.memory_space<vmem>>
      %dma_start3A_1523 = tpu.memref_squeeze %dma_start3A_1522 : memref<1x16x128xf32, #tpu.memory_space<vmem>> -> memref<16x128xf32, #tpu.memory_space<vmem>>
      %dma_start3A_1524 = tpu.memref_slice %arg4[%mul3A_2, %multiple_of3A_1518] : memref<32x1000001xf32, #tpu.memory_space<hbm>> -> memref<16x128xf32, #tpu.memory_space<hbm>>
      %dma_start3A_1525 = arith.constant 0 : i32
      %dma_start3A_1526 = arith.constant 0 : i32
      %dma_start3A_1527 = tpu.memref_slice %arg10[%dma_start3A_1519, %dma_start3A_1525, %dma_start3A_1526] : memref<32x16x128xf32, #tpu.memory_space<vmem>> -> memref<1x16x128xf32, #tpu.memory_space<vmem>>
      %dma_start3A_1528 = tpu.memref_squeeze %dma_start3A_1527 : memref<1x16x128xf32, #tpu.memory_space<vmem>> -> memref<16x128xf32, #tpu.memory_space<vmem>>
      %dma_start3A_1529 = tpu.memref_slice %arg4[%mul3A_2, %multiple_of3A_1518] : memref<32x1000001xf32, #tpu.memory_space<hbm>> -> memref<16x128xf32, #tpu.memory_space<hbm>>
      tpu.enqueue_dma source(%dma_start3A_1529 : memref<16x128xf32, #tpu.memory_space<hbm>>) target(%dma_start3A_1528 : memref<16x128xf32, #tpu.memory_space<vmem>>) target_semaphore(%arg14 : memref<!tpu.dma_semaphore, #tpu.memory_space<semaphore_mem>>)
      %slice3A_1530 = vector.extract_strided_slice %min3A_1331 {offsets = [11], sizes = [1], strides = [1]} : vector<16xi32> to vector<1xi32>
      %squeeze3A_1531 = vector.extract %slice3A_1530[0] : i32 from vector<1xi32>
      %shift_right_arithmetic3A_1532 = arith.constant 7 : i32
      %shift_right_arithmetic3A_1533 = arith.shrsi %squeeze3A_1531, %shift_right_arithmetic3A_1532 : i32
      %mul3A_1534 = arith.constant 128 : i32
      %mul3A_1535 = arith.muli %shift_right_arithmetic3A_1533, %mul3A_1534 : i32
      %multiple_of3A_1536 = tpu.assume_multiple %mul3A_1535, 128 : i32
      %dma_start3A_1537 = arith.constant 11 : i32
      %dma_start3A_1538 = arith.constant 0 : i32
      %dma_start3A_1539 = arith.constant 0 : i32
      %dma_start3A_1540 = tpu.memref_slice %arg10[%dma_start3A_1537, %dma_start3A_1538, %dma_start3A_1539] : memref<32x16x128xf32, #tpu.memory_space<vmem>> -> memref<1x16x128xf32, #tpu.memory_space<vmem>>
      %dma_start3A_1541 = tpu.memref_squeeze %dma_start3A_1540 : memref<1x16x128xf32, #tpu.memory_space<vmem>> -> memref<16x128xf32, #tpu.memory_space<vmem>>
      %dma_start3A_1542 = tpu.memref_slice %arg4[%mul3A_2, %multiple_of3A_1536] : memref<32x1000001xf32, #tpu.memory_space<hbm>> -> memref<16x128xf32, #tpu.memory_space<hbm>>
      %dma_start3A_1543 = arith.constant 0 : i32
      %dma_start3A_1544 = arith.constant 0 : i32
      %dma_start3A_1545 = tpu.memref_slice %arg10[%dma_start3A_1537, %dma_start3A_1543, %dma_start3A_1544] : memref<32x16x128xf32, #tpu.memory_space<vmem>> -> memref<1x16x128xf32, #tpu.memory_space<vmem>>
      %dma_start3A_1546 = tpu.memref_squeeze %dma_start3A_1545 : memref<1x16x128xf32, #tpu.memory_space<vmem>> -> memref<16x128xf32, #tpu.memory_space<vmem>>
      %dma_start3A_1547 = tpu.memref_slice %arg4[%mul3A_2, %multiple_of3A_1536] : memref<32x1000001xf32, #tpu.memory_space<hbm>> -> memref<16x128xf32, #tpu.memory_space<hbm>>
      tpu.enqueue_dma source(%dma_start3A_1547 : memref<16x128xf32, #tpu.memory_space<hbm>>) target(%dma_start3A_1546 : memref<16x128xf32, #tpu.memory_space<vmem>>) target_semaphore(%arg14 : memref<!tpu.dma_semaphore, #tpu.memory_space<semaphore_mem>>)
      %slice3A_1548 = vector.extract_strided_slice %min3A_1331 {offsets = [12], sizes = [1], strides = [1]} : vector<16xi32> to vector<1xi32>
      %squeeze3A_1549 = vector.extract %slice3A_1548[0] : i32 from vector<1xi32>
      %shift_right_arithmetic3A_1550 = arith.constant 7 : i32
      %shift_right_arithmetic3A_1551 = arith.shrsi %squeeze3A_1549, %shift_right_arithmetic3A_1550 : i32
      %mul3A_1552 = arith.constant 128 : i32
      %mul3A_1553 = arith.muli %shift_right_arithmetic3A_1551, %mul3A_1552 : i32
      %multiple_of3A_1554 = tpu.assume_multiple %mul3A_1553, 128 : i32
      %dma_start3A_1555 = arith.constant 12 : i32
      %dma_start3A_1556 = arith.constant 0 : i32
      %dma_start3A_1557 = arith.constant 0 : i32
      %dma_start3A_1558 = tpu.memref_slice %arg10[%dma_start3A_1555, %dma_start3A_1556, %dma_start3A_1557] : memref<32x16x128xf32, #tpu.memory_space<vmem>> -> memref<1x16x128xf32, #tpu.memory_space<vmem>>
      %dma_start3A_1559 = tpu.memref_squeeze %dma_start3A_1558 : memref<1x16x128xf32, #tpu.memory_space<vmem>> -> memref<16x128xf32, #tpu.memory_space<vmem>>
      %dma_start3A_1560 = tpu.memref_slice %arg4[%mul3A_2, %multiple_of3A_1554] : memref<32x1000001xf32, #tpu.memory_space<hbm>> -> memref<16x128xf32, #tpu.memory_space<hbm>>
      %dma_start3A_1561 = arith.constant 0 : i32
      %dma_start3A_1562 = arith.constant 0 : i32
      %dma_start3A_1563 = tpu.memref_slice %arg10[%dma_start3A_1555, %dma_start3A_1561, %dma_start3A_1562] : memref<32x16x128xf32, #tpu.memory_space<vmem>> -> memref<1x16x128xf32, #tpu.memory_space<vmem>>
      %dma_start3A_1564 = tpu.memref_squeeze %dma_start3A_1563 : memref<1x16x128xf32, #tpu.memory_space<vmem>> -> memref<16x128xf32, #tpu.memory_space<vmem>>
      %dma_start3A_1565 = tpu.memref_slice %arg4[%mul3A_2, %multiple_of3A_1554] : memref<32x1000001xf32, #tpu.memory_space<hbm>> -> memref<16x128xf32, #tpu.memory_space<hbm>>
      tpu.enqueue_dma source(%dma_start3A_1565 : memref<16x128xf32, #tpu.memory_space<hbm>>) target(%dma_start3A_1564 : memref<16x128xf32, #tpu.memory_space<vmem>>) target_semaphore(%arg14 : memref<!tpu.dma_semaphore, #tpu.memory_space<semaphore_mem>>)
      %slice3A_1566 = vector.extract_strided_slice %min3A_1331 {offsets = [13], sizes = [1], strides = [1]} : vector<16xi32> to vector<1xi32>
      %squeeze3A_1567 = vector.extract %slice3A_1566[0] : i32 from vector<1xi32>
      %shift_right_arithmetic3A_1568 = arith.constant 7 : i32
      %shift_right_arithmetic3A_1569 = arith.shrsi %squeeze3A_1567, %shift_right_arithmetic3A_1568 : i32
      %mul3A_1570 = arith.constant 128 : i32
      %mul3A_1571 = arith.muli %shift_right_arithmetic3A_1569, %mul3A_1570 : i32
      %multiple_of3A_1572 = tpu.assume_multiple %mul3A_1571, 128 : i32
      %dma_start3A_1573 = arith.constant 13 : i32
      %dma_start3A_1574 = arith.constant 0 : i32
      %dma_start3A_1575 = arith.constant 0 : i32
      %dma_start3A_1576 = tpu.memref_slice %arg10[%dma_start3A_1573, %dma_start3A_1574, %dma_start3A_1575] : memref<32x16x128xf32, #tpu.memory_space<vmem>> -> memref<1x16x128xf32, #tpu.memory_space<vmem>>
      %dma_start3A_1577 = tpu.memref_squeeze %dma_start3A_1576 : memref<1x16x128xf32, #tpu.memory_space<vmem>> -> memref<16x128xf32, #tpu.memory_space<vmem>>
      %dma_start3A_1578 = tpu.memref_slice %arg4[%mul3A_2, %multiple_of3A_1572] : memref<32x1000001xf32, #tpu.memory_space<hbm>> -> memref<16x128xf32, #tpu.memory_space<hbm>>
      %dma_start3A_1579 = arith.constant 0 : i32
      %dma_start3A_1580 = arith.constant 0 : i32
      %dma_start3A_1581 = tpu.memref_slice %arg10[%dma_start3A_1573, %dma_start3A_1579, %dma_start3A_1580] : memref<32x16x128xf32, #tpu.memory_space<vmem>> -> memref<1x16x128xf32, #tpu.memory_space<vmem>>
      %dma_start3A_1582 = tpu.memref_squeeze %dma_start3A_1581 : memref<1x16x128xf32, #tpu.memory_space<vmem>> -> memref<16x128xf32, #tpu.memory_space<vmem>>
      %dma_start3A_1583 = tpu.memref_slice %arg4[%mul3A_2, %multiple_of3A_1572] : memref<32x1000001xf32, #tpu.memory_space<hbm>> -> memref<16x128xf32, #tpu.memory_space<hbm>>
      tpu.enqueue_dma source(%dma_start3A_1583 : memref<16x128xf32, #tpu.memory_space<hbm>>) target(%dma_start3A_1582 : memref<16x128xf32, #tpu.memory_space<vmem>>) target_semaphore(%arg14 : memref<!tpu.dma_semaphore, #tpu.memory_space<semaphore_mem>>)
      %slice3A_1584 = vector.extract_strided_slice %min3A_1331 {offsets = [14], sizes = [1], strides = [1]} : vector<16xi32> to vector<1xi32>
      %squeeze3A_1585 = vector.extract %slice3A_1584[0] : i32 from vector<1xi32>
      %shift_right_arithmetic3A_1586 = arith.constant 7 : i32
      %shift_right_arithmetic3A_1587 = arith.shrsi %squeeze3A_1585, %shift_right_arithmetic3A_1586 : i32
      %mul3A_1588 = arith.constant 128 : i32
      %mul3A_1589 = arith.muli %shift_right_arithmetic3A_1587, %mul3A_1588 : i32
      %multiple_of3A_1590 = tpu.assume_multiple %mul3A_1589, 128 : i32
      %dma_start3A_1591 = arith.constant 14 : i32
      %dma_start3A_1592 = arith.constant 0 : i32
      %dma_start3A_1593 = arith.constant 0 : i32
      %dma_start3A_1594 = tpu.memref_slice %arg10[%dma_start3A_1591, %dma_start3A_1592, %dma_start3A_1593] : memref<32x16x128xf32, #tpu.memory_space<vmem>> -> memref<1x16x128xf32, #tpu.memory_space<vmem>>
      %dma_start3A_1595 = tpu.memref_squeeze %dma_start3A_1594 : memref<1x16x128xf32, #tpu.memory_space<vmem>> -> memref<16x128xf32, #tpu.memory_space<vmem>>
      %dma_start3A_1596 = tpu.memref_slice %arg4[%mul3A_2, %multiple_of3A_1590] : memref<32x1000001xf32, #tpu.memory_space<hbm>> -> memref<16x128xf32, #tpu.memory_space<hbm>>
      %dma_start3A_1597 = arith.constant 0 : i32
      %dma_start3A_1598 = arith.constant 0 : i32
      %dma_start3A_1599 = tpu.memref_slice %arg10[%dma_start3A_1591, %dma_start3A_1597, %dma_start3A_1598] : memref<32x16x128xf32, #tpu.memory_space<vmem>> -> memref<1x16x128xf32, #tpu.memory_space<vmem>>
      %dma_start3A_1600 = tpu.memref_squeeze %dma_start3A_1599 : memref<1x16x128xf32, #tpu.memory_space<vmem>> -> memref<16x128xf32, #tpu.memory_space<vmem>>
      %dma_start3A_1601 = tpu.memref_slice %arg4[%mul3A_2, %multiple_of3A_1590] : memref<32x1000001xf32, #tpu.memory_space<hbm>> -> memref<16x128xf32, #tpu.memory_space<hbm>>
      tpu.enqueue_dma source(%dma_start3A_1601 : memref<16x128xf32, #tpu.memory_space<hbm>>) target(%dma_start3A_1600 : memref<16x128xf32, #tpu.memory_space<vmem>>) target_semaphore(%arg14 : memref<!tpu.dma_semaphore, #tpu.memory_space<semaphore_mem>>)
      %slice3A_1602 = vector.extract_strided_slice %min3A_1331 {offsets = [15], sizes = [1], strides = [1]} : vector<16xi32> to vector<1xi32>
      %squeeze3A_1603 = vector.extract %slice3A_1602[0] : i32 from vector<1xi32>
      %shift_right_arithmetic3A_1604 = arith.constant 7 : i32
      %shift_right_arithmetic3A_1605 = arith.shrsi %squeeze3A_1603, %shift_right_arithmetic3A_1604 : i32
      %mul3A_1606 = arith.constant 128 : i32
      %mul3A_1607 = arith.muli %shift_right_arithmetic3A_1605, %mul3A_1606 : i32
      %multiple_of3A_1608 = tpu.assume_multiple %mul3A_1607, 128 : i32
      %dma_start3A_1609 = arith.constant 15 : i32
      %dma_start3A_1610 = arith.constant 0 : i32
      %dma_start3A_1611 = arith.constant 0 : i32
      %dma_start3A_1612 = tpu.memref_slice %arg10[%dma_start3A_1609, %dma_start3A_1610, %dma_start3A_1611] : memref<32x16x128xf32, #tpu.memory_space<vmem>> -> memref<1x16x128xf32, #tpu.memory_space<vmem>>
      %dma_start3A_1613 = tpu.memref_squeeze %dma_start3A_1612 : memref<1x16x128xf32, #tpu.memory_space<vmem>> -> memref<16x128xf32, #tpu.memory_space<vmem>>
      %dma_start3A_1614 = tpu.memref_slice %arg4[%mul3A_2, %multiple_of3A_1608] : memref<32x1000001xf32, #tpu.memory_space<hbm>> -> memref<16x128xf32, #tpu.memory_space<hbm>>
      %dma_start3A_1615 = arith.constant 0 : i32
      %dma_start3A_1616 = arith.constant 0 : i32
      %dma_start3A_1617 = tpu.memref_slice %arg10[%dma_start3A_1609, %dma_start3A_1615, %dma_start3A_1616] : memref<32x16x128xf32, #tpu.memory_space<vmem>> -> memref<1x16x128xf32, #tpu.memory_space<vmem>>
      %dma_start3A_1618 = tpu.memref_squeeze %dma_start3A_1617 : memref<1x16x128xf32, #tpu.memory_space<vmem>> -> memref<16x128xf32, #tpu.memory_space<vmem>>
      %dma_start3A_1619 = tpu.memref_slice %arg4[%mul3A_2, %multiple_of3A_1608] : memref<32x1000001xf32, #tpu.memory_space<hbm>> -> memref<16x128xf32, #tpu.memory_space<hbm>>
      tpu.enqueue_dma source(%dma_start3A_1619 : memref<16x128xf32, #tpu.memory_space<hbm>>) target(%dma_start3A_1618 : memref<16x128xf32, #tpu.memory_space<vmem>>) target_semaphore(%arg14 : memref<!tpu.dma_semaphore, #tpu.memory_space<semaphore_mem>>)
      %dma_wait3A_1620 = arith.constant 0 : i32
      %dma_wait3A_1621 = arith.constant 0 : i32
      %dma_wait3A_1622 = arith.constant 0 : i32
      %dma_wait3A_1623 = tpu.memref_slice %arg10[%dma_wait3A_1620, %dma_wait3A_1621, %dma_wait3A_1622] : memref<32x16x128xf32, #tpu.memory_space<vmem>> -> memref<1x16x128xf32, #tpu.memory_space<vmem>>
      %dma_wait3A_1624 = tpu.memref_squeeze %dma_wait3A_1623 : memref<1x16x128xf32, #tpu.memory_space<vmem>> -> memref<16x128xf32, #tpu.memory_space<vmem>>
      %dma_wait3A_1625 = arith.constant 0 : i32
      %dma_wait3A_1626 = arith.constant 0 : i32
      %dma_wait3A_1627 = tpu.memref_slice %arg4[%dma_wait3A_1625, %dma_wait3A_1626] : memref<32x1000001xf32, #tpu.memory_space<hbm>> -> memref<16x128xf32, #tpu.memory_space<hbm>>
      %dma_wait3A_1628 = arith.constant 0 : i32
      %dma_wait3A_1629 = arith.constant 0 : i32
      %dma_wait3A_1630 = tpu.memref_slice %arg10[%dma_wait3A_1620, %dma_wait3A_1628, %dma_wait3A_1629] : memref<32x16x128xf32, #tpu.memory_space<vmem>> -> memref<1x16x128xf32, #tpu.memory_space<vmem>>
      %dma_wait3A_1631 = tpu.memref_squeeze %dma_wait3A_1630 : memref<1x16x128xf32, #tpu.memory_space<vmem>> -> memref<16x128xf32, #tpu.memory_space<vmem>>
      %dma_wait3A_1632 = arith.constant 0 : i32
      %dma_wait3A_1633 = arith.constant 0 : i32
      %dma_wait3A_1634 = tpu.memref_slice %arg4[%dma_wait3A_1632, %dma_wait3A_1633] : memref<32x1000001xf32, #tpu.memory_space<hbm>> -> memref<16x128xf32, #tpu.memory_space<hbm>>
      tpu.wait_dma2 semaphore(%arg16 : memref<!tpu.dma_semaphore, #tpu.memory_space<semaphore_mem>>) src(%dma_wait3A_1634 : memref<16x128xf32, #tpu.memory_space<hbm>>) dst(%dma_wait3A_1631 : memref<16x128xf32, #tpu.memory_space<vmem>>)
      %dma_wait3A_1635 = arith.constant 0 : i32
      %dma_wait3A_1636 = arith.constant 0 : i32
      %dma_wait3A_1637 = arith.constant 0 : i32
      %dma_wait3A_1638 = tpu.memref_slice %arg10[%dma_wait3A_1635, %dma_wait3A_1636, %dma_wait3A_1637] : memref<32x16x128xf32, #tpu.memory_space<vmem>> -> memref<1x16x128xf32, #tpu.memory_space<vmem>>
      %dma_wait3A_1639 = tpu.memref_squeeze %dma_wait3A_1638 : memref<1x16x128xf32, #tpu.memory_space<vmem>> -> memref<16x128xf32, #tpu.memory_space<vmem>>
      %dma_wait3A_1640 = arith.constant 0 : i32
      %dma_wait3A_1641 = arith.constant 0 : i32
      %dma_wait3A_1642 = tpu.memref_slice %arg4[%dma_wait3A_1640, %dma_wait3A_1641] : memref<32x1000001xf32, #tpu.memory_space<hbm>> -> memref<16x128xf32, #tpu.memory_space<hbm>>
      %dma_wait3A_1643 = arith.constant 0 : i32
      %dma_wait3A_1644 = arith.constant 0 : i32
      %dma_wait3A_1645 = tpu.memref_slice %arg10[%dma_wait3A_1635, %dma_wait3A_1643, %dma_wait3A_1644] : memref<32x16x128xf32, #tpu.memory_space<vmem>> -> memref<1x16x128xf32, #tpu.memory_space<vmem>>
      %dma_wait3A_1646 = tpu.memref_squeeze %dma_wait3A_1645 : memref<1x16x128xf32, #tpu.memory_space<vmem>> -> memref<16x128xf32, #tpu.memory_space<vmem>>
      %dma_wait3A_1647 = arith.constant 0 : i32
      %dma_wait3A_1648 = arith.constant 0 : i32
      %dma_wait3A_1649 = tpu.memref_slice %arg4[%dma_wait3A_1647, %dma_wait3A_1648] : memref<32x1000001xf32, #tpu.memory_space<hbm>> -> memref<16x128xf32, #tpu.memory_space<hbm>>
      tpu.wait_dma2 semaphore(%arg16 : memref<!tpu.dma_semaphore, #tpu.memory_space<semaphore_mem>>) src(%dma_wait3A_1649 : memref<16x128xf32, #tpu.memory_space<hbm>>) dst(%dma_wait3A_1646 : memref<16x128xf32, #tpu.memory_space<vmem>>)
      %dma_wait3A_1650 = arith.constant 0 : i32
      %dma_wait3A_1651 = arith.constant 0 : i32
      %dma_wait3A_1652 = arith.constant 0 : i32
      %dma_wait3A_1653 = tpu.memref_slice %arg10[%dma_wait3A_1650, %dma_wait3A_1651, %dma_wait3A_1652] : memref<32x16x128xf32, #tpu.memory_space<vmem>> -> memref<1x16x128xf32, #tpu.memory_space<vmem>>
      %dma_wait3A_1654 = tpu.memref_squeeze %dma_wait3A_1653 : memref<1x16x128xf32, #tpu.memory_space<vmem>> -> memref<16x128xf32, #tpu.memory_space<vmem>>
      %dma_wait3A_1655 = arith.constant 0 : i32
      %dma_wait3A_1656 = arith.constant 0 : i32
      %dma_wait3A_1657 = tpu.memref_slice %arg4[%dma_wait3A_1655, %dma_wait3A_1656] : memref<32x1000001xf32, #tpu.memory_space<hbm>> -> memref<16x128xf32, #tpu.memory_space<hbm>>
      %dma_wait3A_1658 = arith.constant 0 : i32
      %dma_wait3A_1659 = arith.constant 0 : i32
      %dma_wait3A_1660 = tpu.memref_slice %arg10[%dma_wait3A_1650, %dma_wait3A_1658, %dma_wait3A_1659] : memref<32x16x128xf32, #tpu.memory_space<vmem>> -> memref<1x16x128xf32, #tpu.memory_space<vmem>>
      %dma_wait3A_1661 = tpu.memref_squeeze %dma_wait3A_1660 : memref<1x16x128xf32, #tpu.memory_space<vmem>> -> memref<16x128xf32, #tpu.memory_space<vmem>>
      %dma_wait3A_1662 = arith.constant 0 : i32
      %dma_wait3A_1663 = arith.constant 0 : i32
      %dma_wait3A_1664 = tpu.memref_slice %arg4[%dma_wait3A_1662, %dma_wait3A_1663] : memref<32x1000001xf32, #tpu.memory_space<hbm>> -> memref<16x128xf32, #tpu.memory_space<hbm>>
      tpu.wait_dma2 semaphore(%arg16 : memref<!tpu.dma_semaphore, #tpu.memory_space<semaphore_mem>>) src(%dma_wait3A_1664 : memref<16x128xf32, #tpu.memory_space<hbm>>) dst(%dma_wait3A_1661 : memref<16x128xf32, #tpu.memory_space<vmem>>)
      %dma_wait3A_1665 = arith.constant 0 : i32
      %dma_wait3A_1666 = arith.constant 0 : i32
      %dma_wait3A_1667 = arith.constant 0 : i32
      %dma_wait3A_1668 = tpu.memref_slice %arg10[%dma_wait3A_1665, %dma_wait3A_1666, %dma_wait3A_1667] : memref<32x16x128xf32, #tpu.memory_space<vmem>> -> memref<1x16x128xf32, #tpu.memory_space<vmem>>
      %dma_wait3A_1669 = tpu.memref_squeeze %dma_wait3A_1668 : memref<1x16x128xf32, #tpu.memory_space<vmem>> -> memref<16x128xf32, #tpu.memory_space<vmem>>
      %dma_wait3A_1670 = arith.constant 0 : i32
      %dma_wait3A_1671 = arith.constant 0 : i32
      %dma_wait3A_1672 = tpu.memref_slice %arg4[%dma_wait3A_1670, %dma_wait3A_1671] : memref<32x1000001xf32, #tpu.memory_space<hbm>> -> memref<16x128xf32, #tpu.memory_space<hbm>>
      %dma_wait3A_1673 = arith.constant 0 : i32
      %dma_wait3A_1674 = arith.constant 0 : i32
      %dma_wait3A_1675 = tpu.memref_slice %arg10[%dma_wait3A_1665, %dma_wait3A_1673, %dma_wait3A_1674] : memref<32x16x128xf32, #tpu.memory_space<vmem>> -> memref<1x16x128xf32, #tpu.memory_space<vmem>>
      %dma_wait3A_1676 = tpu.memref_squeeze %dma_wait3A_1675 : memref<1x16x128xf32, #tpu.memory_space<vmem>> -> memref<16x128xf32, #tpu.memory_space<vmem>>
      %dma_wait3A_1677 = arith.constant 0 : i32
      %dma_wait3A_1678 = arith.constant 0 : i32
      %dma_wait3A_1679 = tpu.memref_slice %arg4[%dma_wait3A_1677, %dma_wait3A_1678] : memref<32x1000001xf32, #tpu.memory_space<hbm>> -> memref<16x128xf32, #tpu.memory_space<hbm>>
      tpu.wait_dma2 semaphore(%arg16 : memref<!tpu.dma_semaphore, #tpu.memory_space<semaphore_mem>>) src(%dma_wait3A_1679 : memref<16x128xf32, #tpu.memory_space<hbm>>) dst(%dma_wait3A_1676 : memref<16x128xf32, #tpu.memory_space<vmem>>)
      %dma_wait3A_1680 = arith.constant 0 : i32
      %dma_wait3A_1681 = arith.constant 0 : i32
      %dma_wait3A_1682 = arith.constant 0 : i32
      %dma_wait3A_1683 = tpu.memref_slice %arg10[%dma_wait3A_1680, %dma_wait3A_1681, %dma_wait3A_1682] : memref<32x16x128xf32, #tpu.memory_space<vmem>> -> memref<1x16x128xf32, #tpu.memory_space<vmem>>
      %dma_wait3A_1684 = tpu.memref_squeeze %dma_wait3A_1683 : memref<1x16x128xf32, #tpu.memory_space<vmem>> -> memref<16x128xf32, #tpu.memory_space<vmem>>
      %dma_wait3A_1685 = arith.constant 0 : i32
      %dma_wait3A_1686 = arith.constant 0 : i32
      %dma_wait3A_1687 = tpu.memref_slice %arg4[%dma_wait3A_1685, %dma_wait3A_1686] : memref<32x1000001xf32, #tpu.memory_space<hbm>> -> memref<16x128xf32, #tpu.memory_space<hbm>>
      %dma_wait3A_1688 = arith.constant 0 : i32
      %dma_wait3A_1689 = arith.constant 0 : i32
      %dma_wait3A_1690 = tpu.memref_slice %arg10[%dma_wait3A_1680, %dma_wait3A_1688, %dma_wait3A_1689] : memref<32x16x128xf32, #tpu.memory_space<vmem>> -> memref<1x16x128xf32, #tpu.memory_space<vmem>>
      %dma_wait3A_1691 = tpu.memref_squeeze %dma_wait3A_1690 : memref<1x16x128xf32, #tpu.memory_space<vmem>> -> memref<16x128xf32, #tpu.memory_space<vmem>>
      %dma_wait3A_1692 = arith.constant 0 : i32
      %dma_wait3A_1693 = arith.constant 0 : i32
      %dma_wait3A_1694 = tpu.memref_slice %arg4[%dma_wait3A_1692, %dma_wait3A_1693] : memref<32x1000001xf32, #tpu.memory_space<hbm>> -> memref<16x128xf32, #tpu.memory_space<hbm>>
      tpu.wait_dma2 semaphore(%arg16 : memref<!tpu.dma_semaphore, #tpu.memory_space<semaphore_mem>>) src(%dma_wait3A_1694 : memref<16x128xf32, #tpu.memory_space<hbm>>) dst(%dma_wait3A_1691 : memref<16x128xf32, #tpu.memory_space<vmem>>)
      %dma_wait3A_1695 = arith.constant 0 : i32
      %dma_wait3A_1696 = arith.constant 0 : i32
      %dma_wait3A_1697 = arith.constant 0 : i32
      %dma_wait3A_1698 = tpu.memref_slice %arg10[%dma_wait3A_1695, %dma_wait3A_1696, %dma_wait3A_1697] : memref<32x16x128xf32, #tpu.memory_space<vmem>> -> memref<1x16x128xf32, #tpu.memory_space<vmem>>
      %dma_wait3A_1699 = tpu.memref_squeeze %dma_wait3A_1698 : memref<1x16x128xf32, #tpu.memory_space<vmem>> -> memref<16x128xf32, #tpu.memory_space<vmem>>
      %dma_wait3A_1700 = arith.constant 0 : i32
      %dma_wait3A_1701 = arith.constant 0 : i32
      %dma_wait3A_1702 = tpu.memref_slice %arg4[%dma_wait3A_1700, %dma_wait3A_1701] : memref<32x1000001xf32, #tpu.memory_space<hbm>> -> memref<16x128xf32, #tpu.memory_space<hbm>>
      %dma_wait3A_1703 = arith.constant 0 : i32
      %dma_wait3A_1704 = arith.constant 0 : i32
      %dma_wait3A_1705 = tpu.memref_slice %arg10[%dma_wait3A_1695, %dma_wait3A_1703, %dma_wait3A_1704] : memref<32x16x128xf32, #tpu.memory_space<vmem>> -> memref<1x16x128xf32, #tpu.memory_space<vmem>>
      %dma_wait3A_1706 = tpu.memref_squeeze %dma_wait3A_1705 : memref<1x16x128xf32, #tpu.memory_space<vmem>> -> memref<16x128xf32, #tpu.memory_space<vmem>>
      %dma_wait3A_1707 = arith.constant 0 : i32
      %dma_wait3A_1708 = arith.constant 0 : i32
      %dma_wait3A_1709 = tpu.memref_slice %arg4[%dma_wait3A_1707, %dma_wait3A_1708] : memref<32x1000001xf32, #tpu.memory_space<hbm>> -> memref<16x128xf32, #tpu.memory_space<hbm>>
      tpu.wait_dma2 semaphore(%arg16 : memref<!tpu.dma_semaphore, #tpu.memory_space<semaphore_mem>>) src(%dma_wait3A_1709 : memref<16x128xf32, #tpu.memory_space<hbm>>) dst(%dma_wait3A_1706 : memref<16x128xf32, #tpu.memory_space<vmem>>)
      %dma_wait3A_1710 = arith.constant 0 : i32
      %dma_wait3A_1711 = arith.constant 0 : i32
      %dma_wait3A_1712 = arith.constant 0 : i32
      %dma_wait3A_1713 = tpu.memref_slice %arg10[%dma_wait3A_1710, %dma_wait3A_1711, %dma_wait3A_1712] : memref<32x16x128xf32, #tpu.memory_space<vmem>> -> memref<1x16x128xf32, #tpu.memory_space<vmem>>
      %dma_wait3A_1714 = tpu.memref_squeeze %dma_wait3A_1713 : memref<1x16x128xf32, #tpu.memory_space<vmem>> -> memref<16x128xf32, #tpu.memory_space<vmem>>
      %dma_wait3A_1715 = arith.constant 0 : i32
      %dma_wait3A_1716 = arith.constant 0 : i32
      %dma_wait3A_1717 = tpu.memref_slice %arg4[%dma_wait3A_1715, %dma_wait3A_1716] : memref<32x1000001xf32, #tpu.memory_space<hbm>> -> memref<16x128xf32, #tpu.memory_space<hbm>>
      %dma_wait3A_1718 = arith.constant 0 : i32
      %dma_wait3A_1719 = arith.constant 0 : i32
      %dma_wait3A_1720 = tpu.memref_slice %arg10[%dma_wait3A_1710, %dma_wait3A_1718, %dma_wait3A_1719] : memref<32x16x128xf32, #tpu.memory_space<vmem>> -> memref<1x16x128xf32, #tpu.memory_space<vmem>>
      %dma_wait3A_1721 = tpu.memref_squeeze %dma_wait3A_1720 : memref<1x16x128xf32, #tpu.memory_space<vmem>> -> memref<16x128xf32, #tpu.memory_space<vmem>>
      %dma_wait3A_1722 = arith.constant 0 : i32
      %dma_wait3A_1723 = arith.constant 0 : i32
      %dma_wait3A_1724 = tpu.memref_slice %arg4[%dma_wait3A_1722, %dma_wait3A_1723] : memref<32x1000001xf32, #tpu.memory_space<hbm>> -> memref<16x128xf32, #tpu.memory_space<hbm>>
      tpu.wait_dma2 semaphore(%arg16 : memref<!tpu.dma_semaphore, #tpu.memory_space<semaphore_mem>>) src(%dma_wait3A_1724 : memref<16x128xf32, #tpu.memory_space<hbm>>) dst(%dma_wait3A_1721 : memref<16x128xf32, #tpu.memory_space<vmem>>)
      %dma_wait3A_1725 = arith.constant 0 : i32
      %dma_wait3A_1726 = arith.constant 0 : i32
      %dma_wait3A_1727 = arith.constant 0 : i32
      %dma_wait3A_1728 = tpu.memref_slice %arg10[%dma_wait3A_1725, %dma_wait3A_1726, %dma_wait3A_1727] : memref<32x16x128xf32, #tpu.memory_space<vmem>> -> memref<1x16x128xf32, #tpu.memory_space<vmem>>
      %dma_wait3A_1729 = tpu.memref_squeeze %dma_wait3A_1728 : memref<1x16x128xf32, #tpu.memory_space<vmem>> -> memref<16x128xf32, #tpu.memory_space<vmem>>
      %dma_wait3A_1730 = arith.constant 0 : i32
      %dma_wait3A_1731 = arith.constant 0 : i32
      %dma_wait3A_1732 = tpu.memref_slice %arg4[%dma_wait3A_1730, %dma_wait3A_1731] : memref<32x1000001xf32, #tpu.memory_space<hbm>> -> memref<16x128xf32, #tpu.memory_space<hbm>>
      %dma_wait3A_1733 = arith.constant 0 : i32
      %dma_wait3A_1734 = arith.constant 0 : i32
      %dma_wait3A_1735 = tpu.memref_slice %arg10[%dma_wait3A_1725, %dma_wait3A_1733, %dma_wait3A_1734] : memref<32x16x128xf32, #tpu.memory_space<vmem>> -> memref<1x16x128xf32, #tpu.memory_space<vmem>>
      %dma_wait3A_1736 = tpu.memref_squeeze %dma_wait3A_1735 : memref<1x16x128xf32, #tpu.memory_space<vmem>> -> memref<16x128xf32, #tpu.memory_space<vmem>>
      %dma_wait3A_1737 = arith.constant 0 : i32
      %dma_wait3A_1738 = arith.constant 0 : i32
      %dma_wait3A_1739 = tpu.memref_slice %arg4[%dma_wait3A_1737, %dma_wait3A_1738] : memref<32x1000001xf32, #tpu.memory_space<hbm>> -> memref<16x128xf32, #tpu.memory_space<hbm>>
      tpu.wait_dma2 semaphore(%arg16 : memref<!tpu.dma_semaphore, #tpu.memory_space<semaphore_mem>>) src(%dma_wait3A_1739 : memref<16x128xf32, #tpu.memory_space<hbm>>) dst(%dma_wait3A_1736 : memref<16x128xf32, #tpu.memory_space<vmem>>)
      %dma_wait3A_1740 = arith.constant 0 : i32
      %dma_wait3A_1741 = arith.constant 0 : i32
      %dma_wait3A_1742 = arith.constant 0 : i32
      %dma_wait3A_1743 = tpu.memref_slice %arg10[%dma_wait3A_1740, %dma_wait3A_1741, %dma_wait3A_1742] : memref<32x16x128xf32, #tpu.memory_space<vmem>> -> memref<1x16x128xf32, #tpu.memory_space<vmem>>
      %dma_wait3A_1744 = tpu.memref_squeeze %dma_wait3A_1743 : memref<1x16x128xf32, #tpu.memory_space<vmem>> -> memref<16x128xf32, #tpu.memory_space<vmem>>
      %dma_wait3A_1745 = arith.constant 0 : i32
      %dma_wait3A_1746 = arith.constant 0 : i32
      %dma_wait3A_1747 = tpu.memref_slice %arg4[%dma_wait3A_1745, %dma_wait3A_1746] : memref<32x1000001xf32, #tpu.memory_space<hbm>> -> memref<16x128xf32, #tpu.memory_space<hbm>>
      %dma_wait3A_1748 = arith.constant 0 : i32
      %dma_wait3A_1749 = arith.constant 0 : i32
      %dma_wait3A_1750 = tpu.memref_slice %arg10[%dma_wait3A_1740, %dma_wait3A_1748, %dma_wait3A_1749] : memref<32x16x128xf32, #tpu.memory_space<vmem>> -> memref<1x16x128xf32, #tpu.memory_space<vmem>>
      %dma_wait3A_1751 = tpu.memref_squeeze %dma_wait3A_1750 : memref<1x16x128xf32, #tpu.memory_space<vmem>> -> memref<16x128xf32, #tpu.memory_space<vmem>>
      %dma_wait3A_1752 = arith.constant 0 : i32
      %dma_wait3A_1753 = arith.constant 0 : i32
      %dma_wait3A_1754 = tpu.memref_slice %arg4[%dma_wait3A_1752, %dma_wait3A_1753] : memref<32x1000001xf32, #tpu.memory_space<hbm>> -> memref<16x128xf32, #tpu.memory_space<hbm>>
      tpu.wait_dma2 semaphore(%arg16 : memref<!tpu.dma_semaphore, #tpu.memory_space<semaphore_mem>>) src(%dma_wait3A_1754 : memref<16x128xf32, #tpu.memory_space<hbm>>) dst(%dma_wait3A_1751 : memref<16x128xf32, #tpu.memory_space<vmem>>)
      %dma_wait3A_1755 = arith.constant 0 : i32
      %dma_wait3A_1756 = arith.constant 0 : i32
      %dma_wait3A_1757 = arith.constant 0 : i32
      %dma_wait3A_1758 = tpu.memref_slice %arg10[%dma_wait3A_1755, %dma_wait3A_1756, %dma_wait3A_1757] : memref<32x16x128xf32, #tpu.memory_space<vmem>> -> memref<1x16x128xf32, #tpu.memory_space<vmem>>
      %dma_wait3A_1759 = tpu.memref_squeeze %dma_wait3A_1758 : memref<1x16x128xf32, #tpu.memory_space<vmem>> -> memref<16x128xf32, #tpu.memory_space<vmem>>
      %dma_wait3A_1760 = arith.constant 0 : i32
      %dma_wait3A_1761 = arith.constant 0 : i32
      %dma_wait3A_1762 = tpu.memref_slice %arg4[%dma_wait3A_1760, %dma_wait3A_1761] : memref<32x1000001xf32, #tpu.memory_space<hbm>> -> memref<16x128xf32, #tpu.memory_space<hbm>>
      %dma_wait3A_1763 = arith.constant 0 : i32
      %dma_wait3A_1764 = arith.constant 0 : i32
      %dma_wait3A_1765 = tpu.memref_slice %arg10[%dma_wait3A_1755, %dma_wait3A_1763, %dma_wait3A_1764] : memref<32x16x128xf32, #tpu.memory_space<vmem>> -> memref<1x16x128xf32, #tpu.memory_space<vmem>>
      %dma_wait3A_1766 = tpu.memref_squeeze %dma_wait3A_1765 : memref<1x16x128xf32, #tpu.memory_space<vmem>> -> memref<16x128xf32, #tpu.memory_space<vmem>>
      %dma_wait3A_1767 = arith.constant 0 : i32
      %dma_wait3A_1768 = arith.constant 0 : i32
      %dma_wait3A_1769 = tpu.memref_slice %arg4[%dma_wait3A_1767, %dma_wait3A_1768] : memref<32x1000001xf32, #tpu.memory_space<hbm>> -> memref<16x128xf32, #tpu.memory_space<hbm>>
      tpu.wait_dma2 semaphore(%arg16 : memref<!tpu.dma_semaphore, #tpu.memory_space<semaphore_mem>>) src(%dma_wait3A_1769 : memref<16x128xf32, #tpu.memory_space<hbm>>) dst(%dma_wait3A_1766 : memref<16x128xf32, #tpu.memory_space<vmem>>)
      %dma_wait3A_1770 = arith.constant 0 : i32
      %dma_wait3A_1771 = arith.constant 0 : i32
      %dma_wait3A_1772 = arith.constant 0 : i32
      %dma_wait3A_1773 = tpu.memref_slice %arg10[%dma_wait3A_1770, %dma_wait3A_1771, %dma_wait3A_1772] : memref<32x16x128xf32, #tpu.memory_space<vmem>> -> memref<1x16x128xf32, #tpu.memory_space<vmem>>
      %dma_wait3A_1774 = tpu.memref_squeeze %dma_wait3A_1773 : memref<1x16x128xf32, #tpu.memory_space<vmem>> -> memref<16x128xf32, #tpu.memory_space<vmem>>
      %dma_wait3A_1775 = arith.constant 0 : i32
      %dma_wait3A_1776 = arith.constant 0 : i32
      %dma_wait3A_1777 = tpu.memref_slice %arg4[%dma_wait3A_1775, %dma_wait3A_1776] : memref<32x1000001xf32, #tpu.memory_space<hbm>> -> memref<16x128xf32, #tpu.memory_space<hbm>>
      %dma_wait3A_1778 = arith.constant 0 : i32
      %dma_wait3A_1779 = arith.constant 0 : i32
      %dma_wait3A_1780 = tpu.memref_slice %arg10[%dma_wait3A_1770, %dma_wait3A_1778, %dma_wait3A_1779] : memref<32x16x128xf32, #tpu.memory_space<vmem>> -> memref<1x16x128xf32, #tpu.memory_space<vmem>>
      %dma_wait3A_1781 = tpu.memref_squeeze %dma_wait3A_1780 : memref<1x16x128xf32, #tpu.memory_space<vmem>> -> memref<16x128xf32, #tpu.memory_space<vmem>>
      %dma_wait3A_1782 = arith.constant 0 : i32
      %dma_wait3A_1783 = arith.constant 0 : i32
      %dma_wait3A_1784 = tpu.memref_slice %arg4[%dma_wait3A_1782, %dma_wait3A_1783] : memref<32x1000001xf32, #tpu.memory_space<hbm>> -> memref<16x128xf32, #tpu.memory_space<hbm>>
      tpu.wait_dma2 semaphore(%arg16 : memref<!tpu.dma_semaphore, #tpu.memory_space<semaphore_mem>>) src(%dma_wait3A_1784 : memref<16x128xf32, #tpu.memory_space<hbm>>) dst(%dma_wait3A_1781 : memref<16x128xf32, #tpu.memory_space<vmem>>)
      %dma_wait3A_1785 = arith.constant 0 : i32
      %dma_wait3A_1786 = arith.constant 0 : i32
      %dma_wait3A_1787 = arith.constant 0 : i32
      %dma_wait3A_1788 = tpu.memref_slice %arg10[%dma_wait3A_1785, %dma_wait3A_1786, %dma_wait3A_1787] : memref<32x16x128xf32, #tpu.memory_space<vmem>> -> memref<1x16x128xf32, #tpu.memory_space<vmem>>
      %dma_wait3A_1789 = tpu.memref_squeeze %dma_wait3A_1788 : memref<1x16x128xf32, #tpu.memory_space<vmem>> -> memref<16x128xf32, #tpu.memory_space<vmem>>
      %dma_wait3A_1790 = arith.constant 0 : i32
      %dma_wait3A_1791 = arith.constant 0 : i32
      %dma_wait3A_1792 = tpu.memref_slice %arg4[%dma_wait3A_1790, %dma_wait3A_1791] : memref<32x1000001xf32, #tpu.memory_space<hbm>> -> memref<16x128xf32, #tpu.memory_space<hbm>>
      %dma_wait3A_1793 = arith.constant 0 : i32
      %dma_wait3A_1794 = arith.constant 0 : i32
      %dma_wait3A_1795 = tpu.memref_slice %arg10[%dma_wait3A_1785, %dma_wait3A_1793, %dma_wait3A_1794] : memref<32x16x128xf32, #tpu.memory_space<vmem>> -> memref<1x16x128xf32, #tpu.memory_space<vmem>>
      %dma_wait3A_1796 = tpu.memref_squeeze %dma_wait3A_1795 : memref<1x16x128xf32, #tpu.memory_space<vmem>> -> memref<16x128xf32, #tpu.memory_space<vmem>>
      %dma_wait3A_1797 = arith.constant 0 : i32
      %dma_wait3A_1798 = arith.constant 0 : i32
      %dma_wait3A_1799 = tpu.memref_slice %arg4[%dma_wait3A_1797, %dma_wait3A_1798] : memref<32x1000001xf32, #tpu.memory_space<hbm>> -> memref<16x128xf32, #tpu.memory_space<hbm>>
      tpu.wait_dma2 semaphore(%arg16 : memref<!tpu.dma_semaphore, #tpu.memory_space<semaphore_mem>>) src(%dma_wait3A_1799 : memref<16x128xf32, #tpu.memory_space<hbm>>) dst(%dma_wait3A_1796 : memref<16x128xf32, #tpu.memory_space<vmem>>)
      %dma_wait3A_1800 = arith.constant 0 : i32
      %dma_wait3A_1801 = arith.constant 0 : i32
      %dma_wait3A_1802 = arith.constant 0 : i32
      %dma_wait3A_1803 = tpu.memref_slice %arg10[%dma_wait3A_1800, %dma_wait3A_1801, %dma_wait3A_1802] : memref<32x16x128xf32, #tpu.memory_space<vmem>> -> memref<1x16x128xf32, #tpu.memory_space<vmem>>
      %dma_wait3A_1804 = tpu.memref_squeeze %dma_wait3A_1803 : memref<1x16x128xf32, #tpu.memory_space<vmem>> -> memref<16x128xf32, #tpu.memory_space<vmem>>
      %dma_wait3A_1805 = arith.constant 0 : i32
      %dma_wait3A_1806 = arith.constant 0 : i32
      %dma_wait3A_1807 = tpu.memref_slice %arg4[%dma_wait3A_1805, %dma_wait3A_1806] : memref<32x1000001xf32, #tpu.memory_space<hbm>> -> memref<16x128xf32, #tpu.memory_space<hbm>>
      %dma_wait3A_1808 = arith.constant 0 : i32
      %dma_wait3A_1809 = arith.constant 0 : i32
      %dma_wait3A_1810 = tpu.memref_slice %arg10[%dma_wait3A_1800, %dma_wait3A_1808, %dma_wait3A_1809] : memref<32x16x128xf32, #tpu.memory_space<vmem>> -> memref<1x16x128xf32, #tpu.memory_space<vmem>>
      %dma_wait3A_1811 = tpu.memref_squeeze %dma_wait3A_1810 : memref<1x16x128xf32, #tpu.memory_space<vmem>> -> memref<16x128xf32, #tpu.memory_space<vmem>>
      %dma_wait3A_1812 = arith.constant 0 : i32
      %dma_wait3A_1813 = arith.constant 0 : i32
      %dma_wait3A_1814 = tpu.memref_slice %arg4[%dma_wait3A_1812, %dma_wait3A_1813] : memref<32x1000001xf32, #tpu.memory_space<hbm>> -> memref<16x128xf32, #tpu.memory_space<hbm>>
      tpu.wait_dma2 semaphore(%arg16 : memref<!tpu.dma_semaphore, #tpu.memory_space<semaphore_mem>>) src(%dma_wait3A_1814 : memref<16x128xf32, #tpu.memory_space<hbm>>) dst(%dma_wait3A_1811 : memref<16x128xf32, #tpu.memory_space<vmem>>)
      %dma_wait3A_1815 = arith.constant 0 : i32
      %dma_wait3A_1816 = arith.constant 0 : i32
      %dma_wait3A_1817 = arith.constant 0 : i32
      %dma_wait3A_1818 = tpu.memref_slice %arg10[%dma_wait3A_1815, %dma_wait3A_1816, %dma_wait3A_1817] : memref<32x16x128xf32, #tpu.memory_space<vmem>> -> memref<1x16x128xf32, #tpu.memory_space<vmem>>
      %dma_wait3A_1819 = tpu.memref_squeeze %dma_wait3A_1818 : memref<1x16x128xf32, #tpu.memory_space<vmem>> -> memref<16x128xf32, #tpu.memory_space<vmem>>
      %dma_wait3A_1820 = arith.constant 0 : i32
      %dma_wait3A_1821 = arith.constant 0 : i32
      %dma_wait3A_1822 = tpu.memref_slice %arg4[%dma_wait3A_1820, %dma_wait3A_1821] : memref<32x1000001xf32, #tpu.memory_space<hbm>> -> memref<16x128xf32, #tpu.memory_space<hbm>>
      %dma_wait3A_1823 = arith.constant 0 : i32
      %dma_wait3A_1824 = arith.constant 0 : i32
      %dma_wait3A_1825 = tpu.memref_slice %arg10[%dma_wait3A_1815, %dma_wait3A_1823, %dma_wait3A_1824] : memref<32x16x128xf32, #tpu.memory_space<vmem>> -> memref<1x16x128xf32, #tpu.memory_space<vmem>>
      %dma_wait3A_1826 = tpu.memref_squeeze %dma_wait3A_1825 : memref<1x16x128xf32, #tpu.memory_space<vmem>> -> memref<16x128xf32, #tpu.memory_space<vmem>>
      %dma_wait3A_1827 = arith.constant 0 : i32
      %dma_wait3A_1828 = arith.constant 0 : i32
      %dma_wait3A_1829 = tpu.memref_slice %arg4[%dma_wait3A_1827, %dma_wait3A_1828] : memref<32x1000001xf32, #tpu.memory_space<hbm>> -> memref<16x128xf32, #tpu.memory_space<hbm>>
      tpu.wait_dma2 semaphore(%arg16 : memref<!tpu.dma_semaphore, #tpu.memory_space<semaphore_mem>>) src(%dma_wait3A_1829 : memref<16x128xf32, #tpu.memory_space<hbm>>) dst(%dma_wait3A_1826 : memref<16x128xf32, #tpu.memory_space<vmem>>)
      %dma_wait3A_1830 = arith.constant 0 : i32
      %dma_wait3A_1831 = arith.constant 0 : i32
      %dma_wait3A_1832 = arith.constant 0 : i32
      %dma_wait3A_1833 = tpu.memref_slice %arg10[%dma_wait3A_1830, %dma_wait3A_1831, %dma_wait3A_1832] : memref<32x16x128xf32, #tpu.memory_space<vmem>> -> memref<1x16x128xf32, #tpu.memory_space<vmem>>
      %dma_wait3A_1834 = tpu.memref_squeeze %dma_wait3A_1833 : memref<1x16x128xf32, #tpu.memory_space<vmem>> -> memref<16x128xf32, #tpu.memory_space<vmem>>
      %dma_wait3A_1835 = arith.constant 0 : i32
      %dma_wait3A_1836 = arith.constant 0 : i32
      %dma_wait3A_1837 = tpu.memref_slice %arg4[%dma_wait3A_1835, %dma_wait3A_1836] : memref<32x1000001xf32, #tpu.memory_space<hbm>> -> memref<16x128xf32, #tpu.memory_space<hbm>>
      %dma_wait3A_1838 = arith.constant 0 : i32
      %dma_wait3A_1839 = arith.constant 0 : i32
      %dma_wait3A_1840 = tpu.memref_slice %arg10[%dma_wait3A_1830, %dma_wait3A_1838, %dma_wait3A_1839] : memref<32x16x128xf32, #tpu.memory_space<vmem>> -> memref<1x16x128xf32, #tpu.memory_space<vmem>>
      %dma_wait3A_1841 = tpu.memref_squeeze %dma_wait3A_1840 : memref<1x16x128xf32, #tpu.memory_space<vmem>> -> memref<16x128xf32, #tpu.memory_space<vmem>>
      %dma_wait3A_1842 = arith.constant 0 : i32
      %dma_wait3A_1843 = arith.constant 0 : i32
      %dma_wait3A_1844 = tpu.memref_slice %arg4[%dma_wait3A_1842, %dma_wait3A_1843] : memref<32x1000001xf32, #tpu.memory_space<hbm>> -> memref<16x128xf32, #tpu.memory_space<hbm>>
      tpu.wait_dma2 semaphore(%arg16 : memref<!tpu.dma_semaphore, #tpu.memory_space<semaphore_mem>>) src(%dma_wait3A_1844 : memref<16x128xf32, #tpu.memory_space<hbm>>) dst(%dma_wait3A_1841 : memref<16x128xf32, #tpu.memory_space<vmem>>)
      %dma_wait3A_1845 = arith.constant 0 : i32
      %dma_wait3A_1846 = arith.constant 0 : i32
      %dma_wait3A_1847 = arith.constant 0 : i32
      %dma_wait3A_1848 = tpu.memref_slice %arg10[%dma_wait3A_1845, %dma_wait3A_1846, %dma_wait3A_1847] : memref<32x16x128xf32, #tpu.memory_space<vmem>> -> memref<1x16x128xf32, #tpu.memory_space<vmem>>
      %dma_wait3A_1849 = tpu.memref_squeeze %dma_wait3A_1848 : memref<1x16x128xf32, #tpu.memory_space<vmem>> -> memref<16x128xf32, #tpu.memory_space<vmem>>
      %dma_wait3A_1850 = arith.constant 0 : i32
      %dma_wait3A_1851 = arith.constant 0 : i32
      %dma_wait3A_1852 = tpu.memref_slice %arg4[%dma_wait3A_1850, %dma_wait3A_1851] : memref<32x1000001xf32, #tpu.memory_space<hbm>> -> memref<16x128xf32, #tpu.memory_space<hbm>>
      %dma_wait3A_1853 = arith.constant 0 : i32
      %dma_wait3A_1854 = arith.constant 0 : i32
      %dma_wait3A_1855 = tpu.memref_slice %arg10[%dma_wait3A_1845, %dma_wait3A_1853, %dma_wait3A_1854] : memref<32x16x128xf32, #tpu.memory_space<vmem>> -> memref<1x16x128xf32, #tpu.memory_space<vmem>>
      %dma_wait3A_1856 = tpu.memref_squeeze %dma_wait3A_1855 : memref<1x16x128xf32, #tpu.memory_space<vmem>> -> memref<16x128xf32, #tpu.memory_space<vmem>>
      %dma_wait3A_1857 = arith.constant 0 : i32
      %dma_wait3A_1858 = arith.constant 0 : i32
      %dma_wait3A_1859 = tpu.memref_slice %arg4[%dma_wait3A_1857, %dma_wait3A_1858] : memref<32x1000001xf32, #tpu.memory_space<hbm>> -> memref<16x128xf32, #tpu.memory_space<hbm>>
      tpu.wait_dma2 semaphore(%arg16 : memref<!tpu.dma_semaphore, #tpu.memory_space<semaphore_mem>>) src(%dma_wait3A_1859 : memref<16x128xf32, #tpu.memory_space<hbm>>) dst(%dma_wait3A_1856 : memref<16x128xf32, #tpu.memory_space<vmem>>)
      %add3A_1860 = arith.constant 1 : i32
      %add3A_1861 = arith.addi %mul3A_554, %add3A_1860 : i32
      %mul3A_1862 = arith.constant 16 : i32
      %mul3A_1863 = arith.muli %add3A_1861, %mul3A_1862 : i32
      %get3A_1864 = arith.index_cast %mul3A_1863 : i32 to index
      %get3A_1865 = tpu.vector_load %arg8[%get3A_1864] {strides = array<i32>} : memref<1024xi32, #tpu.memory_space<vmem>>, vector<16xi32>,
      %min3A_1866 = arith.constant 999935 : i32
      %min3A_1867 = vector.broadcast %min3A_1866 : i32 to vector<16xi32>
      %min3A_1868 = arith.minsi %get3A_1865, %min3A_1867 : vector<16xi32>
      %slice3A_1869 = vector.extract_strided_slice %min3A_1868 {offsets = [0], sizes = [1], strides = [1]} : vector<16xi32> to vector<1xi32>
      %squeeze3A_1870 = vector.extract %slice3A_1869[0] : i32 from vector<1xi32>
      %and3A_1871 = arith.constant 127 : i32
      %and3A_1872 = arith.andi %squeeze3A_1870, %and3A_1871 : i32
      %add3A_1873 = vector.broadcast %and3A_1872 : i32 to vector<16xi32>
      %add3A_1874 = arith.addi %broadcast_in_dim3A_6, %add3A_1873 : vector<16xi32>
      %add3A_1875 = arith.constant 0 : i32
      %add3A_1876 = arith.addi %mul3A_1863, %add3A_1875 : i32
      %add3A_1877 = vector.broadcast %add3A_1876 : i32 to vector<16xi32>
      %add3A_1878 = arith.addi %broadcast_in_dim3A_6, %add3A_1877 : vector<16xi32>
      %add3A_1879 = arith.constant 16 : i32
      %add3A_1880 = vector.broadcast %add3A_1879 : i32 to vector<16xi32>
      %add3A_1881 = arith.addi %broadcast_in_dim3A_6, %add3A_1880 : vector<16xi32>
      %gather3A_1882 = tpu.vector_load_idx %arg10[%add3A_1881, %iota3A, %add3A_1874] : memref<32x16x128xf32, #tpu.memory_space<vmem>>[vector<16xi32>, vector<16xi32>, vector<16xi32>], vector<16xf32>,
      tpu.vector_store_idx %arg13[%iota3A, %add3A_1878], %gather3A_1882 : memref<32x1024xf32, #tpu.memory_space<vmem>>[vector<16xi32>, vector<16xi32>], vector<16xf32>,
      %slice3A_1883 = vector.extract_strided_slice %min3A_1868 {offsets = [1], sizes = [1], strides = [1]} : vector<16xi32> to vector<1xi32>
      %squeeze3A_1884 = vector.extract %slice3A_1883[0] : i32 from vector<1xi32>
      %and3A_1885 = arith.constant 127 : i32
      %and3A_1886 = arith.andi %squeeze3A_1884, %and3A_1885 : i32
      %add3A_1887 = vector.broadcast %and3A_1886 : i32 to vector<16xi32>
      %add3A_1888 = arith.addi %broadcast_in_dim3A_6, %add3A_1887 : vector<16xi32>
      %add3A_1889 = arith.constant 1 : i32
      %add3A_1890 = arith.addi %mul3A_1863, %add3A_1889 : i32
      %add3A_1891 = vector.broadcast %add3A_1890 : i32 to vector<16xi32>
      %add3A_1892 = arith.addi %broadcast_in_dim3A_6, %add3A_1891 : vector<16xi32>
      %add3A_1893 = arith.constant 17 : i32
      %add3A_1894 = vector.broadcast %add3A_1893 : i32 to vector<16xi32>
      %add3A_1895 = arith.addi %broadcast_in_dim3A_6, %add3A_1894 : vector<16xi32>
      %gather3A_1896 = tpu.vector_load_idx %arg10[%add3A_1895, %iota3A, %add3A_1888] : memref<32x16x128xf32, #tpu.memory_space<vmem>>[vector<16xi32>, vector<16xi32>, vector<16xi32>], vector<16xf32>,
      tpu.vector_store_idx %arg13[%iota3A, %add3A_1892], %gather3A_1896 : memref<32x1024xf32, #tpu.memory_space<vmem>>[vector<16xi32>, vector<16xi32>], vector<16xf32>,
      %slice3A_1897 = vector.extract_strided_slice %min3A_1868 {offsets = [2], sizes = [1], strides = [1]} : vector<16xi32> to vector<1xi32>
      %squeeze3A_1898 = vector.extract %slice3A_1897[0] : i32 from vector<1xi32>
      %and3A_1899 = arith.constant 127 : i32
      %and3A_1900 = arith.andi %squeeze3A_1898, %and3A_1899 : i32
      %add3A_1901 = vector.broadcast %and3A_1900 : i32 to vector<16xi32>
      %add3A_1902 = arith.addi %broadcast_in_dim3A_6, %add3A_1901 : vector<16xi32>
      %add3A_1903 = arith.constant 2 : i32
      %add3A_1904 = arith.addi %mul3A_1863, %add3A_1903 : i32
      %add3A_1905 = vector.broadcast %add3A_1904 : i32 to vector<16xi32>
      %add3A_1906 = arith.addi %broadcast_in_dim3A_6, %add3A_1905 : vector<16xi32>
      %add3A_1907 = arith.constant 18 : i32
      %add3A_1908 = vector.broadcast %add3A_1907 : i32 to vector<16xi32>
      %add3A_1909 = arith.addi %broadcast_in_dim3A_6, %add3A_1908 : vector<16xi32>
      %gather3A_1910 = tpu.vector_load_idx %arg10[%add3A_1909, %iota3A, %add3A_1902] : memref<32x16x128xf32, #tpu.memory_space<vmem>>[vector<16xi32>, vector<16xi32>, vector<16xi32>], vector<16xf32>,
      tpu.vector_store_idx %arg13[%iota3A, %add3A_1906], %gather3A_1910 : memref<32x1024xf32, #tpu.memory_space<vmem>>[vector<16xi32>, vector<16xi32>], vector<16xf32>,
      %slice3A_1911 = vector.extract_strided_slice %min3A_1868 {offsets = [3], sizes = [1], strides = [1]} : vector<16xi32> to vector<1xi32>
      %squeeze3A_1912 = vector.extract %slice3A_1911[0] : i32 from vector<1xi32>
      %and3A_1913 = arith.constant 127 : i32
      %and3A_1914 = arith.andi %squeeze3A_1912, %and3A_1913 : i32
      %add3A_1915 = vector.broadcast %and3A_1914 : i32 to vector<16xi32>
      %add3A_1916 = arith.addi %broadcast_in_dim3A_6, %add3A_1915 : vector<16xi32>
      %add3A_1917 = arith.constant 3 : i32
      %add3A_1918 = arith.addi %mul3A_1863, %add3A_1917 : i32
      %add3A_1919 = vector.broadcast %add3A_1918 : i32 to vector<16xi32>
      %add3A_1920 = arith.addi %broadcast_in_dim3A_6, %add3A_1919 : vector<16xi32>
      %add3A_1921 = arith.constant 19 : i32
      %add3A_1922 = vector.broadcast %add3A_1921 : i32 to vector<16xi32>
      %add3A_1923 = arith.addi %broadcast_in_dim3A_6, %add3A_1922 : vector<16xi32>
      %gather3A_1924 = tpu.vector_load_idx %arg10[%add3A_1923, %iota3A, %add3A_1916] : memref<32x16x128xf32, #tpu.memory_space<vmem>>[vector<16xi32>, vector<16xi32>, vector<16xi32>], vector<16xf32>,
      tpu.vector_store_idx %arg13[%iota3A, %add3A_1920], %gather3A_1924 : memref<32x1024xf32, #tpu.memory_space<vmem>>[vector<16xi32>, vector<16xi32>], vector<16xf32>,
      %slice3A_1925 = vector.extract_strided_slice %min3A_1868 {offsets = [4], sizes = [1], strides = [1]} : vector<16xi32> to vector<1xi32>
      %squeeze3A_1926 = vector.extract %slice3A_1925[0] : i32 from vector<1xi32>
      %and3A_1927 = arith.constant 127 : i32
      %and3A_1928 = arith.andi %squeeze3A_1926, %and3A_1927 : i32
      %add3A_1929 = vector.broadcast %and3A_1928 : i32 to vector<16xi32>
      %add3A_1930 = arith.addi %broadcast_in_dim3A_6, %add3A_1929 : vector<16xi32>
      %add3A_1931 = arith.constant 4 : i32
      %add3A_1932 = arith.addi %mul3A_1863, %add3A_1931 : i32
      %add3A_1933 = vector.broadcast %add3A_1932 : i32 to vector<16xi32>
      %add3A_1934 = arith.addi %broadcast_in_dim3A_6, %add3A_1933 : vector<16xi32>
      %add3A_1935 = arith.constant 20 : i32
      %add3A_1936 = vector.broadcast %add3A_1935 : i32 to vector<16xi32>
      %add3A_1937 = arith.addi %broadcast_in_dim3A_6, %add3A_1936 : vector<16xi32>
      %gather3A_1938 = tpu.vector_load_idx %arg10[%add3A_1937, %iota3A, %add3A_1930] : memref<32x16x128xf32, #tpu.memory_space<vmem>>[vector<16xi32>, vector<16xi32>, vector<16xi32>], vector<16xf32>,
      tpu.vector_store_idx %arg13[%iota3A, %add3A_1934], %gather3A_1938 : memref<32x1024xf32, #tpu.memory_space<vmem>>[vector<16xi32>, vector<16xi32>], vector<16xf32>,
      %slice3A_1939 = vector.extract_strided_slice %min3A_1868 {offsets = [5], sizes = [1], strides = [1]} : vector<16xi32> to vector<1xi32>
      %squeeze3A_1940 = vector.extract %slice3A_1939[0] : i32 from vector<1xi32>
      %and3A_1941 = arith.constant 127 : i32
      %and3A_1942 = arith.andi %squeeze3A_1940, %and3A_1941 : i32
      %add3A_1943 = vector.broadcast %and3A_1942 : i32 to vector<16xi32>
      %add3A_1944 = arith.addi %broadcast_in_dim3A_6, %add3A_1943 : vector<16xi32>
      %add3A_1945 = arith.constant 5 : i32
      %add3A_1946 = arith.addi %mul3A_1863, %add3A_1945 : i32
      %add3A_1947 = vector.broadcast %add3A_1946 : i32 to vector<16xi32>
      %add3A_1948 = arith.addi %broadcast_in_dim3A_6, %add3A_1947 : vector<16xi32>
      %add3A_1949 = arith.constant 21 : i32
      %add3A_1950 = vector.broadcast %add3A_1949 : i32 to vector<16xi32>
      %add3A_1951 = arith.addi %broadcast_in_dim3A_6, %add3A_1950 : vector<16xi32>
      %gather3A_1952 = tpu.vector_load_idx %arg10[%add3A_1951, %iota3A, %add3A_1944] : memref<32x16x128xf32, #tpu.memory_space<vmem>>[vector<16xi32>, vector<16xi32>, vector<16xi32>], vector<16xf32>,
      tpu.vector_store_idx %arg13[%iota3A, %add3A_1948], %gather3A_1952 : memref<32x1024xf32, #tpu.memory_space<vmem>>[vector<16xi32>, vector<16xi32>], vector<16xf32>,
      %slice3A_1953 = vector.extract_strided_slice %min3A_1868 {offsets = [6], sizes = [1], strides = [1]} : vector<16xi32> to vector<1xi32>
      %squeeze3A_1954 = vector.extract %slice3A_1953[0] : i32 from vector<1xi32>
      %and3A_1955 = arith.constant 127 : i32
      %and3A_1956 = arith.andi %squeeze3A_1954, %and3A_1955 : i32
      %add3A_1957 = vector.broadcast %and3A_1956 : i32 to vector<16xi32>
      %add3A_1958 = arith.addi %broadcast_in_dim3A_6, %add3A_1957 : vector<16xi32>
      %add3A_1959 = arith.constant 6 : i32
      %add3A_1960 = arith.addi %mul3A_1863, %add3A_1959 : i32
      %add3A_1961 = vector.broadcast %add3A_1960 : i32 to vector<16xi32>
      %add3A_1962 = arith.addi %broadcast_in_dim3A_6, %add3A_1961 : vector<16xi32>
      %add3A_1963 = arith.constant 22 : i32
      %add3A_1964 = vector.broadcast %add3A_1963 : i32 to vector<16xi32>
      %add3A_1965 = arith.addi %broadcast_in_dim3A_6, %add3A_1964 : vector<16xi32>
      %gather3A_1966 = tpu.vector_load_idx %arg10[%add3A_1965, %iota3A, %add3A_1958] : memref<32x16x128xf32, #tpu.memory_space<vmem>>[vector<16xi32>, vector<16xi32>, vector<16xi32>], vector<16xf32>,
      tpu.vector_store_idx %arg13[%iota3A, %add3A_1962], %gather3A_1966 : memref<32x1024xf32, #tpu.memory_space<vmem>>[vector<16xi32>, vector<16xi32>], vector<16xf32>,
      %slice3A_1967 = vector.extract_strided_slice %min3A_1868 {offsets = [7], sizes = [1], strides = [1]} : vector<16xi32> to vector<1xi32>
      %squeeze3A_1968 = vector.extract %slice3A_1967[0] : i32 from vector<1xi32>
      %and3A_1969 = arith.constant 127 : i32
      %and3A_1970 = arith.andi %squeeze3A_1968, %and3A_1969 : i32
      %add3A_1971 = vector.broadcast %and3A_1970 : i32 to vector<16xi32>
      %add3A_1972 = arith.addi %broadcast_in_dim3A_6, %add3A_1971 : vector<16xi32>
      %add3A_1973 = arith.constant 7 : i32
      %add3A_1974 = arith.addi %mul3A_1863, %add3A_1973 : i32
      %add3A_1975 = vector.broadcast %add3A_1974 : i32 to vector<16xi32>
      %add3A_1976 = arith.addi %broadcast_in_dim3A_6, %add3A_1975 : vector<16xi32>
      %add3A_1977 = arith.constant 23 : i32
      %add3A_1978 = vector.broadcast %add3A_1977 : i32 to vector<16xi32>
      %add3A_1979 = arith.addi %broadcast_in_dim3A_6, %add3A_1978 : vector<16xi32>
      %gather3A_1980 = tpu.vector_load_idx %arg10[%add3A_1979, %iota3A, %add3A_1972] : memref<32x16x128xf32, #tpu.memory_space<vmem>>[vector<16xi32>, vector<16xi32>, vector<16xi32>], vector<16xf32>,
      tpu.vector_store_idx %arg13[%iota3A, %add3A_1976], %gather3A_1980 : memref<32x1024xf32, #tpu.memory_space<vmem>>[vector<16xi32>, vector<16xi32>], vector<16xf32>,
      %slice3A_1981 = vector.extract_strided_slice %min3A_1868 {offsets = [8], sizes = [1], strides = [1]} : vector<16xi32> to vector<1xi32>
      %squeeze3A_1982 = vector.extract %slice3A_1981[0] : i32 from vector<1xi32>
      %and3A_1983 = arith.constant 127 : i32
      %and3A_1984 = arith.andi %squeeze3A_1982, %and3A_1983 : i32
      %add3A_1985 = vector.broadcast %and3A_1984 : i32 to vector<16xi32>
      %add3A_1986 = arith.addi %broadcast_in_dim3A_6, %add3A_1985 : vector<16xi32>
      %add3A_1987 = arith.constant 8 : i32
      %add3A_1988 = arith.addi %mul3A_1863, %add3A_1987 : i32
      %add3A_1989 = vector.broadcast %add3A_1988 : i32 to vector<16xi32>
      %add3A_1990 = arith.addi %broadcast_in_dim3A_6, %add3A_1989 : vector<16xi32>
      %add3A_1991 = arith.constant 24 : i32
      %add3A_1992 = vector.broadcast %add3A_1991 : i32 to vector<16xi32>
      %add3A_1993 = arith.addi %broadcast_in_dim3A_6, %add3A_1992 : vector<16xi32>
      %gather3A_1994 = tpu.vector_load_idx %arg10[%add3A_1993, %iota3A, %add3A_1986] : memref<32x16x128xf32, #tpu.memory_space<vmem>>[vector<16xi32>, vector<16xi32>, vector<16xi32>], vector<16xf32>,
      tpu.vector_store_idx %arg13[%iota3A, %add3A_1990], %gather3A_1994 : memref<32x1024xf32, #tpu.memory_space<vmem>>[vector<16xi32>, vector<16xi32>], vector<16xf32>,
      %slice3A_1995 = vector.extract_strided_slice %min3A_1868 {offsets = [9], sizes = [1], strides = [1]} : vector<16xi32> to vector<1xi32>
      %squeeze3A_1996 = vector.extract %slice3A_1995[0] : i32 from vector<1xi32>
      %and3A_1997 = arith.constant 127 : i32
      %and3A_1998 = arith.andi %squeeze3A_1996, %and3A_1997 : i32
      %add3A_1999 = vector.broadcast %and3A_1998 : i32 to vector<16xi32>
      %add3A_2000 = arith.addi %broadcast_in_dim3A_6, %add3A_1999 : vector<16xi32>
      %add3A_2001 = arith.constant 9 : i32
      %add3A_2002 = arith.addi %mul3A_1863, %add3A_2001 : i32
      %add3A_2003 = vector.broadcast %add3A_2002 : i32 to vector<16xi32>
      %add3A_2004 = arith.addi %broadcast_in_dim3A_6, %add3A_2003 : vector<16xi32>
      %add3A_2005 = arith.constant 25 : i32
      %add3A_2006 = vector.broadcast %add3A_2005 : i32 to vector<16xi32>
      %add3A_2007 = arith.addi %broadcast_in_dim3A_6, %add3A_2006 : vector<16xi32>
      %gather3A_2008 = tpu.vector_load_idx %arg10[%add3A_2007, %iota3A, %add3A_2000] : memref<32x16x128xf32, #tpu.memory_space<vmem>>[vector<16xi32>, vector<16xi32>, vector<16xi32>], vector<16xf32>,
      tpu.vector_store_idx %arg13[%iota3A, %add3A_2004], %gather3A_2008 : memref<32x1024xf32, #tpu.memory_space<vmem>>[vector<16xi32>, vector<16xi32>], vector<16xf32>,
      %slice3A_2009 = vector.extract_strided_slice %min3A_1868 {offsets = [10], sizes = [1], strides = [1]} : vector<16xi32> to vector<1xi32>
      %squeeze3A_2010 = vector.extract %slice3A_2009[0] : i32 from vector<1xi32>
      %and3A_2011 = arith.constant 127 : i32
      %and3A_2012 = arith.andi %squeeze3A_2010, %and3A_2011 : i32
      %add3A_2013 = vector.broadcast %and3A_2012 : i32 to vector<16xi32>
      %add3A_2014 = arith.addi %broadcast_in_dim3A_6, %add3A_2013 : vector<16xi32>
      %add3A_2015 = arith.constant 10 : i32
      %add3A_2016 = arith.addi %mul3A_1863, %add3A_2015 : i32
      %add3A_2017 = vector.broadcast %add3A_2016 : i32 to vector<16xi32>
      %add3A_2018 = arith.addi %broadcast_in_dim3A_6, %add3A_2017 : vector<16xi32>
      %add3A_2019 = arith.constant 26 : i32
      %add3A_2020 = vector.broadcast %add3A_2019 : i32 to vector<16xi32>
      %add3A_2021 = arith.addi %broadcast_in_dim3A_6, %add3A_2020 : vector<16xi32>
      %gather3A_2022 = tpu.vector_load_idx %arg10[%add3A_2021, %iota3A, %add3A_2014] : memref<32x16x128xf32, #tpu.memory_space<vmem>>[vector<16xi32>, vector<16xi32>, vector<16xi32>], vector<16xf32>,
      tpu.vector_store_idx %arg13[%iota3A, %add3A_2018], %gather3A_2022 : memref<32x1024xf32, #tpu.memory_space<vmem>>[vector<16xi32>, vector<16xi32>], vector<16xf32>,
      %slice3A_2023 = vector.extract_strided_slice %min3A_1868 {offsets = [11], sizes = [1], strides = [1]} : vector<16xi32> to vector<1xi32>
      %squeeze3A_2024 = vector.extract %slice3A_2023[0] : i32 from vector<1xi32>
      %and3A_2025 = arith.constant 127 : i32
      %and3A_2026 = arith.andi %squeeze3A_2024, %and3A_2025 : i32
      %add3A_2027 = vector.broadcast %and3A_2026 : i32 to vector<16xi32>
      %add3A_2028 = arith.addi %broadcast_in_dim3A_6, %add3A_2027 : vector<16xi32>
      %add3A_2029 = arith.constant 11 : i32
      %add3A_2030 = arith.addi %mul3A_1863, %add3A_2029 : i32
      %add3A_2031 = vector.broadcast %add3A_2030 : i32 to vector<16xi32>
      %add3A_2032 = arith.addi %broadcast_in_dim3A_6, %add3A_2031 : vector<16xi32>
      %add3A_2033 = arith.constant 27 : i32
      %add3A_2034 = vector.broadcast %add3A_2033 : i32 to vector<16xi32>
      %add3A_2035 = arith.addi %broadcast_in_dim3A_6, %add3A_2034 : vector<16xi32>
      %gather3A_2036 = tpu.vector_load_idx %arg10[%add3A_2035, %iota3A, %add3A_2028] : memref<32x16x128xf32, #tpu.memory_space<vmem>>[vector<16xi32>, vector<16xi32>, vector<16xi32>], vector<16xf32>,
      tpu.vector_store_idx %arg13[%iota3A, %add3A_2032], %gather3A_2036 : memref<32x1024xf32, #tpu.memory_space<vmem>>[vector<16xi32>, vector<16xi32>], vector<16xf32>,
      %slice3A_2037 = vector.extract_strided_slice %min3A_1868 {offsets = [12], sizes = [1], strides = [1]} : vector<16xi32> to vector<1xi32>
      %squeeze3A_2038 = vector.extract %slice3A_2037[0] : i32 from vector<1xi32>
      %and3A_2039 = arith.constant 127 : i32
      %and3A_2040 = arith.andi %squeeze3A_2038, %and3A_2039 : i32
      %add3A_2041 = vector.broadcast %and3A_2040 : i32 to vector<16xi32>
      %add3A_2042 = arith.addi %broadcast_in_dim3A_6, %add3A_2041 : vector<16xi32>
      %add3A_2043 = arith.constant 12 : i32
      %add3A_2044 = arith.addi %mul3A_1863, %add3A_2043 : i32
      %add3A_2045 = vector.broadcast %add3A_2044 : i32 to vector<16xi32>
      %add3A_2046 = arith.addi %broadcast_in_dim3A_6, %add3A_2045 : vector<16xi32>
      %add3A_2047 = arith.constant 28 : i32
      %add3A_2048 = vector.broadcast %add3A_2047 : i32 to vector<16xi32>
      %add3A_2049 = arith.addi %broadcast_in_dim3A_6, %add3A_2048 : vector<16xi32>
      %gather3A_2050 = tpu.vector_load_idx %arg10[%add3A_2049, %iota3A, %add3A_2042] : memref<32x16x128xf32, #tpu.memory_space<vmem>>[vector<16xi32>, vector<16xi32>, vector<16xi32>], vector<16xf32>,
      tpu.vector_store_idx %arg13[%iota3A, %add3A_2046], %gather3A_2050 : memref<32x1024xf32, #tpu.memory_space<vmem>>[vector<16xi32>, vector<16xi32>], vector<16xf32>,
      %slice3A_2051 = vector.extract_strided_slice %min3A_1868 {offsets = [13], sizes = [1], strides = [1]} : vector<16xi32> to vector<1xi32>
      %squeeze3A_2052 = vector.extract %slice3A_2051[0] : i32 from vector<1xi32>
      %and3A_2053 = arith.constant 127 : i32
      %and3A_2054 = arith.andi %squeeze3A_2052, %and3A_2053 : i32
      %add3A_2055 = vector.broadcast %and3A_2054 : i32 to vector<16xi32>
      %add3A_2056 = arith.addi %broadcast_in_dim3A_6, %add3A_2055 : vector<16xi32>
      %add3A_2057 = arith.constant 13 : i32
      %add3A_2058 = arith.addi %mul3A_1863, %add3A_2057 : i32
      %add3A_2059 = vector.broadcast %add3A_2058 : i32 to vector<16xi32>
      %add3A_2060 = arith.addi %broadcast_in_dim3A_6, %add3A_2059 : vector<16xi32>
      %add3A_2061 = arith.constant 29 : i32
      %add3A_2062 = vector.broadcast %add3A_2061 : i32 to vector<16xi32>
      %add3A_2063 = arith.addi %broadcast_in_dim3A_6, %add3A_2062 : vector<16xi32>
      %gather3A_2064 = tpu.vector_load_idx %arg10[%add3A_2063, %iota3A, %add3A_2056] : memref<32x16x128xf32, #tpu.memory_space<vmem>>[vector<16xi32>, vector<16xi32>, vector<16xi32>], vector<16xf32>,
      tpu.vector_store_idx %arg13[%iota3A, %add3A_2060], %gather3A_2064 : memref<32x1024xf32, #tpu.memory_space<vmem>>[vector<16xi32>, vector<16xi32>], vector<16xf32>,
      %slice3A_2065 = vector.extract_strided_slice %min3A_1868 {offsets = [14], sizes = [1], strides = [1]} : vector<16xi32> to vector<1xi32>
      %squeeze3A_2066 = vector.extract %slice3A_2065[0] : i32 from vector<1xi32>
      %and3A_2067 = arith.constant 127 : i32
      %and3A_2068 = arith.andi %squeeze3A_2066, %and3A_2067 : i32
      %add3A_2069 = vector.broadcast %and3A_2068 : i32 to vector<16xi32>
      %add3A_2070 = arith.addi %broadcast_in_dim3A_6, %add3A_2069 : vector<16xi32>
      %add3A_2071 = arith.constant 14 : i32
      %add3A_2072 = arith.addi %mul3A_1863, %add3A_2071 : i32
      %add3A_2073 = vector.broadcast %add3A_2072 : i32 to vector<16xi32>
      %add3A_2074 = arith.addi %broadcast_in_dim3A_6, %add3A_2073 : vector<16xi32>
      %add3A_2075 = arith.constant 30 : i32
      %add3A_2076 = vector.broadcast %add3A_2075 : i32 to vector<16xi32>
      %add3A_2077 = arith.addi %broadcast_in_dim3A_6, %add3A_2076 : vector<16xi32>
      %gather3A_2078 = tpu.vector_load_idx %arg10[%add3A_2077, %iota3A, %add3A_2070] : memref<32x16x128xf32, #tpu.memory_space<vmem>>[vector<16xi32>, vector<16xi32>, vector<16xi32>], vector<16xf32>,
      tpu.vector_store_idx %arg13[%iota3A, %add3A_2074], %gather3A_2078 : memref<32x1024xf32, #tpu.memory_space<vmem>>[vector<16xi32>, vector<16xi32>], vector<16xf32>,
      %slice3A_2079 = vector.extract_strided_slice %min3A_1868 {offsets = [15], sizes = [1], strides = [1]} : vector<16xi32> to vector<1xi32>
      %squeeze3A_2080 = vector.extract %slice3A_2079[0] : i32 from vector<1xi32>
      %and3A_2081 = arith.constant 127 : i32
      %and3A_2082 = arith.andi %squeeze3A_2080, %and3A_2081 : i32
      %add3A_2083 = vector.broadcast %and3A_2082 : i32 to vector<16xi32>
      %add3A_2084 = arith.addi %broadcast_in_dim3A_6, %add3A_2083 : vector<16xi32>
      %add3A_2085 = arith.constant 15 : i32
      %add3A_2086 = arith.addi %mul3A_1863, %add3A_2085 : i32
      %add3A_2087 = vector.broadcast %add3A_2086 : i32 to vector<16xi32>
      %add3A_2088 = arith.addi %broadcast_in_dim3A_6, %add3A_2087 : vector<16xi32>
      %add3A_2089 = arith.constant 31 : i32
      %add3A_2090 = vector.broadcast %add3A_2089 : i32 to vector<16xi32>
      %add3A_2091 = arith.addi %broadcast_in_dim3A_6, %add3A_2090 : vector<16xi32>
      %gather3A_2092 = tpu.vector_load_idx %arg10[%add3A_2091, %iota3A, %add3A_2084] : memref<32x16x128xf32, #tpu.memory_space<vmem>>[vector<16xi32>, vector<16xi32>, vector<16xi32>], vector<16xf32>,
      tpu.vector_store_idx %arg13[%iota3A, %add3A_2088], %gather3A_2092 : memref<32x1024xf32, #tpu.memory_space<vmem>>[vector<16xi32>, vector<16xi32>], vector<16xf32>,
    }
    %scan3A_297 = arith.constant 32 : i32
    %dma_wait3A = arith.constant 0 : i32
    %dma_wait3A_298 = arith.constant 0 : i32
    %dma_wait3A_299 = arith.constant 0 : i32
    %dma_wait3A_300 = tpu.memref_slice %arg10[%dma_wait3A, %dma_wait3A_298, %dma_wait3A_299] : memref<32x16x128xf32, #tpu.memory_space<vmem>> -> memref<1x16x128xf32, #tpu.memory_space<vmem>>
    %dma_wait3A_301 = tpu.memref_squeeze %dma_wait3A_300 : memref<1x16x128xf32, #tpu.memory_space<vmem>> -> memref<16x128xf32, #tpu.memory_space<vmem>>
    %dma_wait3A_302 = arith.constant 0 : i32
    %dma_wait3A_303 = arith.constant 0 : i32
    %dma_wait3A_304 = tpu.memref_slice %arg4[%dma_wait3A_302, %dma_wait3A_303] : memref<32x1000001xf32, #tpu.memory_space<hbm>> -> memref<16x128xf32, #tpu.memory_space<hbm>>
    %dma_wait3A_305 = arith.constant 0 : i32
    %dma_wait3A_306 = arith.constant 0 : i32
    %dma_wait3A_307 = tpu.memref_slice %arg10[%dma_wait3A, %dma_wait3A_305, %dma_wait3A_306] : memref<32x16x128xf32, #tpu.memory_space<vmem>> -> memref<1x16x128xf32, #tpu.memory_space<vmem>>
    %dma_wait3A_308 = tpu.memref_squeeze %dma_wait3A_307 : memref<1x16x128xf32, #tpu.memory_space<vmem>> -> memref<16x128xf32, #tpu.memory_space<vmem>>
    %dma_wait3A_309 = arith.constant 0 : i32
    %dma_wait3A_310 = arith.constant 0 : i32
    %dma_wait3A_311 = tpu.memref_slice %arg4[%dma_wait3A_309, %dma_wait3A_310] : memref<32x1000001xf32, #tpu.memory_space<hbm>> -> memref<16x128xf32, #tpu.memory_space<hbm>>
    tpu.wait_dma2 semaphore(%arg14 : memref<!tpu.dma_semaphore, #tpu.memory_space<semaphore_mem>>) src(%dma_wait3A_311 : memref<16x128xf32, #tpu.memory_space<hbm>>) dst(%dma_wait3A_308 : memref<16x128xf32, #tpu.memory_space<vmem>>)
    %dma_wait3A_312 = arith.constant 0 : i32
    %dma_wait3A_313 = arith.constant 0 : i32
    %dma_wait3A_314 = arith.constant 0 : i32
    %dma_wait3A_315 = tpu.memref_slice %arg10[%dma_wait3A_312, %dma_wait3A_313, %dma_wait3A_314] : memref<32x16x128xf32, #tpu.memory_space<vmem>> -> memref<1x16x128xf32, #tpu.memory_space<vmem>>
    %dma_wait3A_316 = tpu.memref_squeeze %dma_wait3A_315 : memref<1x16x128xf32, #tpu.memory_space<vmem>> -> memref<16x128xf32, #tpu.memory_space<vmem>>
    %dma_wait3A_317 = arith.constant 0 : i32
    %dma_wait3A_318 = arith.constant 0 : i32
    %dma_wait3A_319 = tpu.memref_slice %arg4[%dma_wait3A_317, %dma_wait3A_318] : memref<32x1000001xf32, #tpu.memory_space<hbm>> -> memref<16x128xf32, #tpu.memory_space<hbm>>
    %dma_wait3A_320 = arith.constant 0 : i32
    %dma_wait3A_321 = arith.constant 0 : i32
    %dma_wait3A_322 = tpu.memref_slice %arg10[%dma_wait3A_312, %dma_wait3A_320, %dma_wait3A_321] : memref<32x16x128xf32, #tpu.memory_space<vmem>> -> memref<1x16x128xf32, #tpu.memory_space<vmem>>
    %dma_wait3A_323 = tpu.memref_squeeze %dma_wait3A_322 : memref<1x16x128xf32, #tpu.memory_space<vmem>> -> memref<16x128xf32, #tpu.memory_space<vmem>>
    %dma_wait3A_324 = arith.constant 0 : i32
    %dma_wait3A_325 = arith.constant 0 : i32
    %dma_wait3A_326 = tpu.memref_slice %arg4[%dma_wait3A_324, %dma_wait3A_325] : memref<32x1000001xf32, #tpu.memory_space<hbm>> -> memref<16x128xf32, #tpu.memory_space<hbm>>
    tpu.wait_dma2 semaphore(%arg14 : memref<!tpu.dma_semaphore, #tpu.memory_space<semaphore_mem>>) src(%dma_wait3A_326 : memref<16x128xf32, #tpu.memory_space<hbm>>) dst(%dma_wait3A_323 : memref<16x128xf32, #tpu.memory_space<vmem>>)
    %dma_wait3A_327 = arith.constant 0 : i32
    %dma_wait3A_328 = arith.constant 0 : i32
    %dma_wait3A_329 = arith.constant 0 : i32
    %dma_wait3A_330 = tpu.memref_slice %arg10[%dma_wait3A_327, %dma_wait3A_328, %dma_wait3A_329] : memref<32x16x128xf32, #tpu.memory_space<vmem>> -> memref<1x16x128xf32, #tpu.memory_space<vmem>>
    %dma_wait3A_331 = tpu.memref_squeeze %dma_wait3A_330 : memref<1x16x128xf32, #tpu.memory_space<vmem>> -> memref<16x128xf32, #tpu.memory_space<vmem>>
    %dma_wait3A_332 = arith.constant 0 : i32
    %dma_wait3A_333 = arith.constant 0 : i32
    %dma_wait3A_334 = tpu.memref_slice %arg4[%dma_wait3A_332, %dma_wait3A_333] : memref<32x1000001xf32, #tpu.memory_space<hbm>> -> memref<16x128xf32, #tpu.memory_space<hbm>>
    %dma_wait3A_335 = arith.constant 0 : i32
    %dma_wait3A_336 = arith.constant 0 : i32
    %dma_wait3A_337 = tpu.memref_slice %arg10[%dma_wait3A_327, %dma_wait3A_335, %dma_wait3A_336] : memref<32x16x128xf32, #tpu.memory_space<vmem>> -> memref<1x16x128xf32, #tpu.memory_space<vmem>>
    %dma_wait3A_338 = tpu.memref_squeeze %dma_wait3A_337 : memref<1x16x128xf32, #tpu.memory_space<vmem>> -> memref<16x128xf32, #tpu.memory_space<vmem>>
    %dma_wait3A_339 = arith.constant 0 : i32
    %dma_wait3A_340 = arith.constant 0 : i32
    %dma_wait3A_341 = tpu.memref_slice %arg4[%dma_wait3A_339, %dma_wait3A_340] : memref<32x1000001xf32, #tpu.memory_space<hbm>> -> memref<16x128xf32, #tpu.memory_space<hbm>>
    tpu.wait_dma2 semaphore(%arg14 : memref<!tpu.dma_semaphore, #tpu.memory_space<semaphore_mem>>) src(%dma_wait3A_341 : memref<16x128xf32, #tpu.memory_space<hbm>>) dst(%dma_wait3A_338 : memref<16x128xf32, #tpu.memory_space<vmem>>)
    %dma_wait3A_342 = arith.constant 0 : i32
    %dma_wait3A_343 = arith.constant 0 : i32
    %dma_wait3A_344 = arith.constant 0 : i32
    %dma_wait3A_345 = tpu.memref_slice %arg10[%dma_wait3A_342, %dma_wait3A_343, %dma_wait3A_344] : memref<32x16x128xf32, #tpu.memory_space<vmem>> -> memref<1x16x128xf32, #tpu.memory_space<vmem>>
    %dma_wait3A_346 = tpu.memref_squeeze %dma_wait3A_345 : memref<1x16x128xf32, #tpu.memory_space<vmem>> -> memref<16x128xf32, #tpu.memory_space<vmem>>
    %dma_wait3A_347 = arith.constant 0 : i32
    %dma_wait3A_348 = arith.constant 0 : i32
    %dma_wait3A_349 = tpu.memref_slice %arg4[%dma_wait3A_347, %dma_wait3A_348] : memref<32x1000001xf32, #tpu.memory_space<hbm>> -> memref<16x128xf32, #tpu.memory_space<hbm>>
    %dma_wait3A_350 = arith.constant 0 : i32
    %dma_wait3A_351 = arith.constant 0 : i32
    %dma_wait3A_352 = tpu.memref_slice %arg10[%dma_wait3A_342, %dma_wait3A_350, %dma_wait3A_351] : memref<32x16x128xf32, #tpu.memory_space<vmem>> -> memref<1x16x128xf32, #tpu.memory_space<vmem>>
    %dma_wait3A_353 = tpu.memref_squeeze %dma_wait3A_352 : memref<1x16x128xf32, #tpu.memory_space<vmem>> -> memref<16x128xf32, #tpu.memory_space<vmem>>
    %dma_wait3A_354 = arith.constant 0 : i32
    %dma_wait3A_355 = arith.constant 0 : i32
    %dma_wait3A_356 = tpu.memref_slice %arg4[%dma_wait3A_354, %dma_wait3A_355] : memref<32x1000001xf32, #tpu.memory_space<hbm>> -> memref<16x128xf32, #tpu.memory_space<hbm>>
    tpu.wait_dma2 semaphore(%arg14 : memref<!tpu.dma_semaphore, #tpu.memory_space<semaphore_mem>>) src(%dma_wait3A_356 : memref<16x128xf32, #tpu.memory_space<hbm>>) dst(%dma_wait3A_353 : memref<16x128xf32, #tpu.memory_space<vmem>>)
    %dma_wait3A_357 = arith.constant 0 : i32
    %dma_wait3A_358 = arith.constant 0 : i32
    %dma_wait3A_359 = arith.constant 0 : i32
    %dma_wait3A_360 = tpu.memref_slice %arg10[%dma_wait3A_357, %dma_wait3A_358, %dma_wait3A_359] : memref<32x16x128xf32, #tpu.memory_space<vmem>> -> memref<1x16x128xf32, #tpu.memory_space<vmem>>
    %dma_wait3A_361 = tpu.memref_squeeze %dma_wait3A_360 : memref<1x16x128xf32, #tpu.memory_space<vmem>> -> memref<16x128xf32, #tpu.memory_space<vmem>>
    %dma_wait3A_362 = arith.constant 0 : i32
    %dma_wait3A_363 = arith.constant 0 : i32
    %dma_wait3A_364 = tpu.memref_slice %arg4[%dma_wait3A_362, %dma_wait3A_363] : memref<32x1000001xf32, #tpu.memory_space<hbm>> -> memref<16x128xf32, #tpu.memory_space<hbm>>
    %dma_wait3A_365 = arith.constant 0 : i32
    %dma_wait3A_366 = arith.constant 0 : i32
    %dma_wait3A_367 = tpu.memref_slice %arg10[%dma_wait3A_357, %dma_wait3A_365, %dma_wait3A_366] : memref<32x16x128xf32, #tpu.memory_space<vmem>> -> memref<1x16x128xf32, #tpu.memory_space<vmem>>
    %dma_wait3A_368 = tpu.memref_squeeze %dma_wait3A_367 : memref<1x16x128xf32, #tpu.memory_space<vmem>> -> memref<16x128xf32, #tpu.memory_space<vmem>>
    %dma_wait3A_369 = arith.constant 0 : i32
    %dma_wait3A_370 = arith.constant 0 : i32
    %dma_wait3A_371 = tpu.memref_slice %arg4[%dma_wait3A_369, %dma_wait3A_370] : memref<32x1000001xf32, #tpu.memory_space<hbm>> -> memref<16x128xf32, #tpu.memory_space<hbm>>
    tpu.wait_dma2 semaphore(%arg14 : memref<!tpu.dma_semaphore, #tpu.memory_space<semaphore_mem>>) src(%dma_wait3A_371 : memref<16x128xf32, #tpu.memory_space<hbm>>) dst(%dma_wait3A_368 : memref<16x128xf32, #tpu.memory_space<vmem>>)
    %dma_wait3A_372 = arith.constant 0 : i32
    %dma_wait3A_373 = arith.constant 0 : i32
    %dma_wait3A_374 = arith.constant 0 : i32
    %dma_wait3A_375 = tpu.memref_slice %arg10[%dma_wait3A_372, %dma_wait3A_373, %dma_wait3A_374] : memref<32x16x128xf32, #tpu.memory_space<vmem>> -> memref<1x16x128xf32, #tpu.memory_space<vmem>>
    %dma_wait3A_376 = tpu.memref_squeeze %dma_wait3A_375 : memref<1x16x128xf32, #tpu.memory_space<vmem>> -> memref<16x128xf32, #tpu.memory_space<vmem>>
    %dma_wait3A_377 = arith.constant 0 : i32
    %dma_wait3A_378 = arith.constant 0 : i32
    %dma_wait3A_379 = tpu.memref_slice %arg4[%dma_wait3A_377, %dma_wait3A_378] : memref<32x1000001xf32, #tpu.memory_space<hbm>> -> memref<16x128xf32, #tpu.memory_space<hbm>>
    %dma_wait3A_380 = arith.constant 0 : i32
    %dma_wait3A_381 = arith.constant 0 : i32
    %dma_wait3A_382 = tpu.memref_slice %arg10[%dma_wait3A_372, %dma_wait3A_380, %dma_wait3A_381] : memref<32x16x128xf32, #tpu.memory_space<vmem>> -> memref<1x16x128xf32, #tpu.memory_space<vmem>>
    %dma_wait3A_383 = tpu.memref_squeeze %dma_wait3A_382 : memref<1x16x128xf32, #tpu.memory_space<vmem>> -> memref<16x128xf32, #tpu.memory_space<vmem>>
    %dma_wait3A_384 = arith.constant 0 : i32
    %dma_wait3A_385 = arith.constant 0 : i32
    %dma_wait3A_386 = tpu.memref_slice %arg4[%dma_wait3A_384, %dma_wait3A_385] : memref<32x1000001xf32, #tpu.memory_space<hbm>> -> memref<16x128xf32, #tpu.memory_space<hbm>>
    tpu.wait_dma2 semaphore(%arg14 : memref<!tpu.dma_semaphore, #tpu.memory_space<semaphore_mem>>) src(%dma_wait3A_386 : memref<16x128xf32, #tpu.memory_space<hbm>>) dst(%dma_wait3A_383 : memref<16x128xf32, #tpu.memory_space<vmem>>)
    %dma_wait3A_387 = arith.constant 0 : i32
    %dma_wait3A_388 = arith.constant 0 : i32
    %dma_wait3A_389 = arith.constant 0 : i32
    %dma_wait3A_390 = tpu.memref_slice %arg10[%dma_wait3A_387, %dma_wait3A_388, %dma_wait3A_389] : memref<32x16x128xf32, #tpu.memory_space<vmem>> -> memref<1x16x128xf32, #tpu.memory_space<vmem>>
    %dma_wait3A_391 = tpu.memref_squeeze %dma_wait3A_390 : memref<1x16x128xf32, #tpu.memory_space<vmem>> -> memref<16x128xf32, #tpu.memory_space<vmem>>
    %dma_wait3A_392 = arith.constant 0 : i32
    %dma_wait3A_393 = arith.constant 0 : i32
    %dma_wait3A_394 = tpu.memref_slice %arg4[%dma_wait3A_392, %dma_wait3A_393] : memref<32x1000001xf32, #tpu.memory_space<hbm>> -> memref<16x128xf32, #tpu.memory_space<hbm>>
    %dma_wait3A_395 = arith.constant 0 : i32
    %dma_wait3A_396 = arith.constant 0 : i32
    %dma_wait3A_397 = tpu.memref_slice %arg10[%dma_wait3A_387, %dma_wait3A_395, %dma_wait3A_396] : memref<32x16x128xf32, #tpu.memory_space<vmem>> -> memref<1x16x128xf32, #tpu.memory_space<vmem>>
    %dma_wait3A_398 = tpu.memref_squeeze %dma_wait3A_397 : memref<1x16x128xf32, #tpu.memory_space<vmem>> -> memref<16x128xf32, #tpu.memory_space<vmem>>
    %dma_wait3A_399 = arith.constant 0 : i32
    %dma_wait3A_400 = arith.constant 0 : i32
    %dma_wait3A_401 = tpu.memref_slice %arg4[%dma_wait3A_399, %dma_wait3A_400] : memref<32x1000001xf32, #tpu.memory_space<hbm>> -> memref<16x128xf32, #tpu.memory_space<hbm>>
    tpu.wait_dma2 semaphore(%arg14 : memref<!tpu.dma_semaphore, #tpu.memory_space<semaphore_mem>>) src(%dma_wait3A_401 : memref<16x128xf32, #tpu.memory_space<hbm>>) dst(%dma_wait3A_398 : memref<16x128xf32, #tpu.memory_space<vmem>>)
    %dma_wait3A_402 = arith.constant 0 : i32
    %dma_wait3A_403 = arith.constant 0 : i32
    %dma_wait3A_404 = arith.constant 0 : i32
    %dma_wait3A_405 = tpu.memref_slice %arg10[%dma_wait3A_402, %dma_wait3A_403, %dma_wait3A_404] : memref<32x16x128xf32, #tpu.memory_space<vmem>> -> memref<1x16x128xf32, #tpu.memory_space<vmem>>
    %dma_wait3A_406 = tpu.memref_squeeze %dma_wait3A_405 : memref<1x16x128xf32, #tpu.memory_space<vmem>> -> memref<16x128xf32, #tpu.memory_space<vmem>>
    %dma_wait3A_407 = arith.constant 0 : i32
    %dma_wait3A_408 = arith.constant 0 : i32
    %dma_wait3A_409 = tpu.memref_slice %arg4[%dma_wait3A_407, %dma_wait3A_408] : memref<32x1000001xf32, #tpu.memory_space<hbm>> -> memref<16x128xf32, #tpu.memory_space<hbm>>
    %dma_wait3A_410 = arith.constant 0 : i32
    %dma_wait3A_411 = arith.constant 0 : i32
    %dma_wait3A_412 = tpu.memref_slice %arg10[%dma_wait3A_402, %dma_wait3A_410, %dma_wait3A_411] : memref<32x16x128xf32, #tpu.memory_space<vmem>> -> memref<1x16x128xf32, #tpu.memory_space<vmem>>
    %dma_wait3A_413 = tpu.memref_squeeze %dma_wait3A_412 : memref<1x16x128xf32, #tpu.memory_space<vmem>> -> memref<16x128xf32, #tpu.memory_space<vmem>>
    %dma_wait3A_414 = arith.constant 0 : i32
    %dma_wait3A_415 = arith.constant 0 : i32
    %dma_wait3A_416 = tpu.memref_slice %arg4[%dma_wait3A_414, %dma_wait3A_415] : memref<32x1000001xf32, #tpu.memory_space<hbm>> -> memref<16x128xf32, #tpu.memory_space<hbm>>
    tpu.wait_dma2 semaphore(%arg14 : memref<!tpu.dma_semaphore, #tpu.memory_space<semaphore_mem>>) src(%dma_wait3A_416 : memref<16x128xf32, #tpu.memory_space<hbm>>) dst(%dma_wait3A_413 : memref<16x128xf32, #tpu.memory_space<vmem>>)
    %dma_wait3A_417 = arith.constant 0 : i32
    %dma_wait3A_418 = arith.constant 0 : i32
    %dma_wait3A_419 = arith.constant 0 : i32
    %dma_wait3A_420 = tpu.memref_slice %arg10[%dma_wait3A_417, %dma_wait3A_418, %dma_wait3A_419] : memref<32x16x128xf32, #tpu.memory_space<vmem>> -> memref<1x16x128xf32, #tpu.memory_space<vmem>>
    %dma_wait3A_421 = tpu.memref_squeeze %dma_wait3A_420 : memref<1x16x128xf32, #tpu.memory_space<vmem>> -> memref<16x128xf32, #tpu.memory_space<vmem>>
    %dma_wait3A_422 = arith.constant 0 : i32
    %dma_wait3A_423 = arith.constant 0 : i32
    %dma_wait3A_424 = tpu.memref_slice %arg4[%dma_wait3A_422, %dma_wait3A_423] : memref<32x1000001xf32, #tpu.memory_space<hbm>> -> memref<16x128xf32, #tpu.memory_space<hbm>>
    %dma_wait3A_425 = arith.constant 0 : i32
    %dma_wait3A_426 = arith.constant 0 : i32
    %dma_wait3A_427 = tpu.memref_slice %arg10[%dma_wait3A_417, %dma_wait3A_425, %dma_wait3A_426] : memref<32x16x128xf32, #tpu.memory_space<vmem>> -> memref<1x16x128xf32, #tpu.memory_space<vmem>>
    %dma_wait3A_428 = tpu.memref_squeeze %dma_wait3A_427 : memref<1x16x128xf32, #tpu.memory_space<vmem>> -> memref<16x128xf32, #tpu.memory_space<vmem>>
    %dma_wait3A_429 = arith.constant 0 : i32
    %dma_wait3A_430 = arith.constant 0 : i32
    %dma_wait3A_431 = tpu.memref_slice %arg4[%dma_wait3A_429, %dma_wait3A_430] : memref<32x1000001xf32, #tpu.memory_space<hbm>> -> memref<16x128xf32, #tpu.memory_space<hbm>>
    tpu.wait_dma2 semaphore(%arg14 : memref<!tpu.dma_semaphore, #tpu.memory_space<semaphore_mem>>) src(%dma_wait3A_431 : memref<16x128xf32, #tpu.memory_space<hbm>>) dst(%dma_wait3A_428 : memref<16x128xf32, #tpu.memory_space<vmem>>)
    %dma_wait3A_432 = arith.constant 0 : i32
    %dma_wait3A_433 = arith.constant 0 : i32
    %dma_wait3A_434 = arith.constant 0 : i32
    %dma_wait3A_435 = tpu.memref_slice %arg10[%dma_wait3A_432, %dma_wait3A_433, %dma_wait3A_434] : memref<32x16x128xf32, #tpu.memory_space<vmem>> -> memref<1x16x128xf32, #tpu.memory_space<vmem>>
    %dma_wait3A_436 = tpu.memref_squeeze %dma_wait3A_435 : memref<1x16x128xf32, #tpu.memory_space<vmem>> -> memref<16x128xf32, #tpu.memory_space<vmem>>
    %dma_wait3A_437 = arith.constant 0 : i32
    %dma_wait3A_438 = arith.constant 0 : i32
    %dma_wait3A_439 = tpu.memref_slice %arg4[%dma_wait3A_437, %dma_wait3A_438] : memref<32x1000001xf32, #tpu.memory_space<hbm>> -> memref<16x128xf32, #tpu.memory_space<hbm>>
    %dma_wait3A_440 = arith.constant 0 : i32
    %dma_wait3A_441 = arith.constant 0 : i32
    %dma_wait3A_442 = tpu.memref_slice %arg10[%dma_wait3A_432, %dma_wait3A_440, %dma_wait3A_441] : memref<32x16x128xf32, #tpu.memory_space<vmem>> -> memref<1x16x128xf32, #tpu.memory_space<vmem>>
    %dma_wait3A_443 = tpu.memref_squeeze %dma_wait3A_442 : memref<1x16x128xf32, #tpu.memory_space<vmem>> -> memref<16x128xf32, #tpu.memory_space<vmem>>
    %dma_wait3A_444 = arith.constant 0 : i32
    %dma_wait3A_445 = arith.constant 0 : i32
    %dma_wait3A_446 = tpu.memref_slice %arg4[%dma_wait3A_444, %dma_wait3A_445] : memref<32x1000001xf32, #tpu.memory_space<hbm>> -> memref<16x128xf32, #tpu.memory_space<hbm>>
    tpu.wait_dma2 semaphore(%arg14 : memref<!tpu.dma_semaphore, #tpu.memory_space<semaphore_mem>>) src(%dma_wait3A_446 : memref<16x128xf32, #tpu.memory_space<hbm>>) dst(%dma_wait3A_443 : memref<16x128xf32, #tpu.memory_space<vmem>>)
    %dma_wait3A_447 = arith.constant 0 : i32
    %dma_wait3A_448 = arith.constant 0 : i32
    %dma_wait3A_449 = arith.constant 0 : i32
    %dma_wait3A_450 = tpu.memref_slice %arg10[%dma_wait3A_447, %dma_wait3A_448, %dma_wait3A_449] : memref<32x16x128xf32, #tpu.memory_space<vmem>> -> memref<1x16x128xf32, #tpu.memory_space<vmem>>
    %dma_wait3A_451 = tpu.memref_squeeze %dma_wait3A_450 : memref<1x16x128xf32, #tpu.memory_space<vmem>> -> memref<16x128xf32, #tpu.memory_space<vmem>>
    %dma_wait3A_452 = arith.constant 0 : i32
    %dma_wait3A_453 = arith.constant 0 : i32
    %dma_wait3A_454 = tpu.memref_slice %arg4[%dma_wait3A_452, %dma_wait3A_453] : memref<32x1000001xf32, #tpu.memory_space<hbm>> -> memref<16x128xf32, #tpu.memory_space<hbm>>
    %dma_wait3A_455 = arith.constant 0 : i32
    %dma_wait3A_456 = arith.constant 0 : i32
    %dma_wait3A_457 = tpu.memref_slice %arg10[%dma_wait3A_447, %dma_wait3A_455, %dma_wait3A_456] : memref<32x16x128xf32, #tpu.memory_space<vmem>> -> memref<1x16x128xf32, #tpu.memory_space<vmem>>
    %dma_wait3A_458 = tpu.memref_squeeze %dma_wait3A_457 : memref<1x16x128xf32, #tpu.memory_space<vmem>> -> memref<16x128xf32, #tpu.memory_space<vmem>>
    %dma_wait3A_459 = arith.constant 0 : i32
    %dma_wait3A_460 = arith.constant 0 : i32
    %dma_wait3A_461 = tpu.memref_slice %arg4[%dma_wait3A_459, %dma_wait3A_460] : memref<32x1000001xf32, #tpu.memory_space<hbm>> -> memref<16x128xf32, #tpu.memory_space<hbm>>
    tpu.wait_dma2 semaphore(%arg14 : memref<!tpu.dma_semaphore, #tpu.memory_space<semaphore_mem>>) src(%dma_wait3A_461 : memref<16x128xf32, #tpu.memory_space<hbm>>) dst(%dma_wait3A_458 : memref<16x128xf32, #tpu.memory_space<vmem>>)
    %dma_wait3A_462 = arith.constant 0 : i32
    %dma_wait3A_463 = arith.constant 0 : i32
    %dma_wait3A_464 = arith.constant 0 : i32
    %dma_wait3A_465 = tpu.memref_slice %arg10[%dma_wait3A_462, %dma_wait3A_463, %dma_wait3A_464] : memref<32x16x128xf32, #tpu.memory_space<vmem>> -> memref<1x16x128xf32, #tpu.memory_space<vmem>>
    %dma_wait3A_466 = tpu.memref_squeeze %dma_wait3A_465 : memref<1x16x128xf32, #tpu.memory_space<vmem>> -> memref<16x128xf32, #tpu.memory_space<vmem>>
    %dma_wait3A_467 = arith.constant 0 : i32
    %dma_wait3A_468 = arith.constant 0 : i32
    %dma_wait3A_469 = tpu.memref_slice %arg4[%dma_wait3A_467, %dma_wait3A_468] : memref<32x1000001xf32, #tpu.memory_space<hbm>> -> memref<16x128xf32, #tpu.memory_space<hbm>>
    %dma_wait3A_470 = arith.constant 0 : i32
    %dma_wait3A_471 = arith.constant 0 : i32
    %dma_wait3A_472 = tpu.memref_slice %arg10[%dma_wait3A_462, %dma_wait3A_470, %dma_wait3A_471] : memref<32x16x128xf32, #tpu.memory_space<vmem>> -> memref<1x16x128xf32, #tpu.memory_space<vmem>>
    %dma_wait3A_473 = tpu.memref_squeeze %dma_wait3A_472 : memref<1x16x128xf32, #tpu.memory_space<vmem>> -> memref<16x128xf32, #tpu.memory_space<vmem>>
    %dma_wait3A_474 = arith.constant 0 : i32
    %dma_wait3A_475 = arith.constant 0 : i32
    %dma_wait3A_476 = tpu.memref_slice %arg4[%dma_wait3A_474, %dma_wait3A_475] : memref<32x1000001xf32, #tpu.memory_space<hbm>> -> memref<16x128xf32, #tpu.memory_space<hbm>>
    tpu.wait_dma2 semaphore(%arg14 : memref<!tpu.dma_semaphore, #tpu.memory_space<semaphore_mem>>) src(%dma_wait3A_476 : memref<16x128xf32, #tpu.memory_space<hbm>>) dst(%dma_wait3A_473 : memref<16x128xf32, #tpu.memory_space<vmem>>)
    %dma_wait3A_477 = arith.constant 0 : i32
    %dma_wait3A_478 = arith.constant 0 : i32
    %dma_wait3A_479 = arith.constant 0 : i32
    %dma_wait3A_480 = tpu.memref_slice %arg10[%dma_wait3A_477, %dma_wait3A_478, %dma_wait3A_479] : memref<32x16x128xf32, #tpu.memory_space<vmem>> -> memref<1x16x128xf32, #tpu.memory_space<vmem>>
    %dma_wait3A_481 = tpu.memref_squeeze %dma_wait3A_480 : memref<1x16x128xf32, #tpu.memory_space<vmem>> -> memref<16x128xf32, #tpu.memory_space<vmem>>
    %dma_wait3A_482 = arith.constant 0 : i32
    %dma_wait3A_483 = arith.constant 0 : i32
    %dma_wait3A_484 = tpu.memref_slice %arg4[%dma_wait3A_482, %dma_wait3A_483] : memref<32x1000001xf32, #tpu.memory_space<hbm>> -> memref<16x128xf32, #tpu.memory_space<hbm>>
    %dma_wait3A_485 = arith.constant 0 : i32
    %dma_wait3A_486 = arith.constant 0 : i32
    %dma_wait3A_487 = tpu.memref_slice %arg10[%dma_wait3A_477, %dma_wait3A_485, %dma_wait3A_486] : memref<32x16x128xf32, #tpu.memory_space<vmem>> -> memref<1x16x128xf32, #tpu.memory_space<vmem>>
    %dma_wait3A_488 = tpu.memref_squeeze %dma_wait3A_487 : memref<1x16x128xf32, #tpu.memory_space<vmem>> -> memref<16x128xf32, #tpu.memory_space<vmem>>
    %dma_wait3A_489 = arith.constant 0 : i32
    %dma_wait3A_490 = arith.constant 0 : i32
    %dma_wait3A_491 = tpu.memref_slice %arg4[%dma_wait3A_489, %dma_wait3A_490] : memref<32x1000001xf32, #tpu.memory_space<hbm>> -> memref<16x128xf32, #tpu.memory_space<hbm>>
    tpu.wait_dma2 semaphore(%arg14 : memref<!tpu.dma_semaphore, #tpu.memory_space<semaphore_mem>>) src(%dma_wait3A_491 : memref<16x128xf32, #tpu.memory_space<hbm>>) dst(%dma_wait3A_488 : memref<16x128xf32, #tpu.memory_space<vmem>>)
    %dma_wait3A_492 = arith.constant 0 : i32
    %dma_wait3A_493 = arith.constant 0 : i32
    %dma_wait3A_494 = arith.constant 0 : i32
    %dma_wait3A_495 = tpu.memref_slice %arg10[%dma_wait3A_492, %dma_wait3A_493, %dma_wait3A_494] : memref<32x16x128xf32, #tpu.memory_space<vmem>> -> memref<1x16x128xf32, #tpu.memory_space<vmem>>
    %dma_wait3A_496 = tpu.memref_squeeze %dma_wait3A_495 : memref<1x16x128xf32, #tpu.memory_space<vmem>> -> memref<16x128xf32, #tpu.memory_space<vmem>>
    %dma_wait3A_497 = arith.constant 0 : i32
    %dma_wait3A_498 = arith.constant 0 : i32
    %dma_wait3A_499 = tpu.memref_slice %arg4[%dma_wait3A_497, %dma_wait3A_498] : memref<32x1000001xf32, #tpu.memory_space<hbm>> -> memref<16x128xf32, #tpu.memory_space<hbm>>
    %dma_wait3A_500 = arith.constant 0 : i32
    %dma_wait3A_501 = arith.constant 0 : i32
    %dma_wait3A_502 = tpu.memref_slice %arg10[%dma_wait3A_492, %dma_wait3A_500, %dma_wait3A_501] : memref<32x16x128xf32, #tpu.memory_space<vmem>> -> memref<1x16x128xf32, #tpu.memory_space<vmem>>
    %dma_wait3A_503 = tpu.memref_squeeze %dma_wait3A_502 : memref<1x16x128xf32, #tpu.memory_space<vmem>> -> memref<16x128xf32, #tpu.memory_space<vmem>>
    %dma_wait3A_504 = arith.constant 0 : i32
    %dma_wait3A_505 = arith.constant 0 : i32
    %dma_wait3A_506 = tpu.memref_slice %arg4[%dma_wait3A_504, %dma_wait3A_505] : memref<32x1000001xf32, #tpu.memory_space<hbm>> -> memref<16x128xf32, #tpu.memory_space<hbm>>
    tpu.wait_dma2 semaphore(%arg14 : memref<!tpu.dma_semaphore, #tpu.memory_space<semaphore_mem>>) src(%dma_wait3A_506 : memref<16x128xf32, #tpu.memory_space<hbm>>) dst(%dma_wait3A_503 : memref<16x128xf32, #tpu.memory_space<vmem>>)
    %dma_wait3A_507 = arith.constant 0 : i32
    %dma_wait3A_508 = arith.constant 0 : i32
    %dma_wait3A_509 = arith.constant 0 : i32
    %dma_wait3A_510 = tpu.memref_slice %arg10[%dma_wait3A_507, %dma_wait3A_508, %dma_wait3A_509] : memref<32x16x128xf32, #tpu.memory_space<vmem>> -> memref<1x16x128xf32, #tpu.memory_space<vmem>>
    %dma_wait3A_511 = tpu.memref_squeeze %dma_wait3A_510 : memref<1x16x128xf32, #tpu.memory_space<vmem>> -> memref<16x128xf32, #tpu.memory_space<vmem>>
    %dma_wait3A_512 = arith.constant 0 : i32
    %dma_wait3A_513 = arith.constant 0 : i32
    %dma_wait3A_514 = tpu.memref_slice %arg4[%dma_wait3A_512, %dma_wait3A_513] : memref<32x1000001xf32, #tpu.memory_space<hbm>> -> memref<16x128xf32, #tpu.memory_space<hbm>>
    %dma_wait3A_515 = arith.constant 0 : i32
    %dma_wait3A_516 = arith.constant 0 : i32
    %dma_wait3A_517 = tpu.memref_slice %arg10[%dma_wait3A_507, %dma_wait3A_515, %dma_wait3A_516] : memref<32x16x128xf32, #tpu.memory_space<vmem>> -> memref<1x16x128xf32, #tpu.memory_space<vmem>>
    %dma_wait3A_518 = tpu.memref_squeeze %dma_wait3A_517 : memref<1x16x128xf32, #tpu.memory_space<vmem>> -> memref<16x128xf32, #tpu.memory_space<vmem>>
    %dma_wait3A_519 = arith.constant 0 : i32
    %dma_wait3A_520 = arith.constant 0 : i32
    %dma_wait3A_521 = tpu.memref_slice %arg4[%dma_wait3A_519, %dma_wait3A_520] : memref<32x1000001xf32, #tpu.memory_space<hbm>> -> memref<16x128xf32, #tpu.memory_space<hbm>>
    tpu.wait_dma2 semaphore(%arg14 : memref<!tpu.dma_semaphore, #tpu.memory_space<semaphore_mem>>) src(%dma_wait3A_521 : memref<16x128xf32, #tpu.memory_space<hbm>>) dst(%dma_wait3A_518 : memref<16x128xf32, #tpu.memory_space<vmem>>)
    %dma_wait3A_522 = arith.constant 0 : i32
    %dma_wait3A_523 = arith.constant 0 : i32
    %dma_wait3A_524 = arith.constant 0 : i32
    %dma_wait3A_525 = tpu.memref_slice %arg10[%dma_wait3A_522, %dma_wait3A_523, %dma_wait3A_524] : memref<32x16x128xf32, #tpu.memory_space<vmem>> -> memref<1x16x128xf32, #tpu.memory_space<vmem>>
    %dma_wait3A_526 = tpu.memref_squeeze %dma_wait3A_525 : memref<1x16x128xf32, #tpu.memory_space<vmem>> -> memref<16x128xf32, #tpu.memory_space<vmem>>
    %dma_wait3A_527 = arith.constant 0 : i32
    %dma_wait3A_528 = arith.constant 0 : i32
    %dma_wait3A_529 = tpu.memref_slice %arg4[%dma_wait3A_527, %dma_wait3A_528] : memref<32x1000001xf32, #tpu.memory_space<hbm>> -> memref<16x128xf32, #tpu.memory_space<hbm>>
    %dma_wait3A_530 = arith.constant 0 : i32
    %dma_wait3A_531 = arith.constant 0 : i32
    %dma_wait3A_532 = tpu.memref_slice %arg10[%dma_wait3A_522, %dma_wait3A_530, %dma_wait3A_531] : memref<32x16x128xf32, #tpu.memory_space<vmem>> -> memref<1x16x128xf32, #tpu.memory_space<vmem>>
    %dma_wait3A_533 = tpu.memref_squeeze %dma_wait3A_532 : memref<1x16x128xf32, #tpu.memory_space<vmem>> -> memref<16x128xf32, #tpu.memory_space<vmem>>
    %dma_wait3A_534 = arith.constant 0 : i32
    %dma_wait3A_535 = arith.constant 0 : i32
    %dma_wait3A_536 = tpu.memref_slice %arg4[%dma_wait3A_534, %dma_wait3A_535] : memref<32x1000001xf32, #tpu.memory_space<hbm>> -> memref<16x128xf32, #tpu.memory_space<hbm>>
    tpu.wait_dma2 semaphore(%arg14 : memref<!tpu.dma_semaphore, #tpu.memory_space<semaphore_mem>>) src(%dma_wait3A_536 : memref<16x128xf32, #tpu.memory_space<hbm>>) dst(%dma_wait3A_533 : memref<16x128xf32, #tpu.memory_space<vmem>>)
    tpu.wait_dma2 semaphore(%arg15 : memref<!tpu.dma_semaphore, #tpu.memory_space<semaphore_mem>>) src(%arg6 : memref<65x32xf32, #tpu.memory_space<hbm>>) dst(%arg12 : memref<65x32xf32, #tpu.memory_space<vmem>>)
    %dma_wait3A_537 = arith.constant 0 : i32
    %dma_wait3A_538 = tpu.memref_slice %arg5[%mul3A_2, %dma_wait3A_537] : memref<32x1002xf32, #tpu.memory_space<hbm>> -> memref<16x1002xf32, #tpu.memory_space<hbm>>
    %dma_wait3A_539 = arith.constant 0 : i32
    %dma_wait3A_540 = tpu.memref_slice %arg5[%mul3A_2, %dma_wait3A_539] : memref<32x1002xf32, #tpu.memory_space<hbm>> -> memref<16x1002xf32, #tpu.memory_space<hbm>>
    tpu.wait_dma2 semaphore(%arg15 : memref<!tpu.dma_semaphore, #tpu.memory_space<semaphore_mem>>) src(%dma_wait3A_540 : memref<16x1002xf32, #tpu.memory_space<hbm>>) dst(%arg11 : memref<16x1002xf32, #tpu.memory_space<vmem>>)
    %scan3A_541 = arith.constant 0 : i32
    %scan3A_542 = arith.constant 64 : i32
    %scan3A_543 = arith.addi %scan3A_541, %scan3A_542 : i32
    %scan3A_544 = arith.constant 1 : i32
    scf.for %scan3A_552 = %scan3A_541 to %scan3A_543 step %scan3A_544  : i32 {
      %mul3A_553 = arith.constant 16 : i32
      %mul3A_554 = arith.muli %scan3A_552, %mul3A_553 : i32
      %get3A_555 = arith.index_cast %mul3A_554 : i32 to index
      %get3A_556 = tpu.vector_load %arg9[%get3A_555] {strides = array<i32>} : memref<1024xi32, #tpu.memory_space<vmem>>, vector<16xi32>,
      %broadcast_in_dim3A_557 = arith.constant 0 : i32
      %broadcast_in_dim3A_558 = vector.broadcast %broadcast_in_dim3A_557 : i32 to vector<16xi32>
      %add3A_559 = arith.constant 0 : i32
      %add3A_560 = vector.broadcast %add3A_559 : i32 to vector<16xi32>
      %add3A_561 = arith.addi %broadcast_in_dim3A_558, %add3A_560 : vector<16xi32>
      %gather3A = tpu.vector_load_idx %arg11[%add3A_561, %get3A_556] : memref<16x1002xf32, #tpu.memory_space<vmem>>[vector<16xi32>, vector<16xi32>], vector<16xf32>,
      %mul3A_562 = arith.constant 16 : i32
      %mul3A_563 = arith.muli %scan3A_552, %mul3A_562 : i32
      %swap3A = arith.constant 16 : i32
      %swap3A_564 = arith.index_cast %swap3A : i32 to index
      %swap3A_565 = arith.index_cast %mul3A_563 : i32 to index
      %swap3A_566 = tpu.vector_load %arg13[%swap3A_564, %swap3A_565] {strides = array<i32>} : memref<32x1024xf32, #tpu.memory_space<vmem>>, vector<16xf32>,
      tpu.vector_store %arg13[%swap3A_564, %swap3A_565], %gather3A {strides = array<i32>} : memref<32x1024xf32, #tpu.memory_space<vmem>>, vector<16xf32>,
      %broadcast_in_dim3A_567 = arith.constant 0 : i32
      %broadcast_in_dim3A_568 = vector.broadcast %broadcast_in_dim3A_567 : i32 to vector<16xi32>
      %add3A_569 = arith.constant 1 : i32
      %add3A_570 = vector.broadcast %add3A_569 : i32 to vector<16xi32>
      %add3A_571 = arith.addi %broadcast_in_dim3A_568, %add3A_570 : vector<16xi32>
      %gather3A_572 = tpu.vector_load_idx %arg11[%add3A_571, %get3A_556] : memref<16x1002xf32, #tpu.memory_space<vmem>>[vector<16xi32>, vector<16xi32>], vector<16xf32>,
      %mul3A_573 = arith.constant 16 : i32
      %mul3A_574 = arith.muli %scan3A_552, %mul3A_573 : i32
      %swap3A_575 = arith.constant 17 : i32
      %swap3A_576 = arith.index_cast %swap3A_575 : i32 to index
      %swap3A_577 = arith.index_cast %mul3A_574 : i32 to index
      %swap3A_578 = tpu.vector_load %arg13[%swap3A_576, %swap3A_577] {strides = array<i32>} : memref<32x1024xf32, #tpu.memory_space<vmem>>, vector<16xf32>,
      tpu.vector_store %arg13[%swap3A_576, %swap3A_577], %gather3A_572 {strides = array<i32>} : memref<32x1024xf32, #tpu.memory_space<vmem>>, vector<16xf32>,
      %broadcast_in_dim3A_579 = arith.constant 0 : i32
      %broadcast_in_dim3A_580 = vector.broadcast %broadcast_in_dim3A_579 : i32 to vector<16xi32>
      %add3A_581 = arith.constant 2 : i32
      %add3A_582 = vector.broadcast %add3A_581 : i32 to vector<16xi32>
      %add3A_583 = arith.addi %broadcast_in_dim3A_580, %add3A_582 : vector<16xi32>
      %gather3A_584 = tpu.vector_load_idx %arg11[%add3A_583, %get3A_556] : memref<16x1002xf32, #tpu.memory_space<vmem>>[vector<16xi32>, vector<16xi32>], vector<16xf32>,
      %mul3A_585 = arith.constant 16 : i32
      %mul3A_586 = arith.muli %scan3A_552, %mul3A_585 : i32
      %swap3A_587 = arith.constant 18 : i32
      %swap3A_588 = arith.index_cast %swap3A_587 : i32 to index
      %swap3A_589 = arith.index_cast %mul3A_586 : i32 to index
      %swap3A_590 = tpu.vector_load %arg13[%swap3A_588, %swap3A_589] {strides = array<i32>} : memref<32x1024xf32, #tpu.memory_space<vmem>>, vector<16xf32>,
      tpu.vector_store %arg13[%swap3A_588, %swap3A_589], %gather3A_584 {strides = array<i32>} : memref<32x1024xf32, #tpu.memory_space<vmem>>, vector<16xf32>,
      %broadcast_in_dim3A_591 = arith.constant 0 : i32
      %broadcast_in_dim3A_592 = vector.broadcast %broadcast_in_dim3A_591 : i32 to vector<16xi32>
      %add3A_593 = arith.constant 3 : i32
      %add3A_594 = vector.broadcast %add3A_593 : i32 to vector<16xi32>
      %add3A_595 = arith.addi %broadcast_in_dim3A_592, %add3A_594 : vector<16xi32>
      %gather3A_596 = tpu.vector_load_idx %arg11[%add3A_595, %get3A_556] : memref<16x1002xf32, #tpu.memory_space<vmem>>[vector<16xi32>, vector<16xi32>], vector<16xf32>,
      %mul3A_597 = arith.constant 16 : i32
      %mul3A_598 = arith.muli %scan3A_552, %mul3A_597 : i32
      %swap3A_599 = arith.constant 19 : i32
      %swap3A_600 = arith.index_cast %swap3A_599 : i32 to index
      %swap3A_601 = arith.index_cast %mul3A_598 : i32 to index
      %swap3A_602 = tpu.vector_load %arg13[%swap3A_600, %swap3A_601] {strides = array<i32>} : memref<32x1024xf32, #tpu.memory_space<vmem>>, vector<16xf32>,
      tpu.vector_store %arg13[%swap3A_600, %swap3A_601], %gather3A_596 {strides = array<i32>} : memref<32x1024xf32, #tpu.memory_space<vmem>>, vector<16xf32>,
      %broadcast_in_dim3A_603 = arith.constant 0 : i32
      %broadcast_in_dim3A_604 = vector.broadcast %broadcast_in_dim3A_603 : i32 to vector<16xi32>
      %add3A_605 = arith.constant 4 : i32
      %add3A_606 = vector.broadcast %add3A_605 : i32 to vector<16xi32>
      %add3A_607 = arith.addi %broadcast_in_dim3A_604, %add3A_606 : vector<16xi32>
      %gather3A_608 = tpu.vector_load_idx %arg11[%add3A_607, %get3A_556] : memref<16x1002xf32, #tpu.memory_space<vmem>>[vector<16xi32>, vector<16xi32>], vector<16xf32>,
      %mul3A_609 = arith.constant 16 : i32
      %mul3A_610 = arith.muli %scan3A_552, %mul3A_609 : i32
      %swap3A_611 = arith.constant 20 : i32
      %swap3A_612 = arith.index_cast %swap3A_611 : i32 to index
      %swap3A_613 = arith.index_cast %mul3A_610 : i32 to index
      %swap3A_614 = tpu.vector_load %arg13[%swap3A_612, %swap3A_613] {strides = array<i32>} : memref<32x1024xf32, #tpu.memory_space<vmem>>, vector<16xf32>,
      tpu.vector_store %arg13[%swap3A_612, %swap3A_613], %gather3A_608 {strides = array<i32>} : memref<32x1024xf32, #tpu.memory_space<vmem>>, vector<16xf32>,
      %broadcast_in_dim3A_615 = arith.constant 0 : i32
      %broadcast_in_dim3A_616 = vector.broadcast %broadcast_in_dim3A_615 : i32 to vector<16xi32>
      %add3A_617 = arith.constant 5 : i32
      %add3A_618 = vector.broadcast %add3A_617 : i32 to vector<16xi32>
      %add3A_619 = arith.addi %broadcast_in_dim3A_616, %add3A_618 : vector<16xi32>
      %gather3A_620 = tpu.vector_load_idx %arg11[%add3A_619, %get3A_556] : memref<16x1002xf32, #tpu.memory_space<vmem>>[vector<16xi32>, vector<16xi32>], vector<16xf32>,
      %mul3A_621 = arith.constant 16 : i32
      %mul3A_622 = arith.muli %scan3A_552, %mul3A_621 : i32
      %swap3A_623 = arith.constant 21 : i32
      %swap3A_624 = arith.index_cast %swap3A_623 : i32 to index
      %swap3A_625 = arith.index_cast %mul3A_622 : i32 to index
      %swap3A_626 = tpu.vector_load %arg13[%swap3A_624, %swap3A_625] {strides = array<i32>} : memref<32x1024xf32, #tpu.memory_space<vmem>>, vector<16xf32>,
      tpu.vector_store %arg13[%swap3A_624, %swap3A_625], %gather3A_620 {strides = array<i32>} : memref<32x1024xf32, #tpu.memory_space<vmem>>, vector<16xf32>,
      %broadcast_in_dim3A_627 = arith.constant 0 : i32
      %broadcast_in_dim3A_628 = vector.broadcast %broadcast_in_dim3A_627 : i32 to vector<16xi32>
      %add3A_629 = arith.constant 6 : i32
      %add3A_630 = vector.broadcast %add3A_629 : i32 to vector<16xi32>
      %add3A_631 = arith.addi %broadcast_in_dim3A_628, %add3A_630 : vector<16xi32>
      %gather3A_632 = tpu.vector_load_idx %arg11[%add3A_631, %get3A_556] : memref<16x1002xf32, #tpu.memory_space<vmem>>[vector<16xi32>, vector<16xi32>], vector<16xf32>,
      %mul3A_633 = arith.constant 16 : i32
      %mul3A_634 = arith.muli %scan3A_552, %mul3A_633 : i32
      %swap3A_635 = arith.constant 22 : i32
      %swap3A_636 = arith.index_cast %swap3A_635 : i32 to index
      %swap3A_637 = arith.index_cast %mul3A_634 : i32 to index
      %swap3A_638 = tpu.vector_load %arg13[%swap3A_636, %swap3A_637] {strides = array<i32>} : memref<32x1024xf32, #tpu.memory_space<vmem>>, vector<16xf32>,
      tpu.vector_store %arg13[%swap3A_636, %swap3A_637], %gather3A_632 {strides = array<i32>} : memref<32x1024xf32, #tpu.memory_space<vmem>>, vector<16xf32>,
      %broadcast_in_dim3A_639 = arith.constant 0 : i32
      %broadcast_in_dim3A_640 = vector.broadcast %broadcast_in_dim3A_639 : i32 to vector<16xi32>
      %add3A_641 = arith.constant 7 : i32
      %add3A_642 = vector.broadcast %add3A_641 : i32 to vector<16xi32>
      %add3A_643 = arith.addi %broadcast_in_dim3A_640, %add3A_642 : vector<16xi32>
      %gather3A_644 = tpu.vector_load_idx %arg11[%add3A_643, %get3A_556] : memref<16x1002xf32, #tpu.memory_space<vmem>>[vector<16xi32>, vector<16xi32>], vector<16xf32>,
      %mul3A_645 = arith.constant 16 : i32
      %mul3A_646 = arith.muli %scan3A_552, %mul3A_645 : i32
      %swap3A_647 = arith.constant 23 : i32
      %swap3A_648 = arith.index_cast %swap3A_647 : i32 to index
      %swap3A_649 = arith.index_cast %mul3A_646 : i32 to index
      %swap3A_650 = tpu.vector_load %arg13[%swap3A_648, %swap3A_649] {strides = array<i32>} : memref<32x1024xf32, #tpu.memory_space<vmem>>, vector<16xf32>,
      tpu.vector_store %arg13[%swap3A_648, %swap3A_649], %gather3A_644 {strides = array<i32>} : memref<32x1024xf32, #tpu.memory_space<vmem>>, vector<16xf32>,
      %broadcast_in_dim3A_651 = arith.constant 0 : i32
      %broadcast_in_dim3A_652 = vector.broadcast %broadcast_in_dim3A_651 : i32 to vector<16xi32>
      %add3A_653 = arith.constant 8 : i32
      %add3A_654 = vector.broadcast %add3A_653 : i32 to vector<16xi32>
      %add3A_655 = arith.addi %broadcast_in_dim3A_652, %add3A_654 : vector<16xi32>
      %gather3A_656 = tpu.vector_load_idx %arg11[%add3A_655, %get3A_556] : memref<16x1002xf32, #tpu.memory_space<vmem>>[vector<16xi32>, vector<16xi32>], vector<16xf32>,
      %mul3A_657 = arith.constant 16 : i32
      %mul3A_658 = arith.muli %scan3A_552, %mul3A_657 : i32
      %swap3A_659 = arith.constant 24 : i32
      %swap3A_660 = arith.index_cast %swap3A_659 : i32 to index
      %swap3A_661 = arith.index_cast %mul3A_658 : i32 to index
      %swap3A_662 = tpu.vector_load %arg13[%swap3A_660, %swap3A_661] {strides = array<i32>} : memref<32x1024xf32, #tpu.memory_space<vmem>>, vector<16xf32>,
      tpu.vector_store %arg13[%swap3A_660, %swap3A_661], %gather3A_656 {strides = array<i32>} : memref<32x1024xf32, #tpu.memory_space<vmem>>, vector<16xf32>,
      %broadcast_in_dim3A_663 = arith.constant 0 : i32
      %broadcast_in_dim3A_664 = vector.broadcast %broadcast_in_dim3A_663 : i32 to vector<16xi32>
      %add3A_665 = arith.constant 9 : i32
      %add3A_666 = vector.broadcast %add3A_665 : i32 to vector<16xi32>
      %add3A_667 = arith.addi %broadcast_in_dim3A_664, %add3A_666 : vector<16xi32>
      %gather3A_668 = tpu.vector_load_idx %arg11[%add3A_667, %get3A_556] : memref<16x1002xf32, #tpu.memory_space<vmem>>[vector<16xi32>, vector<16xi32>], vector<16xf32>,
      %mul3A_669 = arith.constant 16 : i32
      %mul3A_670 = arith.muli %scan3A_552, %mul3A_669 : i32
      %swap3A_671 = arith.constant 25 : i32
      %swap3A_672 = arith.index_cast %swap3A_671 : i32 to index
      %swap3A_673 = arith.index_cast %mul3A_670 : i32 to index
      %swap3A_674 = tpu.vector_load %arg13[%swap3A_672, %swap3A_673] {strides = array<i32>} : memref<32x1024xf32, #tpu.memory_space<vmem>>, vector<16xf32>,
      tpu.vector_store %arg13[%swap3A_672, %swap3A_673], %gather3A_668 {strides = array<i32>} : memref<32x1024xf32, #tpu.memory_space<vmem>>, vector<16xf32>,
      %broadcast_in_dim3A_675 = arith.constant 0 : i32
      %broadcast_in_dim3A_676 = vector.broadcast %broadcast_in_dim3A_675 : i32 to vector<16xi32>
      %add3A_677 = arith.constant 10 : i32
      %add3A_678 = vector.broadcast %add3A_677 : i32 to vector<16xi32>
      %add3A_679 = arith.addi %broadcast_in_dim3A_676, %add3A_678 : vector<16xi32>
      %gather3A_680 = tpu.vector_load_idx %arg11[%add3A_679, %get3A_556] : memref<16x1002xf32, #tpu.memory_space<vmem>>[vector<16xi32>, vector<16xi32>], vector<16xf32>,
      %mul3A_681 = arith.constant 16 : i32
      %mul3A_682 = arith.muli %scan3A_552, %mul3A_681 : i32
      %swap3A_683 = arith.constant 26 : i32
      %swap3A_684 = arith.index_cast %swap3A_683 : i32 to index
      %swap3A_685 = arith.index_cast %mul3A_682 : i32 to index
      %swap3A_686 = tpu.vector_load %arg13[%swap3A_684, %swap3A_685] {strides = array<i32>} : memref<32x1024xf32, #tpu.memory_space<vmem>>, vector<16xf32>,
      tpu.vector_store %arg13[%swap3A_684, %swap3A_685], %gather3A_680 {strides = array<i32>} : memref<32x1024xf32, #tpu.memory_space<vmem>>, vector<16xf32>,
      %broadcast_in_dim3A_687 = arith.constant 0 : i32
      %broadcast_in_dim3A_688 = vector.broadcast %broadcast_in_dim3A_687 : i32 to vector<16xi32>
      %add3A_689 = arith.constant 11 : i32
      %add3A_690 = vector.broadcast %add3A_689 : i32 to vector<16xi32>
      %add3A_691 = arith.addi %broadcast_in_dim3A_688, %add3A_690 : vector<16xi32>
      %gather3A_692 = tpu.vector_load_idx %arg11[%add3A_691, %get3A_556] : memref<16x1002xf32, #tpu.memory_space<vmem>>[vector<16xi32>, vector<16xi32>], vector<16xf32>,
      %mul3A_693 = arith.constant 16 : i32
      %mul3A_694 = arith.muli %scan3A_552, %mul3A_693 : i32
      %swap3A_695 = arith.constant 27 : i32
      %swap3A_696 = arith.index_cast %swap3A_695 : i32 to index
      %swap3A_697 = arith.index_cast %mul3A_694 : i32 to index
      %swap3A_698 = tpu.vector_load %arg13[%swap3A_696, %swap3A_697] {strides = array<i32>} : memref<32x1024xf32, #tpu.memory_space<vmem>>, vector<16xf32>,
      tpu.vector_store %arg13[%swap3A_696, %swap3A_697], %gather3A_692 {strides = array<i32>} : memref<32x1024xf32, #tpu.memory_space<vmem>>, vector<16xf32>,
      %broadcast_in_dim3A_699 = arith.constant 0 : i32
      %broadcast_in_dim3A_700 = vector.broadcast %broadcast_in_dim3A_699 : i32 to vector<16xi32>
      %add3A_701 = arith.constant 12 : i32
      %add3A_702 = vector.broadcast %add3A_701 : i32 to vector<16xi32>
      %add3A_703 = arith.addi %broadcast_in_dim3A_700, %add3A_702 : vector<16xi32>
      %gather3A_704 = tpu.vector_load_idx %arg11[%add3A_703, %get3A_556] : memref<16x1002xf32, #tpu.memory_space<vmem>>[vector<16xi32>, vector<16xi32>], vector<16xf32>,
      %mul3A_705 = arith.constant 16 : i32
      %mul3A_706 = arith.muli %scan3A_552, %mul3A_705 : i32
      %swap3A_707 = arith.constant 28 : i32
      %swap3A_708 = arith.index_cast %swap3A_707 : i32 to index
      %swap3A_709 = arith.index_cast %mul3A_706 : i32 to index
      %swap3A_710 = tpu.vector_load %arg13[%swap3A_708, %swap3A_709] {strides = array<i32>} : memref<32x1024xf32, #tpu.memory_space<vmem>>, vector<16xf32>,
      tpu.vector_store %arg13[%swap3A_708, %swap3A_709], %gather3A_704 {strides = array<i32>} : memref<32x1024xf32, #tpu.memory_space<vmem>>, vector<16xf32>,
      %broadcast_in_dim3A_711 = arith.constant 0 : i32
      %broadcast_in_dim3A_712 = vector.broadcast %broadcast_in_dim3A_711 : i32 to vector<16xi32>
      %add3A_713 = arith.constant 13 : i32
      %add3A_714 = vector.broadcast %add3A_713 : i32 to vector<16xi32>
      %add3A_715 = arith.addi %broadcast_in_dim3A_712, %add3A_714 : vector<16xi32>
      %gather3A_716 = tpu.vector_load_idx %arg11[%add3A_715, %get3A_556] : memref<16x1002xf32, #tpu.memory_space<vmem>>[vector<16xi32>, vector<16xi32>], vector<16xf32>,
      %mul3A_717 = arith.constant 16 : i32
      %mul3A_718 = arith.muli %scan3A_552, %mul3A_717 : i32
      %swap3A_719 = arith.constant 29 : i32
      %swap3A_720 = arith.index_cast %swap3A_719 : i32 to index
      %swap3A_721 = arith.index_cast %mul3A_718 : i32 to index
      %swap3A_722 = tpu.vector_load %arg13[%swap3A_720, %swap3A_721] {strides = array<i32>} : memref<32x1024xf32, #tpu.memory_space<vmem>>, vector<16xf32>,
      tpu.vector_store %arg13[%swap3A_720, %swap3A_721], %gather3A_716 {strides = array<i32>} : memref<32x1024xf32, #tpu.memory_space<vmem>>, vector<16xf32>,
      %broadcast_in_dim3A_723 = arith.constant 0 : i32
      %broadcast_in_dim3A_724 = vector.broadcast %broadcast_in_dim3A_723 : i32 to vector<16xi32>
      %add3A_725 = arith.constant 14 : i32
      %add3A_726 = vector.broadcast %add3A_725 : i32 to vector<16xi32>
      %add3A_727 = arith.addi %broadcast_in_dim3A_724, %add3A_726 : vector<16xi32>
      %gather3A_728 = tpu.vector_load_idx %arg11[%add3A_727, %get3A_556] : memref<16x1002xf32, #tpu.memory_space<vmem>>[vector<16xi32>, vector<16xi32>], vector<16xf32>,
      %mul3A_729 = arith.constant 16 : i32
      %mul3A_730 = arith.muli %scan3A_552, %mul3A_729 : i32
      %swap3A_731 = arith.constant 30 : i32
      %swap3A_732 = arith.index_cast %swap3A_731 : i32 to index
      %swap3A_733 = arith.index_cast %mul3A_730 : i32 to index
      %swap3A_734 = tpu.vector_load %arg13[%swap3A_732, %swap3A_733] {strides = array<i32>} : memref<32x1024xf32, #tpu.memory_space<vmem>>, vector<16xf32>,
      tpu.vector_store %arg13[%swap3A_732, %swap3A_733], %gather3A_728 {strides = array<i32>} : memref<32x1024xf32, #tpu.memory_space<vmem>>, vector<16xf32>,
      %broadcast_in_dim3A_735 = arith.constant 0 : i32
      %broadcast_in_dim3A_736 = vector.broadcast %broadcast_in_dim3A_735 : i32 to vector<16xi32>
      %add3A_737 = arith.constant 15 : i32
      %add3A_738 = vector.broadcast %add3A_737 : i32 to vector<16xi32>
      %add3A_739 = arith.addi %broadcast_in_dim3A_736, %add3A_738 : vector<16xi32>
      %gather3A_740 = tpu.vector_load_idx %arg11[%add3A_739, %get3A_556] : memref<16x1002xf32, #tpu.memory_space<vmem>>[vector<16xi32>, vector<16xi32>], vector<16xf32>,
      %mul3A_741 = arith.constant 16 : i32
      %mul3A_742 = arith.muli %scan3A_552, %mul3A_741 : i32
      %swap3A_743 = arith.constant 31 : i32
      %swap3A_744 = arith.index_cast %swap3A_743 : i32 to index
      %swap3A_745 = arith.index_cast %mul3A_742 : i32 to index
      %swap3A_746 = tpu.vector_load %arg13[%swap3A_744, %swap3A_745] {strides = array<i32>} : memref<32x1024xf32, #tpu.memory_space<vmem>>, vector<16xf32>,
      tpu.vector_store %arg13[%swap3A_744, %swap3A_745], %gather3A_740 {strides = array<i32>} : memref<32x1024xf32, #tpu.memory_space<vmem>>, vector<16xf32>,
    }
    %scan3A_545 = arith.constant 64 : i32
    %scan3A_546 = arith.constant 0 : i32
    %scan3A_547 = arith.constant 64 : i32
    %scan3A_548 = arith.addi %scan3A_546, %scan3A_547 : i32
    %scan3A_549 = arith.constant 1 : i32
    scf.for %scan3A_552 = %scan3A_546 to %scan3A_548 step %scan3A_549  : i32 {
      %iota3A_553 = tpu.iota {dimensions = array<i32: 0>} : vector<16xi32>
      %mul3A_554 = arith.constant 16 : i32
      %mul3A_555 = arith.muli %scan3A_552, %mul3A_554 : i32
      %add3A_556 = vector.broadcast %mul3A_555 : i32 to vector<16xi32>
      %add3A_557 = arith.addi %iota3A_553, %add3A_556 : vector<16xi32>
      %mul3A_558 = arith.constant 16 : i32
      %mul3A_559 = arith.muli %scan3A_552, %mul3A_558 : i32
      %get3A_560 = arith.index_cast %mul3A_559 : i32 to index
      %get3A_561 = tpu.vector_load %arg8[%get3A_560] {strides = array<i32>} : memref<1024xi32, #tpu.memory_space<vmem>>, vector<16xi32>,
      %sub3A = arith.constant 999936 : i32
      %sub3A_562 = vector.broadcast %sub3A : i32 to vector<16xi32>
      %sub3A_563 = arith.subi %get3A_561, %sub3A_562 : vector<16xi32>
      %ge3A = arith.constant 0 : i32
      %ge3A_564 = vector.broadcast %ge3A : i32 to vector<16xi32>
      %ge3A_565 = arith.cmpi sge, %sub3A_563, %ge3A_564 : vector<16xi32>
      %max3A = arith.constant 0 : i32
      %max3A_566 = vector.broadcast %max3A : i32 to vector<16xi32>
      %max3A_567 = arith.maxsi %sub3A_563, %max3A_566 : vector<16xi32>
      %broadcast_in_dim3A_568 = arith.constant 0 : i32
      %broadcast_in_dim3A_569 = vector.broadcast %broadcast_in_dim3A_568 : i32 to vector<16xi32>
      %add3A_570 = arith.constant 0 : i32
      %add3A_571 = vector.broadcast %add3A_570 : i32 to vector<16xi32>
      %add3A_572 = arith.addi %broadcast_in_dim3A_569, %add3A_571 : vector<16xi32>
      %add3A_573 = vector.broadcast %mul3A_2 : i32 to vector<16xi32>
      %add3A_574 = arith.addi %add3A_572, %add3A_573 : vector<16xi32>
      %gather3A = tpu.vector_load_idx %arg12[%max3A_567, %add3A_574] : memref<65x32xf32, #tpu.memory_space<vmem>>[vector<16xi32>, vector<16xi32>], vector<16xf32>,
      tpu.vector_store_idx %arg13[%add3A_572, %add3A_557], %gather3A masked %ge3A_565 : memref<32x1024xf32, #tpu.memory_space<vmem>>[vector<16xi32>, vector<16xi32>], vector<16xf32>, vector<16xi1>
      %broadcast_in_dim3A_575 = arith.constant 0 : i32
      %broadcast_in_dim3A_576 = vector.broadcast %broadcast_in_dim3A_575 : i32 to vector<16xi32>
      %add3A_577 = arith.constant 1 : i32
      %add3A_578 = vector.broadcast %add3A_577 : i32 to vector<16xi32>
      %add3A_579 = arith.addi %broadcast_in_dim3A_576, %add3A_578 : vector<16xi32>
      %add3A_580 = vector.broadcast %mul3A_2 : i32 to vector<16xi32>
      %add3A_581 = arith.addi %add3A_579, %add3A_580 : vector<16xi32>
      %gather3A_582 = tpu.vector_load_idx %arg12[%max3A_567, %add3A_581] : memref<65x32xf32, #tpu.memory_space<vmem>>[vector<16xi32>, vector<16xi32>], vector<16xf32>,
      tpu.vector_store_idx %arg13[%add3A_579, %add3A_557], %gather3A_582 masked %ge3A_565 : memref<32x1024xf32, #tpu.memory_space<vmem>>[vector<16xi32>, vector<16xi32>], vector<16xf32>, vector<16xi1>
      %broadcast_in_dim3A_583 = arith.constant 0 : i32
      %broadcast_in_dim3A_584 = vector.broadcast %broadcast_in_dim3A_583 : i32 to vector<16xi32>
      %add3A_585 = arith.constant 2 : i32
      %add3A_586 = vector.broadcast %add3A_585 : i32 to vector<16xi32>
      %add3A_587 = arith.addi %broadcast_in_dim3A_584, %add3A_586 : vector<16xi32>
      %add3A_588 = vector.broadcast %mul3A_2 : i32 to vector<16xi32>
      %add3A_589 = arith.addi %add3A_587, %add3A_588 : vector<16xi32>
      %gather3A_590 = tpu.vector_load_idx %arg12[%max3A_567, %add3A_589] : memref<65x32xf32, #tpu.memory_space<vmem>>[vector<16xi32>, vector<16xi32>], vector<16xf32>,
      tpu.vector_store_idx %arg13[%add3A_587, %add3A_557], %gather3A_590 masked %ge3A_565 : memref<32x1024xf32, #tpu.memory_space<vmem>>[vector<16xi32>, vector<16xi32>], vector<16xf32>, vector<16xi1>
      %broadcast_in_dim3A_591 = arith.constant 0 : i32
      %broadcast_in_dim3A_592 = vector.broadcast %broadcast_in_dim3A_591 : i32 to vector<16xi32>
      %add3A_593 = arith.constant 3 : i32
      %add3A_594 = vector.broadcast %add3A_593 : i32 to vector<16xi32>
      %add3A_595 = arith.addi %broadcast_in_dim3A_592, %add3A_594 : vector<16xi32>
      %add3A_596 = vector.broadcast %mul3A_2 : i32 to vector<16xi32>
      %add3A_597 = arith.addi %add3A_595, %add3A_596 : vector<16xi32>
      %gather3A_598 = tpu.vector_load_idx %arg12[%max3A_567, %add3A_597] : memref<65x32xf32, #tpu.memory_space<vmem>>[vector<16xi32>, vector<16xi32>], vector<16xf32>,
      tpu.vector_store_idx %arg13[%add3A_595, %add3A_557], %gather3A_598 masked %ge3A_565 : memref<32x1024xf32, #tpu.memory_space<vmem>>[vector<16xi32>, vector<16xi32>], vector<16xf32>, vector<16xi1>
      %broadcast_in_dim3A_599 = arith.constant 0 : i32
      %broadcast_in_dim3A_600 = vector.broadcast %broadcast_in_dim3A_599 : i32 to vector<16xi32>
      %add3A_601 = arith.constant 4 : i32
      %add3A_602 = vector.broadcast %add3A_601 : i32 to vector<16xi32>
      %add3A_603 = arith.addi %broadcast_in_dim3A_600, %add3A_602 : vector<16xi32>
      %add3A_604 = vector.broadcast %mul3A_2 : i32 to vector<16xi32>
      %add3A_605 = arith.addi %add3A_603, %add3A_604 : vector<16xi32>
      %gather3A_606 = tpu.vector_load_idx %arg12[%max3A_567, %add3A_605] : memref<65x32xf32, #tpu.memory_space<vmem>>[vector<16xi32>, vector<16xi32>], vector<16xf32>,
      tpu.vector_store_idx %arg13[%add3A_603, %add3A_557], %gather3A_606 masked %ge3A_565 : memref<32x1024xf32, #tpu.memory_space<vmem>>[vector<16xi32>, vector<16xi32>], vector<16xf32>, vector<16xi1>
      %broadcast_in_dim3A_607 = arith.constant 0 : i32
      %broadcast_in_dim3A_608 = vector.broadcast %broadcast_in_dim3A_607 : i32 to vector<16xi32>
      %add3A_609 = arith.constant 5 : i32
      %add3A_610 = vector.broadcast %add3A_609 : i32 to vector<16xi32>
      %add3A_611 = arith.addi %broadcast_in_dim3A_608, %add3A_610 : vector<16xi32>
      %add3A_612 = vector.broadcast %mul3A_2 : i32 to vector<16xi32>
      %add3A_613 = arith.addi %add3A_611, %add3A_612 : vector<16xi32>
      %gather3A_614 = tpu.vector_load_idx %arg12[%max3A_567, %add3A_613] : memref<65x32xf32, #tpu.memory_space<vmem>>[vector<16xi32>, vector<16xi32>], vector<16xf32>,
      tpu.vector_store_idx %arg13[%add3A_611, %add3A_557], %gather3A_614 masked %ge3A_565 : memref<32x1024xf32, #tpu.memory_space<vmem>>[vector<16xi32>, vector<16xi32>], vector<16xf32>, vector<16xi1>
      %broadcast_in_dim3A_615 = arith.constant 0 : i32
      %broadcast_in_dim3A_616 = vector.broadcast %broadcast_in_dim3A_615 : i32 to vector<16xi32>
      %add3A_617 = arith.constant 6 : i32
      %add3A_618 = vector.broadcast %add3A_617 : i32 to vector<16xi32>
      %add3A_619 = arith.addi %broadcast_in_dim3A_616, %add3A_618 : vector<16xi32>
      %add3A_620 = vector.broadcast %mul3A_2 : i32 to vector<16xi32>
      %add3A_621 = arith.addi %add3A_619, %add3A_620 : vector<16xi32>
      %gather3A_622 = tpu.vector_load_idx %arg12[%max3A_567, %add3A_621] : memref<65x32xf32, #tpu.memory_space<vmem>>[vector<16xi32>, vector<16xi32>], vector<16xf32>,
      tpu.vector_store_idx %arg13[%add3A_619, %add3A_557], %gather3A_622 masked %ge3A_565 : memref<32x1024xf32, #tpu.memory_space<vmem>>[vector<16xi32>, vector<16xi32>], vector<16xf32>, vector<16xi1>
      %broadcast_in_dim3A_623 = arith.constant 0 : i32
      %broadcast_in_dim3A_624 = vector.broadcast %broadcast_in_dim3A_623 : i32 to vector<16xi32>
      %add3A_625 = arith.constant 7 : i32
      %add3A_626 = vector.broadcast %add3A_625 : i32 to vector<16xi32>
      %add3A_627 = arith.addi %broadcast_in_dim3A_624, %add3A_626 : vector<16xi32>
      %add3A_628 = vector.broadcast %mul3A_2 : i32 to vector<16xi32>
      %add3A_629 = arith.addi %add3A_627, %add3A_628 : vector<16xi32>
      %gather3A_630 = tpu.vector_load_idx %arg12[%max3A_567, %add3A_629] : memref<65x32xf32, #tpu.memory_space<vmem>>[vector<16xi32>, vector<16xi32>], vector<16xf32>,
      tpu.vector_store_idx %arg13[%add3A_627, %add3A_557], %gather3A_630 masked %ge3A_565 : memref<32x1024xf32, #tpu.memory_space<vmem>>[vector<16xi32>, vector<16xi32>], vector<16xf32>, vector<16xi1>
      %broadcast_in_dim3A_631 = arith.constant 0 : i32
      %broadcast_in_dim3A_632 = vector.broadcast %broadcast_in_dim3A_631 : i32 to vector<16xi32>
      %add3A_633 = arith.constant 8 : i32
      %add3A_634 = vector.broadcast %add3A_633 : i32 to vector<16xi32>
      %add3A_635 = arith.addi %broadcast_in_dim3A_632, %add3A_634 : vector<16xi32>
      %add3A_636 = vector.broadcast %mul3A_2 : i32 to vector<16xi32>
      %add3A_637 = arith.addi %add3A_635, %add3A_636 : vector<16xi32>
      %gather3A_638 = tpu.vector_load_idx %arg12[%max3A_567, %add3A_637] : memref<65x32xf32, #tpu.memory_space<vmem>>[vector<16xi32>, vector<16xi32>], vector<16xf32>,
      tpu.vector_store_idx %arg13[%add3A_635, %add3A_557], %gather3A_638 masked %ge3A_565 : memref<32x1024xf32, #tpu.memory_space<vmem>>[vector<16xi32>, vector<16xi32>], vector<16xf32>, vector<16xi1>
      %broadcast_in_dim3A_639 = arith.constant 0 : i32
      %broadcast_in_dim3A_640 = vector.broadcast %broadcast_in_dim3A_639 : i32 to vector<16xi32>
      %add3A_641 = arith.constant 9 : i32
      %add3A_642 = vector.broadcast %add3A_641 : i32 to vector<16xi32>
      %add3A_643 = arith.addi %broadcast_in_dim3A_640, %add3A_642 : vector<16xi32>
      %add3A_644 = vector.broadcast %mul3A_2 : i32 to vector<16xi32>
      %add3A_645 = arith.addi %add3A_643, %add3A_644 : vector<16xi32>
      %gather3A_646 = tpu.vector_load_idx %arg12[%max3A_567, %add3A_645] : memref<65x32xf32, #tpu.memory_space<vmem>>[vector<16xi32>, vector<16xi32>], vector<16xf32>,
      tpu.vector_store_idx %arg13[%add3A_643, %add3A_557], %gather3A_646 masked %ge3A_565 : memref<32x1024xf32, #tpu.memory_space<vmem>>[vector<16xi32>, vector<16xi32>], vector<16xf32>, vector<16xi1>
      %broadcast_in_dim3A_647 = arith.constant 0 : i32
      %broadcast_in_dim3A_648 = vector.broadcast %broadcast_in_dim3A_647 : i32 to vector<16xi32>
      %add3A_649 = arith.constant 10 : i32
      %add3A_650 = vector.broadcast %add3A_649 : i32 to vector<16xi32>
      %add3A_651 = arith.addi %broadcast_in_dim3A_648, %add3A_650 : vector<16xi32>
      %add3A_652 = vector.broadcast %mul3A_2 : i32 to vector<16xi32>
      %add3A_653 = arith.addi %add3A_651, %add3A_652 : vector<16xi32>
      %gather3A_654 = tpu.vector_load_idx %arg12[%max3A_567, %add3A_653] : memref<65x32xf32, #tpu.memory_space<vmem>>[vector<16xi32>, vector<16xi32>], vector<16xf32>,
      tpu.vector_store_idx %arg13[%add3A_651, %add3A_557], %gather3A_654 masked %ge3A_565 : memref<32x1024xf32, #tpu.memory_space<vmem>>[vector<16xi32>, vector<16xi32>], vector<16xf32>, vector<16xi1>
      %broadcast_in_dim3A_655 = arith.constant 0 : i32
      %broadcast_in_dim3A_656 = vector.broadcast %broadcast_in_dim3A_655 : i32 to vector<16xi32>
      %add3A_657 = arith.constant 11 : i32
      %add3A_658 = vector.broadcast %add3A_657 : i32 to vector<16xi32>
      %add3A_659 = arith.addi %broadcast_in_dim3A_656, %add3A_658 : vector<16xi32>
      %add3A_660 = vector.broadcast %mul3A_2 : i32 to vector<16xi32>
      %add3A_661 = arith.addi %add3A_659, %add3A_660 : vector<16xi32>
      %gather3A_662 = tpu.vector_load_idx %arg12[%max3A_567, %add3A_661] : memref<65x32xf32, #tpu.memory_space<vmem>>[vector<16xi32>, vector<16xi32>], vector<16xf32>,
      tpu.vector_store_idx %arg13[%add3A_659, %add3A_557], %gather3A_662 masked %ge3A_565 : memref<32x1024xf32, #tpu.memory_space<vmem>>[vector<16xi32>, vector<16xi32>], vector<16xf32>, vector<16xi1>
      %broadcast_in_dim3A_663 = arith.constant 0 : i32
      %broadcast_in_dim3A_664 = vector.broadcast %broadcast_in_dim3A_663 : i32 to vector<16xi32>
      %add3A_665 = arith.constant 12 : i32
      %add3A_666 = vector.broadcast %add3A_665 : i32 to vector<16xi32>
      %add3A_667 = arith.addi %broadcast_in_dim3A_664, %add3A_666 : vector<16xi32>
      %add3A_668 = vector.broadcast %mul3A_2 : i32 to vector<16xi32>
      %add3A_669 = arith.addi %add3A_667, %add3A_668 : vector<16xi32>
      %gather3A_670 = tpu.vector_load_idx %arg12[%max3A_567, %add3A_669] : memref<65x32xf32, #tpu.memory_space<vmem>>[vector<16xi32>, vector<16xi32>], vector<16xf32>,
      tpu.vector_store_idx %arg13[%add3A_667, %add3A_557], %gather3A_670 masked %ge3A_565 : memref<32x1024xf32, #tpu.memory_space<vmem>>[vector<16xi32>, vector<16xi32>], vector<16xf32>, vector<16xi1>
      %broadcast_in_dim3A_671 = arith.constant 0 : i32
      %broadcast_in_dim3A_672 = vector.broadcast %broadcast_in_dim3A_671 : i32 to vector<16xi32>
      %add3A_673 = arith.constant 13 : i32
      %add3A_674 = vector.broadcast %add3A_673 : i32 to vector<16xi32>
      %add3A_675 = arith.addi %broadcast_in_dim3A_672, %add3A_674 : vector<16xi32>
      %add3A_676 = vector.broadcast %mul3A_2 : i32 to vector<16xi32>
      %add3A_677 = arith.addi %add3A_675, %add3A_676 : vector<16xi32>
      %gather3A_678 = tpu.vector_load_idx %arg12[%max3A_567, %add3A_677] : memref<65x32xf32, #tpu.memory_space<vmem>>[vector<16xi32>, vector<16xi32>], vector<16xf32>,
      tpu.vector_store_idx %arg13[%add3A_675, %add3A_557], %gather3A_678 masked %ge3A_565 : memref<32x1024xf32, #tpu.memory_space<vmem>>[vector<16xi32>, vector<16xi32>], vector<16xf32>, vector<16xi1>
      %broadcast_in_dim3A_679 = arith.constant 0 : i32
      %broadcast_in_dim3A_680 = vector.broadcast %broadcast_in_dim3A_679 : i32 to vector<16xi32>
      %add3A_681 = arith.constant 14 : i32
      %add3A_682 = vector.broadcast %add3A_681 : i32 to vector<16xi32>
      %add3A_683 = arith.addi %broadcast_in_dim3A_680, %add3A_682 : vector<16xi32>
      %add3A_684 = vector.broadcast %mul3A_2 : i32 to vector<16xi32>
      %add3A_685 = arith.addi %add3A_683, %add3A_684 : vector<16xi32>
      %gather3A_686 = tpu.vector_load_idx %arg12[%max3A_567, %add3A_685] : memref<65x32xf32, #tpu.memory_space<vmem>>[vector<16xi32>, vector<16xi32>], vector<16xf32>,
      tpu.vector_store_idx %arg13[%add3A_683, %add3A_557], %gather3A_686 masked %ge3A_565 : memref<32x1024xf32, #tpu.memory_space<vmem>>[vector<16xi32>, vector<16xi32>], vector<16xf32>, vector<16xi1>
      %broadcast_in_dim3A_687 = arith.constant 0 : i32
      %broadcast_in_dim3A_688 = vector.broadcast %broadcast_in_dim3A_687 : i32 to vector<16xi32>
      %add3A_689 = arith.constant 15 : i32
      %add3A_690 = vector.broadcast %add3A_689 : i32 to vector<16xi32>
      %add3A_691 = arith.addi %broadcast_in_dim3A_688, %add3A_690 : vector<16xi32>
      %add3A_692 = vector.broadcast %mul3A_2 : i32 to vector<16xi32>
      %add3A_693 = arith.addi %add3A_691, %add3A_692 : vector<16xi32>
      %gather3A_694 = tpu.vector_load_idx %arg12[%max3A_567, %add3A_693] : memref<65x32xf32, #tpu.memory_space<vmem>>[vector<16xi32>, vector<16xi32>], vector<16xf32>,
      tpu.vector_store_idx %arg13[%add3A_691, %add3A_557], %gather3A_694 masked %ge3A_565 : memref<32x1024xf32, #tpu.memory_space<vmem>>[vector<16xi32>, vector<16xi32>], vector<16xf32>, vector<16xi1>
    }
    %scan3A_550 = arith.constant 64 : i32
    "tpu.region"() ({
      %run_scoped3A = tpu.sem_alloc : memref<!tpu.dma_semaphore, #tpu.memory_space<semaphore_mem>>
      %dma_start3A_552 = arith.constant 0 : i32
      %dma_start3A_553 = arith.constant 0 : i32
      %dma_start3A_554 = tpu.memref_slice %arg13[%dma_start3A_552, %dma_start3A_553] : memref<32x1024xf32, #tpu.memory_space<vmem>> -> memref<16x1024xf32, #tpu.memory_space<vmem>>
      %dma_start3A_555 = tpu.memref_slice %arg7[%mul3A_2, %mul3A_0] : memref<64x16384xf32, #tpu.memory_space<hbm>> -> memref<16x1024xf32, #tpu.memory_space<hbm>>
      %dma_start3A_556 = tpu.memref_slice %arg7[%mul3A_2, %mul3A_0] : memref<64x16384xf32, #tpu.memory_space<hbm>> -> memref<16x1024xf32, #tpu.memory_space<hbm>>
      %dma_start3A_557 = arith.constant 0 : i32
      %dma_start3A_558 = arith.constant 0 : i32
      %dma_start3A_559 = tpu.memref_slice %arg13[%dma_start3A_557, %dma_start3A_558] : memref<32x1024xf32, #tpu.memory_space<vmem>> -> memref<16x1024xf32, #tpu.memory_space<vmem>>
      tpu.enqueue_dma source(%dma_start3A_559 : memref<16x1024xf32, #tpu.memory_space<vmem>>) target(%dma_start3A_556 : memref<16x1024xf32, #tpu.memory_space<hbm>>) target_semaphore(%run_scoped3A : memref<!tpu.dma_semaphore, #tpu.memory_space<semaphore_mem>>)
      %dma_wait3A_560 = arith.constant 0 : i32
      %dma_wait3A_561 = arith.constant 0 : i32
      %dma_wait3A_562 = tpu.memref_slice %arg13[%dma_wait3A_560, %dma_wait3A_561] : memref<32x1024xf32, #tpu.memory_space<vmem>> -> memref<16x1024xf32, #tpu.memory_space<vmem>>
      %dma_wait3A_563 = tpu.memref_slice %arg7[%mul3A_2, %mul3A_0] : memref<64x16384xf32, #tpu.memory_space<hbm>> -> memref<16x1024xf32, #tpu.memory_space<hbm>>
      %dma_wait3A_564 = tpu.memref_slice %arg7[%mul3A_2, %mul3A_0] : memref<64x16384xf32, #tpu.memory_space<hbm>> -> memref<16x1024xf32, #tpu.memory_space<hbm>>
      %dma_wait3A_565 = arith.constant 0 : i32
      %dma_wait3A_566 = arith.constant 0 : i32
      %dma_wait3A_567 = tpu.memref_slice %arg13[%dma_wait3A_565, %dma_wait3A_566] : memref<32x1024xf32, #tpu.memory_space<vmem>> -> memref<16x1024xf32, #tpu.memory_space<vmem>>
      tpu.wait_dma2 semaphore(%run_scoped3A : memref<!tpu.dma_semaphore, #tpu.memory_space<semaphore_mem>>) src(%dma_wait3A_567 : memref<16x1024xf32, #tpu.memory_space<vmem>>) dst(%dma_wait3A_564 : memref<16x1024xf32, #tpu.memory_space<hbm>>)
      tpu.yield
    }) : () -> ()
    %add3A = arith.constant 32 : i32
    %add3A_551 = arith.addi %add3A, %mul3A_2 : i32
    "tpu.region"() ({
      %run_scoped3A = tpu.sem_alloc : memref<!tpu.dma_semaphore, #tpu.memory_space<semaphore_mem>>
      %dma_start3A_552 = arith.constant 16 : i32
      %dma_start3A_553 = arith.constant 0 : i32
      %dma_start3A_554 = tpu.memref_slice %arg13[%dma_start3A_552, %dma_start3A_553] : memref<32x1024xf32, #tpu.memory_space<vmem>> -> memref<16x1024xf32, #tpu.memory_space<vmem>>
      %dma_start3A_555 = tpu.memref_slice %arg7[%add3A_551, %mul3A_0] : memref<64x16384xf32, #tpu.memory_space<hbm>> -> memref<16x1024xf32, #tpu.memory_space<hbm>>
      %dma_start3A_556 = tpu.memref_slice %arg7[%add3A_551, %mul3A_0] : memref<64x16384xf32, #tpu.memory_space<hbm>> -> memref<16x1024xf32, #tpu.memory_space<hbm>>
      %dma_start3A_557 = arith.constant 16 : i32
      %dma_start3A_558 = arith.constant 0 : i32
      %dma_start3A_559 = tpu.memref_slice %arg13[%dma_start3A_557, %dma_start3A_558] : memref<32x1024xf32, #tpu.memory_space<vmem>> -> memref<16x1024xf32, #tpu.memory_space<vmem>>
      tpu.enqueue_dma source(%dma_start3A_559 : memref<16x1024xf32, #tpu.memory_space<vmem>>) target(%dma_start3A_556 : memref<16x1024xf32, #tpu.memory_space<hbm>>) target_semaphore(%run_scoped3A : memref<!tpu.dma_semaphore, #tpu.memory_space<semaphore_mem>>)
      %dma_wait3A_560 = arith.constant 16 : i32
      %dma_wait3A_561 = arith.constant 0 : i32
      %dma_wait3A_562 = tpu.memref_slice %arg13[%dma_wait3A_560, %dma_wait3A_561] : memref<32x1024xf32, #tpu.memory_space<vmem>> -> memref<16x1024xf32, #tpu.memory_space<vmem>>
      %dma_wait3A_563 = tpu.memref_slice %arg7[%add3A_551, %mul3A_0] : memref<64x16384xf32, #tpu.memory_space<hbm>> -> memref<16x1024xf32, #tpu.memory_space<hbm>>
      %dma_wait3A_564 = tpu.memref_slice %arg7[%add3A_551, %mul3A_0] : memref<64x16384xf32, #tpu.memory_space<hbm>> -> memref<16x1024xf32, #tpu.memory_space<hbm>>
      %dma_wait3A_565 = arith.constant 16 : i32
      %dma_wait3A_566 = arith.constant 0 : i32
      %dma_wait3A_567 = tpu.memref_slice %arg13[%dma_wait3A_565, %dma_wait3A_566] : memref<32x1024xf32, #tpu.memory_space<vmem>> -> memref<16x1024xf32, #tpu.memory_space<vmem>>
      tpu.wait_dma2 semaphore(%run_scoped3A : memref<!tpu.dma_semaphore, #tpu.memory_space<semaphore_mem>>) src(%dma_wait3A_567 : memref<16x1024xf32, #tpu.memory_space<vmem>>) dst(%dma_wait3A_564 : memref<16x1024xf32, #tpu.memory_space<hbm>>)
      tpu.yield
    }) : () -> ()
    return
  }
}

</mosaic_0001>

<sc_bundles>
// kernel: kernel.3.cloned.1.call-start
scs
__scs_entry_jumppad:
0x0: {  	(pc) =	sbr.rel $0x88, $3  }
0x1: {  	(tag) =	ssettag $0x0;
	lr =	simm.s32 $0x1  }
0x2: {  	[smem:$0x3F9D] =	sst lr;
	_ =	strace $0xD0000000  }
0x3: {  	_ = 	snop  }
0x4: {  	_ = 	snop  }
0x5: {  	_ = 	snop  }
0x6: {  	_ = 	snop  }
0x7: {  	_ = 	snop  }
__scs_overlays_trampoline_lowered:
0x8: {  	[smem:$0x3FAC] =	sst s0  }
0x9: {  	[smem:$0x3FAD] =	sst s1  }
0xa: {  	[smem:$0x3FAE] =	sst s2  }
0xb: {  	[smem:$0x3FAF] =	sst s3  }
0xc: {  	[smem:$0x3FB0] =	sst s4  }
0xd: {  	[smem:$0x3FB1] =	sst s5  }
0xe: {  	[smem:$0x3FB2] =	sst s6  }
0xf: {  	[smem:$0x3FB3] =	sst s7  }
0x10: {  	[smem:$0x3FB4] =	sst s8  }
0x11: {  	[smem:$0x3FB5] =	sst s9;
	s0 =	simm.s32 @!p0 $0x0  }
0x12: {  	s1 =	sld [smem:$0x3F9B];
	s0 =	simm.s32 @p0 $0x1  }
0x13: {  	[smem:$0x3FB6] =	sst s0;
	s0 =	simm.s32 @!p1 $0x0  }
0x14: {  	s2 =	sld [smem:$0x3F9A];
	s0 =	simm.s32 @p1 $0x1  }
0x15: {  	[smem:$0x3FB7] =	sst s0;
	s0 =	simm.s32 @!p2 $0x0  }
0x16: {  	s3 =	sld [smem:$0x3FDB];
	s0 =	simm.s32 @p2 $0x1  }
0x17: {  	s4 =	simm.s32 $0x1BF5;
	[smem:$0x3FB9] =	sst s0  }
0x18: {  	s0 =	sld [smem:$0x3F9C];
	_ =	swait.ge [sflag:s4], $0x0  }
0x19: {  	s7 =	sld [smem:$0x3F9D]  }
0x1a: {  	s8 =	sadd.s32 $0xFFFFE003, lr  }
0x1b: {  	s9 =	sadd.s32 $0xFFFFFEF7, lr;
	s5 =	simm.s32 $0xFFFFFFFF;
	p2 =	slt.u32 s8, $0xFFFFF086  }
0x1c: {  	p1 =	slt.u32 s9, $0xF7A;
	s5 =	simm.s32 @!p2 $0x0  }
0x1d: {  	s5 =	simm.s32 @p1 $0x1;
	p0 =	seq.s32 s7, s2  }
0x1e: {  	s7 =	smul.u32 @!p0 $0xF7A, s2;
	p2 =	seq.s32 @!p0 s5, $0x0  }
0x1f: {  	s9 =	smul.u32 $0xF7A, s1;
	s8 =	simm.s32 @!p0 $0x1BF5;
	p2 =	por !p2, p0  }
0x20: {  	[sflag:s8] =	ssyncset.s32 @!p0 $0xFFFFF086;
	s6 =	sadd.s32 @!p0 s3, s7;
	s7 =	simm.s32 @!p0 $0x108  }
0x21: {  	s3 =	sadd.s32 s3, s9;
	s6 =	sadd.s32 @!p0 $0x88, s6;
	s7 =	simm.s32 @p2 $0x1082  }
0x22: {  	[simem:s7], [sflag:s8] =	dma.local @!p0 [hbm:s6], $0xF7A  }
0x23: {  	s9 =	sor.u32 $0xD0000000, s2;
	s6 =	simm.s32 $0x108;
	_ =	swait.ge @!p0 [sflag:s8], $0x0  }
0x24: {  	s3 =	sadd.s32 $0x88, s3;
	s6 =	simm.s32 @!p1 $0x1082;
	[sflag:s4] =	ssyncset.s32 $0xFFFFF086  }
0x25: {  	[simem:s6], [sflag:s4] =	dma.local [hbm:s3], $0xF7A  }
0x26: {  	[smem:$0x3F9D] =	sst s1;
	(tag) =	ssettag s2;
	_ =	strace s9  }
0x27: {  	s1 =	sld [smem:$0x3FAD]  }
0x28: {  	s2 =	sld [smem:$0x3FAE]  }
0x29: {  	s4 =	sld [smem:$0x3FB0]  }
0x2a: {  	p0 =	seq.s32 s5, $0x0;
	s5 =	sld [smem:$0x3FB1]  }
0x2b: {  	s6 =	sld [smem:$0x3FB2]  }
0x2c: {  	s7 =	sld [smem:$0x3FB3]  }
0x2d: {  	s3 =	simm.s32 $0x108;
	s8 =	sld [smem:$0x3FB4]  }
0x2e: {  	s3 =	simm.s32 @!p0 $0x1082;
	s9 =	sld [smem:$0x3FB5]  }
0x2f: {  	lr =	sadd.s32 s0, s3;
	s0 =	sld [smem:$0x3FAC]  }
0x30: {  	s3 =	sld [smem:$0x3FAF]  }
0x31: {  	[smem:$0x3FB8] =	sst s10  }
0x32: {  	s10 =	sld [smem:$0x3FB6];
	_ =	sdelay $0x3  }
0x33: {  	p0 =	seq.s32 s10, $0x1;
	s10 =	sld [smem:$0x3FB8];
	_ =	sdelay $0x3  }
0x34: {  	[smem:$0x3FB8] =	sst s10  }
0x35: {  	s10 =	sld [smem:$0x3FB7];
	_ =	sdelay $0x3  }
0x36: {  	p1 =	seq.s32 s10, $0x1;
	s10 =	sld [smem:$0x3FB8];
	_ =	sdelay $0x3  }
0x37: {  	[smem:$0x3FB8] =	sst s10  }
0x38: {  	s10 =	sld [smem:$0x3FB9]  }
0x39: {  	_ = 	snop;
	(pc) =	sbr.ind lr, $3  }
0x3a: {  	_ = 	snop  }
0x3b: {  	_ = 	snop  }
0x3c: {  	p2 =	seq.s32 s10, $0x1;
	s10 =	sld [smem:$0x3FB8]  }
0x3d: {  	_ =	shalt  }
0x3e: {  	_ =	shalt  }
0x3f: {  	_ =	shalt  }
0x40: {  	_ =	shalt  }
0x41: {  	_ =	shalt  }
0x42: {  	_ =	shalt  }
0x43: {  	_ =	shalt  }
0x44: {  	_ =	shalt  }
0x45: {  	_ =	shalt  }
0x46: {  	_ =	shalt  }
0x47: {  	_ =	shalt  }
0x48: {  	_ =	shalt  }
0x49: {  	_ =	shalt  }
0x4a: {  	_ =	shalt  }
0x4b: {  	_ =	shalt  }
0x4c: {  	_ =	shalt  }
0x4d: {  	_ =	shalt  }
0x4e: {  	_ =	shalt  }
0x4f: {  	_ =	shalt  }
0x50: {  	_ =	shalt  }
0x51: {  	_ =	shalt  }
0x52: {  	_ =	shalt  }
0x53: {  	_ =	shalt  }
0x54: {  	_ =	shalt  }
0x55: {  	_ =	shalt  }
0x56: {  	_ =	shalt  }
0x57: {  	_ =	shalt  }
0x58: {  	_ =	shalt  }
0x59: {  	_ =	shalt  }
0x5a: {  	_ =	shalt  }
0x5b: {  	_ =	shalt  }
0x5c: {  	_ =	shalt  }
0x5d: {  	_ =	shalt  }
0x5e: {  	_ =	shalt  }
0x5f: {  	_ =	shalt  }
0x60: {  	_ =	shalt  }
0x61: {  	_ =	shalt  }
0x62: {  	_ =	shalt  }
0x63: {  	_ =	shalt  }
0x64: {  	_ =	shalt  }
0x65: {  	_ =	shalt  }
0x66: {  	_ =	shalt  }
0x67: {  	_ =	shalt  }
0x68: {  	_ =	shalt  }
0x69: {  	_ =	shalt  }
0x6a: {  	_ =	shalt  }
0x6b: {  	_ =	shalt  }
0x6c: {  	_ =	shalt  }
0x6d: {  	_ =	shalt  }
0x6e: {  	_ =	shalt  }
0x6f: {  	_ =	shalt  }
0x70: {  	_ =	shalt  }
0x71: {  	_ =	shalt  }
0x72: {  	_ =	shalt  }
0x73: {  	_ =	shalt  }
0x74: {  	_ =	shalt  }
0x75: {  	_ =	shalt  }
0x76: {  	_ =	shalt  }
0x77: {  	_ =	shalt  }
0x78: {  	_ =	shalt  }
0x79: {  	_ =	shalt  }
0x7a: {  	_ =	shalt  }
0x7b: {  	_ =	shalt  }
0x7c: {  	_ =	shalt  }
0x7d: {  	_ =	shalt  }
0x7e: {  	_ =	shalt  }
0x7f: {  	_ =	shalt  }
0x80: {  	_ =	shalt  }
0x81: {  	_ =	shalt  }
0x82: {  	_ =	shalt  }
0x83: {  	_ =	shalt  }
0x84: {  	_ =	shalt  }
0x85: {  	_ =	shalt  }
0x86: {  	_ =	shalt  }
0x87: {  	_ =	shalt  }
.Lfunc_end0:
.L_simem_size_0:
called_computation_lowered:
.L_overlay_start_0:
0x88: {  	s2 =	sld [smem:$0x3FD9]  }
0x89: {  	s3 =	sld [smem:$0x3FFE];
	_ =	sdelay $0x1  }
0x8a: {  	s1 =	srdreg.scid  }
0x8b: {  	s0 =	sand.u32 $0x1, s1  }
0x8c: {  	s17 =	sshll.u32 s0, $0xA;
	s2 =	sadd.s32 s3, s2  }
0x8d: {  	s2 =	sadd.s32 s2, s17  }
0x8e: {  	[smem:$0x3FC4] =	sst s2  }
0x8f: {  	_ = 	snop  }
0x90: {  	s2 =	sld [smem:$0x3FC9]  }
0x91: {  	s18 =	sld [smem:$0x3FC8]  }
0x92: {  	s4 =	sld [smem:$0x3FC7]  }
0x93: {  	s5 =	sld [smem:$0x3FC6]  }
0x94: {  	s6 =	sld [smem:$0x3FD0];
	(tm) =	ssettm $0x1  }
0x95: {  	s7 =	sld [smem:$0x3FFB];
	_ =	sdelay $0x3  }
0x96: {  	_ =	strace s7  }
0x97: {  	s7 =	sld [smem:$0x3FFC];
	_ =	sdelay $0x3  }
0x98: {  	_ =	strace s7  }
0x99: {  	s7 =	sld [smem:$0x3FFD];
	_ =	sdelay $0x3  }
0x9a: {  	_ =	strace s7  }
0x9b: {  	_ =	strace $0x8FFFFFFF  }
0x9c: {  	s19 =	sld [smem:$0x3FDB];
	_ =	sdelay $0x1  }
0x9d: {  	s8 =	simm.s32 $_scs_section_size  }
0x9e: {  	s9 =	simm.s32 $_size__tile_overlayer_lowered;
	s10 =	simm.s32 $_tile_overlayer_lowered  }
0x9f: {  	s22 =	simm.s32 $0x1BFF;
	s21 =	sshll.u32 s10, $0x1;
	s7 =	sadd.s32 s8, s19  }
0xa0: {  	s11 =	simm.s32 $0x0;
	s20 =	sshll.u32 s9, $0x1;
	s9 =	sadd.s32 s21, s7  }
0xa1: {  	[timem:s11], [sflag:s22] =	dma.local [hbm:s9], s20  }
0xa2: {  	_ =	swait.ge [sflag:s22], s20  }
0xa3: {  	s8 =	ssub.s32 $0x0, s20;
	[sflag:s22] =	ssyncset.done $0x0  }
0xa4: {  	[sflag:s22] =	ssyncadd.s32 s8;
	_ =	sdelay $0x1  }
0xa5: {  	s23 =	simm.s32 $0x1B8B  }
0xa6: {  	_ =	swait.ge [sflag:s23], $0x1  }
0xa7: {  	[sflag:s23] =	ssyncset.done $0x0  }
0xa8: {  	s25 =	simm.s32 $0x1B8E;
	s24 =	sld [smem:$0x3FFE];
	[sflag:s23] =	ssyncadd.s32 $0xFFFFFFFF  }
0xa9: {  	s26 =	simm.s32 $execute0_lowered;
	[smem:$0x3FD2] =	sst s25  }
0xaa: {  	s9 =	sshll.u32 s26, $0x1;
	_ =	strace $0x80000046;
	[dreg:$0x1] =	wrdreg $0xFFFFFFFF  }
0xab: {  	s28 =	simm.s32 $_size_execute0_lowered;
	s7 =	sadd.s32 s7, s9;
	[dreg:$0x0] =	wrdreg $0x0  }
0xac: {  	s9 =	sshll.u32 s28, $0x1;
	[dreg:$0x2] =	wrdreg s7  }
0xad: {  	[dreg:$0x3] =	wrdreg s9  }
0xae: {  	[dreg:$0x4] =	wrdreg $0xC0  }
0xaf: {  	_ =	task [dreg:s11], $0x5FFFF  }
0xb0: {  	[dreg:$0x1] =	wrdreg $0xFFFFFFFF  }
0xb1: {  	[dreg:$0x0] =	wrdreg $0x60  }
0xb2: {  	[dreg:$0x2] =	wrdreg s2  }
0xb3: {  	[dreg:$0x3] =	wrdreg s18  }
0xb4: {  	[dreg:$0x4] =	wrdreg s4  }
0xb5: {  	[dreg:$0x5] =	wrdreg s5  }
0xb6: {  	[dreg:$0x6] =	wrdreg s24  }
0xb7: {  	[dreg:$0x7] =	wrdreg s6  }
0xb8: {  	[dreg:$0x8] =	wrdreg $0x9  }
0xb9: {  	_ =	task.clear_ibuf [dreg:s11], $0x9FFFF;
	_ =	strace $0x90000046  }
0xba: {  	s29 =	simm.s32 $0x9;
	_ =	strace $0x80000048  }
0xbb: {  	_ =	swait.ge [sflag:s29], $0x1  }
0xbc: {  	[sflag:s29] =	ssyncadd.s32 $0xFFFFFFFF  }
0xbd: {  	_ =	strace $0x90000048  }
0xbe: {  	_ =	sfence  }
0xbf: {  	s30 =	sld [smem:$0x0];
	_ =	sdelay $0x2  }
0xc0: {  	s31 =	sshll.u32 s1, $0xD;
	s1 =	sshrl.u32 s1, $0x2  }
0xc1: {  	s3 =	sand.u32 $0x4000, s31;
	s1 =	sadd.s32 s1, s30  }
0xc2: {  	s0 =	sor.u32 s3, s0;
	s1 =	sshll.u32 s1, $0x11  }
0xc3: {  	s0 =	sor.u32 s1, s0  }
0xc4: {  	s0 =	sadd.s32 $0x8F2B, s0  }
0xc5: {  	[sflag:s0] =	ssyncadd.remote.s32 $0x1  }
0xc6: {  	_ =	sfence.sel $0xFFFF  }
0xc7: {  	[dreg:$0x0] =	wrdreg $0xFFFFFFFF;
	(pc) =	sbr.abs _section_cstart, $3  }
0xc8: {  	[dreg:$0x1] =	wrdreg $0xFFFFFFFF  }
0xc9: {  	_ =	task.clear_ibuf [dreg:s11], $0x2FFFF;
	_ =	strace $0x9FFFFFFF  }
0xca: {  	(tm) =	ssettm $0x7FFFFFFF  }
0xcb: {  	_ =	shalt  }
tec
execute0_lowered:
.L_overlay_start_1:
0x0: {  	(tag) =	ssettag $0x1  }
0x1: {  	s1 =	rddreg [dreg:$0x0]  }
0x2: {  	s2 =	rddreg [dreg:$0x1]  }
0x3: {  	s0 =	rddreg [dreg:$0x2]  }
0x4: {  	s3 =	rddreg [dreg:$0x3]  }
0x5: {  	s4 =	srdreg.scid;
	s5 =	rddreg [dreg:$0x4]  }
0x6: {  	s6 =	rddreg [dreg:$0x5];
	s8 =	simm.s32 $0x0;
	s9 =	stileid.u32  }
0x7: {  	s11 =	simm.s32 $0x9800;
	s13 =	simm.s32 $0xA000;
	s15 =	simm.s32 $0xA800  }
0x8: {  	v4 =	vimm.s32 $0x2380;
	vm0 =	vcmask $0x300;
	s16 =	simm.s32 $0xB000;
	s17 =	simm.s32 $0xB800;
	s18 =	simm.s32 $0xC000  }
0x9: {  	vm14 =	vcmask $0x704;
	vm15 =	vcmask $0xB08;
	vm4 =	vcmask $0xF0C;
	s19 =	simm.s32 $0xC800;
	s28 =	simm.s32 $0x5800;
	[smem:$0x7FF] =	sst s8  }
0xa: {  	vm5 =	vcmask $0x1310;
	vm6 =	vcmask $0x1714;
	s5 =	sadd.s32 $0x400, s5;
	v5 =	vsel vm0, $0x0, v4;
	s23 =	sshll.u32 s9, $0xA;
	s24 =	sshll.u32 s9, $0x7  }
0xb: {  	vm7 =	vcmask $0x1B18;
	vm8 =	vcmask $0x1F1C;
	s9 =	simm.s32 $0x9000;
	_ =	strace $0x80000047;
	[dreg:$0x17] =	wrdreg s5;
	v6 =	vsel vm14, $0x80, v5  }
0xc: {  	vm9 =	vcmask $0x2320;
	vm10 =	vcmask $0x2724;
	s29 =	simm.s32 $0x6000;
	s30 =	simm.s32 $0x6800;
	[dreg:$0x8] =	wrdreg s9;
	v7 =	vsel vm15, $0x100, v6  }
0xd: {  	vm11 =	vcmask $0x2B28;
	vm12 =	vcmask $0x2F2C;
	s31 =	simm.s32 $0x7000;
	s4 =	sand.u32 $0x1, s4;
	[dreg:$0x9] =	wrdreg s11;
	v8 =	vsel vm4, $0x180, v7  }
0xe: {  	vm13 =	vcmask $0x3330;
	s7 =	sshll.u32 s4, $0x4;
	s20 =	ssub.s32 $0x2, s4;
	[dreg:$0xa] =	wrdreg s13;
	vm14 =	vcmask $0x3734;
	v9 =	vsel vm5, $0x200, v8  }
0xf: {  	s25 =	sshll.u32 s4, $0xB;
	s1 =	sadd.s32 s1, s24;
	[dreg:$0xb] =	wrdreg s15;
	v0 =	vmov s7;
	vm15 =	vcmask $0x3B38;
	v10 =	vsel vm6, $0x280, v9  }
0x10: {  	s26 =	sadd.s32 s2, s24;
	s8 =	smul.u32 $0xF42800, s4;
	[dreg:$0xc] =	wrdreg s16;
	v1 =	vor.u32 $0x1, v0;
	v2 =	vor.u32 $0x2, v0;
	v11 =	vsel vm7, $0x300, v10  }
0x11: {  	s9 =	simm.s32 $0x4;
	s13 =	simm.s32 $0x400;
	[dreg:$0xd] =	wrdreg s17;
	v3 =	vor.u32 $0x3, v0;
	v4 =	vor.u32 $0x4, v0;
	v12 =	vsel vm8, $0x380, v11  }
0x12: {  	s15 =	simm.s32 $0x10800;
	[dreg:$0xe] =	wrdreg s18;
	s16 =	simm.s32 $0x7A1400;
	v5 =	vor.u32 $0x5, v0;
	v6 =	vor.u32 $0x6, v0;
	v13 =	vsel vm9, $0x2000, v12  }
0x13: {  	[dreg:$0xf] =	wrdreg s19;
	s17 =	simm.s32 $0x800;
	s18 =	simm.s32 $0x1000;
	v7 =	vor.u32 $0x7, v0;
	v8 =	vor.u32 $0x8, v0;
	v14 =	vsel vm10, $0x2080, v13  }
0x14: {  	s19 =	simm.s32 $0x1800;
	s24 =	simm.s32 $0xF000;
	[dreg:$0x18] =	wrdreg s1;
	v9 =	vor.u32 $0x9, v0;
	v10 =	vor.u32 $0xA, v0;
	v15 =	vsel vm11, $0x2100, v14  }
0x15: {  	s5 =	simm.s32 $0x16C00;
	s21 =	sshrl.u32 s20, $0x1;
	[dreg:$0x19] =	wrdreg s26;
	v11 =	vor.u32 $0xB, v0;
	v14 =	vlaneseq.u32;
	v16 =	vsel vm12, $0x2180, v15  }
0x16: {  	s2 =	sadd.s32 s3, s25;
	s3 =	sshll.u32 s4, $0xF;
	s4 =	simm.s32 $0x8800;
	v12 =	vor.u32 $0xC, v0;
	v15 =	vmul.u32 $0x80, v14;
	v17 =	vsel vm13, $0x2200, v16  }
0x17: {  	[dreg:$0x14] =	wrdreg s24;
	s25 =	simm.s32 $0xF800;
	s26 =	simm.s32 $0x10000;
	v13 =	vor.u32 $0xD, v0;
	v16 =	vor.u32 $0xE, v0;
	v18 =	vsel vm14, $0x2280, v17  }
0x18: {  	s24 =	simm.s32 $0x4000;
	s7 =	simm.s32 $0x0;
	[dreg:$0x1a] =	wrdreg s2;
	v17 =	vor.u32 $0xF, v0;
	v19 =	vor.u32 $0x800, v15;
	v20 =	vor.u32 $0x1000, v15  }
0x19: {  	s22 =	ssub.s32 s20, s21;
	s1 =	sor.u32 s23, s3;
	[dreg:$0x7] =	wrdreg s4;
	v21 =	vor.u32 $0x1800, v15;
	v22 =	vor.u32 $0x2000, v15;
	v23 =	vor.u32 $0x2800, v15  }
0x1a: {  	s20 =	simm.s32 $0xD000;
	s21 =	simm.s32 $0xD800;
	[dreg:$0x15] =	wrdreg s25;
	v24 =	vor.u32 $0x3000, v15;
	v25 =	vor.u32 $0x3800, v15;
	v26 =	vor.u32 $0x4000, v15  }
0x1b: {  	s23 =	simm.s32 $0xE800;
	[dreg:$0x16] =	wrdreg s26;
	s25 =	simm.s32 $0x4800;
	v27 =	vor.u32 $0x4800, v15;
	v28 =	vor.u32 $0x5000, v15;
	v29 =	vor.u32 $0x5800, v15  }
0x1c: {  	s26 =	simm.s32 $0x5000;
	s3 =	simm.s32 $0x8000;
	[dreg:$0x10] =	wrdreg s20;
	v30 =	vor.u32 $0x6000, v15;
	v31 =	vor.u32 $0x6800, v15;
	v32 =	vor.u32 $0x7000, v15  }
0x1d: {  	s4 =	simm.s32 $0x1;
	s10 =	sadd.s32 s6, s1;
	[dreg:$0x11] =	wrdreg s21;
	v33 =	vor.u32 $0x7800, v15;
	v34 =	vor.u32 $0x8000, v15;
	v35 =	vor.u32 $0x8800, v15  }
0x1e: {  	s14 =	smax.u32 s22, $0x1;
	s22 =	simm.s32 $0xE000;
	[dreg:$0x13] =	wrdreg s23;
	v36 =	vor.u32 $0x9000, v15;
	v37 =	vor.u32 $0x9800, v15;
	v38 =	vor.u32 $0xA000, v15  }
0x1f: {  	s20 =	simm.s32 $0x2000;
	s21 =	simm.s32 $0x2800;
	[dreg:$0x1b] =	wrdreg s10;
	v39 =	vor.u32 $0xA800, v15;
	v40 =	vor.u32 $0xB000, v15;
	v41 =	vor.u32 $0xB800, v15  }
0x20: {  	s23 =	simm.s32 $0x3800;
	s1 =	simm.s32 $0x7800;
	[dreg:$0x1d] =	wrdreg s14;
	v42 =	vor.u32 $0xC000, v15;
	v43 =	vor.u32 $0xC800, v15;
	v44 =	vor.u32 $0xD000, v15  }
0x21: {  	s6 =	simm.s32 $0x3;
	s12 =	sadd.s32 $0x10000, s10;
	[dreg:$0x12] =	wrdreg s22;
	v45 =	vor.u32 $0xD800, v15;
	v46 =	vor.u32 $0xE000, v15;
	v47 =	vor.u32 $0xE800, v15  }
0x22: {  	s14 =	simm.s32 $0x14800;
	s22 =	simm.s32 $0x3000;
	[dreg:$0x1c] =	wrdreg s12;
	v48 =	vor.u32 $0xF000, v15;
	v49 =	vor.u32 $0xF800, v15;
	v18 =	vsel vm15, $0x2300, v18  }
.LBB2_1:
0x23: {  	[dreg:$0x1e] =	wrdreg s7  }
0x24: {  	s2 =	simm.s32 $0x0;
	s12 =	rddreg [dreg:$0x18]  }
0x25: {  	[tilespmem:s2], [sflag:$0x4] =	stream.linear.gather [hbm4b:s12+s2], $0x400, $0x38;
	[tilespmem:$0x1EC00] =	vst v63  }
0x26: {  	_ =	swait.ge [sflag:s9], $0x400  }
0x27: {  	[sflag:s9] =	ssyncset.done $0x0  }
0x28: {  	s10 =	rddreg [dreg:$0x19];
	[sflag:s9] =	ssyncadd.s32 $0xFFFFFC00  }
0x29: {  	[tilespmem:s13], [sflag:$0x4] =	stream.linear.gather [hbm4b:s10+s2], $0x400, $0x38;
	[tilespmem:$0x1EC00] =	vst v63  }
0x2a: {  	_ =	swait.ge [sflag:s9], $0x400  }
0x2b: {  	[sflag:s9] =	ssyncset.done $0x0  }
0x2c: {  	s11 =	rddreg [dreg:$0x17];
	[sflag:s9] =	ssyncadd.s32 $0xFFFFFC00  }
0x2d: {  	[tilespmem:s14], [sflag:$0x2] =	stream.linear.gather [hbm4b:s11+s2], $0x2080, $0x38;
	[tilespmem:$0x1EC00] =	vst v63  }
0x2e: {  	s12 =	rddreg [dreg:$0x1a]  }
0x2f: {  	[tilespmem:s15], [sflag:$0x2] =	stream.linear.gather [hbm4b:s12+s2], $0x4000, $0x38;
	[tilespmem:$0x1EC00] =	vst v63  }
0x30: {  	v50 =	vld [tilespmem:$0x0];
	_ =	sdelay $0x4  }
0x31: {  	vm0 =	vlt.s32 v50, $0xF41FF  }
0x32: {  	v50 =	vnsel vm0, $0xF41FF, v50  }
0x33: {  	v50 =	vshll.u32 v50, $0x3  }
0x34: {  	(v2sf) =	vpush v50, $0x0;
	_ =	sdelay $0x3  }
0x35: {  	(v2sf) =	vpush v50, $0x1;
	_ =	sdelay $0x3  }
0x36: {  	(v2sf) =	vpush v50, $0x2;
	_ =	sdelay $0x6  }
0x37: {  	s9 =	spop (v2sf);
	(v2sf) =	vpush v50, $0x3;
	_ =	sdelay $0x1  }
0x38: {  	s2 =	sand.u32 $0x7FFFFC00, s9  }
0x39: {  	s2 =	sadd.s32 s8, s2  }
0x3a: {  	s10 =	spop (v2sf);
	(v2sf) =	vpush v50, $0x4;
	s2 =	sshrl.u32 s2, $0x3  }
0x3b: {  	s2 =	sadd.s32 s0, s2  }
0x3c: {  	[tilespmem:s17], [sflag:$0x1] =	stream.strided.gather [hbm4b:s2+s13], $0x800, s16, s13, $0x38;
	[tilespmem:$0x1EC00] =	vst v63  }
0x3d: {  	s2 =	sand.u32 $0x7FFFFC00, s10  }
0x3e: {  	s11 =	spop (v2sf);
	(v2sf) =	vpush v50, $0x5;
	s2 =	sadd.s32 s8, s2  }
0x3f: {  	s2 =	sshrl.u32 s2, $0x3  }
0x40: {  	s2 =	sadd.s32 s0, s2  }
0x41: {  	[tilespmem:s18], [sflag:$0x1] =	stream.strided.gather [hbm4b:s2+s13], $0x800, s16, s13, $0x38;
	[tilespmem:$0x1EC00] =	vst v63  }
0x42: {  	s2 =	sand.u32 $0x7FFFFC00, s11  }
0x43: {  	s2 =	sadd.s32 s8, s2  }
0x44: {  	s2 =	sshrl.u32 s2, $0x3  }
0x45: {  	s2 =	sadd.s32 s0, s2;
	s12 =	spop (v2sf);
	(v2sf) =	vpush v50, $0x6  }
0x46: {  	[tilespmem:s19], [sflag:$0x1] =	stream.strided.gather [hbm4b:s2+s13], $0x800, s16, s13, $0x38;
	[tilespmem:$0x1EC00] =	vst v63  }
0x47: {  	s2 =	sand.u32 $0x7FFFFC00, s12  }
0x48: {  	s2 =	sadd.s32 s8, s2  }
0x49: {  	s7 =	spop (v2sf);
	(v2sf) =	vpush v50, $0x7;
	s2 =	sshrl.u32 s2, $0x3  }
0x4a: {  	s2 =	sadd.s32 s0, s2  }
0x4b: {  	[tilespmem:s20], [sflag:$0x1] =	stream.strided.gather [hbm4b:s2+s13], $0x800, s16, s13, $0x38;
	[tilespmem:$0x1EC00] =	vst v63  }
0x4c: {  	s2 =	sand.u32 $0x7FFFFC00, s7  }
0x4d: {  	s9 =	spop (v2sf);
	(v2sf) =	vpush v50, $0x8;
	s2 =	sadd.s32 s8, s2  }
0x4e: {  	s2 =	sshrl.u32 s2, $0x3  }
0x4f: {  	s2 =	sadd.s32 s0, s2  }
0x50: {  	[tilespmem:s21], [sflag:$0x1] =	stream.strided.gather [hbm4b:s2+s13], $0x800, s16, s13, $0x38;
	[tilespmem:$0x1EC00] =	vst v63  }
0x51: {  	s2 =	sand.u32 $0x7FFFFC00, s9  }
0x52: {  	s2 =	sadd.s32 s8, s2  }
0x53: {  	s2 =	sshrl.u32 s2, $0x3  }
0x54: {  	s2 =	sadd.s32 s0, s2;
	s10 =	spop (v2sf);
	(v2sf) =	vpush v50, $0x9  }
0x55: {  	[tilespmem:s22], [sflag:$0x1] =	stream.strided.gather [hbm4b:s2+s13], $0x800, s16, s13, $0x38;
	[tilespmem:$0x1EC00] =	vst v63  }
0x56: {  	s2 =	sand.u32 $0x7FFFFC00, s10  }
0x57: {  	s2 =	sadd.s32 s8, s2  }
0x58: {  	s11 =	spop (v2sf);
	(v2sf) =	vpush v50, $0xA;
	s2 =	sshrl.u32 s2, $0x3  }
0x59: {  	s2 =	sadd.s32 s0, s2  }
0x5a: {  	[tilespmem:s23], [sflag:$0x1] =	stream.strided.gather [hbm4b:s2+s13], $0x800, s16, s13, $0x38;
	[tilespmem:$0x1EC00] =	vst v63  }
0x5b: {  	s2 =	sand.u32 $0x7FFFFC00, s11  }
0x5c: {  	s12 =	spop (v2sf);
	(v2sf) =	vpush v50, $0xB;
	s2 =	sadd.s32 s8, s2  }
0x5d: {  	s2 =	sshrl.u32 s2, $0x3  }
0x5e: {  	s2 =	sadd.s32 s0, s2  }
0x5f: {  	[tilespmem:s24], [sflag:$0x1] =	stream.strided.gather [hbm4b:s2+s13], $0x800, s16, s13, $0x38;
	[tilespmem:$0x1EC00] =	vst v63  }
0x60: {  	s2 =	sand.u32 $0x7FFFFC00, s12  }
0x61: {  	s2 =	sadd.s32 s8, s2  }
0x62: {  	s2 =	sshrl.u32 s2, $0x3  }
0x63: {  	s2 =	sadd.s32 s0, s2;
	s7 =	spop (v2sf);
	(v2sf) =	vpush v50, $0xC  }
0x64: {  	[tilespmem:s25], [sflag:$0x1] =	stream.strided.gather [hbm4b:s2+s13], $0x800, s16, s13, $0x38;
	[tilespmem:$0x1EC00] =	vst v63  }
0x65: {  	s2 =	sand.u32 $0x7FFFFC00, s7  }
0x66: {  	s2 =	sadd.s32 s8, s2  }
0x67: {  	s9 =	spop (v2sf);
	(v2sf) =	vpush v50, $0xD;
	s2 =	sshrl.u32 s2, $0x3  }
0x68: {  	s2 =	sadd.s32 s0, s2  }
0x69: {  	[tilespmem:s26], [sflag:$0x1] =	stream.strided.gather [hbm4b:s2+s13], $0x800, s16, s13, $0x38;
	[tilespmem:$0x1EC00] =	vst v63  }
0x6a: {  	s2 =	sand.u32 $0x7FFFFC00, s9  }
0x6b: {  	s10 =	spop (v2sf);
	(v2sf) =	vpush v50, $0xE;
	s2 =	sadd.s32 s8, s2  }
0x6c: {  	s2 =	sshrl.u32 s2, $0x3  }
0x6d: {  	s2 =	sadd.s32 s0, s2  }
0x6e: {  	[tilespmem:s28], [sflag:$0x1] =	stream.strided.gather [hbm4b:s2+s13], $0x800, s16, s13, $0x38;
	[tilespmem:$0x1EC00] =	vst v63  }
0x6f: {  	s2 =	sand.u32 $0x7FFFFC00, s10  }
0x70: {  	s2 =	sadd.s32 s8, s2  }
0x71: {  	s2 =	sshrl.u32 s2, $0x3  }
0x72: {  	s2 =	sadd.s32 s0, s2;
	s11 =	spop (v2sf);
	(v2sf) =	vpush v50, $0xF  }
0x73: {  	[tilespmem:s29], [sflag:$0x1] =	stream.strided.gather [hbm4b:s2+s13], $0x800, s16, s13, $0x38;
	[tilespmem:$0x1EC00] =	vst v63  }
0x74: {  	s2 =	sand.u32 $0x7FFFFC00, s11  }
0x75: {  	s2 =	sadd.s32 s8, s2  }
0x76: {  	s12 =	spop (v2sf);
	s2 =	sshrl.u32 s2, $0x3  }
0x77: {  	s9 =	sand.u32 $0x7FFFFC00, s12;
	s2 =	sadd.s32 s0, s2  }
0x78: {  	[tilespmem:s30], [sflag:$0x1] =	stream.strided.gather [hbm4b:s2+s13], $0x800, s16, s13, $0x38;
	[tilespmem:$0x1EC00] =	vst v63  }
0x79: {  	s2 =	sadd.s32 s8, s9  }
0x7a: {  	s10 =	spop (v2sf);
	s2 =	sshrl.u32 s2, $0x3  }
0x7b: {  	s11 =	sand.u32 $0x7FFFFC00, s10;
	s2 =	sadd.s32 s0, s2  }
0x7c: {  	[tilespmem:s31], [sflag:$0x1] =	stream.strided.gather [hbm4b:s2+s13], $0x800, s16, s13, $0x38;
	[tilespmem:$0x1EC00] =	vst v63  }
0x7d: {  	s2 =	sadd.s32 s8, s11  }
0x7e: {  	s2 =	sshrl.u32 s2, $0x3  }
0x7f: {  	s2 =	sadd.s32 s0, s2  }
0x80: {  	[tilespmem:s1], [sflag:$0x1] =	stream.strided.gather [hbm4b:s2+s13], $0x800, s16, s13, $0x38;
	[tilespmem:$0x1EC00] =	vst v63  }
0x81: {  	s12 =	spop (v2sf)  }
0x82: {  	s2 =	sand.u32 $0x7FFFFC00, s12  }
0x83: {  	s2 =	sadd.s32 s8, s2  }
0x84: {  	s2 =	sshrl.u32 s2, $0x3  }
0x85: {  	s2 =	sadd.s32 s0, s2  }
0x86: {  	[tilespmem:s3], [sflag:$0x1] =	stream.strided.gather [hbm4b:s2+s13], $0x800, s16, s13, $0x38;
	[tilespmem:$0x1EC00] =	vst v63  }
0x87: {  	s10 =	simm.s32 $0x0;
	s9 =	simm.s32 $0x10;
	s2 =	simm.s32 $0x0  }
.LBB2_2:
0x88: {  	v50 =	vld [tilespmem:s9+$0x0];
	_ =	sdelay $0x4  }
0x89: {  	vm0 =	vlt.s32 v50, $0xF41FF  }
0x8a: {  	v50 =	vnsel vm0, $0xF41FF, v50  }
0x8b: {  	v50 =	vshll.u32 v50, $0x3  }
0x8c: {  	(v2sf) =	vpush v50, $0x0;
	_ =	sdelay $0x5  }
0x8d: {  	(v2sf) =	vpush v50, $0x1;
	_ =	sdelay $0x3  }
0x8e: {  	(v2sf) =	vpush v50, $0x2;
	_ =	sdelay $0x4  }
0x8f: {  	s7 =	spop (v2sf)  }
0x90: {  	s7 =	sand.u32 $0x7FFFFC00, s7  }
0x91: {  	(v2sf) =	vpush v50, $0x3;
	s7 =	sadd.s32 s8, s7  }
0x92: {  	s7 =	sshrl.u32 s7, $0x3  }
0x93: {  	s12 =	rddreg [dreg:$0x7];
	s7 =	sadd.s32 s0, s7  }
0x94: {  	[tilespmem:s12], [sflag:$0x3] =	stream.strided.gather [hbm4b:s7+s13], $0x800, s16, s13, $0x38;
	[tilespmem:$0x1EC00] =	vst v63  }
0x95: {  	s12 =	spop (v2sf)  }
0x96: {  	s7 =	sand.u32 $0x7FFFFC00, s12  }
0x97: {  	(v2sf) =	vpush v50, $0x4;
	s7 =	sadd.s32 s8, s7  }
0x98: {  	s7 =	sshrl.u32 s7, $0x3  }
0x99: {  	s11 =	rddreg [dreg:$0x8];
	s12 =	spop (v2sf);
	s7 =	sadd.s32 s0, s7  }
0x9a: {  	[tilespmem:s11], [sflag:$0x3] =	stream.strided.gather [hbm4b:s7+s13], $0x800, s16, s13, $0x38;
	[tilespmem:$0x1EC00] =	vst v63  }
0x9b: {  	(v2sf) =	vpush v50, $0x5;
	s7 =	sand.u32 $0x7FFFFC00, s12  }
0x9c: {  	s7 =	sadd.s32 s8, s7  }
0x9d: {  	s7 =	sshrl.u32 s7, $0x3  }
0x9e: {  	s11 =	rddreg [dreg:$0x9];
	s7 =	sadd.s32 s0, s7  }
0x9f: {  	[tilespmem:s11], [sflag:$0x3] =	stream.strided.gather [hbm4b:s7+s13], $0x800, s16, s13, $0x38;
	[tilespmem:$0x1EC00] =	vst v63  }
0xa0: {  	s12 =	spop (v2sf)  }
0xa1: {  	s7 =	sand.u32 $0x7FFFFC00, s12  }
0xa2: {  	(v2sf) =	vpush v50, $0x6;
	s7 =	sadd.s32 s8, s7  }
0xa3: {  	s7 =	sshrl.u32 s7, $0x3  }
0xa4: {  	s11 =	rddreg [dreg:$0xa];
	s7 =	sadd.s32 s0, s7  }
0xa5: {  	[tilespmem:s11], [sflag:$0x3] =	stream.strided.gather [hbm4b:s7+s13], $0x800, s16, s13, $0x38;
	[tilespmem:$0x1EC00] =	vst v63  }
0xa6: {  	s12 =	spop (v2sf)  }
0xa7: {  	s7 =	sand.u32 $0x7FFFFC00, s12  }
0xa8: {  	(v2sf) =	vpush v50, $0x7;
	s7 =	sadd.s32 s8, s7  }
0xa9: {  	s7 =	sshrl.u32 s7, $0x3  }
0xaa: {  	s11 =	rddreg [dreg:$0xb];
	s12 =	spop (v2sf);
	s7 =	sadd.s32 s0, s7  }
0xab: {  	[tilespmem:s11], [sflag:$0x3] =	stream.strided.gather [hbm4b:s7+s13], $0x800, s16, s13, $0x38;
	[tilespmem:$0x1EC00] =	vst v63  }
0xac: {  	(v2sf) =	vpush v50, $0x8;
	s7 =	sand.u32 $0x7FFFFC00, s12  }
0xad: {  	s7 =	sadd.s32 s8, s7  }
0xae: {  	s7 =	sshrl.u32 s7, $0x3  }
0xaf: {  	s11 =	rddreg [dreg:$0xc];
	s7 =	sadd.s32 s0, s7  }
0xb0: {  	[tilespmem:s11], [sflag:$0x3] =	stream.strided.gather [hbm4b:s7+s13], $0x800, s16, s13, $0x38;
	[tilespmem:$0x1EC00] =	vst v63  }
0xb1: {  	s12 =	spop (v2sf)  }
0xb2: {  	s7 =	sand.u32 $0x7FFFFC00, s12  }
0xb3: {  	(v2sf) =	vpush v50, $0x9;
	s7 =	sadd.s32 s8, s7  }
0xb4: {  	s7 =	sshrl.u32 s7, $0x3  }
0xb5: {  	s11 =	rddreg [dreg:$0xd];
	s7 =	sadd.s32 s0, s7  }
0xb6: {  	[tilespmem:s11], [sflag:$0x3] =	stream.strided.gather [hbm4b:s7+s13], $0x800, s16, s13, $0x38;
	[tilespmem:$0x1EC00] =	vst v63  }
0xb7: {  	s12 =	spop (v2sf)  }
0xb8: {  	s7 =	sand.u32 $0x7FFFFC00, s12  }
0xb9: {  	(v2sf) =	vpush v50, $0xA;
	s7 =	sadd.s32 s8, s7  }
0xba: {  	s7 =	sshrl.u32 s7, $0x3  }
0xbb: {  	s11 =	rddreg [dreg:$0xe];
	s12 =	spop (v2sf);
	s7 =	sadd.s32 s0, s7  }
0xbc: {  	[tilespmem:s11], [sflag:$0x3] =	stream.strided.gather [hbm4b:s7+s13], $0x800, s16, s13, $0x38;
	[tilespmem:$0x1EC00] =	vst v63  }
0xbd: {  	(v2sf) =	vpush v50, $0xB;
	s7 =	sand.u32 $0x7FFFFC00, s12  }
0xbe: {  	s7 =	sadd.s32 s8, s7  }
0xbf: {  	s7 =	sshrl.u32 s7, $0x3  }
0xc0: {  	s11 =	rddreg [dreg:$0xf];
	s7 =	sadd.s32 s0, s7  }
0xc1: {  	[tilespmem:s11], [sflag:$0x3] =	stream.strided.gather [hbm4b:s7+s13], $0x800, s16, s13, $0x38;
	[tilespmem:$0x1EC00] =	vst v63  }
0xc2: {  	s12 =	spop (v2sf)  }
0xc3: {  	s7 =	sand.u32 $0x7FFFFC00, s12  }
0xc4: {  	(v2sf) =	vpush v50, $0xC;
	s7 =	sadd.s32 s8, s7  }
0xc5: {  	s7 =	sshrl.u32 s7, $0x3  }
0xc6: {  	s11 =	rddreg [dreg:$0x10];
	s7 =	sadd.s32 s0, s7  }
0xc7: {  	[tilespmem:s11], [sflag:$0x3] =	stream.strided.gather [hbm4b:s7+s13], $0x800, s16, s13, $0x38;
	[tilespmem:$0x1EC00] =	vst v63  }
0xc8: {  	s12 =	spop (v2sf)  }
0xc9: {  	s7 =	sand.u32 $0x7FFFFC00, s12  }
0xca: {  	(v2sf) =	vpush v50, $0xD;
	s7 =	sadd.s32 s8, s7  }
0xcb: {  	s7 =	sshrl.u32 s7, $0x3  }
0xcc: {  	s11 =	rddreg [dreg:$0x11];
	s12 =	spop (v2sf);
	s7 =	sadd.s32 s0, s7  }
0xcd: {  	[tilespmem:s11], [sflag:$0x3] =	stream.strided.gather [hbm4b:s7+s13], $0x800, s16, s13, $0x38;
	[tilespmem:$0x1EC00] =	vst v63  }
0xce: {  	(v2sf) =	vpush v50, $0xE;
	s7 =	sand.u32 $0x7FFFFC00, s12  }
0xcf: {  	s7 =	sadd.s32 s8, s7  }
0xd0: {  	s7 =	sshrl.u32 s7, $0x3  }
0xd1: {  	s11 =	rddreg [dreg:$0x12];
	s7 =	sadd.s32 s0, s7  }
0xd2: {  	[tilespmem:s11], [sflag:$0x3] =	stream.strided.gather [hbm4b:s7+s13], $0x800, s16, s13, $0x38;
	[tilespmem:$0x1EC00] =	vst v63  }
0xd3: {  	s12 =	spop (v2sf)  }
0xd4: {  	s7 =	sand.u32 $0x7FFFFC00, s12  }
0xd5: {  	(v2sf) =	vpush v50, $0xF;
	s7 =	sadd.s32 s8, s7  }
0xd6: {  	s7 =	sshrl.u32 s7, $0x3  }
0xd7: {  	s11 =	rddreg [dreg:$0x13];
	s7 =	sadd.s32 s0, s7  }
0xd8: {  	[tilespmem:s11], [sflag:$0x3] =	stream.strided.gather [hbm4b:s7+s13], $0x800, s16, s13, $0x38;
	[tilespmem:$0x1EC00] =	vst v63  }
0xd9: {  	s12 =	spop (v2sf)  }
0xda: {  	s7 =	sand.u32 $0x7FFFFC00, s12  }
0xdb: {  	s7 =	sadd.s32 s8, s7  }
0xdc: {  	s7 =	sshrl.u32 s7, $0x3  }
0xdd: {  	s11 =	rddreg [dreg:$0x14];
	s12 =	spop (v2sf);
	s7 =	sadd.s32 s0, s7  }
0xde: {  	[tilespmem:s11], [sflag:$0x3] =	stream.strided.gather [hbm4b:s7+s13], $0x800, s16, s13, $0x38;
	[tilespmem:$0x1EC00] =	vst v63  }
0xdf: {  	s7 =	sand.u32 $0x7FFFFC00, s12  }
0xe0: {  	s7 =	sadd.s32 s8, s7  }
0xe1: {  	s7 =	sshrl.u32 s7, $0x3  }
0xe2: {  	s11 =	rddreg [dreg:$0x15];
	s7 =	sadd.s32 s0, s7  }
0xe3: {  	[tilespmem:s11], [sflag:$0x3] =	stream.strided.gather [hbm4b:s7+s13], $0x800, s16, s13, $0x38;
	[tilespmem:$0x1EC00] =	vst v63  }
0xe4: {  	s12 =	spop (v2sf)  }
0xe5: {  	s7 =	sand.u32 $0x7FFFFC00, s12  }
0xe6: {  	s7 =	sadd.s32 s8, s7  }
0xe7: {  	s7 =	sshrl.u32 s7, $0x3  }
0xe8: {  	s11 =	rddreg [dreg:$0x16];
	s7 =	sadd.s32 s0, s7  }
0xe9: {  	[tilespmem:s11], [sflag:$0x3] =	stream.strided.gather [hbm4b:s7+s13], $0x800, s16, s13, $0x38;
	[tilespmem:$0x1EC00] =	vst v63  }
0xea: {  	_ =	swait.ge [sflag:s4], $0x800  }
0xeb: {  	[sflag:s4] =	ssyncset.done $0x0  }
0xec: {  	[sflag:s4] =	ssyncadd.s32 $0xFFFFF800  }
0xed: {  	_ =	swait.ge [sflag:s4], $0x800  }
0xee: {  	[sflag:s4] =	ssyncset.done $0x0  }
0xef: {  	[sflag:s4] =	ssyncadd.s32 $0xFFFFF800  }
0xf0: {  	_ =	swait.ge [sflag:s4], $0x800  }
0xf1: {  	[sflag:s4] =	ssyncset.done $0x0  }
0xf2: {  	[sflag:s4] =	ssyncadd.s32 $0xFFFFF800  }
0xf3: {  	_ =	swait.ge [sflag:s4], $0x800  }
0xf4: {  	[sflag:s4] =	ssyncset.done $0x0  }
0xf5: {  	[sflag:s4] =	ssyncadd.s32 $0xFFFFF800  }
0xf6: {  	_ =	swait.ge [sflag:s4], $0x800  }
0xf7: {  	[sflag:s4] =	ssyncset.done $0x0  }
0xf8: {  	[sflag:s4] =	ssyncadd.s32 $0xFFFFF800  }
0xf9: {  	_ =	swait.ge [sflag:s4], $0x800  }
0xfa: {  	[sflag:s4] =	ssyncset.done $0x0  }
0xfb: {  	[sflag:s4] =	ssyncadd.s32 $0xFFFFF800  }
0xfc: {  	_ =	swait.ge [sflag:s4], $0x800  }
0xfd: {  	[sflag:s4] =	ssyncset.done $0x0  }
0xfe: {  	[sflag:s4] =	ssyncadd.s32 $0xFFFFF800  }
0xff: {  	_ =	swait.ge [sflag:s4], $0x800  }
0x100: {  	[sflag:s4] =	ssyncset.done $0x0  }
0x101: {  	[sflag:s4] =	ssyncadd.s32 $0xFFFFF800  }
0x102: {  	_ =	swait.ge [sflag:s4], $0x800  }
0x103: {  	[sflag:s4] =	ssyncset.done $0x0  }
0x104: {  	[sflag:s4] =	ssyncadd.s32 $0xFFFFF800  }
0x105: {  	_ =	swait.ge [sflag:s4], $0x800  }
0x106: {  	[sflag:s4] =	ssyncset.done $0x0  }
0x107: {  	[sflag:s4] =	ssyncadd.s32 $0xFFFFF800  }
0x108: {  	_ =	swait.ge [sflag:s4], $0x800  }
0x109: {  	[sflag:s4] =	ssyncset.done $0x0  }
0x10a: {  	[sflag:s4] =	ssyncadd.s32 $0xFFFFF800  }
0x10b: {  	_ =	swait.ge [sflag:s4], $0x800  }
0x10c: {  	[sflag:s4] =	ssyncset.done $0x0  }
0x10d: {  	[sflag:s4] =	ssyncadd.s32 $0xFFFFF800  }
0x10e: {  	_ =	swait.ge [sflag:s4], $0x800  }
0x10f: {  	[sflag:s4] =	ssyncset.done $0x0  }
0x110: {  	[sflag:s4] =	ssyncadd.s32 $0xFFFFF800  }
0x111: {  	_ =	swait.ge [sflag:s4], $0x800  }
0x112: {  	[sflag:s4] =	ssyncset.done $0x0  }
0x113: {  	[sflag:s4] =	ssyncadd.s32 $0xFFFFF800  }
0x114: {  	_ =	swait.ge [sflag:s4], $0x800  }
0x115: {  	[sflag:s4] =	ssyncset.done $0x0  }
0x116: {  	[sflag:s4] =	ssyncadd.s32 $0xFFFFF800  }
0x117: {  	_ =	swait.ge [sflag:s4], $0x800  }
0x118: {  	[sflag:s4] =	ssyncset.done $0x0  }
0x119: {  	[sflag:s4] =	ssyncadd.s32 $0xFFFFF800  }
0x11a: {  	v58 =	vld [tilespmem:s9+$0xFFFFFFF0];
	_ =	sdelay $0x4  }
0x11b: {  	vm13 =	vlt.s32 v58, $0xF41FF  }
0x11c: {  	v50 =	vnsel vm13, $0xF41FF, v58  }
0x11d: {  	(v2sf) =	vpush v50, $0x0;
	_ =	sdelay $0x5  }
0x11e: {  	(v2sf) =	vpush v50, $0x1;
	_ =	sdelay $0x5  }
0x11f: {  	(v2sf) =	vpush v50, $0x2;
	_ =	sdelay $0x2  }
0x120: {  	s11 =	spop (v2sf)  }
0x121: {  	s7 =	sand.u32 $0x7F, s11  }
0x122: {  	v51 =	vor.u32 s7, v15  }
0x123: {  	v52 =	vmov s2;
	(v2sf) =	vpush v50, $0x3  }
0x124: {  	v53 =	vshll.u32 v52, $0x3  }
0x125: {  	v52 =	vand.u32 $0x60, v52;
	v53 =	vand.u32 $0x1C00, v53  }
0x126: {  	v52 =	vor.u32 v53, v52;
	s12 =	spop (v2sf)  }
0x127: {  	v52 =	vor.u32 v18, v52;
	s7 =	sand.u32 $0x7F, s12;
	v51 =	vld.idx.msk [tilespmem:v51+s17+$0x0], $0xffff  }
0x128: {  	s11 =	sadd.s32 $0x1, s2;
	v59 =	vor.u32 s7, v19  }
0x129: {  	(v2sf) =	vpush v50, $0x4;
	v54 =	vmov s11  }
0x12a: {  	v55 =	vshll.u32 v54, $0x3  }
0x12b: {  	v54 =	vand.u32 $0x61, v54;
	v55 =	vand.u32 $0x1C00, v55  }
0x12c: {  	s12 =	spop (v2sf);
	v60 =	vor.u32 v55, v54;
	[tilespmem:v52+s5+$0x0] =	vst.idx.msk $0xffff, v51  }
0x12d: {  	s7 =	sand.u32 $0x7F, s12;
	v51 =	vor.u32 v18, v60;
	v52 =	vld.idx.msk [tilespmem:v59+s17+$0x0], $0xffff  }
0x12e: {  	s11 =	sadd.s32 $0x2, s2;
	v61 =	vor.u32 s7, v20  }
0x12f: {  	(v2sf) =	vpush v50, $0x5;
	v62 =	vmov s11  }
0x130: {  	v63 =	vshll.u32 v62, $0x3  }
0x131: {  	v54 =	vand.u32 $0x62, v62;
	v55 =	vand.u32 $0x1C00, v63  }
0x132: {  	v56 =	vor.u32 v55, v54;
	s12 =	spop (v2sf);
	[tilespmem:v51+s5+$0x0] =	vst.idx.msk $0xffff, v52  }
0x133: {  	s7 =	sand.u32 $0x7F, s12;
	v51 =	vor.u32 v18, v56;
	v52 =	vld.idx.msk [tilespmem:v61+s17+$0x0], $0xffff  }
0x134: {  	s11 =	sadd.s32 $0x3, s2;
	v57 =	vor.u32 s7, v21  }
0x135: {  	v58 =	vmov s11;
	(v2sf) =	vpush v50, $0x6  }
0x136: {  	v59 =	vshll.u32 v58, $0x3  }
0x137: {  	v54 =	vand.u32 $0x63, v58;
	v55 =	vand.u32 $0x1C00, v59  }
0x138: {  	v60 =	vor.u32 v55, v54;
	s12 =	spop (v2sf);
	[tilespmem:v51+s5+$0x0] =	vst.idx.msk $0xffff, v52  }
0x139: {  	s7 =	sand.u32 $0x7F, s12;
	v51 =	vor.u32 v18, v60;
	v52 =	vld.idx.msk [tilespmem:v57+s17+$0x0], $0xffff  }
0x13a: {  	s11 =	sadd.s32 $0x4, s2;
	v61 =	vor.u32 s7, v22  }
0x13b: {  	v62 =	vmov s11;
	(v2sf) =	vpush v50, $0x7  }
0x13c: {  	v63 =	vshll.u32 v62, $0x3  }
0x13d: {  	v54 =	vand.u32 $0x64, v62;
	v55 =	vand.u32 $0x1C00, v63  }
0x13e: {  	s12 =	spop (v2sf);
	v56 =	vor.u32 v55, v54;
	[tilespmem:v51+s5+$0x0] =	vst.idx.msk $0xffff, v52  }
0x13f: {  	s7 =	sand.u32 $0x7F, s12;
	v51 =	vor.u32 v18, v56;
	v52 =	vld.idx.msk [tilespmem:v61+s17+$0x0], $0xffff  }
0x140: {  	s11 =	sadd.s32 $0x5, s2;
	v57 =	vor.u32 s7, v23  }
0x141: {  	v58 =	vmov s11;
	(v2sf) =	vpush v50, $0x8  }
0x142: {  	v59 =	vshll.u32 v58, $0x3  }
0x143: {  	v54 =	vand.u32 $0x65, v58;
	v55 =	vand.u32 $0x1C00, v59  }
0x144: {  	v60 =	vor.u32 v55, v54;
	s12 =	spop (v2sf);
	[tilespmem:v51+s5+$0x0] =	vst.idx.msk $0xffff, v52  }
0x145: {  	s7 =	sand.u32 $0x7F, s12;
	v51 =	vor.u32 v18, v60;
	v52 =	vld.idx.msk [tilespmem:v57+s17+$0x0], $0xffff  }
0x146: {  	s11 =	sadd.s32 $0x6, s2;
	v61 =	vor.u32 s7, v24  }
0x147: {  	v62 =	vmov s11;
	(v2sf) =	vpush v50, $0x9  }
0x148: {  	v63 =	vshll.u32 v62, $0x3  }
0x149: {  	v54 =	vand.u32 $0x66, v62;
	v55 =	vand.u32 $0x1C00, v63  }
0x14a: {  	v56 =	vor.u32 v55, v54;
	s12 =	spop (v2sf);
	[tilespmem:v51+s5+$0x0] =	vst.idx.msk $0xffff, v52  }
0x14b: {  	s7 =	sand.u32 $0x7F, s12;
	v51 =	vor.u32 v18, v56;
	v52 =	vld.idx.msk [tilespmem:v61+s17+$0x0], $0xffff  }
0x14c: {  	s11 =	sadd.s32 $0x7, s2;
	v57 =	vor.u32 s7, v25  }
0x14d: {  	v58 =	vmov s11;
	(v2sf) =	vpush v50, $0xA  }
0x14e: {  	v59 =	vshll.u32 v58, $0x3  }
0x14f: {  	v54 =	vand.u32 $0x67, v58;
	v55 =	vand.u32 $0x1C00, v59  }
0x150: {  	s12 =	spop (v2sf);
	v60 =	vor.u32 v55, v54;
	[tilespmem:v51+s5+$0x0] =	vst.idx.msk $0xffff, v52  }
0x151: {  	s7 =	sand.u32 $0x7F, s12;
	v51 =	vor.u32 v18, v60;
	v52 =	vld.idx.msk [tilespmem:v57+s17+$0x0], $0xffff  }
0x152: {  	s11 =	sadd.s32 $0x8, s2;
	v61 =	vor.u32 s7, v26  }
0x153: {  	v62 =	vmov s11;
	(v2sf) =	vpush v50, $0xB  }
0x154: {  	v63 =	vshll.u32 v62, $0x3  }
0x155: {  	v54 =	vand.u32 $0x68, v62;
	v55 =	vand.u32 $0x1C00, v63  }
0x156: {  	v56 =	vor.u32 v55, v54;
	s12 =	spop (v2sf);
	[tilespmem:v51+s5+$0x0] =	vst.idx.msk $0xffff, v52  }
0x157: {  	s7 =	sand.u32 $0x7F, s12;
	v51 =	vor.u32 v18, v56;
	v52 =	vld.idx.msk [tilespmem:v61+s17+$0x0], $0xffff  }
0x158: {  	s11 =	sadd.s32 $0x9, s2;
	v57 =	vor.u32 s7, v27  }
0x159: {  	v58 =	vmov s11;
	(v2sf) =	vpush v50, $0xC  }
0x15a: {  	v59 =	vshll.u32 v58, $0x3  }
0x15b: {  	v54 =	vand.u32 $0x69, v58;
	v55 =	vand.u32 $0x1C00, v59  }
0x15c: {  	s12 =	spop (v2sf);
	v60 =	vor.u32 v55, v54;
	[tilespmem:v51+s5+$0x0] =	vst.idx.msk $0xffff, v52  }
0x15d: {  	s7 =	sand.u32 $0x7F, s12;
	v51 =	vor.u32 v18, v60;
	v52 =	vld.idx.msk [tilespmem:v57+s17+$0x0], $0xffff  }
0x15e: {  	s11 =	sadd.s32 $0xA, s2;
	v61 =	vor.u32 s7, v28  }
0x15f: {  	v62 =	vmov s11;
	(v2sf) =	vpush v50, $0xD  }
0x160: {  	v63 =	vshll.u32 v62, $0x3  }
0x161: {  	v54 =	vand.u32 $0x6A, v62;
	v55 =	vand.u32 $0x1C00, v63  }
0x162: {  	s12 =	spop (v2sf);
	v56 =	vor.u32 v55, v54;
	[tilespmem:v51+s5+$0x0] =	vst.idx.msk $0xffff, v52  }
0x163: {  	s7 =	sand.u32 $0x7F, s12;
	v51 =	vor.u32 v18, v56;
	v52 =	vld.idx.msk [tilespmem:v61+s17+$0x0], $0xffff  }
0x164: {  	s11 =	sadd.s32 $0xB, s2;
	v57 =	vor.u32 s7, v29  }
0x165: {  	v58 =	vmov s11;
	(v2sf) =	vpush v50, $0xE  }
0x166: {  	v59 =	vshll.u32 v58, $0x3  }
0x167: {  	v54 =	vand.u32 $0x6B, v58;
	v55 =	vand.u32 $0x1C00, v59  }
0x168: {  	v60 =	vor.u32 v55, v54;
	s12 =	spop (v2sf);
	[tilespmem:v51+s5+$0x0] =	vst.idx.msk $0xffff, v52  }
0x169: {  	s7 =	sand.u32 $0x7F, s12;
	v51 =	vor.u32 v18, v60;
	v52 =	vld.idx.msk [tilespmem:v57+s17+$0x0], $0xffff  }
0x16a: {  	s11 =	sadd.s32 $0xC, s2;
	v61 =	vor.u32 s7, v30  }
0x16b: {  	v62 =	vmov s11;
	(v2sf) =	vpush v50, $0xF  }
0x16c: {  	v63 =	vshll.u32 v62, $0x3  }
0x16d: {  	v54 =	vand.u32 $0x6C, v62;
	v50 =	vand.u32 $0x1C00, v63  }
0x16e: {  	v50 =	vor.u32 v50, v54;
	s12 =	spop (v2sf);
	[tilespmem:v51+s5+$0x0] =	vst.idx.msk $0xffff, v52  }
0x16f: {  	v50 =	vor.u32 v18, v50;
	s7 =	sand.u32 $0x7F, s12;
	v51 =	vld.idx.msk [tilespmem:v61+s17+$0x0], $0xffff  }
0x170: {  	s11 =	sadd.s32 $0xD, s2;
	v57 =	vor.u32 s7, v31  }
0x171: {  	v58 =	vmov s11  }
0x172: {  	v59 =	vshll.u32 v58, $0x3  }
0x173: {  	v53 =	vand.u32 $0x6D, v58;
	v54 =	vand.u32 $0x1C00, v59  }
0x174: {  	s12 =	spop (v2sf);
	v60 =	vor.u32 v54, v53;
	[tilespmem:v50+s5+$0x0] =	vst.idx.msk $0xffff, v51  }
0x175: {  	s7 =	sand.u32 $0x7F, s12;
	v50 =	vor.u32 v18, v60;
	v51 =	vld.idx.msk [tilespmem:v57+s17+$0x0], $0xffff  }
0x176: {  	s11 =	sadd.s32 $0xE, s2;
	v61 =	vor.u32 s7, v32  }
0x177: {  	v62 =	vmov s11  }
0x178: {  	v63 =	vshll.u32 v62, $0x3  }
0x179: {  	v53 =	vand.u32 $0x6E, v62;
	v54 =	vand.u32 $0x1C00, v63  }
0x17a: {  	v56 =	vor.u32 v54, v53;
	s12 =	spop (v2sf);
	[tilespmem:v50+s5+$0x0] =	vst.idx.msk $0xffff, v51  }
0x17b: {  	s7 =	sand.u32 $0x7F, s12;
	v50 =	vor.u32 v18, v56;
	v51 =	vld.idx.msk [tilespmem:v61+s17+$0x0], $0xffff  }
0x17c: {  	s11 =	sadd.s32 $0xF, s2;
	v57 =	vor.u32 s7, v33  }
0x17d: {  	v58 =	vmov s11  }
0x17e: {  	v59 =	vshll.u32 v58, $0x3  }
0x17f: {  	v53 =	vand.u32 $0x6F, v58;
	v54 =	vand.u32 $0x1C00, v59  }
0x180: {  	v60 =	vor.u32 v54, v53;
	[tilespmem:v50+s5+$0x0] =	vst.idx.msk $0xffff, v51  }
0x181: {  	v50 =	vor.u32 v18, v60;
	v51 =	vld.idx.msk [tilespmem:v57+s17+$0x0], $0xffff;
	_ =	sdelay $0x3  }
0x182: {  	s12 =	smin.u32 s10, $0x3D  }
0x183: {  	s7 =	sshll.u32 s12, $0x4;
	[tilespmem:v50+s5+$0x0] =	vst.idx.msk $0xffff, v51  }
0x184: {  	v50 =	vld [tilespmem:s7+$0x20];
	_ =	sdelay $0x4  }
0x185: {  	vm14 =	vlt.s32 v50, $0xF41FF  }
0x186: {  	v50 =	vnsel vm14, $0xF41FF, v50  }
0x187: {  	v50 =	vshll.u32 v50, $0x3  }
0x188: {  	(v2sf) =	vpush v50, $0x0;
	_ =	sdelay $0x3  }
0x189: {  	(v2sf) =	vpush v50, $0x1;
	_ =	sdelay $0x4  }
0x18a: {  	(v2sf) =	vpush v50, $0x2;
	_ =	sdelay $0x5  }
0x18b: {  	s11 =	spop (v2sf)  }
0x18c: {  	(v2sf) =	vpush v50, $0x3;
	s7 =	sand.u32 $0x7FFFFC00, s11  }
0x18d: {  	s7 =	sadd.s32 s8, s7  }
0x18e: {  	s7 =	sshrl.u32 s7, $0x3  }
0x18f: {  	s12 =	spop (v2sf);
	s7 =	sadd.s32 s0, s7  }
0x190: {  	(v2sf) =	vpush v50, $0x4;
	[tilespmem:s17], [sflag:$0x1] =	stream.strided.gather [hbm4b:s7+s13], $0x800, s16, s13, $0x38;
	[tilespmem:$0x1EC00] =	vst v63  }
0x191: {  	s7 =	sand.u32 $0x7FFFFC00, s12  }
0x192: {  	s7 =	sadd.s32 s8, s7  }
0x193: {  	s7 =	sshrl.u32 s7, $0x3  }
0x194: {  	s11 =	spop (v2sf);
	s7 =	sadd.s32 s0, s7  }
0x195: {  	(v2sf) =	vpush v50, $0x5;
	[tilespmem:s18], [sflag:$0x1] =	stream.strided.gather [hbm4b:s7+s13], $0x800, s16, s13, $0x38;
	[tilespmem:$0x1EC00] =	vst v63  }
0x196: {  	s7 =	sand.u32 $0x7FFFFC00, s11  }
0x197: {  	s7 =	sadd.s32 s8, s7  }
0x198: {  	s7 =	sshrl.u32 s7, $0x3  }
0x199: {  	s7 =	sadd.s32 s0, s7  }
0x19a: {  	[tilespmem:s19], [sflag:$0x1] =	stream.strided.gather [hbm4b:s7+s13], $0x800, s16, s13, $0x38;
	[tilespmem:$0x1EC00] =	vst v63  }
0x19b: {  	s12 =	spop (v2sf)  }
0x19c: {  	(v2sf) =	vpush v50, $0x6;
	s7 =	sand.u32 $0x7FFFFC00, s12  }
0x19d: {  	s7 =	sadd.s32 s8, s7  }
0x19e: {  	s7 =	sshrl.u32 s7, $0x3  }
0x19f: {  	s11 =	spop (v2sf);
	s7 =	sadd.s32 s0, s7  }
0x1a0: {  	(v2sf) =	vpush v50, $0x7;
	[tilespmem:s20], [sflag:$0x1] =	stream.strided.gather [hbm4b:s7+s13], $0x800, s16, s13, $0x38;
	[tilespmem:$0x1EC00] =	vst v63  }
0x1a1: {  	s7 =	sand.u32 $0x7FFFFC00, s11  }
0x1a2: {  	s7 =	sadd.s32 s8, s7  }
0x1a3: {  	s7 =	sshrl.u32 s7, $0x3  }
0x1a4: {  	s12 =	spop (v2sf);
	s7 =	sadd.s32 s0, s7  }
0x1a5: {  	(v2sf) =	vpush v50, $0x8;
	[tilespmem:s21], [sflag:$0x1] =	stream.strided.gather [hbm4b:s7+s13], $0x800, s16, s13, $0x38;
	[tilespmem:$0x1EC00] =	vst v63  }
0x1a6: {  	s7 =	sand.u32 $0x7FFFFC00, s12  }
0x1a7: {  	s7 =	sadd.s32 s8, s7  }
0x1a8: {  	s7 =	sshrl.u32 s7, $0x3  }
0x1a9: {  	s7 =	sadd.s32 s0, s7  }
0x1aa: {  	[tilespmem:s22], [sflag:$0x1] =	stream.strided.gather [hbm4b:s7+s13], $0x800, s16, s13, $0x38;
	[tilespmem:$0x1EC00] =	vst v63  }
0x1ab: {  	s11 =	spop (v2sf)  }
0x1ac: {  	(v2sf) =	vpush v50, $0x9;
	s7 =	sand.u32 $0x7FFFFC00, s11  }
0x1ad: {  	s7 =	sadd.s32 s8, s7  }
0x1ae: {  	s7 =	sshrl.u32 s7, $0x3  }
0x1af: {  	s12 =	spop (v2sf);
	s7 =	sadd.s32 s0, s7  }
0x1b0: {  	(v2sf) =	vpush v50, $0xA;
	[tilespmem:s23], [sflag:$0x1] =	stream.strided.gather [hbm4b:s7+s13], $0x800, s16, s13, $0x38;
	[tilespmem:$0x1EC00] =	vst v63  }
0x1b1: {  	s7 =	sand.u32 $0x7FFFFC00, s12  }
0x1b2: {  	s7 =	sadd.s32 s8, s7  }
0x1b3: {  	s7 =	sshrl.u32 s7, $0x3  }
0x1b4: {  	s11 =	spop (v2sf);
	s7 =	sadd.s32 s0, s7  }
0x1b5: {  	(v2sf) =	vpush v50, $0xB;
	[tilespmem:s24], [sflag:$0x1] =	stream.strided.gather [hbm4b:s7+s13], $0x800, s16, s13, $0x38;
	[tilespmem:$0x1EC00] =	vst v63  }
0x1b6: {  	s7 =	sand.u32 $0x7FFFFC00, s11  }
0x1b7: {  	s7 =	sadd.s32 s8, s7  }
0x1b8: {  	s7 =	sshrl.u32 s7, $0x3  }
0x1b9: {  	s7 =	sadd.s32 s0, s7  }
0x1ba: {  	[tilespmem:s25], [sflag:$0x1] =	stream.strided.gather [hbm4b:s7+s13], $0x800, s16, s13, $0x38;
	[tilespmem:$0x1EC00] =	vst v63  }
0x1bb: {  	s12 =	spop (v2sf)  }
0x1bc: {  	(v2sf) =	vpush v50, $0xC;
	s7 =	sand.u32 $0x7FFFFC00, s12  }
0x1bd: {  	s7 =	sadd.s32 s8, s7  }
0x1be: {  	s7 =	sshrl.u32 s7, $0x3  }
0x1bf: {  	s11 =	spop (v2sf);
	s7 =	sadd.s32 s0, s7  }
0x1c0: {  	(v2sf) =	vpush v50, $0xD;
	[tilespmem:s26], [sflag:$0x1] =	stream.strided.gather [hbm4b:s7+s13], $0x800, s16, s13, $0x38;
	[tilespmem:$0x1EC00] =	vst v63  }
0x1c1: {  	s7 =	sand.u32 $0x7FFFFC00, s11  }
0x1c2: {  	s7 =	sadd.s32 s8, s7  }
0x1c3: {  	s7 =	sshrl.u32 s7, $0x3  }
0x1c4: {  	s12 =	spop (v2sf);
	s7 =	sadd.s32 s0, s7  }
0x1c5: {  	(v2sf) =	vpush v50, $0xE;
	[tilespmem:s28], [sflag:$0x1] =	stream.strided.gather [hbm4b:s7+s13], $0x800, s16, s13, $0x38;
	[tilespmem:$0x1EC00] =	vst v63  }
0x1c6: {  	s7 =	sand.u32 $0x7FFFFC00, s12  }
0x1c7: {  	s7 =	sadd.s32 s8, s7  }
0x1c8: {  	s7 =	sshrl.u32 s7, $0x3  }
0x1c9: {  	s7 =	sadd.s32 s0, s7  }
0x1ca: {  	[tilespmem:s29], [sflag:$0x1] =	stream.strided.gather [hbm4b:s7+s13], $0x800, s16, s13, $0x38;
	[tilespmem:$0x1EC00] =	vst v63  }
0x1cb: {  	s11 =	spop (v2sf)  }
0x1cc: {  	(v2sf) =	vpush v50, $0xF;
	s7 =	sand.u32 $0x7FFFFC00, s11  }
0x1cd: {  	s7 =	sadd.s32 s8, s7  }
0x1ce: {  	s7 =	sshrl.u32 s7, $0x3  }
0x1cf: {  	s12 =	spop (v2sf);
	s7 =	sadd.s32 s0, s7  }
0x1d0: {  	[tilespmem:s30], [sflag:$0x1] =	stream.strided.gather [hbm4b:s7+s13], $0x800, s16, s13, $0x38;
	[tilespmem:$0x1EC00] =	vst v63  }
0x1d1: {  	s7 =	sand.u32 $0x7FFFFC00, s12  }
0x1d2: {  	s7 =	sadd.s32 s8, s7  }
0x1d3: {  	s7 =	sshrl.u32 s7, $0x3  }
0x1d4: {  	s11 =	spop (v2sf);
	s7 =	sadd.s32 s0, s7  }
0x1d5: {  	[tilespmem:s31], [sflag:$0x1] =	stream.strided.gather [hbm4b:s7+s13], $0x800, s16, s13, $0x38;
	[tilespmem:$0x1EC00] =	vst v63  }
0x1d6: {  	s7 =	sand.u32 $0x7FFFFC00, s11  }
0x1d7: {  	s7 =	sadd.s32 s8, s7  }
0x1d8: {  	s7 =	sshrl.u32 s7, $0x3  }
0x1d9: {  	s7 =	sadd.s32 s0, s7  }
0x1da: {  	[tilespmem:s1], [sflag:$0x1] =	stream.strided.gather [hbm4b:s7+s13], $0x800, s16, s13, $0x38;
	[tilespmem:$0x1EC00] =	vst v63  }
0x1db: {  	s12 =	spop (v2sf)  }
0x1dc: {  	s7 =	sand.u32 $0x7FFFFC00, s12  }
0x1dd: {  	s7 =	sadd.s32 s8, s7  }
0x1de: {  	s7 =	sshrl.u32 s7, $0x3  }
0x1df: {  	s7 =	sadd.s32 s0, s7  }
0x1e0: {  	[tilespmem:s3], [sflag:$0x1] =	stream.strided.gather [hbm4b:s7+s13], $0x800, s16, s13, $0x38;
	[tilespmem:$0x1EC00] =	vst v63  }
0x1e1: {  	_ =	swait.ge [sflag:s6], $0x800  }
0x1e2: {  	[sflag:s6] =	ssyncset.done $0x0  }
0x1e3: {  	[sflag:s6] =	ssyncadd.s32 $0xFFFFF800  }
0x1e4: {  	_ =	swait.ge [sflag:s6], $0x800  }
0x1e5: {  	[sflag:s6] =	ssyncset.done $0x0  }
0x1e6: {  	[sflag:s6] =	ssyncadd.s32 $0xFFFFF800  }
0x1e7: {  	_ =	swait.ge [sflag:s6], $0x800  }
0x1e8: {  	[sflag:s6] =	ssyncset.done $0x0  }
0x1e9: {  	[sflag:s6] =	ssyncadd.s32 $0xFFFFF800  }
0x1ea: {  	_ =	swait.ge [sflag:s6], $0x800  }
0x1eb: {  	[sflag:s6] =	ssyncset.done $0x0  }
0x1ec: {  	[sflag:s6] =	ssyncadd.s32 $0xFFFFF800  }
0x1ed: {  	_ =	swait.ge [sflag:s6], $0x800  }
0x1ee: {  	[sflag:s6] =	ssyncset.done $0x0  }
0x1ef: {  	[sflag:s6] =	ssyncadd.s32 $0xFFFFF800  }
0x1f0: {  	_ =	swait.ge [sflag:s6], $0x800  }
0x1f1: {  	[sflag:s6] =	ssyncset.done $0x0  }
0x1f2: {  	[sflag:s6] =	ssyncadd.s32 $0xFFFFF800  }
0x1f3: {  	_ =	swait.ge [sflag:s6], $0x800  }
0x1f4: {  	[sflag:s6] =	ssyncset.done $0x0  }
0x1f5: {  	[sflag:s6] =	ssyncadd.s32 $0xFFFFF800  }
0x1f6: {  	_ =	swait.ge [sflag:s6], $0x800  }
0x1f7: {  	[sflag:s6] =	ssyncset.done $0x0  }
0x1f8: {  	[sflag:s6] =	ssyncadd.s32 $0xFFFFF800  }
0x1f9: {  	_ =	swait.ge [sflag:s6], $0x800  }
0x1fa: {  	[sflag:s6] =	ssyncset.done $0x0  }
0x1fb: {  	[sflag:s6] =	ssyncadd.s32 $0xFFFFF800  }
0x1fc: {  	_ =	swait.ge [sflag:s6], $0x800  }
0x1fd: {  	[sflag:s6] =	ssyncset.done $0x0  }
0x1fe: {  	[sflag:s6] =	ssyncadd.s32 $0xFFFFF800  }
0x1ff: {  	_ =	swait.ge [sflag:s6], $0x800  }
0x200: {  	[sflag:s6] =	ssyncset.done $0x0  }
0x201: {  	[sflag:s6] =	ssyncadd.s32 $0xFFFFF800  }
0x202: {  	_ =	swait.ge [sflag:s6], $0x800  }
0x203: {  	[sflag:s6] =	ssyncset.done $0x0  }
0x204: {  	[sflag:s6] =	ssyncadd.s32 $0xFFFFF800  }
0x205: {  	_ =	swait.ge [sflag:s6], $0x800  }
0x206: {  	[sflag:s6] =	ssyncset.done $0x0  }
0x207: {  	[sflag:s6] =	ssyncadd.s32 $0xFFFFF800  }
0x208: {  	_ =	swait.ge [sflag:s6], $0x800  }
0x209: {  	[sflag:s6] =	ssyncset.done $0x0  }
0x20a: {  	[sflag:s6] =	ssyncadd.s32 $0xFFFFF800  }
0x20b: {  	_ =	swait.ge [sflag:s6], $0x800  }
0x20c: {  	[sflag:s6] =	ssyncset.done $0x0  }
0x20d: {  	[sflag:s6] =	ssyncadd.s32 $0xFFFFF800  }
0x20e: {  	_ =	swait.ge [sflag:s6], $0x800  }
0x20f: {  	[sflag:s6] =	ssyncset.done $0x0  }
0x210: {  	[sflag:s6] =	ssyncadd.s32 $0xFFFFF800  }
0x211: {  	v61 =	vld [tilespmem:s9+$0x0];
	_ =	sdelay $0x4  }
0x212: {  	vm15 =	vlt.s32 v61, $0xF41FF  }
0x213: {  	v50 =	vnsel vm15, $0xF41FF, v61  }
0x214: {  	(v2sf) =	vpush v50, $0x0;
	_ =	sdelay $0x5  }
0x215: {  	(v2sf) =	vpush v50, $0x1;
	_ =	sdelay $0x5  }
0x216: {  	(v2sf) =	vpush v50, $0x2;
	_ =	sdelay $0x2  }
0x217: {  	s11 =	spop (v2sf)  }
0x218: {  	s7 =	sand.u32 $0x7F, s11  }
0x219: {  	s12 =	sadd.s32 $0x10, s2;
	v62 =	vor.u32 s7, v34  }
0x21a: {  	v63 =	vmov s12;
	(v2sf) =	vpush v50, $0x3  }
0x21b: {  	v56 =	vshll.u32 v63, $0x3  }
0x21c: {  	v52 =	vand.u32 $0x70, v63;
	v53 =	vand.u32 $0x1C00, v56  }
0x21d: {  	v52 =	vor.u32 v53, v52;
	s11 =	spop (v2sf)  }
0x21e: {  	v52 =	vor.u32 v18, v52;
	s7 =	sand.u32 $0x7F, s11;
	v51 =	vld.idx.msk [tilespmem:v62+s17+$0x0], $0xffff  }
0x21f: {  	s12 =	sadd.s32 $0x11, s2;
	v57 =	vor.u32 s7, v35  }
0x220: {  	v58 =	vmov s12;
	(v2sf) =	vpush v50, $0x4  }
0x221: {  	v59 =	vshll.u32 v58, $0x3  }
0x222: {  	v54 =	vand.u32 $0x71, v58;
	v55 =	vand.u32 $0x1C00, v59  }
0x223: {  	v60 =	vor.u32 v55, v54;
	s11 =	spop (v2sf);
	[tilespmem:v52+s5+$0x0] =	vst.idx.msk $0xffff, v51  }
0x224: {  	s7 =	sand.u32 $0x7F, s11;
	v51 =	vor.u32 v18, v60;
	v52 =	vld.idx.msk [tilespmem:v57+s17+$0x0], $0xffff  }
0x225: {  	s12 =	sadd.s32 $0x12, s2;
	v61 =	vor.u32 s7, v36  }
0x226: {  	(v2sf) =	vpush v50, $0x5;
	v62 =	vmov s12  }
0x227: {  	v63 =	vshll.u32 v62, $0x3  }
0x228: {  	v54 =	vand.u32 $0x72, v62;
	v55 =	vand.u32 $0x1C00, v63  }
0x229: {  	v56 =	vor.u32 v55, v54;
	s11 =	spop (v2sf);
	[tilespmem:v51+s5+$0x0] =	vst.idx.msk $0xffff, v52  }
0x22a: {  	s7 =	sand.u32 $0x7F, s11;
	v51 =	vor.u32 v18, v56;
	v52 =	vld.idx.msk [tilespmem:v61+s17+$0x0], $0xffff  }
0x22b: {  	s12 =	sadd.s32 $0x13, s2;
	v57 =	vor.u32 s7, v37  }
0x22c: {  	v58 =	vmov s12;
	(v2sf) =	vpush v50, $0x6  }
0x22d: {  	v59 =	vshll.u32 v58, $0x3  }
0x22e: {  	v54 =	vand.u32 $0x73, v58;
	v55 =	vand.u32 $0x1C00, v59  }
0x22f: {  	v60 =	vor.u32 v55, v54;
	s11 =	spop (v2sf);
	[tilespmem:v51+s5+$0x0] =	vst.idx.msk $0xffff, v52  }
0x230: {  	s7 =	sand.u32 $0x7F, s11;
	v51 =	vor.u32 v18, v60;
	v52 =	vld.idx.msk [tilespmem:v57+s17+$0x0], $0xffff  }
0x231: {  	s12 =	sadd.s32 $0x14, s2;
	v61 =	vor.u32 s7, v38  }
0x232: {  	v62 =	vmov s12;
	(v2sf) =	vpush v50, $0x7  }
0x233: {  	v63 =	vshll.u32 v62, $0x3  }
0x234: {  	v54 =	vand.u32 $0x74, v62;
	v55 =	vand.u32 $0x1C00, v63  }
0x235: {  	s11 =	spop (v2sf);
	v56 =	vor.u32 v55, v54;
	[tilespmem:v51+s5+$0x0] =	vst.idx.msk $0xffff, v52  }
0x236: {  	s7 =	sand.u32 $0x7F, s11;
	v51 =	vor.u32 v18, v56;
	v52 =	vld.idx.msk [tilespmem:v61+s17+$0x0], $0xffff  }
0x237: {  	s12 =	sadd.s32 $0x15, s2;
	v57 =	vor.u32 s7, v39  }
0x238: {  	v58 =	vmov s12;
	(v2sf) =	vpush v50, $0x8  }
0x239: {  	v59 =	vshll.u32 v58, $0x3  }
0x23a: {  	v54 =	vand.u32 $0x75, v58;
	v55 =	vand.u32 $0x1C00, v59  }
0x23b: {  	v60 =	vor.u32 v55, v54;
	s11 =	spop (v2sf);
	[tilespmem:v51+s5+$0x0] =	vst.idx.msk $0xffff, v52  }
0x23c: {  	s7 =	sand.u32 $0x7F, s11;
	v51 =	vor.u32 v18, v60;
	v52 =	vld.idx.msk [tilespmem:v57+s17+$0x0], $0xffff  }
0x23d: {  	s12 =	sadd.s32 $0x16, s2;
	v61 =	vor.u32 s7, v40  }
0x23e: {  	v62 =	vmov s12;
	(v2sf) =	vpush v50, $0x9  }
0x23f: {  	v63 =	vshll.u32 v62, $0x3  }
0x240: {  	v54 =	vand.u32 $0x76, v62;
	v55 =	vand.u32 $0x1C00, v63  }
0x241: {  	v56 =	vor.u32 v55, v54;
	s11 =	spop (v2sf);
	[tilespmem:v51+s5+$0x0] =	vst.idx.msk $0xffff, v52  }
0x242: {  	s7 =	sand.u32 $0x7F, s11;
	v51 =	vor.u32 v18, v56;
	v52 =	vld.idx.msk [tilespmem:v61+s17+$0x0], $0xffff  }
0x243: {  	s12 =	sadd.s32 $0x17, s2;
	v57 =	vor.u32 s7, v41  }
0x244: {  	v58 =	vmov s12;
	(v2sf) =	vpush v50, $0xA  }
0x245: {  	v59 =	vshll.u32 v58, $0x3  }
0x246: {  	v54 =	vand.u32 $0x77, v58;
	v55 =	vand.u32 $0x1C00, v59  }
0x247: {  	s11 =	spop (v2sf);
	v60 =	vor.u32 v55, v54;
	[tilespmem:v51+s5+$0x0] =	vst.idx.msk $0xffff, v52  }
0x248: {  	s7 =	sand.u32 $0x7F, s11;
	v51 =	vor.u32 v18, v60;
	v52 =	vld.idx.msk [tilespmem:v57+s17+$0x0], $0xffff  }
0x249: {  	s12 =	sadd.s32 $0x18, s2;
	v61 =	vor.u32 s7, v42  }
0x24a: {  	v62 =	vmov s12;
	(v2sf) =	vpush v50, $0xB  }
0x24b: {  	v63 =	vshll.u32 v62, $0x3  }
0x24c: {  	v54 =	vand.u32 $0x78, v62;
	v55 =	vand.u32 $0x1C00, v63  }
0x24d: {  	s11 =	spop (v2sf);
	v57 =	vor.u32 v55, v54;
	[tilespmem:v51+s5+$0x0] =	vst.idx.msk $0xffff, v52  }
0x24e: {  	s7 =	sand.u32 $0x7F, s11;
	v51 =	vor.u32 v18, v57;
	v52 =	vld.idx.msk [tilespmem:v61+s17+$0x0], $0xffff  }
0x24f: {  	s12 =	sadd.s32 $0x19, s2;
	v58 =	vor.u32 s7, v43  }
0x250: {  	v59 =	vmov s12;
	(v2sf) =	vpush v50, $0xC  }
0x251: {  	v60 =	vshll.u32 v59, $0x3  }
0x252: {  	v54 =	vand.u32 $0x79, v59;
	v55 =	vand.u32 $0x1C00, v60  }
0x253: {  	s11 =	spop (v2sf);
	v61 =	vor.u32 v55, v54;
	[tilespmem:v51+s5+$0x0] =	vst.idx.msk $0xffff, v52  }
0x254: {  	s7 =	sand.u32 $0x7F, s11;
	v51 =	vor.u32 v18, v61;
	v52 =	vld.idx.msk [tilespmem:v58+s17+$0x0], $0xffff  }
0x255: {  	s12 =	sadd.s32 $0x1A, s2;
	v62 =	vor.u32 s7, v44  }
0x256: {  	v63 =	vmov s12;
	(v2sf) =	vpush v50, $0xD  }
0x257: {  	v57 =	vshll.u32 v63, $0x3  }
0x258: {  	v54 =	vand.u32 $0x7A, v63;
	v55 =	vand.u32 $0x1C00, v57  }
0x259: {  	s11 =	spop (v2sf);
	v58 =	vor.u32 v55, v54;
	[tilespmem:v51+s5+$0x0] =	vst.idx.msk $0xffff, v52  }
0x25a: {  	s7 =	sand.u32 $0x7F, s11;
	v51 =	vor.u32 v18, v58;
	v52 =	vld.idx.msk [tilespmem:v62+s17+$0x0], $0xffff  }
0x25b: {  	s12 =	sadd.s32 $0x1B, s2;
	v59 =	vor.u32 s7, v45  }
0x25c: {  	(v2sf) =	vpush v50, $0xE;
	v60 =	vmov s12  }
0x25d: {  	v61 =	vshll.u32 v60, $0x3  }
0x25e: {  	v54 =	vand.u32 $0x7B, v60;
	v55 =	vand.u32 $0x1C00, v61  }
0x25f: {  	s11 =	spop (v2sf);
	v62 =	vor.u32 v55, v54;
	[tilespmem:v51+s5+$0x0] =	vst.idx.msk $0xffff, v52  }
0x260: {  	s7 =	sand.u32 $0x7F, s11;
	v51 =	vor.u32 v18, v62;
	v52 =	vld.idx.msk [tilespmem:v59+s17+$0x0], $0xffff  }
0x261: {  	s12 =	sadd.s32 $0x1C, s2;
	v63 =	vor.u32 s7, v46  }
0x262: {  	v57 =	vmov s12;
	(v2sf) =	vpush v50, $0xF  }
0x263: {  	v58 =	vshll.u32 v57, $0x3  }
0x264: {  	v54 =	vand.u32 $0x7C, v57;
	v50 =	vand.u32 $0x1C00, v58  }
0x265: {  	s11 =	spop (v2sf);
	v50 =	vor.u32 v50, v54;
	[tilespmem:v51+s5+$0x0] =	vst.idx.msk $0xffff, v52  }
0x266: {  	s7 =	sand.u32 $0x7F, s11;
	v50 =	vor.u32 v18, v50;
	v51 =	vld.idx.msk [tilespmem:v63+s17+$0x0], $0xffff  }
0x267: {  	s12 =	sadd.s32 $0x1D, s2;
	v59 =	vor.u32 s7, v47  }
0x268: {  	v60 =	vmov s12  }
0x269: {  	v61 =	vshll.u32 v60, $0x3  }
0x26a: {  	v53 =	vand.u32 $0x7D, v60;
	v54 =	vand.u32 $0x1C00, v61  }
0x26b: {  	s11 =	spop (v2sf);
	v62 =	vor.u32 v54, v53;
	[tilespmem:v50+s5+$0x0] =	vst.idx.msk $0xffff, v51  }
0x26c: {  	s7 =	sand.u32 $0x7F, s11;
	v50 =	vor.u32 v18, v62;
	v51 =	vld.idx.msk [tilespmem:v59+s17+$0x0], $0xffff  }
0x26d: {  	s12 =	sadd.s32 $0x1E, s2;
	v63 =	vor.u32 s7, v48  }
0x26e: {  	v57 =	vmov s12  }
0x26f: {  	v58 =	vshll.u32 v57, $0x3  }
0x270: {  	v53 =	vand.u32 $0x7E, v57;
	v54 =	vand.u32 $0x1C00, v58  }
0x271: {  	s11 =	spop (v2sf);
	v59 =	vor.u32 v54, v53;
	[tilespmem:v50+s5+$0x0] =	vst.idx.msk $0xffff, v51  }
0x272: {  	s7 =	sand.u32 $0x7F, s11;
	v50 =	vor.u32 v18, v59;
	v51 =	vld.idx.msk [tilespmem:v63+s17+$0x0], $0xffff  }
0x273: {  	s12 =	sadd.s32 $0x1F, s2;
	v60 =	vor.u32 s7, v49  }
0x274: {  	v61 =	vmov s12  }
0x275: {  	v62 =	vshll.u32 v61, $0x3  }
0x276: {  	v53 =	vand.u32 $0x7F, v61;
	v54 =	vand.u32 $0x1C00, v62  }
0x277: {  	v63 =	vor.u32 v54, v53;
	[tilespmem:v50+s5+$0x0] =	vst.idx.msk $0xffff, v51  }
0x278: {  	p0 =	sne.s32 s2, $0x3E0;
	v50 =	vor.u32 v18, v63;
	v51 =	vld.idx.msk [tilespmem:v60+s17+$0x0], $0xffff  }
.Ltmp0:
0x279: {  	_ = 	snop;
	(pc) =	sbr.rel @p0 .LBB2_2-.Ltmp0, $2  }
0x27a: {  	_ =	sdelay $0x2  }
0x27b: {  	s10 =	sadd.s32 $0x2, s10;
	s9 =	sadd.s32 $0x20, s9;
	s2 =	sadd.s32 $0x20, s2;
	[tilespmem:v50+s5+$0x0] =	vst.idx.msk $0xffff, v51  }
0x27c: {  	_ =	swait.ge [sflag:s4], $0x800  }
0x27d: {  	[sflag:s4] =	ssyncset.done $0x0  }
0x27e: {  	[sflag:s4] =	ssyncadd.s32 $0xFFFFF800  }
0x27f: {  	_ =	swait.ge [sflag:s4], $0x800  }
0x280: {  	[sflag:s4] =	ssyncset.done $0x0  }
0x281: {  	[sflag:s4] =	ssyncadd.s32 $0xFFFFF800  }
0x282: {  	_ =	swait.ge [sflag:s4], $0x800  }
0x283: {  	[sflag:s4] =	ssyncset.done $0x0  }
0x284: {  	[sflag:s4] =	ssyncadd.s32 $0xFFFFF800  }
0x285: {  	_ =	swait.ge [sflag:s4], $0x800  }
0x286: {  	[sflag:s4] =	ssyncset.done $0x0  }
0x287: {  	[sflag:s4] =	ssyncadd.s32 $0xFFFFF800  }
0x288: {  	_ =	swait.ge [sflag:s4], $0x800  }
0x289: {  	[sflag:s4] =	ssyncset.done $0x0  }
0x28a: {  	[sflag:s4] =	ssyncadd.s32 $0xFFFFF800  }
0x28b: {  	_ =	swait.ge [sflag:s4], $0x800  }
0x28c: {  	[sflag:s4] =	ssyncset.done $0x0  }
0x28d: {  	[sflag:s4] =	ssyncadd.s32 $0xFFFFF800  }
0x28e: {  	_ =	swait.ge [sflag:s4], $0x800  }
0x28f: {  	[sflag:s4] =	ssyncset.done $0x0  }
0x290: {  	[sflag:s4] =	ssyncadd.s32 $0xFFFFF800  }
0x291: {  	_ =	swait.ge [sflag:s4], $0x800  }
0x292: {  	[sflag:s4] =	ssyncset.done $0x0  }
0x293: {  	[sflag:s4] =	ssyncadd.s32 $0xFFFFF800  }
0x294: {  	_ =	swait.ge [sflag:s4], $0x800  }
0x295: {  	[sflag:s4] =	ssyncset.done $0x0  }
0x296: {  	[sflag:s4] =	ssyncadd.s32 $0xFFFFF800  }
0x297: {  	_ =	swait.ge [sflag:s4], $0x800  }
0x298: {  	[sflag:s4] =	ssyncset.done $0x0  }
0x299: {  	[sflag:s4] =	ssyncadd.s32 $0xFFFFF800  }
0x29a: {  	_ =	swait.ge [sflag:s4], $0x800  }
0x29b: {  	[sflag:s4] =	ssyncset.done $0x0  }
0x29c: {  	[sflag:s4] =	ssyncadd.s32 $0xFFFFF800  }
0x29d: {  	_ =	swait.ge [sflag:s4], $0x800  }
0x29e: {  	[sflag:s4] =	ssyncset.done $0x0  }
0x29f: {  	[sflag:s4] =	ssyncadd.s32 $0xFFFFF800  }
0x2a0: {  	_ =	swait.ge [sflag:s4], $0x800  }
0x2a1: {  	[sflag:s4] =	ssyncset.done $0x0  }
0x2a2: {  	[sflag:s4] =	ssyncadd.s32 $0xFFFFF800  }
0x2a3: {  	_ =	swait.ge [sflag:s4], $0x800  }
0x2a4: {  	[sflag:s4] =	ssyncset.done $0x0  }
0x2a5: {  	[sflag:s4] =	ssyncadd.s32 $0xFFFFF800  }
0x2a6: {  	_ =	swait.ge [sflag:s4], $0x800  }
0x2a7: {  	[sflag:s4] =	ssyncset.done $0x0  }
0x2a8: {  	[sflag:s4] =	ssyncadd.s32 $0xFFFFF800  }
0x2a9: {  	_ =	swait.ge [sflag:s4], $0x800  }
0x2aa: {  	[sflag:s4] =	ssyncset.done $0x0  }
0x2ab: {  	s2 =	simm.s32 $0x2;
	[sflag:s4] =	ssyncadd.s32 $0xFFFFF800  }
0x2ac: {  	_ =	swait.ge [sflag:s2], $0x2080  }
0x2ad: {  	[sflag:s2] =	ssyncset.done $0x0  }
0x2ae: {  	[sflag:s2] =	ssyncadd.s32 $0xFFFFDF80  }
0x2af: {  	_ =	swait.ge [sflag:s2], $0x4000  }
0x2b0: {  	[sflag:s2] =	ssyncset.done $0x0  }
0x2b1: {  	s9 =	simm.s32 $0x400;
	[sflag:s2] =	ssyncadd.s32 $0xFFFFC000  }
0x2b2: {  	v50 =	vld [tilespmem:s9+$0x0];
	_ =	sdelay $0x4  }
0x2b3: {  	v51 =	vshll.u32 v50, $0x3  }
0x2b4: {  	v50 =	vand.u32 $0x7F, v50;
	v51 =	vand.u32 $0xFFFFFC00, v51  }
0x2b5: {  	v50 =	vor.u32 v50, v51;
	_ =	sdelay $0x4  }
0x2b6: {  	v51 =	vld.idx.msk [tilespmem:v50+s15+$0x0], $0xffff  }
0x2b7: {  	v52 =	vor.u32 $0x80, v50  }
0x2b8: {  	s2 =	simm.s32 $0x0  }
0x2b9: {  	s7 =	sand.u32 $0x70, s2;
	s10 =	sand.u32 $0x1C00, s2  }
0x2ba: {  	s10 =	sor.u32 s7, s10  }
0x2bb: {  	[tilespmem:s10+$0x1AC00] =	vst v51  }
0x2bc: {  	v51 =	vld.idx.msk [tilespmem:v52+s15+$0x0], $0xffff  }
0x2bd: {  	v59 =	vor.u32 $0x100, v50;
	_ =	sdelay $0x3  }
0x2be: {  	[tilespmem:s10+$0x1AC80] =	vst v51  }
0x2bf: {  	v51 =	vld.idx.msk [tilespmem:v59+s15+$0x0], $0xffff  }
0x2c0: {  	v60 =	vor.u32 $0x180, v50;
	_ =	sdelay $0x3  }
0x2c1: {  	[tilespmem:s10+$0x1AD00] =	vst v51  }
0x2c2: {  	v51 =	vld.idx.msk [tilespmem:v60+s15+$0x0], $0xffff  }
0x2c3: {  	v61 =	vor.u32 $0x200, v50;
	_ =	sdelay $0x3  }
0x2c4: {  	[tilespmem:s10+$0x1AD80] =	vst v51  }
0x2c5: {  	v51 =	vld.idx.msk [tilespmem:v61+s15+$0x0], $0xffff  }
0x2c6: {  	v62 =	vor.u32 $0x280, v50;
	_ =	sdelay $0x3  }
0x2c7: {  	[tilespmem:s10+$0x1AE00] =	vst v51  }
0x2c8: {  	v51 =	vld.idx.msk [tilespmem:v62+s15+$0x0], $0xffff  }
0x2c9: {  	v63 =	vor.u32 $0x300, v50;
	_ =	sdelay $0x3  }
0x2ca: {  	[tilespmem:s10+$0x1AE80] =	vst v51  }
0x2cb: {  	v51 =	vld.idx.msk [tilespmem:v63+s15+$0x0], $0xffff  }
0x2cc: {  	v56 =	vor.u32 $0x380, v50;
	_ =	sdelay $0x3  }
0x2cd: {  	[tilespmem:s10+$0x1AF00] =	vst v51  }
0x2ce: {  	v51 =	vld.idx.msk [tilespmem:v56+s15+$0x0], $0xffff  }
0x2cf: {  	v57 =	vadd.s32 $0x2000, v50;
	_ =	sdelay $0x3  }
0x2d0: {  	[tilespmem:s10+$0x1AF80] =	vst v51  }
0x2d1: {  	v51 =	vld.idx.msk [tilespmem:v57+s15+$0x0], $0xffff  }
0x2d2: {  	v58 =	vadd.s32 $0x2080, v50;
	_ =	sdelay $0x3  }
0x2d3: {  	[tilespmem:s10+$0x1CC00] =	vst v51  }
0x2d4: {  	v51 =	vld.idx.msk [tilespmem:v58+s15+$0x0], $0xffff  }
0x2d5: {  	v59 =	vadd.s32 $0x2100, v50;
	_ =	sdelay $0x3  }
0x2d6: {  	[tilespmem:s10+$0x1CC80] =	vst v51  }
0x2d7: {  	v51 =	vld.idx.msk [tilespmem:v59+s15+$0x0], $0xffff  }
0x2d8: {  	v60 =	vadd.s32 $0x2180, v50;
	_ =	sdelay $0x3  }
0x2d9: {  	[tilespmem:s10+$0x1CD00] =	vst v51  }
0x2da: {  	v51 =	vld.idx.msk [tilespmem:v60+s15+$0x0], $0xffff  }
0x2db: {  	v61 =	vadd.s32 $0x2200, v50;
	_ =	sdelay $0x3  }
0x2dc: {  	[tilespmem:s10+$0x1CD80] =	vst v51  }
0x2dd: {  	v51 =	vld.idx.msk [tilespmem:v61+s15+$0x0], $0xffff  }
0x2de: {  	v62 =	vadd.s32 $0x2280, v50;
	_ =	sdelay $0x3  }
0x2df: {  	[tilespmem:s10+$0x1CE00] =	vst v51  }
0x2e0: {  	v51 =	vld.idx.msk [tilespmem:v62+s15+$0x0], $0xffff  }
0x2e1: {  	v63 =	vadd.s32 $0x2300, v50;
	_ =	sdelay $0x3  }
0x2e2: {  	[tilespmem:s10+$0x1CE80] =	vst v51  }
0x2e3: {  	v51 =	vld.idx.msk [tilespmem:v63+s15+$0x0], $0xffff  }
0x2e4: {  	v50 =	vadd.s32 $0x2380, v50;
	_ =	sdelay $0x3  }
0x2e5: {  	[tilespmem:s10+$0x1CF00] =	vst v51  }
0x2e6: {  	s12 =	simm.s32 $0x0;
	s7 =	simm.s32 $0x10;
	v50 =	vld.idx.msk [tilespmem:v50+s15+$0x0], $0xffff  }
.LBB2_4:
0x2e7: {  	_ =	sdelay $0x3  }
0x2e8: {  	p0 =	sne.s32 s7, $0x3F0;
	s12 =	sadd.s32 $0x80, s12;
	s9 =	sadd.s32 $0x10, s9;
	[tilespmem:s10+$0x1CF80] =	vst v50  }
0x2e9: {  	s10 =	smov.u32 s7;
	s7 =	sadd.s32 $0x10, s7;
	v50 =	vld [tilespmem:s9+$0x0];
	_ =	sdelay $0x4  }
0x2ea: {  	v51 =	vshll.u32 v50, $0x3  }
0x2eb: {  	v50 =	vand.u32 $0x7F, v50;
	v51 =	vand.u32 $0xFFFFFC00, v51  }
0x2ec: {  	v50 =	vor.u32 v50, v51;
	_ =	sdelay $0x4  }
0x2ed: {  	v51 =	vld.idx.msk [tilespmem:v50+s15+$0x0], $0xffff;
	_ =	sdelay $0x1  }
0x2ee: {  	v52 =	vor.u32 $0x80, v50;
	_ =	sdelay $0x1  }
0x2ef: {  	s11 =	sand.u32 $0x1C00, s12;
	s10 =	sand.u32 $0x70, s10  }
0x2f0: {  	s10 =	sor.u32 s10, s11  }
0x2f1: {  	[tilespmem:s10+$0x1AC00] =	vst v51  }
0x2f2: {  	v51 =	vld.idx.msk [tilespmem:v52+s15+$0x0], $0xffff;
	_ =	sdelay $0x1  }
0x2f3: {  	v52 =	vor.u32 $0x100, v50;
	_ =	sdelay $0x3  }
0x2f4: {  	[tilespmem:s10+$0x1AC80] =	vst v51  }
0x2f5: {  	v51 =	vld.idx.msk [tilespmem:v52+s15+$0x0], $0xffff;
	_ =	sdelay $0x1  }
0x2f6: {  	v52 =	vor.u32 $0x180, v50;
	_ =	sdelay $0x3  }
0x2f7: {  	[tilespmem:s10+$0x1AD00] =	vst v51  }
0x2f8: {  	v51 =	vld.idx.msk [tilespmem:v52+s15+$0x0], $0xffff;
	_ =	sdelay $0x1  }
0x2f9: {  	v52 =	vor.u32 $0x200, v50;
	_ =	sdelay $0x3  }
0x2fa: {  	[tilespmem:s10+$0x1AD80] =	vst v51  }
0x2fb: {  	v51 =	vld.idx.msk [tilespmem:v52+s15+$0x0], $0xffff;
	_ =	sdelay $0x1  }
0x2fc: {  	v52 =	vor.u32 $0x280, v50;
	_ =	sdelay $0x3  }
0x2fd: {  	[tilespmem:s10+$0x1AE00] =	vst v51  }
0x2fe: {  	v51 =	vld.idx.msk [tilespmem:v52+s15+$0x0], $0xffff;
	_ =	sdelay $0x1  }
0x2ff: {  	v52 =	vor.u32 $0x300, v50;
	_ =	sdelay $0x3  }
0x300: {  	[tilespmem:s10+$0x1AE80] =	vst v51  }
0x301: {  	v51 =	vld.idx.msk [tilespmem:v52+s15+$0x0], $0xffff;
	_ =	sdelay $0x1  }
0x302: {  	v52 =	vor.u32 $0x380, v50;
	_ =	sdelay $0x3  }
0x303: {  	[tilespmem:s10+$0x1AF00] =	vst v51  }
0x304: {  	v51 =	vld.idx.msk [tilespmem:v52+s15+$0x0], $0xffff;
	_ =	sdelay $0x1  }
0x305: {  	v52 =	vadd.s32 $0x2000, v50;
	_ =	sdelay $0x3  }
0x306: {  	[tilespmem:s10+$0x1AF80] =	vst v51  }
0x307: {  	v51 =	vld.idx.msk [tilespmem:v52+s15+$0x0], $0xffff;
	_ =	sdelay $0x1  }
0x308: {  	v52 =	vadd.s32 $0x2080, v50;
	_ =	sdelay $0x3  }
0x309: {  	[tilespmem:s10+$0x1CC00] =	vst v51  }
0x30a: {  	v51 =	vld.idx.msk [tilespmem:v52+s15+$0x0], $0xffff;
	_ =	sdelay $0x1  }
0x30b: {  	v52 =	vadd.s32 $0x2100, v50;
	_ =	sdelay $0x3  }
0x30c: {  	[tilespmem:s10+$0x1CC80] =	vst v51  }
0x30d: {  	v51 =	vld.idx.msk [tilespmem:v52+s15+$0x0], $0xffff;
	_ =	sdelay $0x1  }
0x30e: {  	v52 =	vadd.s32 $0x2180, v50;
	_ =	sdelay $0x3  }
0x30f: {  	[tilespmem:s10+$0x1CD00] =	vst v51  }
0x310: {  	v51 =	vld.idx.msk [tilespmem:v52+s15+$0x0], $0xffff;
	_ =	sdelay $0x1  }
0x311: {  	v52 =	vadd.s32 $0x2200, v50;
	_ =	sdelay $0x3  }
0x312: {  	[tilespmem:s10+$0x1CD80] =	vst v51  }
0x313: {  	v51 =	vld.idx.msk [tilespmem:v52+s15+$0x0], $0xffff;
	_ =	sdelay $0x1  }
0x314: {  	v52 =	vadd.s32 $0x2280, v50;
	_ =	sdelay $0x3  }
0x315: {  	[tilespmem:s10+$0x1CE00] =	vst v51  }
0x316: {  	v51 =	vld.idx.msk [tilespmem:v52+s15+$0x0], $0xffff;
	_ =	sdelay $0x1  }
0x317: {  	v52 =	vadd.s32 $0x2300, v50;
	_ =	sdelay $0x3  }
0x318: {  	[tilespmem:s10+$0x1CE80] =	vst v51  }
0x319: {  	v51 =	vld.idx.msk [tilespmem:v52+s15+$0x0], $0xffff;
	_ =	sdelay $0x1  }
0x31a: {  	v50 =	vadd.s32 $0x2380, v50  }
.Ltmp1:
0x31b: {  	(pc) =	sbr.rel @p0 .LBB2_4-.Ltmp1, $3  }
0x31c: {  	_ =	sdelay $0x1  }
0x31d: {  	[tilespmem:s10+$0x1CF00] =	vst v51  }
0x31e: {  	v50 =	vld.idx.msk [tilespmem:v50+s15+$0x0], $0xffff  }
0x31f: {  	_ =	sdelay $0x3  }
0x320: {  	[tilespmem:s10+$0x1CF80] =	vst v50  }
0x321: {  	v50 =	vld [tilespmem:s2+$0x0];
	_ =	sdelay $0x4  }
0x322: {  	v50 =	vadd.s32 $0xFFF0BE00, v50  }
0x323: {  	vm0 =	vgt.s32 v50, $0x0  }
0x324: {  	v51 =	vnsel vm0, $0x0, v50  }
0x325: {  	v51 =	vshll.u32 v51, $0x7  }
0x326: {  	v52 =	vor.u32 v0, v51;
	_ =	sdelay $0x1  }
0x327: {  	v53 =	vmov s2  }
0x328: {  	v54 =	vor.u32 s2, v14;
	v53 =	vshll.u32 v53, $0x3  }
0x329: {  	v62 =	vand.u32 $0x1C00, v53;
	vm0 =	vgt.s32 v50, $0xFFFFFFFF;
	v50 =	vand.u32 $0x7F, v54  }
0x32a: {  	v54 =	vor.u32 v50, v62;
	v52 =	vld.idx.msk [tilespmem:v52+s14+$0x0], $0xffff  }
0x32b: {  	v55 =	vor.u32 v1, v51;
	_ =	sdelay $0x3  }
0x32c: {  	[tilespmem:v54+s5+$0x0] =	vst.idx.msk vm0, v52  }
0x32d: {  	v63 =	vor.u32 $0x80, v54;
	v52 =	vld.idx.msk [tilespmem:v55+s14+$0x0], $0xffff  }
0x32e: {  	v56 =	vor.u32 v2, v51;
	_ =	sdelay $0x3  }
0x32f: {  	[tilespmem:v63+s5+$0x0] =	vst.idx.msk vm0, v52  }
0x330: {  	v60 =	vor.u32 $0x100, v54;
	v52 =	vld.idx.msk [tilespmem:v56+s14+$0x0], $0xffff  }
0x331: {  	v61 =	vor.u32 v3, v51;
	_ =	sdelay $0x3  }
0x332: {  	[tilespmem:v60+s5+$0x0] =	vst.idx.msk vm0, v52  }
0x333: {  	v62 =	vor.u32 $0x180, v54;
	v52 =	vld.idx.msk [tilespmem:v61+s14+$0x0], $0xffff  }
0x334: {  	v63 =	vor.u32 v4, v51;
	_ =	sdelay $0x3  }
0x335: {  	[tilespmem:v62+s5+$0x0] =	vst.idx.msk vm0, v52  }
0x336: {  	v60 =	vor.u32 $0x200, v54;
	v52 =	vld.idx.msk [tilespmem:v63+s14+$0x0], $0xffff  }
0x337: {  	v61 =	vor.u32 v5, v51;
	_ =	sdelay $0x3  }
0x338: {  	[tilespmem:v60+s5+$0x0] =	vst.idx.msk vm0, v52  }
0x339: {  	v62 =	vor.u32 $0x280, v54;
	v52 =	vld.idx.msk [tilespmem:v61+s14+$0x0], $0xffff  }
0x33a: {  	v63 =	vor.u32 v6, v51;
	_ =	sdelay $0x3  }
0x33b: {  	[tilespmem:v62+s5+$0x0] =	vst.idx.msk vm0, v52  }
0x33c: {  	v60 =	vor.u32 $0x300, v54;
	v52 =	vld.idx.msk [tilespmem:v63+s14+$0x0], $0xffff  }
0x33d: {  	v61 =	vor.u32 v7, v51;
	_ =	sdelay $0x3  }
0x33e: {  	v53 =	vor.u32 v53, v50;
	[tilespmem:v60+s5+$0x0] =	vst.idx.msk vm0, v52  }
0x33f: {  	v63 =	vor.u32 $0x380, v53;
	v62 =	vld.idx.msk [tilespmem:v61+s14+$0x0], $0xffff  }
0x340: {  	v57 =	vor.u32 v8, v51;
	_ =	sdelay $0x3  }
0x341: {  	[tilespmem:v63+s5+$0x0] =	vst.idx.msk vm0, v62  }
0x342: {  	v58 =	vor.u32 $0x2000, v54;
	v50 =	vld.idx.msk [tilespmem:v57+s14+$0x0], $0xffff  }
0x343: {  	v59 =	vor.u32 v9, v51;
	_ =	sdelay $0x3  }
0x344: {  	[tilespmem:v58+s5+$0x0] =	vst.idx.msk vm0, v50  }
0x345: {  	v60 =	vor.u32 $0x2080, v54;
	v50 =	vld.idx.msk [tilespmem:v59+s14+$0x0], $0xffff  }
0x346: {  	v61 =	vor.u32 v10, v51;
	_ =	sdelay $0x3  }
0x347: {  	[tilespmem:v60+s5+$0x0] =	vst.idx.msk vm0, v50  }
0x348: {  	v62 =	vor.u32 $0x2100, v54;
	v50 =	vld.idx.msk [tilespmem:v61+s14+$0x0], $0xffff  }
0x349: {  	v63 =	vor.u32 v11, v51;
	_ =	sdelay $0x3  }
0x34a: {  	[tilespmem:v62+s5+$0x0] =	vst.idx.msk vm0, v50  }
0x34b: {  	v57 =	vor.u32 $0x2180, v54;
	v50 =	vld.idx.msk [tilespmem:v63+s14+$0x0], $0xffff  }
0x34c: {  	v58 =	vor.u32 v12, v51;
	_ =	sdelay $0x3  }
0x34d: {  	[tilespmem:v57+s5+$0x0] =	vst.idx.msk vm0, v50  }
0x34e: {  	v59 =	vor.u32 $0x2200, v54;
	v50 =	vld.idx.msk [tilespmem:v58+s14+$0x0], $0xffff  }
0x34f: {  	v60 =	vor.u32 v13, v51;
	_ =	sdelay $0x3  }
0x350: {  	[tilespmem:v59+s5+$0x0] =	vst.idx.msk vm0, v50  }
0x351: {  	v61 =	vor.u32 $0x2280, v54;
	v50 =	vld.idx.msk [tilespmem:v60+s14+$0x0], $0xffff  }
0x352: {  	v62 =	vor.u32 v16, v51;
	_ =	sdelay $0x3  }
0x353: {  	[tilespmem:v61+s5+$0x0] =	vst.idx.msk vm0, v50  }
0x354: {  	v63 =	vor.u32 $0x2300, v54;
	v50 =	vld.idx.msk [tilespmem:v62+s14+$0x0], $0xffff  }
0x355: {  	v51 =	vor.u32 v17, v51;
	_ =	sdelay $0x3  }
0x356: {  	[tilespmem:v63+s5+$0x0] =	vst.idx.msk vm0, v50  }
0x357: {  	s9 =	simm.s32 $0x10;
	v50 =	vld.idx.msk [tilespmem:v51+s14+$0x0], $0xffff;
	v51 =	vor.u32 $0x2380, v53  }
.LBB2_6:
0x358: {  	_ =	sdelay $0x2  }
0x359: {  	p0 =	sne.s32 s9, $0x3F0  }
0x35a: {  	s2 =	sadd.s32 $0x10, s2;
	s7 =	smov.u32 s9;
	s9 =	sadd.s32 $0x10, s9;
	[tilespmem:v51+s5+$0x0] =	vst.idx.msk vm0, v50  }
0x35b: {  	v50 =	vld [tilespmem:s2+$0x0];
	_ =	sdelay $0x4  }
0x35c: {  	v51 =	vadd.s32 $0xFFF0BE00, v50  }
0x35d: {  	vm0 =	vgt.s32 v51, $0x0  }
0x35e: {  	v50 =	vnsel vm0, $0x0, v51  }
0x35f: {  	v50 =	vshll.u32 v50, $0x7  }
0x360: {  	v52 =	vor.u32 v0, v50;
	_ =	sdelay $0x2  }
0x361: {  	v53 =	vmov s7  }
0x362: {  	v54 =	vor.u32 s7, v14;
	v53 =	vshll.u32 v53, $0x3  }
0x363: {  	vm0 =	vgt.s32 v51, $0xFFFFFFFF;
	v51 =	vand.u32 $0x7F, v54;
	v55 =	vld.idx.msk [tilespmem:v52+s14+$0x0], $0xffff;
	v52 =	vand.u32 $0x1C00, v53  }
0x364: {  	v52 =	vor.u32 v51, v52;
	v51 =	vor.u32 v53, v51  }
0x365: {  	v53 =	vor.u32 v1, v50;
	_ =	sdelay $0x3  }
0x366: {  	[tilespmem:v52+s5+$0x0] =	vst.idx.msk vm0, v55  }
0x367: {  	v53 =	vld.idx.msk [tilespmem:v53+s14+$0x0], $0xffff  }
0x368: {  	v54 =	vor.u32 $0x80, v52  }
0x369: {  	v55 =	vor.u32 v2, v50;
	_ =	sdelay $0x3  }
0x36a: {  	[tilespmem:v54+s5+$0x0] =	vst.idx.msk vm0, v53  }
0x36b: {  	v53 =	vld.idx.msk [tilespmem:v55+s14+$0x0], $0xffff  }
0x36c: {  	v54 =	vor.u32 $0x100, v52  }
0x36d: {  	v55 =	vor.u32 v3, v50;
	_ =	sdelay $0x3  }
0x36e: {  	[tilespmem:v54+s5+$0x0] =	vst.idx.msk vm0, v53  }
0x36f: {  	v53 =	vld.idx.msk [tilespmem:v55+s14+$0x0], $0xffff  }
0x370: {  	v54 =	vor.u32 $0x180, v52  }
0x371: {  	v55 =	vor.u32 v4, v50;
	_ =	sdelay $0x3  }
0x372: {  	[tilespmem:v54+s5+$0x0] =	vst.idx.msk vm0, v53  }
0x373: {  	v53 =	vld.idx.msk [tilespmem:v55+s14+$0x0], $0xffff  }
0x374: {  	v54 =	vor.u32 $0x200, v52  }
0x375: {  	v55 =	vor.u32 v5, v50;
	_ =	sdelay $0x3  }
0x376: {  	[tilespmem:v54+s5+$0x0] =	vst.idx.msk vm0, v53  }
0x377: {  	v53 =	vld.idx.msk [tilespmem:v55+s14+$0x0], $0xffff  }
0x378: {  	v54 =	vor.u32 $0x280, v52  }
0x379: {  	v55 =	vor.u32 v6, v50;
	_ =	sdelay $0x3  }
0x37a: {  	[tilespmem:v54+s5+$0x0] =	vst.idx.msk vm0, v53  }
0x37b: {  	v53 =	vld.idx.msk [tilespmem:v55+s14+$0x0], $0xffff  }
0x37c: {  	v54 =	vor.u32 $0x300, v52  }
0x37d: {  	v55 =	vor.u32 v7, v50;
	_ =	sdelay $0x3  }
0x37e: {  	[tilespmem:v54+s5+$0x0] =	vst.idx.msk vm0, v53  }
0x37f: {  	v53 =	vld.idx.msk [tilespmem:v55+s14+$0x0], $0xffff  }
0x380: {  	v54 =	vor.u32 $0x380, v51  }
0x381: {  	v55 =	vor.u32 v8, v50;
	_ =	sdelay $0x3  }
0x382: {  	[tilespmem:v54+s5+$0x0] =	vst.idx.msk vm0, v53  }
0x383: {  	v53 =	vld.idx.msk [tilespmem:v55+s14+$0x0], $0xffff  }
0x384: {  	v54 =	vor.u32 $0x2000, v52  }
0x385: {  	v55 =	vor.u32 v9, v50;
	_ =	sdelay $0x3  }
0x386: {  	[tilespmem:v54+s5+$0x0] =	vst.idx.msk vm0, v53  }
0x387: {  	v53 =	vld.idx.msk [tilespmem:v55+s14+$0x0], $0xffff  }
0x388: {  	v54 =	vor.u32 $0x2080, v52  }
0x389: {  	v55 =	vor.u32 v10, v50;
	_ =	sdelay $0x3  }
0x38a: {  	[tilespmem:v54+s5+$0x0] =	vst.idx.msk vm0, v53  }
0x38b: {  	v53 =	vld.idx.msk [tilespmem:v55+s14+$0x0], $0xffff  }
0x38c: {  	v54 =	vor.u32 $0x2100, v52  }
0x38d: {  	v55 =	vor.u32 v11, v50;
	_ =	sdelay $0x3  }
0x38e: {  	[tilespmem:v54+s5+$0x0] =	vst.idx.msk vm0, v53  }
0x38f: {  	v53 =	vld.idx.msk [tilespmem:v55+s14+$0x0], $0xffff  }
0x390: {  	v54 =	vor.u32 $0x2180, v52  }
0x391: {  	v55 =	vor.u32 v12, v50;
	_ =	sdelay $0x3  }
0x392: {  	[tilespmem:v54+s5+$0x0] =	vst.idx.msk vm0, v53  }
0x393: {  	v53 =	vld.idx.msk [tilespmem:v55+s14+$0x0], $0xffff  }
0x394: {  	v54 =	vor.u32 $0x2200, v52  }
0x395: {  	v55 =	vor.u32 v13, v50;
	_ =	sdelay $0x3  }
0x396: {  	[tilespmem:v54+s5+$0x0] =	vst.idx.msk vm0, v53  }
0x397: {  	v53 =	vld.idx.msk [tilespmem:v55+s14+$0x0], $0xffff  }
0x398: {  	v54 =	vor.u32 $0x2280, v52  }
0x399: {  	v55 =	vor.u32 v16, v50;
	_ =	sdelay $0x3  }
0x39a: {  	[tilespmem:v54+s5+$0x0] =	vst.idx.msk vm0, v53  }
0x39b: {  	v53 =	vld.idx.msk [tilespmem:v55+s14+$0x0], $0xffff  }
0x39c: {  	v52 =	vor.u32 $0x2300, v52  }
0x39d: {  	v50 =	vor.u32 v17, v50;
	_ =	sdelay $0x1  }
.Ltmp2:
0x39e: {  	(pc) =	sbr.rel @p0 .LBB2_6-.Ltmp2, $4  }
0x39f: {  	_ = 	snop  }
0x3a0: {  	[tilespmem:v52+s5+$0x0] =	vst.idx.msk vm0, v53  }
0x3a1: {  	v50 =	vld.idx.msk [tilespmem:v50+s14+$0x0], $0xffff  }
0x3a2: {  	v51 =	vor.u32 $0x2380, v51  }
0x3a3: {  	_ =	sdelay $0x4  }
0x3a4: {  	s2 =	rddreg [dreg:$0x1b];
	s7 =	simm.s32 $0x20000;
	s9 =	simm.s32 $0x4;
	[tilespmem:v51+s5+$0x0] =	vst.idx.msk vm0, v50  }
0x3a5: {  	[hbm4b:s2+s20] =	stream.strided.scatter [tilespmem:s5], [sflag:$0x4], $0x4000, s7, s20, $0x38;
	[tilespmem:$0x1EC00] =	vst v63  }
0x3a6: {  	_ =	swait.ge [sflag:s9], $0x4000  }
0x3a7: {  	[sflag:s9] =	ssyncset.done $0x0  }
0x3a8: {  	s10 =	simm.s32 $0x1AC00;
	s12 =	rddreg [dreg:$0x1c];
	[sflag:s9] =	ssyncadd.s32 $0xFFFFC000  }
0x3a9: {  	[hbm4b:s12+s20] =	stream.strided.scatter [tilespmem:s10], [sflag:$0x4], $0x4000, s7, s20, $0x38;
	[tilespmem:$0x1EC00] =	vst v63  }
0x3aa: {  	_ =	swait.ge [sflag:s9], $0x4000  }
0x3ab: {  	s11 =	rddreg [dreg:$0x1e]  }
0x3ac: {  	s12 =	rddreg [dreg:$0x1d];
	s7 =	sadd.s32 $0x1, s11  }
0x3ad: {  	p0 =	sne.s32 s7, s12  }
.Ltmp3:
0x3ae: {  	_ = 	snop;
	(pc) =	sbr.rel @p0 .LBB2_1-.Ltmp3, $3  }
0x3af: {  	_ =	sdelay $0x1  }
0x3b0: {  	[sflag:s9] =	ssyncset.done $0x0  }
0x3b1: {  	[sflag:s9] =	ssyncadd.s32 $0xFFFFC000  }
0x3b2: {  	_ =	sfence.sel $0x180000  }
0x3b3: {  	[bflag:$0x0] =	sbarrier.arrive $0xFFFF  }
0x3b4: {  	_ =	strace $0x90000047  }
0x3b5: {  	s0 =	stileid.u32;
	[bflag:$0x2] =	sbarrier.arrive $0xFFFF  }
0x3b6: {  	p0 =	sne.s32 s0, $0x0;
	s0 =	rddreg [dreg:$0x6]  }
0x3b7: {  	s0 =	sadd.s32 @!p0 $0x100000, s0  }
0x3b8: {  	[sflag:s0] =	ssyncadd.tile.s32 @!p0 $0x1;
	_ =	shalt  }
.Lfunc_end2:
_tile_overlayer_lowered:
.L_overlay_start_2:
0x3b9: {  	(tag) =	ssettag $0x2  }
0x3ba: {  	s0 =	rddreg [dreg:$0x0];
	s2 =	stileid.u32  }
0x3bb: {  	s1 =	rddreg [dreg:$0x1];
	p0 =	sne.s32 s2, $0x0  }
0x3bc: {  	s3 =	rddreg [dreg:$0x2];
	[bflag:$0x3] =	sbarrier.arrive $0xFFFF;
	s2 =	simm.s32 @!p0 $0x1C04  }
0x3bd: {  	[timem:s3], [sflag:s2] =	dma.local @!p0 [hbm:s0], s1  }
0x3be: {  	s0 =	simm.s32 @!p0 $0x4  }
0x3bf: {  	_ =	swait.ge @!p0 [sflag:s0], s1  }
0x3c0: {  	s1 =	ssub.s32 @!p0 $0x0, s1;
	[sflag:s0] =	ssyncset.done @!p0 $0x0  }
0x3c1: {  	[sflag:s0] =	ssyncadd.s32 @!p0 s1  }
0x3c2: {  	[bflag:$0x3] =	sbarrier.arrive $0xFFFF  }
0x3c3: {  	_ =	shalt  }

</sc_bundles>
